<compile_context>
chip_gen: v7x
topology: tpu7x:2x2x1
jax: 0.10.2.dev20260603
libtpu: 0.0.44.dev20260713+nightly
codegen_flags: <defaults>
</compile_context>

<pallas_src>
import jax
import jax.numpy as jnp
from jax import lax
from jax.experimental import pallas as pl
from jax.experimental.pallas import tpu as pltpu, tpu_sc as plsc

_L = 16
_NC = 2
_NS = 16
_NW = _NC * _NS
_ROWS = 4096
_IN_COLS = 512
_OUT_COLS = 256
_ROWS_PER_W = _ROWS // _NW
_CH = 16
_NCHUNK = _ROWS_PER_W // _CH
_NBUF = 4
_GPR = _OUT_COLS // _L


def _sc_body(in_hbm, out_hbm, *refs):
    vins = refs[0:_NBUF]
    vouts = refs[_NBUF : _NBUF + 2]
    sins = refs[_NBUF + 2 : 2 * _NBUF + 2]
    souts = refs[2 * _NBUF + 2 : 2 * _NBUF + 4]

    wid = lax.axis_index("s") * _NC + lax.axis_index("c")
    base = wid * _ROWS_PER_W

    def start_in(c, b):
        return pltpu.async_copy(
            in_hbm.at[pl.ds(base + c * _CH, _CH)], vins[b], sins[b]
        )

    lane2 = 2 * lax.broadcasted_iota(jnp.int32, (_L,), 0)
    cols = [g * (2 * _L) + lane2 for g in range(_GPR)]

    in_flight = [start_in(c, c) for c in range(_NBUF - 1)] + [None]
    out_flight = [None, None]
    for c in range(_NCHUNK):
        b = c % _NBUF
        ob = c % 2
        in_flight[b].wait()
        nxt = c + _NBUF - 1
        if nxt < _NCHUNK:
            in_flight[nxt % _NBUF] = start_in(nxt, nxt % _NBUF)
        if out_flight[ob] is not None:
            out_flight[ob].wait()

        @plsc.parallel_loop(0, _CH, 1, unroll=4)
        def row_body(r, _b=b, _ob=ob):
            rows = jnp.broadcast_to(r, (_L,))
            for g in range(_GPR):
                vouts[_ob][r, pl.ds(g * _L, _L)] = plsc.load_gather(
                    vins[_b], [rows, cols[g]]
                )
        out_flight[ob] = pltpu.async_copy(
            vouts[ob], out_hbm.at[pl.ds(base + c * _CH, _CH)], souts[ob]
        )
    out_flight[0].wait()
    out_flight[1].wait()


_sc_deinterleave = pl.kernel(
    _sc_body,
    out_type=jax.ShapeDtypeStruct((_ROWS, _OUT_COLS), jnp.float32),
    mesh=plsc.VectorSubcoreMesh(
        core_axis_name="c", subcore_axis_name="s", num_cores=_NC, num_subcores=_NS
    ),
    scratch_types=(
        [pltpu.VMEM((_CH, _IN_COLS), jnp.float32) for _ in range(_NBUF)]
        + [pltpu.VMEM((_CH, _OUT_COLS), jnp.float32) for _ in range(2)]
        + [pltpu.SemaphoreType.DMA for _ in range(_NBUF + 2)]
    ),
    compiler_params=pltpu.CompilerParams(needs_layout_passes=False),
)


def kernel(firings):
    out = _sc_deinterleave(firings.reshape(_ROWS, _IN_COLS))
    return out.reshape(1, _ROWS, _OUT_COLS)

# --- scband reference (transcript-rebuilt; emitter-appended) ---
"""Pipeline reference for scband-common-out-processing-3049426780641 (READ-ONLY COPY).

The authoritative reference and input builder live on the scoring server;
editing this copy changes nothing except your own understanding.
"""

import jax, jax.numpy as jnp
import numpy as np

MASK = np.tile(np.array([True, False]), 256)  # length 512, alternating, matches init_kwargs mask
IDX = np.where(MASK)[0]  # 256 selected feature indices

def setup_inputs(seed: int = 0) -> dict:
    key = jax.random.key(seed)
    firings = jax.random.normal(key, (1, 4096, 512), dtype=jnp.float32)
    return {"firings": firings}

def reference(firings):
    # tf.boolean_mask(firings, mask, axis=2) == gather of selected feature columns
    selected_firings = jnp.take(firings, jnp.asarray(IDX), axis=2)
    return selected_firings

if __name__ == "__main__":
    import jax
    _d = setup_inputs()
    print(jax.jit(kernel)(*tuple(_d.values())))

</pallas_src>

<mosaic_0001>
#map = affine_map<(d0, d1) -> (0, 0)>
module attributes {stable_mosaic.version = 14 : i64} {
  func.func @_sc_body(%arg0: i32, %arg1: i32, %arg2: memref<4096x512xf32, #tpu.memory_space<hbm>>, %arg3: memref<4096x256xf32, #tpu.memory_space<hbm>>, %arg4: memref<16x512xf32, #tpu.memory_space<vmem>>, %arg5: memref<16x512xf32, #tpu.memory_space<vmem>>, %arg6: memref<16x512xf32, #tpu.memory_space<vmem>>, %arg7: memref<16x512xf32, #tpu.memory_space<vmem>>, %arg8: memref<16x256xf32, #tpu.memory_space<vmem>>, %arg9: memref<16x256xf32, #tpu.memory_space<vmem>>, %arg10: memref<!tpu.dma_semaphore, #tpu.memory_space<semaphore_mem>>, %arg11: memref<!tpu.dma_semaphore, #tpu.memory_space<semaphore_mem>>, %arg12: memref<!tpu.dma_semaphore, #tpu.memory_space<semaphore_mem>>, %arg13: memref<!tpu.dma_semaphore, #tpu.memory_space<semaphore_mem>>, %arg14: memref<!tpu.dma_semaphore, #tpu.memory_space<semaphore_mem>>, %arg15: memref<!tpu.dma_semaphore, #tpu.memory_space<semaphore_mem>>) attributes {dimension_semantics = [#tpu.dimension_semantics<core_parallel>, #tpu.dimension_semantics<subcore_parallel>], iteration_bounds = array<i64: 2, 16>, scalar_prefetch = 0 : i64, scratch_operands = 12 : i64, tpu.core_type = #tpu.core_type<sc_vector_subcore>, window_params = [{transform_indices = #map}, {transform_indices = #map}]} {
    %mul3A = arith.constant 2 : i32
    %mul3A_0 = arith.muli %arg1, %mul3A : i32
    %add3A = arith.addi %mul3A_0, %arg0 : i32
    %mul3A_1 = arith.constant 128 : i32
    %mul3A_2 = arith.muli %add3A, %mul3A_1 : i32
    %iota3A = tpu.iota {dimensions = array<i32: 0>} : vector<16xi32>
    %mul3A_3 = arith.constant 2 : i32
    %mul3A_4 = vector.broadcast %mul3A_3 : i32 to vector<16xi32>
    %mul3A_5 = arith.muli %mul3A_4, %iota3A : vector<16xi32>
    %add3A_6 = arith.constant 0 : i32
    %add3A_7 = vector.broadcast %add3A_6 : i32 to vector<16xi32>
    %add3A_8 = arith.addi %add3A_7, %mul3A_5 : vector<16xi32>
    %add3A_9 = arith.constant 32 : i32
    %add3A_10 = vector.broadcast %add3A_9 : i32 to vector<16xi32>
    %add3A_11 = arith.addi %add3A_10, %mul3A_5 : vector<16xi32>
    %add3A_12 = arith.constant 64 : i32
    %add3A_13 = vector.broadcast %add3A_12 : i32 to vector<16xi32>
    %add3A_14 = arith.addi %add3A_13, %mul3A_5 : vector<16xi32>
    %add3A_15 = arith.constant 96 : i32
    %add3A_16 = vector.broadcast %add3A_15 : i32 to vector<16xi32>
    %add3A_17 = arith.addi %add3A_16, %mul3A_5 : vector<16xi32>
    %add3A_18 = arith.constant 128 : i32
    %add3A_19 = vector.broadcast %add3A_18 : i32 to vector<16xi32>
    %add3A_20 = arith.addi %add3A_19, %mul3A_5 : vector<16xi32>
    %add3A_21 = arith.constant 160 : i32
    %add3A_22 = vector.broadcast %add3A_21 : i32 to vector<16xi32>
    %add3A_23 = arith.addi %add3A_22, %mul3A_5 : vector<16xi32>
    %add3A_24 = arith.constant 192 : i32
    %add3A_25 = vector.broadcast %add3A_24 : i32 to vector<16xi32>
    %add3A_26 = arith.addi %add3A_25, %mul3A_5 : vector<16xi32>
    %add3A_27 = arith.constant 224 : i32
    %add3A_28 = vector.broadcast %add3A_27 : i32 to vector<16xi32>
    %add3A_29 = arith.addi %add3A_28, %mul3A_5 : vector<16xi32>
    %add3A_30 = arith.constant 256 : i32
    %add3A_31 = vector.broadcast %add3A_30 : i32 to vector<16xi32>
    %add3A_32 = arith.addi %add3A_31, %mul3A_5 : vector<16xi32>
    %add3A_33 = arith.constant 288 : i32
    %add3A_34 = vector.broadcast %add3A_33 : i32 to vector<16xi32>
    %add3A_35 = arith.addi %add3A_34, %mul3A_5 : vector<16xi32>
    %add3A_36 = arith.constant 320 : i32
    %add3A_37 = vector.broadcast %add3A_36 : i32 to vector<16xi32>
    %add3A_38 = arith.addi %add3A_37, %mul3A_5 : vector<16xi32>
    %add3A_39 = arith.constant 352 : i32
    %add3A_40 = vector.broadcast %add3A_39 : i32 to vector<16xi32>
    %add3A_41 = arith.addi %add3A_40, %mul3A_5 : vector<16xi32>
    %add3A_42 = arith.constant 384 : i32
    %add3A_43 = vector.broadcast %add3A_42 : i32 to vector<16xi32>
    %add3A_44 = arith.addi %add3A_43, %mul3A_5 : vector<16xi32>
    %add3A_45 = arith.constant 416 : i32
    %add3A_46 = vector.broadcast %add3A_45 : i32 to vector<16xi32>
    %add3A_47 = arith.addi %add3A_46, %mul3A_5 : vector<16xi32>
    %add3A_48 = arith.constant 448 : i32
    %add3A_49 = vector.broadcast %add3A_48 : i32 to vector<16xi32>
    %add3A_50 = arith.addi %add3A_49, %mul3A_5 : vector<16xi32>
    %add3A_51 = arith.constant 480 : i32
    %add3A_52 = vector.broadcast %add3A_51 : i32 to vector<16xi32>
    %add3A_53 = arith.addi %add3A_52, %mul3A_5 : vector<16xi32>
    %add3A_54 = arith.constant 0 : i32
    %add3A_55 = arith.addi %mul3A_2, %add3A_54 : i32
    %dma_start3A = arith.constant 0 : i32
    %dma_start3A_56 = tpu.memref_slice %arg2[%add3A_55, %dma_start3A] : memref<4096x512xf32, #tpu.memory_space<hbm>> -> memref<16x512xf32, #tpu.memory_space<hbm>>
    %dma_start3A_57 = arith.constant 0 : i32
    %dma_start3A_58 = tpu.memref_slice %arg2[%add3A_55, %dma_start3A_57] : memref<4096x512xf32, #tpu.memory_space<hbm>> -> memref<16x512xf32, #tpu.memory_space<hbm>>
    tpu.enqueue_dma source(%dma_start3A_58 : memref<16x512xf32, #tpu.memory_space<hbm>>) target(%arg4 : memref<16x512xf32, #tpu.memory_space<vmem>>) target_semaphore(%arg10 : memref<!tpu.dma_semaphore, #tpu.memory_space<semaphore_mem>>)
    %add3A_59 = arith.constant 16 : i32
    %add3A_60 = arith.addi %mul3A_2, %add3A_59 : i32
    %dma_start3A_61 = arith.constant 0 : i32
    %dma_start3A_62 = tpu.memref_slice %arg2[%add3A_60, %dma_start3A_61] : memref<4096x512xf32, #tpu.memory_space<hbm>> -> memref<16x512xf32, #tpu.memory_space<hbm>>
    %dma_start3A_63 = arith.constant 0 : i32
    %dma_start3A_64 = tpu.memref_slice %arg2[%add3A_60, %dma_start3A_63] : memref<4096x512xf32, #tpu.memory_space<hbm>> -> memref<16x512xf32, #tpu.memory_space<hbm>>
    tpu.enqueue_dma source(%dma_start3A_64 : memref<16x512xf32, #tpu.memory_space<hbm>>) target(%arg5 : memref<16x512xf32, #tpu.memory_space<vmem>>) target_semaphore(%arg11 : memref<!tpu.dma_semaphore, #tpu.memory_space<semaphore_mem>>)
    %add3A_65 = arith.constant 32 : i32
    %add3A_66 = arith.addi %mul3A_2, %add3A_65 : i32
    %dma_start3A_67 = arith.constant 0 : i32
    %dma_start3A_68 = tpu.memref_slice %arg2[%add3A_66, %dma_start3A_67] : memref<4096x512xf32, #tpu.memory_space<hbm>> -> memref<16x512xf32, #tpu.memory_space<hbm>>
    %dma_start3A_69 = arith.constant 0 : i32
    %dma_start3A_70 = tpu.memref_slice %arg2[%add3A_66, %dma_start3A_69] : memref<4096x512xf32, #tpu.memory_space<hbm>> -> memref<16x512xf32, #tpu.memory_space<hbm>>
    tpu.enqueue_dma source(%dma_start3A_70 : memref<16x512xf32, #tpu.memory_space<hbm>>) target(%arg6 : memref<16x512xf32, #tpu.memory_space<vmem>>) target_semaphore(%arg12 : memref<!tpu.dma_semaphore, #tpu.memory_space<semaphore_mem>>)
    %dma_wait3A = arith.constant 0 : i32
    %dma_wait3A_71 = tpu.memref_slice %arg2[%add3A_55, %dma_wait3A] : memref<4096x512xf32, #tpu.memory_space<hbm>> -> memref<16x512xf32, #tpu.memory_space<hbm>>
    %dma_wait3A_72 = arith.constant 0 : i32
    %dma_wait3A_73 = tpu.memref_slice %arg2[%add3A_55, %dma_wait3A_72] : memref<4096x512xf32, #tpu.memory_space<hbm>> -> memref<16x512xf32, #tpu.memory_space<hbm>>
    tpu.wait_dma2 semaphore(%arg10 : memref<!tpu.dma_semaphore, #tpu.memory_space<semaphore_mem>>) src(%dma_wait3A_73 : memref<16x512xf32, #tpu.memory_space<hbm>>) dst(%arg4 : memref<16x512xf32, #tpu.memory_space<vmem>>)
    %add3A_74 = arith.constant 48 : i32
    %add3A_75 = arith.addi %mul3A_2, %add3A_74 : i32
    %dma_start3A_76 = arith.constant 0 : i32
    %dma_start3A_77 = tpu.memref_slice %arg2[%add3A_75, %dma_start3A_76] : memref<4096x512xf32, #tpu.memory_space<hbm>> -> memref<16x512xf32, #tpu.memory_space<hbm>>
    %dma_start3A_78 = arith.constant 0 : i32
    %dma_start3A_79 = tpu.memref_slice %arg2[%add3A_75, %dma_start3A_78] : memref<4096x512xf32, #tpu.memory_space<hbm>> -> memref<16x512xf32, #tpu.memory_space<hbm>>
    tpu.enqueue_dma source(%dma_start3A_79 : memref<16x512xf32, #tpu.memory_space<hbm>>) target(%arg7 : memref<16x512xf32, #tpu.memory_space<vmem>>) target_semaphore(%arg13 : memref<!tpu.dma_semaphore, #tpu.memory_space<semaphore_mem>>)
    %parallel_loop3A = arith.constant 0 : i32
    %parallel_loop3A_80 = arith.constant 16 : i32
    %parallel_loop3A_81 = arith.constant 1 : i32
    scf.for %parallel_loop3A_235 = %parallel_loop3A to %parallel_loop3A_80 step %parallel_loop3A_81  : i32 {
      %parallel_loop3A_236 = vector.broadcast %parallel_loop3A_235 : i32 to vector<16xi32>
      %parallel_loop3A_237 = tpu.vector_load_idx %arg4[%parallel_loop3A_236, %add3A_8] : memref<16x512xf32, #tpu.memory_space<vmem>>[vector<16xi32>, vector<16xi32>], vector<16xf32>,
      %parallel_loop3A_238 = arith.index_cast %parallel_loop3A_235 : i32 to index
      %parallel_loop3A_239 = arith.constant 0 : index
      %parallel_loop3A_240 = tpu.vector_load %arg8[%parallel_loop3A_238, %parallel_loop3A_239] {strides = array<i32>} : memref<16x256xf32, #tpu.memory_space<vmem>>, vector<16xf32>,
      tpu.vector_store %arg8[%parallel_loop3A_238, %parallel_loop3A_239], %parallel_loop3A_237 {strides = array<i32>} : memref<16x256xf32, #tpu.memory_space<vmem>>, vector<16xf32>,
      %parallel_loop3A_241 = tpu.vector_load_idx %arg4[%parallel_loop3A_236, %add3A_11] : memref<16x512xf32, #tpu.memory_space<vmem>>[vector<16xi32>, vector<16xi32>], vector<16xf32>,
      %parallel_loop3A_242 = arith.index_cast %parallel_loop3A_235 : i32 to index
      %parallel_loop3A_243 = arith.constant 16 : index
      %parallel_loop3A_244 = tpu.vector_load %arg8[%parallel_loop3A_242, %parallel_loop3A_243] {strides = array<i32>} : memref<16x256xf32, #tpu.memory_space<vmem>>, vector<16xf32>,
      tpu.vector_store %arg8[%parallel_loop3A_242, %parallel_loop3A_243], %parallel_loop3A_241 {strides = array<i32>} : memref<16x256xf32, #tpu.memory_space<vmem>>, vector<16xf32>,
      %parallel_loop3A_245 = tpu.vector_load_idx %arg4[%parallel_loop3A_236, %add3A_14] : memref<16x512xf32, #tpu.memory_space<vmem>>[vector<16xi32>, vector<16xi32>], vector<16xf32>,
      %parallel_loop3A_246 = arith.index_cast %parallel_loop3A_235 : i32 to index
      %parallel_loop3A_247 = arith.constant 32 : index
      %parallel_loop3A_248 = tpu.vector_load %arg8[%parallel_loop3A_246, %parallel_loop3A_247] {strides = array<i32>} : memref<16x256xf32, #tpu.memory_space<vmem>>, vector<16xf32>,
      tpu.vector_store %arg8[%parallel_loop3A_246, %parallel_loop3A_247], %parallel_loop3A_245 {strides = array<i32>} : memref<16x256xf32, #tpu.memory_space<vmem>>, vector<16xf32>,
      %parallel_loop3A_249 = tpu.vector_load_idx %arg4[%parallel_loop3A_236, %add3A_17] : memref<16x512xf32, #tpu.memory_space<vmem>>[vector<16xi32>, vector<16xi32>], vector<16xf32>,
      %parallel_loop3A_250 = arith.index_cast %parallel_loop3A_235 : i32 to index
      %parallel_loop3A_251 = arith.constant 48 : index
      %parallel_loop3A_252 = tpu.vector_load %arg8[%parallel_loop3A_250, %parallel_loop3A_251] {strides = array<i32>} : memref<16x256xf32, #tpu.memory_space<vmem>>, vector<16xf32>,
      tpu.vector_store %arg8[%parallel_loop3A_250, %parallel_loop3A_251], %parallel_loop3A_249 {strides = array<i32>} : memref<16x256xf32, #tpu.memory_space<vmem>>, vector<16xf32>,
      %parallel_loop3A_253 = tpu.vector_load_idx %arg4[%parallel_loop3A_236, %add3A_20] : memref<16x512xf32, #tpu.memory_space<vmem>>[vector<16xi32>, vector<16xi32>], vector<16xf32>,
      %parallel_loop3A_254 = arith.index_cast %parallel_loop3A_235 : i32 to index
      %parallel_loop3A_255 = arith.constant 64 : index
      %parallel_loop3A_256 = tpu.vector_load %arg8[%parallel_loop3A_254, %parallel_loop3A_255] {strides = array<i32>} : memref<16x256xf32, #tpu.memory_space<vmem>>, vector<16xf32>,
      tpu.vector_store %arg8[%parallel_loop3A_254, %parallel_loop3A_255], %parallel_loop3A_253 {strides = array<i32>} : memref<16x256xf32, #tpu.memory_space<vmem>>, vector<16xf32>,
      %parallel_loop3A_257 = tpu.vector_load_idx %arg4[%parallel_loop3A_236, %add3A_23] : memref<16x512xf32, #tpu.memory_space<vmem>>[vector<16xi32>, vector<16xi32>], vector<16xf32>,
      %parallel_loop3A_258 = arith.index_cast %parallel_loop3A_235 : i32 to index
      %parallel_loop3A_259 = arith.constant 80 : index
      %parallel_loop3A_260 = tpu.vector_load %arg8[%parallel_loop3A_258, %parallel_loop3A_259] {strides = array<i32>} : memref<16x256xf32, #tpu.memory_space<vmem>>, vector<16xf32>,
      tpu.vector_store %arg8[%parallel_loop3A_258, %parallel_loop3A_259], %parallel_loop3A_257 {strides = array<i32>} : memref<16x256xf32, #tpu.memory_space<vmem>>, vector<16xf32>,
      %parallel_loop3A_261 = tpu.vector_load_idx %arg4[%parallel_loop3A_236, %add3A_26] : memref<16x512xf32, #tpu.memory_space<vmem>>[vector<16xi32>, vector<16xi32>], vector<16xf32>,
      %parallel_loop3A_262 = arith.index_cast %parallel_loop3A_235 : i32 to index
      %parallel_loop3A_263 = arith.constant 96 : index
      %parallel_loop3A_264 = tpu.vector_load %arg8[%parallel_loop3A_262, %parallel_loop3A_263] {strides = array<i32>} : memref<16x256xf32, #tpu.memory_space<vmem>>, vector<16xf32>,
      tpu.vector_store %arg8[%parallel_loop3A_262, %parallel_loop3A_263], %parallel_loop3A_261 {strides = array<i32>} : memref<16x256xf32, #tpu.memory_space<vmem>>, vector<16xf32>,
      %parallel_loop3A_265 = tpu.vector_load_idx %arg4[%parallel_loop3A_236, %add3A_29] : memref<16x512xf32, #tpu.memory_space<vmem>>[vector<16xi32>, vector<16xi32>], vector<16xf32>,
      %parallel_loop3A_266 = arith.index_cast %parallel_loop3A_235 : i32 to index
      %parallel_loop3A_267 = arith.constant 112 : index
      %parallel_loop3A_268 = tpu.vector_load %arg8[%parallel_loop3A_266, %parallel_loop3A_267] {strides = array<i32>} : memref<16x256xf32, #tpu.memory_space<vmem>>, vector<16xf32>,
      tpu.vector_store %arg8[%parallel_loop3A_266, %parallel_loop3A_267], %parallel_loop3A_265 {strides = array<i32>} : memref<16x256xf32, #tpu.memory_space<vmem>>, vector<16xf32>,
      %parallel_loop3A_269 = tpu.vector_load_idx %arg4[%parallel_loop3A_236, %add3A_32] : memref<16x512xf32, #tpu.memory_space<vmem>>[vector<16xi32>, vector<16xi32>], vector<16xf32>,
      %parallel_loop3A_270 = arith.index_cast %parallel_loop3A_235 : i32 to index
      %parallel_loop3A_271 = arith.constant 128 : index
      %parallel_loop3A_272 = tpu.vector_load %arg8[%parallel_loop3A_270, %parallel_loop3A_271] {strides = array<i32>} : memref<16x256xf32, #tpu.memory_space<vmem>>, vector<16xf32>,
      tpu.vector_store %arg8[%parallel_loop3A_270, %parallel_loop3A_271], %parallel_loop3A_269 {strides = array<i32>} : memref<16x256xf32, #tpu.memory_space<vmem>>, vector<16xf32>,
      %parallel_loop3A_273 = tpu.vector_load_idx %arg4[%parallel_loop3A_236, %add3A_35] : memref<16x512xf32, #tpu.memory_space<vmem>>[vector<16xi32>, vector<16xi32>], vector<16xf32>,
      %parallel_loop3A_274 = arith.index_cast %parallel_loop3A_235 : i32 to index
      %parallel_loop3A_275 = arith.constant 144 : index
      %parallel_loop3A_276 = tpu.vector_load %arg8[%parallel_loop3A_274, %parallel_loop3A_275] {strides = array<i32>} : memref<16x256xf32, #tpu.memory_space<vmem>>, vector<16xf32>,
      tpu.vector_store %arg8[%parallel_loop3A_274, %parallel_loop3A_275], %parallel_loop3A_273 {strides = array<i32>} : memref<16x256xf32, #tpu.memory_space<vmem>>, vector<16xf32>,
      %parallel_loop3A_277 = tpu.vector_load_idx %arg4[%parallel_loop3A_236, %add3A_38] : memref<16x512xf32, #tpu.memory_space<vmem>>[vector<16xi32>, vector<16xi32>], vector<16xf32>,
      %parallel_loop3A_278 = arith.index_cast %parallel_loop3A_235 : i32 to index
      %parallel_loop3A_279 = arith.constant 160 : index
      %parallel_loop3A_280 = tpu.vector_load %arg8[%parallel_loop3A_278, %parallel_loop3A_279] {strides = array<i32>} : memref<16x256xf32, #tpu.memory_space<vmem>>, vector<16xf32>,
      tpu.vector_store %arg8[%parallel_loop3A_278, %parallel_loop3A_279], %parallel_loop3A_277 {strides = array<i32>} : memref<16x256xf32, #tpu.memory_space<vmem>>, vector<16xf32>,
      %parallel_loop3A_281 = tpu.vector_load_idx %arg4[%parallel_loop3A_236, %add3A_41] : memref<16x512xf32, #tpu.memory_space<vmem>>[vector<16xi32>, vector<16xi32>], vector<16xf32>,
      %parallel_loop3A_282 = arith.index_cast %parallel_loop3A_235 : i32 to index
      %parallel_loop3A_283 = arith.constant 176 : index
      %parallel_loop3A_284 = tpu.vector_load %arg8[%parallel_loop3A_282, %parallel_loop3A_283] {strides = array<i32>} : memref<16x256xf32, #tpu.memory_space<vmem>>, vector<16xf32>,
      tpu.vector_store %arg8[%parallel_loop3A_282, %parallel_loop3A_283], %parallel_loop3A_281 {strides = array<i32>} : memref<16x256xf32, #tpu.memory_space<vmem>>, vector<16xf32>,
      %parallel_loop3A_285 = tpu.vector_load_idx %arg4[%parallel_loop3A_236, %add3A_44] : memref<16x512xf32, #tpu.memory_space<vmem>>[vector<16xi32>, vector<16xi32>], vector<16xf32>,
      %parallel_loop3A_286 = arith.index_cast %parallel_loop3A_235 : i32 to index
      %parallel_loop3A_287 = arith.constant 192 : index
      %parallel_loop3A_288 = tpu.vector_load %arg8[%parallel_loop3A_286, %parallel_loop3A_287] {strides = array<i32>} : memref<16x256xf32, #tpu.memory_space<vmem>>, vector<16xf32>,
      tpu.vector_store %arg8[%parallel_loop3A_286, %parallel_loop3A_287], %parallel_loop3A_285 {strides = array<i32>} : memref<16x256xf32, #tpu.memory_space<vmem>>, vector<16xf32>,
      %parallel_loop3A_289 = tpu.vector_load_idx %arg4[%parallel_loop3A_236, %add3A_47] : memref<16x512xf32, #tpu.memory_space<vmem>>[vector<16xi32>, vector<16xi32>], vector<16xf32>,
      %parallel_loop3A_290 = arith.index_cast %parallel_loop3A_235 : i32 to index
      %parallel_loop3A_291 = arith.constant 208 : index
      %parallel_loop3A_292 = tpu.vector_load %arg8[%parallel_loop3A_290, %parallel_loop3A_291] {strides = array<i32>} : memref<16x256xf32, #tpu.memory_space<vmem>>, vector<16xf32>,
      tpu.vector_store %arg8[%parallel_loop3A_290, %parallel_loop3A_291], %parallel_loop3A_289 {strides = array<i32>} : memref<16x256xf32, #tpu.memory_space<vmem>>, vector<16xf32>,
      %parallel_loop3A_293 = tpu.vector_load_idx %arg4[%parallel_loop3A_236, %add3A_50] : memref<16x512xf32, #tpu.memory_space<vmem>>[vector<16xi32>, vector<16xi32>], vector<16xf32>,
      %parallel_loop3A_294 = arith.index_cast %parallel_loop3A_235 : i32 to index
      %parallel_loop3A_295 = arith.constant 224 : index
      %parallel_loop3A_296 = tpu.vector_load %arg8[%parallel_loop3A_294, %parallel_loop3A_295] {strides = array<i32>} : memref<16x256xf32, #tpu.memory_space<vmem>>, vector<16xf32>,
      tpu.vector_store %arg8[%parallel_loop3A_294, %parallel_loop3A_295], %parallel_loop3A_293 {strides = array<i32>} : memref<16x256xf32, #tpu.memory_space<vmem>>, vector<16xf32>,
      %parallel_loop3A_297 = tpu.vector_load_idx %arg4[%parallel_loop3A_236, %add3A_53] : memref<16x512xf32, #tpu.memory_space<vmem>>[vector<16xi32>, vector<16xi32>], vector<16xf32>,
      %parallel_loop3A_298 = arith.index_cast %parallel_loop3A_235 : i32 to index
      %parallel_loop3A_299 = arith.constant 240 : index
      %parallel_loop3A_300 = tpu.vector_load %arg8[%parallel_loop3A_298, %parallel_loop3A_299] {strides = array<i32>} : memref<16x256xf32, #tpu.memory_space<vmem>>, vector<16xf32>,
      tpu.vector_store %arg8[%parallel_loop3A_298, %parallel_loop3A_299], %parallel_loop3A_297 {strides = array<i32>} : memref<16x256xf32, #tpu.memory_space<vmem>>, vector<16xf32>,
    } {sc.loop_unroll_factor = 4 : i64, sc.parallel_access}
    %add3A_82 = arith.constant 0 : i32
    %add3A_83 = arith.addi %mul3A_2, %add3A_82 : i32
    %dma_start3A_84 = arith.constant 0 : i32
    %dma_start3A_85 = tpu.memref_slice %arg3[%add3A_83, %dma_start3A_84] : memref<4096x256xf32, #tpu.memory_space<hbm>> -> memref<16x256xf32, #tpu.memory_space<hbm>>
    %dma_start3A_86 = arith.constant 0 : i32
    %dma_start3A_87 = tpu.memref_slice %arg3[%add3A_83, %dma_start3A_86] : memref<4096x256xf32, #tpu.memory_space<hbm>> -> memref<16x256xf32, #tpu.memory_space<hbm>>
    tpu.enqueue_dma source(%arg8 : memref<16x256xf32, #tpu.memory_space<vmem>>) target(%dma_start3A_87 : memref<16x256xf32, #tpu.memory_space<hbm>>) target_semaphore(%arg14 : memref<!tpu.dma_semaphore, #tpu.memory_space<semaphore_mem>>)
    %dma_wait3A_88 = arith.constant 0 : i32
    %dma_wait3A_89 = tpu.memref_slice %arg2[%add3A_60, %dma_wait3A_88] : memref<4096x512xf32, #tpu.memory_space<hbm>> -> memref<16x512xf32, #tpu.memory_space<hbm>>
    %dma_wait3A_90 = arith.constant 0 : i32
    %dma_wait3A_91 = tpu.memref_slice %arg2[%add3A_60, %dma_wait3A_90] : memref<4096x512xf32, #tpu.memory_space<hbm>> -> memref<16x512xf32, #tpu.memory_space<hbm>>
    tpu.wait_dma2 semaphore(%arg11 : memref<!tpu.dma_semaphore, #tpu.memory_space<semaphore_mem>>) src(%dma_wait3A_91 : memref<16x512xf32, #tpu.memory_space<hbm>>) dst(%arg5 : memref<16x512xf32, #tpu.memory_space<vmem>>)
    %add3A_92 = arith.constant 64 : i32
    %add3A_93 = arith.addi %mul3A_2, %add3A_92 : i32
    %dma_start3A_94 = arith.constant 0 : i32
    %dma_start3A_95 = tpu.memref_slice %arg2[%add3A_93, %dma_start3A_94] : memref<4096x512xf32, #tpu.memory_space<hbm>> -> memref<16x512xf32, #tpu.memory_space<hbm>>
    %dma_start3A_96 = arith.constant 0 : i32
    %dma_start3A_97 = tpu.memref_slice %arg2[%add3A_93, %dma_start3A_96] : memref<4096x512xf32, #tpu.memory_space<hbm>> -> memref<16x512xf32, #tpu.memory_space<hbm>>
    tpu.enqueue_dma source(%dma_start3A_97 : memref<16x512xf32, #tpu.memory_space<hbm>>) target(%arg4 : memref<16x512xf32, #tpu.memory_space<vmem>>) target_semaphore(%arg10 : memref<!tpu.dma_semaphore, #tpu.memory_space<semaphore_mem>>)
    %parallel_loop3A_98 = arith.constant 0 : i32
    %parallel_loop3A_99 = arith.constant 16 : i32
    %parallel_loop3A_100 = arith.constant 1 : i32
    scf.for %parallel_loop3A_235 = %parallel_loop3A_98 to %parallel_loop3A_99 step %parallel_loop3A_100  : i32 {
      %parallel_loop3A_236 = vector.broadcast %parallel_loop3A_235 : i32 to vector<16xi32>
      %parallel_loop3A_237 = tpu.vector_load_idx %arg5[%parallel_loop3A_236, %add3A_8] : memref<16x512xf32, #tpu.memory_space<vmem>>[vector<16xi32>, vector<16xi32>], vector<16xf32>,
      %parallel_loop3A_238 = arith.index_cast %parallel_loop3A_235 : i32 to index
      %parallel_loop3A_239 = arith.constant 0 : index
      %parallel_loop3A_240 = tpu.vector_load %arg9[%parallel_loop3A_238, %parallel_loop3A_239] {strides = array<i32>} : memref<16x256xf32, #tpu.memory_space<vmem>>, vector<16xf32>,
      tpu.vector_store %arg9[%parallel_loop3A_238, %parallel_loop3A_239], %parallel_loop3A_237 {strides = array<i32>} : memref<16x256xf32, #tpu.memory_space<vmem>>, vector<16xf32>,
      %parallel_loop3A_241 = tpu.vector_load_idx %arg5[%parallel_loop3A_236, %add3A_11] : memref<16x512xf32, #tpu.memory_space<vmem>>[vector<16xi32>, vector<16xi32>], vector<16xf32>,
      %parallel_loop3A_242 = arith.index_cast %parallel_loop3A_235 : i32 to index
      %parallel_loop3A_243 = arith.constant 16 : index
      %parallel_loop3A_244 = tpu.vector_load %arg9[%parallel_loop3A_242, %parallel_loop3A_243] {strides = array<i32>} : memref<16x256xf32, #tpu.memory_space<vmem>>, vector<16xf32>,
      tpu.vector_store %arg9[%parallel_loop3A_242, %parallel_loop3A_243], %parallel_loop3A_241 {strides = array<i32>} : memref<16x256xf32, #tpu.memory_space<vmem>>, vector<16xf32>,
      %parallel_loop3A_245 = tpu.vector_load_idx %arg5[%parallel_loop3A_236, %add3A_14] : memref<16x512xf32, #tpu.memory_space<vmem>>[vector<16xi32>, vector<16xi32>], vector<16xf32>,
      %parallel_loop3A_246 = arith.index_cast %parallel_loop3A_235 : i32 to index
      %parallel_loop3A_247 = arith.constant 32 : index
      %parallel_loop3A_248 = tpu.vector_load %arg9[%parallel_loop3A_246, %parallel_loop3A_247] {strides = array<i32>} : memref<16x256xf32, #tpu.memory_space<vmem>>, vector<16xf32>,
      tpu.vector_store %arg9[%parallel_loop3A_246, %parallel_loop3A_247], %parallel_loop3A_245 {strides = array<i32>} : memref<16x256xf32, #tpu.memory_space<vmem>>, vector<16xf32>,
      %parallel_loop3A_249 = tpu.vector_load_idx %arg5[%parallel_loop3A_236, %add3A_17] : memref<16x512xf32, #tpu.memory_space<vmem>>[vector<16xi32>, vector<16xi32>], vector<16xf32>,
      %parallel_loop3A_250 = arith.index_cast %parallel_loop3A_235 : i32 to index
      %parallel_loop3A_251 = arith.constant 48 : index
      %parallel_loop3A_252 = tpu.vector_load %arg9[%parallel_loop3A_250, %parallel_loop3A_251] {strides = array<i32>} : memref<16x256xf32, #tpu.memory_space<vmem>>, vector<16xf32>,
      tpu.vector_store %arg9[%parallel_loop3A_250, %parallel_loop3A_251], %parallel_loop3A_249 {strides = array<i32>} : memref<16x256xf32, #tpu.memory_space<vmem>>, vector<16xf32>,
      %parallel_loop3A_253 = tpu.vector_load_idx %arg5[%parallel_loop3A_236, %add3A_20] : memref<16x512xf32, #tpu.memory_space<vmem>>[vector<16xi32>, vector<16xi32>], vector<16xf32>,
      %parallel_loop3A_254 = arith.index_cast %parallel_loop3A_235 : i32 to index
      %parallel_loop3A_255 = arith.constant 64 : index
      %parallel_loop3A_256 = tpu.vector_load %arg9[%parallel_loop3A_254, %parallel_loop3A_255] {strides = array<i32>} : memref<16x256xf32, #tpu.memory_space<vmem>>, vector<16xf32>,
      tpu.vector_store %arg9[%parallel_loop3A_254, %parallel_loop3A_255], %parallel_loop3A_253 {strides = array<i32>} : memref<16x256xf32, #tpu.memory_space<vmem>>, vector<16xf32>,
      %parallel_loop3A_257 = tpu.vector_load_idx %arg5[%parallel_loop3A_236, %add3A_23] : memref<16x512xf32, #tpu.memory_space<vmem>>[vector<16xi32>, vector<16xi32>], vector<16xf32>,
      %parallel_loop3A_258 = arith.index_cast %parallel_loop3A_235 : i32 to index
      %parallel_loop3A_259 = arith.constant 80 : index
      %parallel_loop3A_260 = tpu.vector_load %arg9[%parallel_loop3A_258, %parallel_loop3A_259] {strides = array<i32>} : memref<16x256xf32, #tpu.memory_space<vmem>>, vector<16xf32>,
      tpu.vector_store %arg9[%parallel_loop3A_258, %parallel_loop3A_259], %parallel_loop3A_257 {strides = array<i32>} : memref<16x256xf32, #tpu.memory_space<vmem>>, vector<16xf32>,
      %parallel_loop3A_261 = tpu.vector_load_idx %arg5[%parallel_loop3A_236, %add3A_26] : memref<16x512xf32, #tpu.memory_space<vmem>>[vector<16xi32>, vector<16xi32>], vector<16xf32>,
      %parallel_loop3A_262 = arith.index_cast %parallel_loop3A_235 : i32 to index
      %parallel_loop3A_263 = arith.constant 96 : index
      %parallel_loop3A_264 = tpu.vector_load %arg9[%parallel_loop3A_262, %parallel_loop3A_263] {strides = array<i32>} : memref<16x256xf32, #tpu.memory_space<vmem>>, vector<16xf32>,
      tpu.vector_store %arg9[%parallel_loop3A_262, %parallel_loop3A_263], %parallel_loop3A_261 {strides = array<i32>} : memref<16x256xf32, #tpu.memory_space<vmem>>, vector<16xf32>,
      %parallel_loop3A_265 = tpu.vector_load_idx %arg5[%parallel_loop3A_236, %add3A_29] : memref<16x512xf32, #tpu.memory_space<vmem>>[vector<16xi32>, vector<16xi32>], vector<16xf32>,
      %parallel_loop3A_266 = arith.index_cast %parallel_loop3A_235 : i32 to index
      %parallel_loop3A_267 = arith.constant 112 : index
      %parallel_loop3A_268 = tpu.vector_load %arg9[%parallel_loop3A_266, %parallel_loop3A_267] {strides = array<i32>} : memref<16x256xf32, #tpu.memory_space<vmem>>, vector<16xf32>,
      tpu.vector_store %arg9[%parallel_loop3A_266, %parallel_loop3A_267], %parallel_loop3A_265 {strides = array<i32>} : memref<16x256xf32, #tpu.memory_space<vmem>>, vector<16xf32>,
      %parallel_loop3A_269 = tpu.vector_load_idx %arg5[%parallel_loop3A_236, %add3A_32] : memref<16x512xf32, #tpu.memory_space<vmem>>[vector<16xi32>, vector<16xi32>], vector<16xf32>,
      %parallel_loop3A_270 = arith.index_cast %parallel_loop3A_235 : i32 to index
      %parallel_loop3A_271 = arith.constant 128 : index
      %parallel_loop3A_272 = tpu.vector_load %arg9[%parallel_loop3A_270, %parallel_loop3A_271] {strides = array<i32>} : memref<16x256xf32, #tpu.memory_space<vmem>>, vector<16xf32>,
      tpu.vector_store %arg9[%parallel_loop3A_270, %parallel_loop3A_271], %parallel_loop3A_269 {strides = array<i32>} : memref<16x256xf32, #tpu.memory_space<vmem>>, vector<16xf32>,
      %parallel_loop3A_273 = tpu.vector_load_idx %arg5[%parallel_loop3A_236, %add3A_35] : memref<16x512xf32, #tpu.memory_space<vmem>>[vector<16xi32>, vector<16xi32>], vector<16xf32>,
      %parallel_loop3A_274 = arith.index_cast %parallel_loop3A_235 : i32 to index
      %parallel_loop3A_275 = arith.constant 144 : index
      %parallel_loop3A_276 = tpu.vector_load %arg9[%parallel_loop3A_274, %parallel_loop3A_275] {strides = array<i32>} : memref<16x256xf32, #tpu.memory_space<vmem>>, vector<16xf32>,
      tpu.vector_store %arg9[%parallel_loop3A_274, %parallel_loop3A_275], %parallel_loop3A_273 {strides = array<i32>} : memref<16x256xf32, #tpu.memory_space<vmem>>, vector<16xf32>,
      %parallel_loop3A_277 = tpu.vector_load_idx %arg5[%parallel_loop3A_236, %add3A_38] : memref<16x512xf32, #tpu.memory_space<vmem>>[vector<16xi32>, vector<16xi32>], vector<16xf32>,
      %parallel_loop3A_278 = arith.index_cast %parallel_loop3A_235 : i32 to index
      %parallel_loop3A_279 = arith.constant 160 : index
      %parallel_loop3A_280 = tpu.vector_load %arg9[%parallel_loop3A_278, %parallel_loop3A_279] {strides = array<i32>} : memref<16x256xf32, #tpu.memory_space<vmem>>, vector<16xf32>,
      tpu.vector_store %arg9[%parallel_loop3A_278, %parallel_loop3A_279], %parallel_loop3A_277 {strides = array<i32>} : memref<16x256xf32, #tpu.memory_space<vmem>>, vector<16xf32>,
      %parallel_loop3A_281 = tpu.vector_load_idx %arg5[%parallel_loop3A_236, %add3A_41] : memref<16x512xf32, #tpu.memory_space<vmem>>[vector<16xi32>, vector<16xi32>], vector<16xf32>,
      %parallel_loop3A_282 = arith.index_cast %parallel_loop3A_235 : i32 to index
      %parallel_loop3A_283 = arith.constant 176 : index
      %parallel_loop3A_284 = tpu.vector_load %arg9[%parallel_loop3A_282, %parallel_loop3A_283] {strides = array<i32>} : memref<16x256xf32, #tpu.memory_space<vmem>>, vector<16xf32>,
      tpu.vector_store %arg9[%parallel_loop3A_282, %parallel_loop3A_283], %parallel_loop3A_281 {strides = array<i32>} : memref<16x256xf32, #tpu.memory_space<vmem>>, vector<16xf32>,
      %parallel_loop3A_285 = tpu.vector_load_idx %arg5[%parallel_loop3A_236, %add3A_44] : memref<16x512xf32, #tpu.memory_space<vmem>>[vector<16xi32>, vector<16xi32>], vector<16xf32>,
      %parallel_loop3A_286 = arith.index_cast %parallel_loop3A_235 : i32 to index
      %parallel_loop3A_287 = arith.constant 192 : index
      %parallel_loop3A_288 = tpu.vector_load %arg9[%parallel_loop3A_286, %parallel_loop3A_287] {strides = array<i32>} : memref<16x256xf32, #tpu.memory_space<vmem>>, vector<16xf32>,
      tpu.vector_store %arg9[%parallel_loop3A_286, %parallel_loop3A_287], %parallel_loop3A_285 {strides = array<i32>} : memref<16x256xf32, #tpu.memory_space<vmem>>, vector<16xf32>,
      %parallel_loop3A_289 = tpu.vector_load_idx %arg5[%parallel_loop3A_236, %add3A_47] : memref<16x512xf32, #tpu.memory_space<vmem>>[vector<16xi32>, vector<16xi32>], vector<16xf32>,
      %parallel_loop3A_290 = arith.index_cast %parallel_loop3A_235 : i32 to index
      %parallel_loop3A_291 = arith.constant 208 : index
      %parallel_loop3A_292 = tpu.vector_load %arg9[%parallel_loop3A_290, %parallel_loop3A_291] {strides = array<i32>} : memref<16x256xf32, #tpu.memory_space<vmem>>, vector<16xf32>,
      tpu.vector_store %arg9[%parallel_loop3A_290, %parallel_loop3A_291], %parallel_loop3A_289 {strides = array<i32>} : memref<16x256xf32, #tpu.memory_space<vmem>>, vector<16xf32>,
      %parallel_loop3A_293 = tpu.vector_load_idx %arg5[%parallel_loop3A_236, %add3A_50] : memref<16x512xf32, #tpu.memory_space<vmem>>[vector<16xi32>, vector<16xi32>], vector<16xf32>,
      %parallel_loop3A_294 = arith.index_cast %parallel_loop3A_235 : i32 to index
      %parallel_loop3A_295 = arith.constant 224 : index
      %parallel_loop3A_296 = tpu.vector_load %arg9[%parallel_loop3A_294, %parallel_loop3A_295] {strides = array<i32>} : memref<16x256xf32, #tpu.memory_space<vmem>>, vector<16xf32>,
      tpu.vector_store %arg9[%parallel_loop3A_294, %parallel_loop3A_295], %parallel_loop3A_293 {strides = array<i32>} : memref<16x256xf32, #tpu.memory_space<vmem>>, vector<16xf32>,
      %parallel_loop3A_297 = tpu.vector_load_idx %arg5[%parallel_loop3A_236, %add3A_53] : memref<16x512xf32, #tpu.memory_space<vmem>>[vector<16xi32>, vector<16xi32>], vector<16xf32>,
      %parallel_loop3A_298 = arith.index_cast %parallel_loop3A_235 : i32 to index
      %parallel_loop3A_299 = arith.constant 240 : index
      %parallel_loop3A_300 = tpu.vector_load %arg9[%parallel_loop3A_298, %parallel_loop3A_299] {strides = array<i32>} : memref<16x256xf32, #tpu.memory_space<vmem>>, vector<16xf32>,
      tpu.vector_store %arg9[%parallel_loop3A_298, %parallel_loop3A_299], %parallel_loop3A_297 {strides = array<i32>} : memref<16x256xf32, #tpu.memory_space<vmem>>, vector<16xf32>,
    } {sc.loop_unroll_factor = 4 : i64, sc.parallel_access}
    %add3A_101 = arith.constant 16 : i32
    %add3A_102 = arith.addi %mul3A_2, %add3A_101 : i32
    %dma_start3A_103 = arith.constant 0 : i32
    %dma_start3A_104 = tpu.memref_slice %arg3[%add3A_102, %dma_start3A_103] : memref<4096x256xf32, #tpu.memory_space<hbm>> -> memref<16x256xf32, #tpu.memory_space<hbm>>
    %dma_start3A_105 = arith.constant 0 : i32
    %dma_start3A_106 = tpu.memref_slice %arg3[%add3A_102, %dma_start3A_105] : memref<4096x256xf32, #tpu.memory_space<hbm>> -> memref<16x256xf32, #tpu.memory_space<hbm>>
    tpu.enqueue_dma source(%arg9 : memref<16x256xf32, #tpu.memory_space<vmem>>) target(%dma_start3A_106 : memref<16x256xf32, #tpu.memory_space<hbm>>) target_semaphore(%arg15 : memref<!tpu.dma_semaphore, #tpu.memory_space<semaphore_mem>>)
    %dma_wait3A_107 = arith.constant 0 : i32
    %dma_wait3A_108 = tpu.memref_slice %arg2[%add3A_66, %dma_wait3A_107] : memref<4096x512xf32, #tpu.memory_space<hbm>> -> memref<16x512xf32, #tpu.memory_space<hbm>>
    %dma_wait3A_109 = arith.constant 0 : i32
    %dma_wait3A_110 = tpu.memref_slice %arg2[%add3A_66, %dma_wait3A_109] : memref<4096x512xf32, #tpu.memory_space<hbm>> -> memref<16x512xf32, #tpu.memory_space<hbm>>
    tpu.wait_dma2 semaphore(%arg12 : memref<!tpu.dma_semaphore, #tpu.memory_space<semaphore_mem>>) src(%dma_wait3A_110 : memref<16x512xf32, #tpu.memory_space<hbm>>) dst(%arg6 : memref<16x512xf32, #tpu.memory_space<vmem>>)
    %add3A_111 = arith.constant 80 : i32
    %add3A_112 = arith.addi %mul3A_2, %add3A_111 : i32
    %dma_start3A_113 = arith.constant 0 : i32
    %dma_start3A_114 = tpu.memref_slice %arg2[%add3A_112, %dma_start3A_113] : memref<4096x512xf32, #tpu.memory_space<hbm>> -> memref<16x512xf32, #tpu.memory_space<hbm>>
    %dma_start3A_115 = arith.constant 0 : i32
    %dma_start3A_116 = tpu.memref_slice %arg2[%add3A_112, %dma_start3A_115] : memref<4096x512xf32, #tpu.memory_space<hbm>> -> memref<16x512xf32, #tpu.memory_space<hbm>>
    tpu.enqueue_dma source(%dma_start3A_116 : memref<16x512xf32, #tpu.memory_space<hbm>>) target(%arg5 : memref<16x512xf32, #tpu.memory_space<vmem>>) target_semaphore(%arg11 : memref<!tpu.dma_semaphore, #tpu.memory_space<semaphore_mem>>)
    %dma_wait3A_117 = arith.constant 0 : i32
    %dma_wait3A_118 = tpu.memref_slice %arg3[%add3A_83, %dma_wait3A_117] : memref<4096x256xf32, #tpu.memory_space<hbm>> -> memref<16x256xf32, #tpu.memory_space<hbm>>
    %dma_wait3A_119 = arith.constant 0 : i32
    %dma_wait3A_120 = tpu.memref_slice %arg3[%add3A_83, %dma_wait3A_119] : memref<4096x256xf32, #tpu.memory_space<hbm>> -> memref<16x256xf32, #tpu.memory_space<hbm>>
    tpu.wait_dma2 semaphore(%arg14 : memref<!tpu.dma_semaphore, #tpu.memory_space<semaphore_mem>>) src(%arg8 : memref<16x256xf32, #tpu.memory_space<vmem>>) dst(%dma_wait3A_120 : memref<16x256xf32, #tpu.memory_space<hbm>>)
    %parallel_loop3A_121 = arith.constant 0 : i32
    %parallel_loop3A_122 = arith.constant 16 : i32
    %parallel_loop3A_123 = arith.constant 1 : i32
    scf.for %parallel_loop3A_235 = %parallel_loop3A_121 to %parallel_loop3A_122 step %parallel_loop3A_123  : i32 {
      %parallel_loop3A_236 = vector.broadcast %parallel_loop3A_235 : i32 to vector<16xi32>
      %parallel_loop3A_237 = tpu.vector_load_idx %arg6[%parallel_loop3A_236, %add3A_8] : memref<16x512xf32, #tpu.memory_space<vmem>>[vector<16xi32>, vector<16xi32>], vector<16xf32>,
      %parallel_loop3A_238 = arith.index_cast %parallel_loop3A_235 : i32 to index
      %parallel_loop3A_239 = arith.constant 0 : index
      %parallel_loop3A_240 = tpu.vector_load %arg8[%parallel_loop3A_238, %parallel_loop3A_239] {strides = array<i32>} : memref<16x256xf32, #tpu.memory_space<vmem>>, vector<16xf32>,
      tpu.vector_store %arg8[%parallel_loop3A_238, %parallel_loop3A_239], %parallel_loop3A_237 {strides = array<i32>} : memref<16x256xf32, #tpu.memory_space<vmem>>, vector<16xf32>,
      %parallel_loop3A_241 = tpu.vector_load_idx %arg6[%parallel_loop3A_236, %add3A_11] : memref<16x512xf32, #tpu.memory_space<vmem>>[vector<16xi32>, vector<16xi32>], vector<16xf32>,
      %parallel_loop3A_242 = arith.index_cast %parallel_loop3A_235 : i32 to index
      %parallel_loop3A_243 = arith.constant 16 : index
      %parallel_loop3A_244 = tpu.vector_load %arg8[%parallel_loop3A_242, %parallel_loop3A_243] {strides = array<i32>} : memref<16x256xf32, #tpu.memory_space<vmem>>, vector<16xf32>,
      tpu.vector_store %arg8[%parallel_loop3A_242, %parallel_loop3A_243], %parallel_loop3A_241 {strides = array<i32>} : memref<16x256xf32, #tpu.memory_space<vmem>>, vector<16xf32>,
      %parallel_loop3A_245 = tpu.vector_load_idx %arg6[%parallel_loop3A_236, %add3A_14] : memref<16x512xf32, #tpu.memory_space<vmem>>[vector<16xi32>, vector<16xi32>], vector<16xf32>,
      %parallel_loop3A_246 = arith.index_cast %parallel_loop3A_235 : i32 to index
      %parallel_loop3A_247 = arith.constant 32 : index
      %parallel_loop3A_248 = tpu.vector_load %arg8[%parallel_loop3A_246, %parallel_loop3A_247] {strides = array<i32>} : memref<16x256xf32, #tpu.memory_space<vmem>>, vector<16xf32>,
      tpu.vector_store %arg8[%parallel_loop3A_246, %parallel_loop3A_247], %parallel_loop3A_245 {strides = array<i32>} : memref<16x256xf32, #tpu.memory_space<vmem>>, vector<16xf32>,
      %parallel_loop3A_249 = tpu.vector_load_idx %arg6[%parallel_loop3A_236, %add3A_17] : memref<16x512xf32, #tpu.memory_space<vmem>>[vector<16xi32>, vector<16xi32>], vector<16xf32>,
      %parallel_loop3A_250 = arith.index_cast %parallel_loop3A_235 : i32 to index
      %parallel_loop3A_251 = arith.constant 48 : index
      %parallel_loop3A_252 = tpu.vector_load %arg8[%parallel_loop3A_250, %parallel_loop3A_251] {strides = array<i32>} : memref<16x256xf32, #tpu.memory_space<vmem>>, vector<16xf32>,
      tpu.vector_store %arg8[%parallel_loop3A_250, %parallel_loop3A_251], %parallel_loop3A_249 {strides = array<i32>} : memref<16x256xf32, #tpu.memory_space<vmem>>, vector<16xf32>,
      %parallel_loop3A_253 = tpu.vector_load_idx %arg6[%parallel_loop3A_236, %add3A_20] : memref<16x512xf32, #tpu.memory_space<vmem>>[vector<16xi32>, vector<16xi32>], vector<16xf32>,
      %parallel_loop3A_254 = arith.index_cast %parallel_loop3A_235 : i32 to index
      %parallel_loop3A_255 = arith.constant 64 : index
      %parallel_loop3A_256 = tpu.vector_load %arg8[%parallel_loop3A_254, %parallel_loop3A_255] {strides = array<i32>} : memref<16x256xf32, #tpu.memory_space<vmem>>, vector<16xf32>,
      tpu.vector_store %arg8[%parallel_loop3A_254, %parallel_loop3A_255], %parallel_loop3A_253 {strides = array<i32>} : memref<16x256xf32, #tpu.memory_space<vmem>>, vector<16xf32>,
      %parallel_loop3A_257 = tpu.vector_load_idx %arg6[%parallel_loop3A_236, %add3A_23] : memref<16x512xf32, #tpu.memory_space<vmem>>[vector<16xi32>, vector<16xi32>], vector<16xf32>,
      %parallel_loop3A_258 = arith.index_cast %parallel_loop3A_235 : i32 to index
      %parallel_loop3A_259 = arith.constant 80 : index
      %parallel_loop3A_260 = tpu.vector_load %arg8[%parallel_loop3A_258, %parallel_loop3A_259] {strides = array<i32>} : memref<16x256xf32, #tpu.memory_space<vmem>>, vector<16xf32>,
      tpu.vector_store %arg8[%parallel_loop3A_258, %parallel_loop3A_259], %parallel_loop3A_257 {strides = array<i32>} : memref<16x256xf32, #tpu.memory_space<vmem>>, vector<16xf32>,
      %parallel_loop3A_261 = tpu.vector_load_idx %arg6[%parallel_loop3A_236, %add3A_26] : memref<16x512xf32, #tpu.memory_space<vmem>>[vector<16xi32>, vector<16xi32>], vector<16xf32>,
      %parallel_loop3A_262 = arith.index_cast %parallel_loop3A_235 : i32 to index
      %parallel_loop3A_263 = arith.constant 96 : index
      %parallel_loop3A_264 = tpu.vector_load %arg8[%parallel_loop3A_262, %parallel_loop3A_263] {strides = array<i32>} : memref<16x256xf32, #tpu.memory_space<vmem>>, vector<16xf32>,
      tpu.vector_store %arg8[%parallel_loop3A_262, %parallel_loop3A_263], %parallel_loop3A_261 {strides = array<i32>} : memref<16x256xf32, #tpu.memory_space<vmem>>, vector<16xf32>,
      %parallel_loop3A_265 = tpu.vector_load_idx %arg6[%parallel_loop3A_236, %add3A_29] : memref<16x512xf32, #tpu.memory_space<vmem>>[vector<16xi32>, vector<16xi32>], vector<16xf32>,
      %parallel_loop3A_266 = arith.index_cast %parallel_loop3A_235 : i32 to index
      %parallel_loop3A_267 = arith.constant 112 : index
      %parallel_loop3A_268 = tpu.vector_load %arg8[%parallel_loop3A_266, %parallel_loop3A_267] {strides = array<i32>} : memref<16x256xf32, #tpu.memory_space<vmem>>, vector<16xf32>,
      tpu.vector_store %arg8[%parallel_loop3A_266, %parallel_loop3A_267], %parallel_loop3A_265 {strides = array<i32>} : memref<16x256xf32, #tpu.memory_space<vmem>>, vector<16xf32>,
      %parallel_loop3A_269 = tpu.vector_load_idx %arg6[%parallel_loop3A_236, %add3A_32] : memref<16x512xf32, #tpu.memory_space<vmem>>[vector<16xi32>, vector<16xi32>], vector<16xf32>,
      %parallel_loop3A_270 = arith.index_cast %parallel_loop3A_235 : i32 to index
      %parallel_loop3A_271 = arith.constant 128 : index
      %parallel_loop3A_272 = tpu.vector_load %arg8[%parallel_loop3A_270, %parallel_loop3A_271] {strides = array<i32>} : memref<16x256xf32, #tpu.memory_space<vmem>>, vector<16xf32>,
      tpu.vector_store %arg8[%parallel_loop3A_270, %parallel_loop3A_271], %parallel_loop3A_269 {strides = array<i32>} : memref<16x256xf32, #tpu.memory_space<vmem>>, vector<16xf32>,
      %parallel_loop3A_273 = tpu.vector_load_idx %arg6[%parallel_loop3A_236, %add3A_35] : memref<16x512xf32, #tpu.memory_space<vmem>>[vector<16xi32>, vector<16xi32>], vector<16xf32>,
      %parallel_loop3A_274 = arith.index_cast %parallel_loop3A_235 : i32 to index
      %parallel_loop3A_275 = arith.constant 144 : index
      %parallel_loop3A_276 = tpu.vector_load %arg8[%parallel_loop3A_274, %parallel_loop3A_275] {strides = array<i32>} : memref<16x256xf32, #tpu.memory_space<vmem>>, vector<16xf32>,
      tpu.vector_store %arg8[%parallel_loop3A_274, %parallel_loop3A_275], %parallel_loop3A_273 {strides = array<i32>} : memref<16x256xf32, #tpu.memory_space<vmem>>, vector<16xf32>,
      %parallel_loop3A_277 = tpu.vector_load_idx %arg6[%parallel_loop3A_236, %add3A_38] : memref<16x512xf32, #tpu.memory_space<vmem>>[vector<16xi32>, vector<16xi32>], vector<16xf32>,
      %parallel_loop3A_278 = arith.index_cast %parallel_loop3A_235 : i32 to index
      %parallel_loop3A_279 = arith.constant 160 : index
      %parallel_loop3A_280 = tpu.vector_load %arg8[%parallel_loop3A_278, %parallel_loop3A_279] {strides = array<i32>} : memref<16x256xf32, #tpu.memory_space<vmem>>, vector<16xf32>,
      tpu.vector_store %arg8[%parallel_loop3A_278, %parallel_loop3A_279], %parallel_loop3A_277 {strides = array<i32>} : memref<16x256xf32, #tpu.memory_space<vmem>>, vector<16xf32>,
      %parallel_loop3A_281 = tpu.vector_load_idx %arg6[%parallel_loop3A_236, %add3A_41] : memref<16x512xf32, #tpu.memory_space<vmem>>[vector<16xi32>, vector<16xi32>], vector<16xf32>,
      %parallel_loop3A_282 = arith.index_cast %parallel_loop3A_235 : i32 to index
      %parallel_loop3A_283 = arith.constant 176 : index
      %parallel_loop3A_284 = tpu.vector_load %arg8[%parallel_loop3A_282, %parallel_loop3A_283] {strides = array<i32>} : memref<16x256xf32, #tpu.memory_space<vmem>>, vector<16xf32>,
      tpu.vector_store %arg8[%parallel_loop3A_282, %parallel_loop3A_283], %parallel_loop3A_281 {strides = array<i32>} : memref<16x256xf32, #tpu.memory_space<vmem>>, vector<16xf32>,
      %parallel_loop3A_285 = tpu.vector_load_idx %arg6[%parallel_loop3A_236, %add3A_44] : memref<16x512xf32, #tpu.memory_space<vmem>>[vector<16xi32>, vector<16xi32>], vector<16xf32>,
      %parallel_loop3A_286 = arith.index_cast %parallel_loop3A_235 : i32 to index
      %parallel_loop3A_287 = arith.constant 192 : index
      %parallel_loop3A_288 = tpu.vector_load %arg8[%parallel_loop3A_286, %parallel_loop3A_287] {strides = array<i32>} : memref<16x256xf32, #tpu.memory_space<vmem>>, vector<16xf32>,
      tpu.vector_store %arg8[%parallel_loop3A_286, %parallel_loop3A_287], %parallel_loop3A_285 {strides = array<i32>} : memref<16x256xf32, #tpu.memory_space<vmem>>, vector<16xf32>,
      %parallel_loop3A_289 = tpu.vector_load_idx %arg6[%parallel_loop3A_236, %add3A_47] : memref<16x512xf32, #tpu.memory_space<vmem>>[vector<16xi32>, vector<16xi32>], vector<16xf32>,
      %parallel_loop3A_290 = arith.index_cast %parallel_loop3A_235 : i32 to index
      %parallel_loop3A_291 = arith.constant 208 : index
      %parallel_loop3A_292 = tpu.vector_load %arg8[%parallel_loop3A_290, %parallel_loop3A_291] {strides = array<i32>} : memref<16x256xf32, #tpu.memory_space<vmem>>, vector<16xf32>,
      tpu.vector_store %arg8[%parallel_loop3A_290, %parallel_loop3A_291], %parallel_loop3A_289 {strides = array<i32>} : memref<16x256xf32, #tpu.memory_space<vmem>>, vector<16xf32>,
      %parallel_loop3A_293 = tpu.vector_load_idx %arg6[%parallel_loop3A_236, %add3A_50] : memref<16x512xf32, #tpu.memory_space<vmem>>[vector<16xi32>, vector<16xi32>], vector<16xf32>,
      %parallel_loop3A_294 = arith.index_cast %parallel_loop3A_235 : i32 to index
      %parallel_loop3A_295 = arith.constant 224 : index
      %parallel_loop3A_296 = tpu.vector_load %arg8[%parallel_loop3A_294, %parallel_loop3A_295] {strides = array<i32>} : memref<16x256xf32, #tpu.memory_space<vmem>>, vector<16xf32>,
      tpu.vector_store %arg8[%parallel_loop3A_294, %parallel_loop3A_295], %parallel_loop3A_293 {strides = array<i32>} : memref<16x256xf32, #tpu.memory_space<vmem>>, vector<16xf32>,
      %parallel_loop3A_297 = tpu.vector_load_idx %arg6[%parallel_loop3A_236, %add3A_53] : memref<16x512xf32, #tpu.memory_space<vmem>>[vector<16xi32>, vector<16xi32>], vector<16xf32>,
      %parallel_loop3A_298 = arith.index_cast %parallel_loop3A_235 : i32 to index
      %parallel_loop3A_299 = arith.constant 240 : index
      %parallel_loop3A_300 = tpu.vector_load %arg8[%parallel_loop3A_298, %parallel_loop3A_299] {strides = array<i32>} : memref<16x256xf32, #tpu.memory_space<vmem>>, vector<16xf32>,
      tpu.vector_store %arg8[%parallel_loop3A_298, %parallel_loop3A_299], %parallel_loop3A_297 {strides = array<i32>} : memref<16x256xf32, #tpu.memory_space<vmem>>, vector<16xf32>,
    } {sc.loop_unroll_factor = 4 : i64, sc.parallel_access}
    %add3A_124 = arith.constant 32 : i32
    %add3A_125 = arith.addi %mul3A_2, %add3A_124 : i32
    %dma_start3A_126 = arith.constant 0 : i32
    %dma_start3A_127 = tpu.memref_slice %arg3[%add3A_125, %dma_start3A_126] : memref<4096x256xf32, #tpu.memory_space<hbm>> -> memref<16x256xf32, #tpu.memory_space<hbm>>
    %dma_start3A_128 = arith.constant 0 : i32
    %dma_start3A_129 = tpu.memref_slice %arg3[%add3A_125, %dma_start3A_128] : memref<4096x256xf32, #tpu.memory_space<hbm>> -> memref<16x256xf32, #tpu.memory_space<hbm>>
    tpu.enqueue_dma source(%arg8 : memref<16x256xf32, #tpu.memory_space<vmem>>) target(%dma_start3A_129 : memref<16x256xf32, #tpu.memory_space<hbm>>) target_semaphore(%arg14 : memref<!tpu.dma_semaphore, #tpu.memory_space<semaphore_mem>>)
    %dma_wait3A_130 = arith.constant 0 : i32
    %dma_wait3A_131 = tpu.memref_slice %arg2[%add3A_75, %dma_wait3A_130] : memref<4096x512xf32, #tpu.memory_space<hbm>> -> memref<16x512xf32, #tpu.memory_space<hbm>>
    %dma_wait3A_132 = arith.constant 0 : i32
    %dma_wait3A_133 = tpu.memref_slice %arg2[%add3A_75, %dma_wait3A_132] : memref<4096x512xf32, #tpu.memory_space<hbm>> -> memref<16x512xf32, #tpu.memory_space<hbm>>
    tpu.wait_dma2 semaphore(%arg13 : memref<!tpu.dma_semaphore, #tpu.memory_space<semaphore_mem>>) src(%dma_wait3A_133 : memref<16x512xf32, #tpu.memory_space<hbm>>) dst(%arg7 : memref<16x512xf32, #tpu.memory_space<vmem>>)
    %add3A_134 = arith.constant 96 : i32
    %add3A_135 = arith.addi %mul3A_2, %add3A_134 : i32
    %dma_start3A_136 = arith.constant 0 : i32
    %dma_start3A_137 = tpu.memref_slice %arg2[%add3A_135, %dma_start3A_136] : memref<4096x512xf32, #tpu.memory_space<hbm>> -> memref<16x512xf32, #tpu.memory_space<hbm>>
    %dma_start3A_138 = arith.constant 0 : i32
    %dma_start3A_139 = tpu.memref_slice %arg2[%add3A_135, %dma_start3A_138] : memref<4096x512xf32, #tpu.memory_space<hbm>> -> memref<16x512xf32, #tpu.memory_space<hbm>>
    tpu.enqueue_dma source(%dma_start3A_139 : memref<16x512xf32, #tpu.memory_space<hbm>>) target(%arg6 : memref<16x512xf32, #tpu.memory_space<vmem>>) target_semaphore(%arg12 : memref<!tpu.dma_semaphore, #tpu.memory_space<semaphore_mem>>)
    %dma_wait3A_140 = arith.constant 0 : i32
    %dma_wait3A_141 = tpu.memref_slice %arg3[%add3A_102, %dma_wait3A_140] : memref<4096x256xf32, #tpu.memory_space<hbm>> -> memref<16x256xf32, #tpu.memory_space<hbm>>
    %dma_wait3A_142 = arith.constant 0 : i32
    %dma_wait3A_143 = tpu.memref_slice %arg3[%add3A_102, %dma_wait3A_142] : memref<4096x256xf32, #tpu.memory_space<hbm>> -> memref<16x256xf32, #tpu.memory_space<hbm>>
    tpu.wait_dma2 semaphore(%arg15 : memref<!tpu.dma_semaphore, #tpu.memory_space<semaphore_mem>>) src(%arg9 : memref<16x256xf32, #tpu.memory_space<vmem>>) dst(%dma_wait3A_143 : memref<16x256xf32, #tpu.memory_space<hbm>>)
    %parallel_loop3A_144 = arith.constant 0 : i32
    %parallel_loop3A_145 = arith.constant 16 : i32
    %parallel_loop3A_146 = arith.constant 1 : i32
    scf.for %parallel_loop3A_235 = %parallel_loop3A_144 to %parallel_loop3A_145 step %parallel_loop3A_146  : i32 {
      %parallel_loop3A_236 = vector.broadcast %parallel_loop3A_235 : i32 to vector<16xi32>
      %parallel_loop3A_237 = tpu.vector_load_idx %arg7[%parallel_loop3A_236, %add3A_8] : memref<16x512xf32, #tpu.memory_space<vmem>>[vector<16xi32>, vector<16xi32>], vector<16xf32>,
      %parallel_loop3A_238 = arith.index_cast %parallel_loop3A_235 : i32 to index
      %parallel_loop3A_239 = arith.constant 0 : index
      %parallel_loop3A_240 = tpu.vector_load %arg9[%parallel_loop3A_238, %parallel_loop3A_239] {strides = array<i32>} : memref<16x256xf32, #tpu.memory_space<vmem>>, vector<16xf32>,
      tpu.vector_store %arg9[%parallel_loop3A_238, %parallel_loop3A_239], %parallel_loop3A_237 {strides = array<i32>} : memref<16x256xf32, #tpu.memory_space<vmem>>, vector<16xf32>,
      %parallel_loop3A_241 = tpu.vector_load_idx %arg7[%parallel_loop3A_236, %add3A_11] : memref<16x512xf32, #tpu.memory_space<vmem>>[vector<16xi32>, vector<16xi32>], vector<16xf32>,
      %parallel_loop3A_242 = arith.index_cast %parallel_loop3A_235 : i32 to index
      %parallel_loop3A_243 = arith.constant 16 : index
      %parallel_loop3A_244 = tpu.vector_load %arg9[%parallel_loop3A_242, %parallel_loop3A_243] {strides = array<i32>} : memref<16x256xf32, #tpu.memory_space<vmem>>, vector<16xf32>,
      tpu.vector_store %arg9[%parallel_loop3A_242, %parallel_loop3A_243], %parallel_loop3A_241 {strides = array<i32>} : memref<16x256xf32, #tpu.memory_space<vmem>>, vector<16xf32>,
      %parallel_loop3A_245 = tpu.vector_load_idx %arg7[%parallel_loop3A_236, %add3A_14] : memref<16x512xf32, #tpu.memory_space<vmem>>[vector<16xi32>, vector<16xi32>], vector<16xf32>,
      %parallel_loop3A_246 = arith.index_cast %parallel_loop3A_235 : i32 to index
      %parallel_loop3A_247 = arith.constant 32 : index
      %parallel_loop3A_248 = tpu.vector_load %arg9[%parallel_loop3A_246, %parallel_loop3A_247] {strides = array<i32>} : memref<16x256xf32, #tpu.memory_space<vmem>>, vector<16xf32>,
      tpu.vector_store %arg9[%parallel_loop3A_246, %parallel_loop3A_247], %parallel_loop3A_245 {strides = array<i32>} : memref<16x256xf32, #tpu.memory_space<vmem>>, vector<16xf32>,
      %parallel_loop3A_249 = tpu.vector_load_idx %arg7[%parallel_loop3A_236, %add3A_17] : memref<16x512xf32, #tpu.memory_space<vmem>>[vector<16xi32>, vector<16xi32>], vector<16xf32>,
      %parallel_loop3A_250 = arith.index_cast %parallel_loop3A_235 : i32 to index
      %parallel_loop3A_251 = arith.constant 48 : index
      %parallel_loop3A_252 = tpu.vector_load %arg9[%parallel_loop3A_250, %parallel_loop3A_251] {strides = array<i32>} : memref<16x256xf32, #tpu.memory_space<vmem>>, vector<16xf32>,
      tpu.vector_store %arg9[%parallel_loop3A_250, %parallel_loop3A_251], %parallel_loop3A_249 {strides = array<i32>} : memref<16x256xf32, #tpu.memory_space<vmem>>, vector<16xf32>,
      %parallel_loop3A_253 = tpu.vector_load_idx %arg7[%parallel_loop3A_236, %add3A_20] : memref<16x512xf32, #tpu.memory_space<vmem>>[vector<16xi32>, vector<16xi32>], vector<16xf32>,
      %parallel_loop3A_254 = arith.index_cast %parallel_loop3A_235 : i32 to index
      %parallel_loop3A_255 = arith.constant 64 : index
      %parallel_loop3A_256 = tpu.vector_load %arg9[%parallel_loop3A_254, %parallel_loop3A_255] {strides = array<i32>} : memref<16x256xf32, #tpu.memory_space<vmem>>, vector<16xf32>,
      tpu.vector_store %arg9[%parallel_loop3A_254, %parallel_loop3A_255], %parallel_loop3A_253 {strides = array<i32>} : memref<16x256xf32, #tpu.memory_space<vmem>>, vector<16xf32>,
      %parallel_loop3A_257 = tpu.vector_load_idx %arg7[%parallel_loop3A_236, %add3A_23] : memref<16x512xf32, #tpu.memory_space<vmem>>[vector<16xi32>, vector<16xi32>], vector<16xf32>,
      %parallel_loop3A_258 = arith.index_cast %parallel_loop3A_235 : i32 to index
      %parallel_loop3A_259 = arith.constant 80 : index
      %parallel_loop3A_260 = tpu.vector_load %arg9[%parallel_loop3A_258, %parallel_loop3A_259] {strides = array<i32>} : memref<16x256xf32, #tpu.memory_space<vmem>>, vector<16xf32>,
      tpu.vector_store %arg9[%parallel_loop3A_258, %parallel_loop3A_259], %parallel_loop3A_257 {strides = array<i32>} : memref<16x256xf32, #tpu.memory_space<vmem>>, vector<16xf32>,
      %parallel_loop3A_261 = tpu.vector_load_idx %arg7[%parallel_loop3A_236, %add3A_26] : memref<16x512xf32, #tpu.memory_space<vmem>>[vector<16xi32>, vector<16xi32>], vector<16xf32>,
      %parallel_loop3A_262 = arith.index_cast %parallel_loop3A_235 : i32 to index
      %parallel_loop3A_263 = arith.constant 96 : index
      %parallel_loop3A_264 = tpu.vector_load %arg9[%parallel_loop3A_262, %parallel_loop3A_263] {strides = array<i32>} : memref<16x256xf32, #tpu.memory_space<vmem>>, vector<16xf32>,
      tpu.vector_store %arg9[%parallel_loop3A_262, %parallel_loop3A_263], %parallel_loop3A_261 {strides = array<i32>} : memref<16x256xf32, #tpu.memory_space<vmem>>, vector<16xf32>,
      %parallel_loop3A_265 = tpu.vector_load_idx %arg7[%parallel_loop3A_236, %add3A_29] : memref<16x512xf32, #tpu.memory_space<vmem>>[vector<16xi32>, vector<16xi32>], vector<16xf32>,
      %parallel_loop3A_266 = arith.index_cast %parallel_loop3A_235 : i32 to index
      %parallel_loop3A_267 = arith.constant 112 : index
      %parallel_loop3A_268 = tpu.vector_load %arg9[%parallel_loop3A_266, %parallel_loop3A_267] {strides = array<i32>} : memref<16x256xf32, #tpu.memory_space<vmem>>, vector<16xf32>,
      tpu.vector_store %arg9[%parallel_loop3A_266, %parallel_loop3A_267], %parallel_loop3A_265 {strides = array<i32>} : memref<16x256xf32, #tpu.memory_space<vmem>>, vector<16xf32>,
      %parallel_loop3A_269 = tpu.vector_load_idx %arg7[%parallel_loop3A_236, %add3A_32] : memref<16x512xf32, #tpu.memory_space<vmem>>[vector<16xi32>, vector<16xi32>], vector<16xf32>,
      %parallel_loop3A_270 = arith.index_cast %parallel_loop3A_235 : i32 to index
      %parallel_loop3A_271 = arith.constant 128 : index
      %parallel_loop3A_272 = tpu.vector_load %arg9[%parallel_loop3A_270, %parallel_loop3A_271] {strides = array<i32>} : memref<16x256xf32, #tpu.memory_space<vmem>>, vector<16xf32>,
      tpu.vector_store %arg9[%parallel_loop3A_270, %parallel_loop3A_271], %parallel_loop3A_269 {strides = array<i32>} : memref<16x256xf32, #tpu.memory_space<vmem>>, vector<16xf32>,
      %parallel_loop3A_273 = tpu.vector_load_idx %arg7[%parallel_loop3A_236, %add3A_35] : memref<16x512xf32, #tpu.memory_space<vmem>>[vector<16xi32>, vector<16xi32>], vector<16xf32>,
      %parallel_loop3A_274 = arith.index_cast %parallel_loop3A_235 : i32 to index
      %parallel_loop3A_275 = arith.constant 144 : index
      %parallel_loop3A_276 = tpu.vector_load %arg9[%parallel_loop3A_274, %parallel_loop3A_275] {strides = array<i32>} : memref<16x256xf32, #tpu.memory_space<vmem>>, vector<16xf32>,
      tpu.vector_store %arg9[%parallel_loop3A_274, %parallel_loop3A_275], %parallel_loop3A_273 {strides = array<i32>} : memref<16x256xf32, #tpu.memory_space<vmem>>, vector<16xf32>,
      %parallel_loop3A_277 = tpu.vector_load_idx %arg7[%parallel_loop3A_236, %add3A_38] : memref<16x512xf32, #tpu.memory_space<vmem>>[vector<16xi32>, vector<16xi32>], vector<16xf32>,
      %parallel_loop3A_278 = arith.index_cast %parallel_loop3A_235 : i32 to index
      %parallel_loop3A_279 = arith.constant 160 : index
      %parallel_loop3A_280 = tpu.vector_load %arg9[%parallel_loop3A_278, %parallel_loop3A_279] {strides = array<i32>} : memref<16x256xf32, #tpu.memory_space<vmem>>, vector<16xf32>,
      tpu.vector_store %arg9[%parallel_loop3A_278, %parallel_loop3A_279], %parallel_loop3A_277 {strides = array<i32>} : memref<16x256xf32, #tpu.memory_space<vmem>>, vector<16xf32>,
      %parallel_loop3A_281 = tpu.vector_load_idx %arg7[%parallel_loop3A_236, %add3A_41] : memref<16x512xf32, #tpu.memory_space<vmem>>[vector<16xi32>, vector<16xi32>], vector<16xf32>,
      %parallel_loop3A_282 = arith.index_cast %parallel_loop3A_235 : i32 to index
      %parallel_loop3A_283 = arith.constant 176 : index
      %parallel_loop3A_284 = tpu.vector_load %arg9[%parallel_loop3A_282, %parallel_loop3A_283] {strides = array<i32>} : memref<16x256xf32, #tpu.memory_space<vmem>>, vector<16xf32>,
      tpu.vector_store %arg9[%parallel_loop3A_282, %parallel_loop3A_283], %parallel_loop3A_281 {strides = array<i32>} : memref<16x256xf32, #tpu.memory_space<vmem>>, vector<16xf32>,
      %parallel_loop3A_285 = tpu.vector_load_idx %arg7[%parallel_loop3A_236, %add3A_44] : memref<16x512xf32, #tpu.memory_space<vmem>>[vector<16xi32>, vector<16xi32>], vector<16xf32>,
      %parallel_loop3A_286 = arith.index_cast %parallel_loop3A_235 : i32 to index
      %parallel_loop3A_287 = arith.constant 192 : index
      %parallel_loop3A_288 = tpu.vector_load %arg9[%parallel_loop3A_286, %parallel_loop3A_287] {strides = array<i32>} : memref<16x256xf32, #tpu.memory_space<vmem>>, vector<16xf32>,
      tpu.vector_store %arg9[%parallel_loop3A_286, %parallel_loop3A_287], %parallel_loop3A_285 {strides = array<i32>} : memref<16x256xf32, #tpu.memory_space<vmem>>, vector<16xf32>,
      %parallel_loop3A_289 = tpu.vector_load_idx %arg7[%parallel_loop3A_236, %add3A_47] : memref<16x512xf32, #tpu.memory_space<vmem>>[vector<16xi32>, vector<16xi32>], vector<16xf32>,
      %parallel_loop3A_290 = arith.index_cast %parallel_loop3A_235 : i32 to index
      %parallel_loop3A_291 = arith.constant 208 : index
      %parallel_loop3A_292 = tpu.vector_load %arg9[%parallel_loop3A_290, %parallel_loop3A_291] {strides = array<i32>} : memref<16x256xf32, #tpu.memory_space<vmem>>, vector<16xf32>,
      tpu.vector_store %arg9[%parallel_loop3A_290, %parallel_loop3A_291], %parallel_loop3A_289 {strides = array<i32>} : memref<16x256xf32, #tpu.memory_space<vmem>>, vector<16xf32>,
      %parallel_loop3A_293 = tpu.vector_load_idx %arg7[%parallel_loop3A_236, %add3A_50] : memref<16x512xf32, #tpu.memory_space<vmem>>[vector<16xi32>, vector<16xi32>], vector<16xf32>,
      %parallel_loop3A_294 = arith.index_cast %parallel_loop3A_235 : i32 to index
      %parallel_loop3A_295 = arith.constant 224 : index
      %parallel_loop3A_296 = tpu.vector_load %arg9[%parallel_loop3A_294, %parallel_loop3A_295] {strides = array<i32>} : memref<16x256xf32, #tpu.memory_space<vmem>>, vector<16xf32>,
      tpu.vector_store %arg9[%parallel_loop3A_294, %parallel_loop3A_295], %parallel_loop3A_293 {strides = array<i32>} : memref<16x256xf32, #tpu.memory_space<vmem>>, vector<16xf32>,
      %parallel_loop3A_297 = tpu.vector_load_idx %arg7[%parallel_loop3A_236, %add3A_53] : memref<16x512xf32, #tpu.memory_space<vmem>>[vector<16xi32>, vector<16xi32>], vector<16xf32>,
      %parallel_loop3A_298 = arith.index_cast %parallel_loop3A_235 : i32 to index
      %parallel_loop3A_299 = arith.constant 240 : index
      %parallel_loop3A_300 = tpu.vector_load %arg9[%parallel_loop3A_298, %parallel_loop3A_299] {strides = array<i32>} : memref<16x256xf32, #tpu.memory_space<vmem>>, vector<16xf32>,
      tpu.vector_store %arg9[%parallel_loop3A_298, %parallel_loop3A_299], %parallel_loop3A_297 {strides = array<i32>} : memref<16x256xf32, #tpu.memory_space<vmem>>, vector<16xf32>,
    } {sc.loop_unroll_factor = 4 : i64, sc.parallel_access}
    %add3A_147 = arith.constant 48 : i32
    %add3A_148 = arith.addi %mul3A_2, %add3A_147 : i32
    %dma_start3A_149 = arith.constant 0 : i32
    %dma_start3A_150 = tpu.memref_slice %arg3[%add3A_148, %dma_start3A_149] : memref<4096x256xf32, #tpu.memory_space<hbm>> -> memref<16x256xf32, #tpu.memory_space<hbm>>
    %dma_start3A_151 = arith.constant 0 : i32
    %dma_start3A_152 = tpu.memref_slice %arg3[%add3A_148, %dma_start3A_151] : memref<4096x256xf32, #tpu.memory_space<hbm>> -> memref<16x256xf32, #tpu.memory_space<hbm>>
    tpu.enqueue_dma source(%arg9 : memref<16x256xf32, #tpu.memory_space<vmem>>) target(%dma_start3A_152 : memref<16x256xf32, #tpu.memory_space<hbm>>) target_semaphore(%arg15 : memref<!tpu.dma_semaphore, #tpu.memory_space<semaphore_mem>>)
    %dma_wait3A_153 = arith.constant 0 : i32
    %dma_wait3A_154 = tpu.memref_slice %arg2[%add3A_93, %dma_wait3A_153] : memref<4096x512xf32, #tpu.memory_space<hbm>> -> memref<16x512xf32, #tpu.memory_space<hbm>>
    %dma_wait3A_155 = arith.constant 0 : i32
    %dma_wait3A_156 = tpu.memref_slice %arg2[%add3A_93, %dma_wait3A_155] : memref<4096x512xf32, #tpu.memory_space<hbm>> -> memref<16x512xf32, #tpu.memory_space<hbm>>
    tpu.wait_dma2 semaphore(%arg10 : memref<!tpu.dma_semaphore, #tpu.memory_space<semaphore_mem>>) src(%dma_wait3A_156 : memref<16x512xf32, #tpu.memory_space<hbm>>) dst(%arg4 : memref<16x512xf32, #tpu.memory_space<vmem>>)
    %add3A_157 = arith.constant 112 : i32
    %add3A_158 = arith.addi %mul3A_2, %add3A_157 : i32
    %dma_start3A_159 = arith.constant 0 : i32
    %dma_start3A_160 = tpu.memref_slice %arg2[%add3A_158, %dma_start3A_159] : memref<4096x512xf32, #tpu.memory_space<hbm>> -> memref<16x512xf32, #tpu.memory_space<hbm>>
    %dma_start3A_161 = arith.constant 0 : i32
    %dma_start3A_162 = tpu.memref_slice %arg2[%add3A_158, %dma_start3A_161] : memref<4096x512xf32, #tpu.memory_space<hbm>> -> memref<16x512xf32, #tpu.memory_space<hbm>>
    tpu.enqueue_dma source(%dma_start3A_162 : memref<16x512xf32, #tpu.memory_space<hbm>>) target(%arg7 : memref<16x512xf32, #tpu.memory_space<vmem>>) target_semaphore(%arg13 : memref<!tpu.dma_semaphore, #tpu.memory_space<semaphore_mem>>)
    %dma_wait3A_163 = arith.constant 0 : i32
    %dma_wait3A_164 = tpu.memref_slice %arg3[%add3A_125, %dma_wait3A_163] : memref<4096x256xf32, #tpu.memory_space<hbm>> -> memref<16x256xf32, #tpu.memory_space<hbm>>
    %dma_wait3A_165 = arith.constant 0 : i32
    %dma_wait3A_166 = tpu.memref_slice %arg3[%add3A_125, %dma_wait3A_165] : memref<4096x256xf32, #tpu.memory_space<hbm>> -> memref<16x256xf32, #tpu.memory_space<hbm>>
    tpu.wait_dma2 semaphore(%arg14 : memref<!tpu.dma_semaphore, #tpu.memory_space<semaphore_mem>>) src(%arg8 : memref<16x256xf32, #tpu.memory_space<vmem>>) dst(%dma_wait3A_166 : memref<16x256xf32, #tpu.memory_space<hbm>>)
    %parallel_loop3A_167 = arith.constant 0 : i32
    %parallel_loop3A_168 = arith.constant 16 : i32
    %parallel_loop3A_169 = arith.constant 1 : i32
    scf.for %parallel_loop3A_235 = %parallel_loop3A_167 to %parallel_loop3A_168 step %parallel_loop3A_169  : i32 {
      %parallel_loop3A_236 = vector.broadcast %parallel_loop3A_235 : i32 to vector<16xi32>
      %parallel_loop3A_237 = tpu.vector_load_idx %arg4[%parallel_loop3A_236, %add3A_8] : memref<16x512xf32, #tpu.memory_space<vmem>>[vector<16xi32>, vector<16xi32>], vector<16xf32>,
      %parallel_loop3A_238 = arith.index_cast %parallel_loop3A_235 : i32 to index
      %parallel_loop3A_239 = arith.constant 0 : index
      %parallel_loop3A_240 = tpu.vector_load %arg8[%parallel_loop3A_238, %parallel_loop3A_239] {strides = array<i32>} : memref<16x256xf32, #tpu.memory_space<vmem>>, vector<16xf32>,
      tpu.vector_store %arg8[%parallel_loop3A_238, %parallel_loop3A_239], %parallel_loop3A_237 {strides = array<i32>} : memref<16x256xf32, #tpu.memory_space<vmem>>, vector<16xf32>,
      %parallel_loop3A_241 = tpu.vector_load_idx %arg4[%parallel_loop3A_236, %add3A_11] : memref<16x512xf32, #tpu.memory_space<vmem>>[vector<16xi32>, vector<16xi32>], vector<16xf32>,
      %parallel_loop3A_242 = arith.index_cast %parallel_loop3A_235 : i32 to index
      %parallel_loop3A_243 = arith.constant 16 : index
      %parallel_loop3A_244 = tpu.vector_load %arg8[%parallel_loop3A_242, %parallel_loop3A_243] {strides = array<i32>} : memref<16x256xf32, #tpu.memory_space<vmem>>, vector<16xf32>,
      tpu.vector_store %arg8[%parallel_loop3A_242, %parallel_loop3A_243], %parallel_loop3A_241 {strides = array<i32>} : memref<16x256xf32, #tpu.memory_space<vmem>>, vector<16xf32>,
      %parallel_loop3A_245 = tpu.vector_load_idx %arg4[%parallel_loop3A_236, %add3A_14] : memref<16x512xf32, #tpu.memory_space<vmem>>[vector<16xi32>, vector<16xi32>], vector<16xf32>,
      %parallel_loop3A_246 = arith.index_cast %parallel_loop3A_235 : i32 to index
      %parallel_loop3A_247 = arith.constant 32 : index
      %parallel_loop3A_248 = tpu.vector_load %arg8[%parallel_loop3A_246, %parallel_loop3A_247] {strides = array<i32>} : memref<16x256xf32, #tpu.memory_space<vmem>>, vector<16xf32>,
      tpu.vector_store %arg8[%parallel_loop3A_246, %parallel_loop3A_247], %parallel_loop3A_245 {strides = array<i32>} : memref<16x256xf32, #tpu.memory_space<vmem>>, vector<16xf32>,
      %parallel_loop3A_249 = tpu.vector_load_idx %arg4[%parallel_loop3A_236, %add3A_17] : memref<16x512xf32, #tpu.memory_space<vmem>>[vector<16xi32>, vector<16xi32>], vector<16xf32>,
      %parallel_loop3A_250 = arith.index_cast %parallel_loop3A_235 : i32 to index
      %parallel_loop3A_251 = arith.constant 48 : index
      %parallel_loop3A_252 = tpu.vector_load %arg8[%parallel_loop3A_250, %parallel_loop3A_251] {strides = array<i32>} : memref<16x256xf32, #tpu.memory_space<vmem>>, vector<16xf32>,
      tpu.vector_store %arg8[%parallel_loop3A_250, %parallel_loop3A_251], %parallel_loop3A_249 {strides = array<i32>} : memref<16x256xf32, #tpu.memory_space<vmem>>, vector<16xf32>,
      %parallel_loop3A_253 = tpu.vector_load_idx %arg4[%parallel_loop3A_236, %add3A_20] : memref<16x512xf32, #tpu.memory_space<vmem>>[vector<16xi32>, vector<16xi32>], vector<16xf32>,
      %parallel_loop3A_254 = arith.index_cast %parallel_loop3A_235 : i32 to index
      %parallel_loop3A_255 = arith.constant 64 : index
      %parallel_loop3A_256 = tpu.vector_load %arg8[%parallel_loop3A_254, %parallel_loop3A_255] {strides = array<i32>} : memref<16x256xf32, #tpu.memory_space<vmem>>, vector<16xf32>,
      tpu.vector_store %arg8[%parallel_loop3A_254, %parallel_loop3A_255], %parallel_loop3A_253 {strides = array<i32>} : memref<16x256xf32, #tpu.memory_space<vmem>>, vector<16xf32>,
      %parallel_loop3A_257 = tpu.vector_load_idx %arg4[%parallel_loop3A_236, %add3A_23] : memref<16x512xf32, #tpu.memory_space<vmem>>[vector<16xi32>, vector<16xi32>], vector<16xf32>,
      %parallel_loop3A_258 = arith.index_cast %parallel_loop3A_235 : i32 to index
      %parallel_loop3A_259 = arith.constant 80 : index
      %parallel_loop3A_260 = tpu.vector_load %arg8[%parallel_loop3A_258, %parallel_loop3A_259] {strides = array<i32>} : memref<16x256xf32, #tpu.memory_space<vmem>>, vector<16xf32>,
      tpu.vector_store %arg8[%parallel_loop3A_258, %parallel_loop3A_259], %parallel_loop3A_257 {strides = array<i32>} : memref<16x256xf32, #tpu.memory_space<vmem>>, vector<16xf32>,
      %parallel_loop3A_261 = tpu.vector_load_idx %arg4[%parallel_loop3A_236, %add3A_26] : memref<16x512xf32, #tpu.memory_space<vmem>>[vector<16xi32>, vector<16xi32>], vector<16xf32>,
      %parallel_loop3A_262 = arith.index_cast %parallel_loop3A_235 : i32 to index
      %parallel_loop3A_263 = arith.constant 96 : index
      %parallel_loop3A_264 = tpu.vector_load %arg8[%parallel_loop3A_262, %parallel_loop3A_263] {strides = array<i32>} : memref<16x256xf32, #tpu.memory_space<vmem>>, vector<16xf32>,
      tpu.vector_store %arg8[%parallel_loop3A_262, %parallel_loop3A_263], %parallel_loop3A_261 {strides = array<i32>} : memref<16x256xf32, #tpu.memory_space<vmem>>, vector<16xf32>,
      %parallel_loop3A_265 = tpu.vector_load_idx %arg4[%parallel_loop3A_236, %add3A_29] : memref<16x512xf32, #tpu.memory_space<vmem>>[vector<16xi32>, vector<16xi32>], vector<16xf32>,
      %parallel_loop3A_266 = arith.index_cast %parallel_loop3A_235 : i32 to index
      %parallel_loop3A_267 = arith.constant 112 : index
      %parallel_loop3A_268 = tpu.vector_load %arg8[%parallel_loop3A_266, %parallel_loop3A_267] {strides = array<i32>} : memref<16x256xf32, #tpu.memory_space<vmem>>, vector<16xf32>,
      tpu.vector_store %arg8[%parallel_loop3A_266, %parallel_loop3A_267], %parallel_loop3A_265 {strides = array<i32>} : memref<16x256xf32, #tpu.memory_space<vmem>>, vector<16xf32>,
      %parallel_loop3A_269 = tpu.vector_load_idx %arg4[%parallel_loop3A_236, %add3A_32] : memref<16x512xf32, #tpu.memory_space<vmem>>[vector<16xi32>, vector<16xi32>], vector<16xf32>,
      %parallel_loop3A_270 = arith.index_cast %parallel_loop3A_235 : i32 to index
      %parallel_loop3A_271 = arith.constant 128 : index
      %parallel_loop3A_272 = tpu.vector_load %arg8[%parallel_loop3A_270, %parallel_loop3A_271] {strides = array<i32>} : memref<16x256xf32, #tpu.memory_space<vmem>>, vector<16xf32>,
      tpu.vector_store %arg8[%parallel_loop3A_270, %parallel_loop3A_271], %parallel_loop3A_269 {strides = array<i32>} : memref<16x256xf32, #tpu.memory_space<vmem>>, vector<16xf32>,
      %parallel_loop3A_273 = tpu.vector_load_idx %arg4[%parallel_loop3A_236, %add3A_35] : memref<16x512xf32, #tpu.memory_space<vmem>>[vector<16xi32>, vector<16xi32>], vector<16xf32>,
      %parallel_loop3A_274 = arith.index_cast %parallel_loop3A_235 : i32 to index
      %parallel_loop3A_275 = arith.constant 144 : index
      %parallel_loop3A_276 = tpu.vector_load %arg8[%parallel_loop3A_274, %parallel_loop3A_275] {strides = array<i32>} : memref<16x256xf32, #tpu.memory_space<vmem>>, vector<16xf32>,
      tpu.vector_store %arg8[%parallel_loop3A_274, %parallel_loop3A_275], %parallel_loop3A_273 {strides = array<i32>} : memref<16x256xf32, #tpu.memory_space<vmem>>, vector<16xf32>,
      %parallel_loop3A_277 = tpu.vector_load_idx %arg4[%parallel_loop3A_236, %add3A_38] : memref<16x512xf32, #tpu.memory_space<vmem>>[vector<16xi32>, vector<16xi32>], vector<16xf32>,
      %parallel_loop3A_278 = arith.index_cast %parallel_loop3A_235 : i32 to index
      %parallel_loop3A_279 = arith.constant 160 : index
      %parallel_loop3A_280 = tpu.vector_load %arg8[%parallel_loop3A_278, %parallel_loop3A_279] {strides = array<i32>} : memref<16x256xf32, #tpu.memory_space<vmem>>, vector<16xf32>,
      tpu.vector_store %arg8[%parallel_loop3A_278, %parallel_loop3A_279], %parallel_loop3A_277 {strides = array<i32>} : memref<16x256xf32, #tpu.memory_space<vmem>>, vector<16xf32>,
      %parallel_loop3A_281 = tpu.vector_load_idx %arg4[%parallel_loop3A_236, %add3A_41] : memref<16x512xf32, #tpu.memory_space<vmem>>[vector<16xi32>, vector<16xi32>], vector<16xf32>,
      %parallel_loop3A_282 = arith.index_cast %parallel_loop3A_235 : i32 to index
      %parallel_loop3A_283 = arith.constant 176 : index
      %parallel_loop3A_284 = tpu.vector_load %arg8[%parallel_loop3A_282, %parallel_loop3A_283] {strides = array<i32>} : memref<16x256xf32, #tpu.memory_space<vmem>>, vector<16xf32>,
      tpu.vector_store %arg8[%parallel_loop3A_282, %parallel_loop3A_283], %parallel_loop3A_281 {strides = array<i32>} : memref<16x256xf32, #tpu.memory_space<vmem>>, vector<16xf32>,
      %parallel_loop3A_285 = tpu.vector_load_idx %arg4[%parallel_loop3A_236, %add3A_44] : memref<16x512xf32, #tpu.memory_space<vmem>>[vector<16xi32>, vector<16xi32>], vector<16xf32>,
      %parallel_loop3A_286 = arith.index_cast %parallel_loop3A_235 : i32 to index
      %parallel_loop3A_287 = arith.constant 192 : index
      %parallel_loop3A_288 = tpu.vector_load %arg8[%parallel_loop3A_286, %parallel_loop3A_287] {strides = array<i32>} : memref<16x256xf32, #tpu.memory_space<vmem>>, vector<16xf32>,
      tpu.vector_store %arg8[%parallel_loop3A_286, %parallel_loop3A_287], %parallel_loop3A_285 {strides = array<i32>} : memref<16x256xf32, #tpu.memory_space<vmem>>, vector<16xf32>,
      %parallel_loop3A_289 = tpu.vector_load_idx %arg4[%parallel_loop3A_236, %add3A_47] : memref<16x512xf32, #tpu.memory_space<vmem>>[vector<16xi32>, vector<16xi32>], vector<16xf32>,
      %parallel_loop3A_290 = arith.index_cast %parallel_loop3A_235 : i32 to index
      %parallel_loop3A_291 = arith.constant 208 : index
      %parallel_loop3A_292 = tpu.vector_load %arg8[%parallel_loop3A_290, %parallel_loop3A_291] {strides = array<i32>} : memref<16x256xf32, #tpu.memory_space<vmem>>, vector<16xf32>,
      tpu.vector_store %arg8[%parallel_loop3A_290, %parallel_loop3A_291], %parallel_loop3A_289 {strides = array<i32>} : memref<16x256xf32, #tpu.memory_space<vmem>>, vector<16xf32>,
      %parallel_loop3A_293 = tpu.vector_load_idx %arg4[%parallel_loop3A_236, %add3A_50] : memref<16x512xf32, #tpu.memory_space<vmem>>[vector<16xi32>, vector<16xi32>], vector<16xf32>,
      %parallel_loop3A_294 = arith.index_cast %parallel_loop3A_235 : i32 to index
      %parallel_loop3A_295 = arith.constant 224 : index
      %parallel_loop3A_296 = tpu.vector_load %arg8[%parallel_loop3A_294, %parallel_loop3A_295] {strides = array<i32>} : memref<16x256xf32, #tpu.memory_space<vmem>>, vector<16xf32>,
      tpu.vector_store %arg8[%parallel_loop3A_294, %parallel_loop3A_295], %parallel_loop3A_293 {strides = array<i32>} : memref<16x256xf32, #tpu.memory_space<vmem>>, vector<16xf32>,
      %parallel_loop3A_297 = tpu.vector_load_idx %arg4[%parallel_loop3A_236, %add3A_53] : memref<16x512xf32, #tpu.memory_space<vmem>>[vector<16xi32>, vector<16xi32>], vector<16xf32>,
      %parallel_loop3A_298 = arith.index_cast %parallel_loop3A_235 : i32 to index
      %parallel_loop3A_299 = arith.constant 240 : index
      %parallel_loop3A_300 = tpu.vector_load %arg8[%parallel_loop3A_298, %parallel_loop3A_299] {strides = array<i32>} : memref<16x256xf32, #tpu.memory_space<vmem>>, vector<16xf32>,
      tpu.vector_store %arg8[%parallel_loop3A_298, %parallel_loop3A_299], %parallel_loop3A_297 {strides = array<i32>} : memref<16x256xf32, #tpu.memory_space<vmem>>, vector<16xf32>,
    } {sc.loop_unroll_factor = 4 : i64, sc.parallel_access}
    %add3A_170 = arith.constant 64 : i32
    %add3A_171 = arith.addi %mul3A_2, %add3A_170 : i32
    %dma_start3A_172 = arith.constant 0 : i32
    %dma_start3A_173 = tpu.memref_slice %arg3[%add3A_171, %dma_start3A_172] : memref<4096x256xf32, #tpu.memory_space<hbm>> -> memref<16x256xf32, #tpu.memory_space<hbm>>
    %dma_start3A_174 = arith.constant 0 : i32
    %dma_start3A_175 = tpu.memref_slice %arg3[%add3A_171, %dma_start3A_174] : memref<4096x256xf32, #tpu.memory_space<hbm>> -> memref<16x256xf32, #tpu.memory_space<hbm>>
    tpu.enqueue_dma source(%arg8 : memref<16x256xf32, #tpu.memory_space<vmem>>) target(%dma_start3A_175 : memref<16x256xf32, #tpu.memory_space<hbm>>) target_semaphore(%arg14 : memref<!tpu.dma_semaphore, #tpu.memory_space<semaphore_mem>>)
    %dma_wait3A_176 = arith.constant 0 : i32
    %dma_wait3A_177 = tpu.memref_slice %arg2[%add3A_112, %dma_wait3A_176] : memref<4096x512xf32, #tpu.memory_space<hbm>> -> memref<16x512xf32, #tpu.memory_space<hbm>>
    %dma_wait3A_178 = arith.constant 0 : i32
    %dma_wait3A_179 = tpu.memref_slice %arg2[%add3A_112, %dma_wait3A_178] : memref<4096x512xf32, #tpu.memory_space<hbm>> -> memref<16x512xf32, #tpu.memory_space<hbm>>
    tpu.wait_dma2 semaphore(%arg11 : memref<!tpu.dma_semaphore, #tpu.memory_space<semaphore_mem>>) src(%dma_wait3A_179 : memref<16x512xf32, #tpu.memory_space<hbm>>) dst(%arg5 : memref<16x512xf32, #tpu.memory_space<vmem>>)
    %dma_wait3A_180 = arith.constant 0 : i32
    %dma_wait3A_181 = tpu.memref_slice %arg3[%add3A_148, %dma_wait3A_180] : memref<4096x256xf32, #tpu.memory_space<hbm>> -> memref<16x256xf32, #tpu.memory_space<hbm>>
    %dma_wait3A_182 = arith.constant 0 : i32
    %dma_wait3A_183 = tpu.memref_slice %arg3[%add3A_148, %dma_wait3A_182] : memref<4096x256xf32, #tpu.memory_space<hbm>> -> memref<16x256xf32, #tpu.memory_space<hbm>>
    tpu.wait_dma2 semaphore(%arg15 : memref<!tpu.dma_semaphore, #tpu.memory_space<semaphore_mem>>) src(%arg9 : memref<16x256xf32, #tpu.memory_space<vmem>>) dst(%dma_wait3A_183 : memref<16x256xf32, #tpu.memory_space<hbm>>)
    %parallel_loop3A_184 = arith.constant 0 : i32
    %parallel_loop3A_185 = arith.constant 16 : i32
    %parallel_loop3A_186 = arith.constant 1 : i32
    scf.for %parallel_loop3A_235 = %parallel_loop3A_184 to %parallel_loop3A_185 step %parallel_loop3A_186  : i32 {
      %parallel_loop3A_236 = vector.broadcast %parallel_loop3A_235 : i32 to vector<16xi32>
      %parallel_loop3A_237 = tpu.vector_load_idx %arg5[%parallel_loop3A_236, %add3A_8] : memref<16x512xf32, #tpu.memory_space<vmem>>[vector<16xi32>, vector<16xi32>], vector<16xf32>,
      %parallel_loop3A_238 = arith.index_cast %parallel_loop3A_235 : i32 to index
      %parallel_loop3A_239 = arith.constant 0 : index
      %parallel_loop3A_240 = tpu.vector_load %arg9[%parallel_loop3A_238, %parallel_loop3A_239] {strides = array<i32>} : memref<16x256xf32, #tpu.memory_space<vmem>>, vector<16xf32>,
      tpu.vector_store %arg9[%parallel_loop3A_238, %parallel_loop3A_239], %parallel_loop3A_237 {strides = array<i32>} : memref<16x256xf32, #tpu.memory_space<vmem>>, vector<16xf32>,
      %parallel_loop3A_241 = tpu.vector_load_idx %arg5[%parallel_loop3A_236, %add3A_11] : memref<16x512xf32, #tpu.memory_space<vmem>>[vector<16xi32>, vector<16xi32>], vector<16xf32>,
      %parallel_loop3A_242 = arith.index_cast %parallel_loop3A_235 : i32 to index
      %parallel_loop3A_243 = arith.constant 16 : index
      %parallel_loop3A_244 = tpu.vector_load %arg9[%parallel_loop3A_242, %parallel_loop3A_243] {strides = array<i32>} : memref<16x256xf32, #tpu.memory_space<vmem>>, vector<16xf32>,
      tpu.vector_store %arg9[%parallel_loop3A_242, %parallel_loop3A_243], %parallel_loop3A_241 {strides = array<i32>} : memref<16x256xf32, #tpu.memory_space<vmem>>, vector<16xf32>,
      %parallel_loop3A_245 = tpu.vector_load_idx %arg5[%parallel_loop3A_236, %add3A_14] : memref<16x512xf32, #tpu.memory_space<vmem>>[vector<16xi32>, vector<16xi32>], vector<16xf32>,
      %parallel_loop3A_246 = arith.index_cast %parallel_loop3A_235 : i32 to index
      %parallel_loop3A_247 = arith.constant 32 : index
      %parallel_loop3A_248 = tpu.vector_load %arg9[%parallel_loop3A_246, %parallel_loop3A_247] {strides = array<i32>} : memref<16x256xf32, #tpu.memory_space<vmem>>, vector<16xf32>,
      tpu.vector_store %arg9[%parallel_loop3A_246, %parallel_loop3A_247], %parallel_loop3A_245 {strides = array<i32>} : memref<16x256xf32, #tpu.memory_space<vmem>>, vector<16xf32>,
      %parallel_loop3A_249 = tpu.vector_load_idx %arg5[%parallel_loop3A_236, %add3A_17] : memref<16x512xf32, #tpu.memory_space<vmem>>[vector<16xi32>, vector<16xi32>], vector<16xf32>,
      %parallel_loop3A_250 = arith.index_cast %parallel_loop3A_235 : i32 to index
      %parallel_loop3A_251 = arith.constant 48 : index
      %parallel_loop3A_252 = tpu.vector_load %arg9[%parallel_loop3A_250, %parallel_loop3A_251] {strides = array<i32>} : memref<16x256xf32, #tpu.memory_space<vmem>>, vector<16xf32>,
      tpu.vector_store %arg9[%parallel_loop3A_250, %parallel_loop3A_251], %parallel_loop3A_249 {strides = array<i32>} : memref<16x256xf32, #tpu.memory_space<vmem>>, vector<16xf32>,
      %parallel_loop3A_253 = tpu.vector_load_idx %arg5[%parallel_loop3A_236, %add3A_20] : memref<16x512xf32, #tpu.memory_space<vmem>>[vector<16xi32>, vector<16xi32>], vector<16xf32>,
      %parallel_loop3A_254 = arith.index_cast %parallel_loop3A_235 : i32 to index
      %parallel_loop3A_255 = arith.constant 64 : index
      %parallel_loop3A_256 = tpu.vector_load %arg9[%parallel_loop3A_254, %parallel_loop3A_255] {strides = array<i32>} : memref<16x256xf32, #tpu.memory_space<vmem>>, vector<16xf32>,
      tpu.vector_store %arg9[%parallel_loop3A_254, %parallel_loop3A_255], %parallel_loop3A_253 {strides = array<i32>} : memref<16x256xf32, #tpu.memory_space<vmem>>, vector<16xf32>,
      %parallel_loop3A_257 = tpu.vector_load_idx %arg5[%parallel_loop3A_236, %add3A_23] : memref<16x512xf32, #tpu.memory_space<vmem>>[vector<16xi32>, vector<16xi32>], vector<16xf32>,
      %parallel_loop3A_258 = arith.index_cast %parallel_loop3A_235 : i32 to index
      %parallel_loop3A_259 = arith.constant 80 : index
      %parallel_loop3A_260 = tpu.vector_load %arg9[%parallel_loop3A_258, %parallel_loop3A_259] {strides = array<i32>} : memref<16x256xf32, #tpu.memory_space<vmem>>, vector<16xf32>,
      tpu.vector_store %arg9[%parallel_loop3A_258, %parallel_loop3A_259], %parallel_loop3A_257 {strides = array<i32>} : memref<16x256xf32, #tpu.memory_space<vmem>>, vector<16xf32>,
      %parallel_loop3A_261 = tpu.vector_load_idx %arg5[%parallel_loop3A_236, %add3A_26] : memref<16x512xf32, #tpu.memory_space<vmem>>[vector<16xi32>, vector<16xi32>], vector<16xf32>,
      %parallel_loop3A_262 = arith.index_cast %parallel_loop3A_235 : i32 to index
      %parallel_loop3A_263 = arith.constant 96 : index
      %parallel_loop3A_264 = tpu.vector_load %arg9[%parallel_loop3A_262, %parallel_loop3A_263] {strides = array<i32>} : memref<16x256xf32, #tpu.memory_space<vmem>>, vector<16xf32>,
      tpu.vector_store %arg9[%parallel_loop3A_262, %parallel_loop3A_263], %parallel_loop3A_261 {strides = array<i32>} : memref<16x256xf32, #tpu.memory_space<vmem>>, vector<16xf32>,
      %parallel_loop3A_265 = tpu.vector_load_idx %arg5[%parallel_loop3A_236, %add3A_29] : memref<16x512xf32, #tpu.memory_space<vmem>>[vector<16xi32>, vector<16xi32>], vector<16xf32>,
      %parallel_loop3A_266 = arith.index_cast %parallel_loop3A_235 : i32 to index
      %parallel_loop3A_267 = arith.constant 112 : index
      %parallel_loop3A_268 = tpu.vector_load %arg9[%parallel_loop3A_266, %parallel_loop3A_267] {strides = array<i32>} : memref<16x256xf32, #tpu.memory_space<vmem>>, vector<16xf32>,
      tpu.vector_store %arg9[%parallel_loop3A_266, %parallel_loop3A_267], %parallel_loop3A_265 {strides = array<i32>} : memref<16x256xf32, #tpu.memory_space<vmem>>, vector<16xf32>,
      %parallel_loop3A_269 = tpu.vector_load_idx %arg5[%parallel_loop3A_236, %add3A_32] : memref<16x512xf32, #tpu.memory_space<vmem>>[vector<16xi32>, vector<16xi32>], vector<16xf32>,
      %parallel_loop3A_270 = arith.index_cast %parallel_loop3A_235 : i32 to index
      %parallel_loop3A_271 = arith.constant 128 : index
      %parallel_loop3A_272 = tpu.vector_load %arg9[%parallel_loop3A_270, %parallel_loop3A_271] {strides = array<i32>} : memref<16x256xf32, #tpu.memory_space<vmem>>, vector<16xf32>,
      tpu.vector_store %arg9[%parallel_loop3A_270, %parallel_loop3A_271], %parallel_loop3A_269 {strides = array<i32>} : memref<16x256xf32, #tpu.memory_space<vmem>>, vector<16xf32>,
      %parallel_loop3A_273 = tpu.vector_load_idx %arg5[%parallel_loop3A_236, %add3A_35] : memref<16x512xf32, #tpu.memory_space<vmem>>[vector<16xi32>, vector<16xi32>], vector<16xf32>,
      %parallel_loop3A_274 = arith.index_cast %parallel_loop3A_235 : i32 to index
      %parallel_loop3A_275 = arith.constant 144 : index
      %parallel_loop3A_276 = tpu.vector_load %arg9[%parallel_loop3A_274, %parallel_loop3A_275] {strides = array<i32>} : memref<16x256xf32, #tpu.memory_space<vmem>>, vector<16xf32>,
      tpu.vector_store %arg9[%parallel_loop3A_274, %parallel_loop3A_275], %parallel_loop3A_273 {strides = array<i32>} : memref<16x256xf32, #tpu.memory_space<vmem>>, vector<16xf32>,
      %parallel_loop3A_277 = tpu.vector_load_idx %arg5[%parallel_loop3A_236, %add3A_38] : memref<16x512xf32, #tpu.memory_space<vmem>>[vector<16xi32>, vector<16xi32>], vector<16xf32>,
      %parallel_loop3A_278 = arith.index_cast %parallel_loop3A_235 : i32 to index
      %parallel_loop3A_279 = arith.constant 160 : index
      %parallel_loop3A_280 = tpu.vector_load %arg9[%parallel_loop3A_278, %parallel_loop3A_279] {strides = array<i32>} : memref<16x256xf32, #tpu.memory_space<vmem>>, vector<16xf32>,
      tpu.vector_store %arg9[%parallel_loop3A_278, %parallel_loop3A_279], %parallel_loop3A_277 {strides = array<i32>} : memref<16x256xf32, #tpu.memory_space<vmem>>, vector<16xf32>,
      %parallel_loop3A_281 = tpu.vector_load_idx %arg5[%parallel_loop3A_236, %add3A_41] : memref<16x512xf32, #tpu.memory_space<vmem>>[vector<16xi32>, vector<16xi32>], vector<16xf32>,
      %parallel_loop3A_282 = arith.index_cast %parallel_loop3A_235 : i32 to index
      %parallel_loop3A_283 = arith.constant 176 : index
      %parallel_loop3A_284 = tpu.vector_load %arg9[%parallel_loop3A_282, %parallel_loop3A_283] {strides = array<i32>} : memref<16x256xf32, #tpu.memory_space<vmem>>, vector<16xf32>,
      tpu.vector_store %arg9[%parallel_loop3A_282, %parallel_loop3A_283], %parallel_loop3A_281 {strides = array<i32>} : memref<16x256xf32, #tpu.memory_space<vmem>>, vector<16xf32>,
      %parallel_loop3A_285 = tpu.vector_load_idx %arg5[%parallel_loop3A_236, %add3A_44] : memref<16x512xf32, #tpu.memory_space<vmem>>[vector<16xi32>, vector<16xi32>], vector<16xf32>,
      %parallel_loop3A_286 = arith.index_cast %parallel_loop3A_235 : i32 to index
      %parallel_loop3A_287 = arith.constant 192 : index
      %parallel_loop3A_288 = tpu.vector_load %arg9[%parallel_loop3A_286, %parallel_loop3A_287] {strides = array<i32>} : memref<16x256xf32, #tpu.memory_space<vmem>>, vector<16xf32>,
      tpu.vector_store %arg9[%parallel_loop3A_286, %parallel_loop3A_287], %parallel_loop3A_285 {strides = array<i32>} : memref<16x256xf32, #tpu.memory_space<vmem>>, vector<16xf32>,
      %parallel_loop3A_289 = tpu.vector_load_idx %arg5[%parallel_loop3A_236, %add3A_47] : memref<16x512xf32, #tpu.memory_space<vmem>>[vector<16xi32>, vector<16xi32>], vector<16xf32>,
      %parallel_loop3A_290 = arith.index_cast %parallel_loop3A_235 : i32 to index
      %parallel_loop3A_291 = arith.constant 208 : index
      %parallel_loop3A_292 = tpu.vector_load %arg9[%parallel_loop3A_290, %parallel_loop3A_291] {strides = array<i32>} : memref<16x256xf32, #tpu.memory_space<vmem>>, vector<16xf32>,
      tpu.vector_store %arg9[%parallel_loop3A_290, %parallel_loop3A_291], %parallel_loop3A_289 {strides = array<i32>} : memref<16x256xf32, #tpu.memory_space<vmem>>, vector<16xf32>,
      %parallel_loop3A_293 = tpu.vector_load_idx %arg5[%parallel_loop3A_236, %add3A_50] : memref<16x512xf32, #tpu.memory_space<vmem>>[vector<16xi32>, vector<16xi32>], vector<16xf32>,
      %parallel_loop3A_294 = arith.index_cast %parallel_loop3A_235 : i32 to index
      %parallel_loop3A_295 = arith.constant 224 : index
      %parallel_loop3A_296 = tpu.vector_load %arg9[%parallel_loop3A_294, %parallel_loop3A_295] {strides = array<i32>} : memref<16x256xf32, #tpu.memory_space<vmem>>, vector<16xf32>,
      tpu.vector_store %arg9[%parallel_loop3A_294, %parallel_loop3A_295], %parallel_loop3A_293 {strides = array<i32>} : memref<16x256xf32, #tpu.memory_space<vmem>>, vector<16xf32>,
      %parallel_loop3A_297 = tpu.vector_load_idx %arg5[%parallel_loop3A_236, %add3A_53] : memref<16x512xf32, #tpu.memory_space<vmem>>[vector<16xi32>, vector<16xi32>], vector<16xf32>,
      %parallel_loop3A_298 = arith.index_cast %parallel_loop3A_235 : i32 to index
      %parallel_loop3A_299 = arith.constant 240 : index
      %parallel_loop3A_300 = tpu.vector_load %arg9[%parallel_loop3A_298, %parallel_loop3A_299] {strides = array<i32>} : memref<16x256xf32, #tpu.memory_space<vmem>>, vector<16xf32>,
      tpu.vector_store %arg9[%parallel_loop3A_298, %parallel_loop3A_299], %parallel_loop3A_297 {strides = array<i32>} : memref<16x256xf32, #tpu.memory_space<vmem>>, vector<16xf32>,
    } {sc.loop_unroll_factor = 4 : i64, sc.parallel_access}
    %add3A_187 = arith.constant 80 : i32
    %add3A_188 = arith.addi %mul3A_2, %add3A_187 : i32
    %dma_start3A_189 = arith.constant 0 : i32
    %dma_start3A_190 = tpu.memref_slice %arg3[%add3A_188, %dma_start3A_189] : memref<4096x256xf32, #tpu.memory_space<hbm>> -> memref<16x256xf32, #tpu.memory_space<hbm>>
    %dma_start3A_191 = arith.constant 0 : i32
    %dma_start3A_192 = tpu.memref_slice %arg3[%add3A_188, %dma_start3A_191] : memref<4096x256xf32, #tpu.memory_space<hbm>> -> memref<16x256xf32, #tpu.memory_space<hbm>>
    tpu.enqueue_dma source(%arg9 : memref<16x256xf32, #tpu.memory_space<vmem>>) target(%dma_start3A_192 : memref<16x256xf32, #tpu.memory_space<hbm>>) target_semaphore(%arg15 : memref<!tpu.dma_semaphore, #tpu.memory_space<semaphore_mem>>)
    %dma_wait3A_193 = arith.constant 0 : i32
    %dma_wait3A_194 = tpu.memref_slice %arg2[%add3A_135, %dma_wait3A_193] : memref<4096x512xf32, #tpu.memory_space<hbm>> -> memref<16x512xf32, #tpu.memory_space<hbm>>
    %dma_wait3A_195 = arith.constant 0 : i32
    %dma_wait3A_196 = tpu.memref_slice %arg2[%add3A_135, %dma_wait3A_195] : memref<4096x512xf32, #tpu.memory_space<hbm>> -> memref<16x512xf32, #tpu.memory_space<hbm>>
    tpu.wait_dma2 semaphore(%arg12 : memref<!tpu.dma_semaphore, #tpu.memory_space<semaphore_mem>>) src(%dma_wait3A_196 : memref<16x512xf32, #tpu.memory_space<hbm>>) dst(%arg6 : memref<16x512xf32, #tpu.memory_space<vmem>>)
    %dma_wait3A_197 = arith.constant 0 : i32
    %dma_wait3A_198 = tpu.memref_slice %arg3[%add3A_171, %dma_wait3A_197] : memref<4096x256xf32, #tpu.memory_space<hbm>> -> memref<16x256xf32, #tpu.memory_space<hbm>>
    %dma_wait3A_199 = arith.constant 0 : i32
    %dma_wait3A_200 = tpu.memref_slice %arg3[%add3A_171, %dma_wait3A_199] : memref<4096x256xf32, #tpu.memory_space<hbm>> -> memref<16x256xf32, #tpu.memory_space<hbm>>
    tpu.wait_dma2 semaphore(%arg14 : memref<!tpu.dma_semaphore, #tpu.memory_space<semaphore_mem>>) src(%arg8 : memref<16x256xf32, #tpu.memory_space<vmem>>) dst(%dma_wait3A_200 : memref<16x256xf32, #tpu.memory_space<hbm>>)
    %parallel_loop3A_201 = arith.constant 0 : i32
    %parallel_loop3A_202 = arith.constant 16 : i32
    %parallel_loop3A_203 = arith.constant 1 : i32
    scf.for %parallel_loop3A_235 = %parallel_loop3A_201 to %parallel_loop3A_202 step %parallel_loop3A_203  : i32 {
      %parallel_loop3A_236 = vector.broadcast %parallel_loop3A_235 : i32 to vector<16xi32>
      %parallel_loop3A_237 = tpu.vector_load_idx %arg6[%parallel_loop3A_236, %add3A_8] : memref<16x512xf32, #tpu.memory_space<vmem>>[vector<16xi32>, vector<16xi32>], vector<16xf32>,
      %parallel_loop3A_238 = arith.index_cast %parallel_loop3A_235 : i32 to index
      %parallel_loop3A_239 = arith.constant 0 : index
      %parallel_loop3A_240 = tpu.vector_load %arg8[%parallel_loop3A_238, %parallel_loop3A_239] {strides = array<i32>} : memref<16x256xf32, #tpu.memory_space<vmem>>, vector<16xf32>,
      tpu.vector_store %arg8[%parallel_loop3A_238, %parallel_loop3A_239], %parallel_loop3A_237 {strides = array<i32>} : memref<16x256xf32, #tpu.memory_space<vmem>>, vector<16xf32>,
      %parallel_loop3A_241 = tpu.vector_load_idx %arg6[%parallel_loop3A_236, %add3A_11] : memref<16x512xf32, #tpu.memory_space<vmem>>[vector<16xi32>, vector<16xi32>], vector<16xf32>,
      %parallel_loop3A_242 = arith.index_cast %parallel_loop3A_235 : i32 to index
      %parallel_loop3A_243 = arith.constant 16 : index
      %parallel_loop3A_244 = tpu.vector_load %arg8[%parallel_loop3A_242, %parallel_loop3A_243] {strides = array<i32>} : memref<16x256xf32, #tpu.memory_space<vmem>>, vector<16xf32>,
      tpu.vector_store %arg8[%parallel_loop3A_242, %parallel_loop3A_243], %parallel_loop3A_241 {strides = array<i32>} : memref<16x256xf32, #tpu.memory_space<vmem>>, vector<16xf32>,
      %parallel_loop3A_245 = tpu.vector_load_idx %arg6[%parallel_loop3A_236, %add3A_14] : memref<16x512xf32, #tpu.memory_space<vmem>>[vector<16xi32>, vector<16xi32>], vector<16xf32>,
      %parallel_loop3A_246 = arith.index_cast %parallel_loop3A_235 : i32 to index
      %parallel_loop3A_247 = arith.constant 32 : index
      %parallel_loop3A_248 = tpu.vector_load %arg8[%parallel_loop3A_246, %parallel_loop3A_247] {strides = array<i32>} : memref<16x256xf32, #tpu.memory_space<vmem>>, vector<16xf32>,
      tpu.vector_store %arg8[%parallel_loop3A_246, %parallel_loop3A_247], %parallel_loop3A_245 {strides = array<i32>} : memref<16x256xf32, #tpu.memory_space<vmem>>, vector<16xf32>,
      %parallel_loop3A_249 = tpu.vector_load_idx %arg6[%parallel_loop3A_236, %add3A_17] : memref<16x512xf32, #tpu.memory_space<vmem>>[vector<16xi32>, vector<16xi32>], vector<16xf32>,
      %parallel_loop3A_250 = arith.index_cast %parallel_loop3A_235 : i32 to index
      %parallel_loop3A_251 = arith.constant 48 : index
      %parallel_loop3A_252 = tpu.vector_load %arg8[%parallel_loop3A_250, %parallel_loop3A_251] {strides = array<i32>} : memref<16x256xf32, #tpu.memory_space<vmem>>, vector<16xf32>,
      tpu.vector_store %arg8[%parallel_loop3A_250, %parallel_loop3A_251], %parallel_loop3A_249 {strides = array<i32>} : memref<16x256xf32, #tpu.memory_space<vmem>>, vector<16xf32>,
      %parallel_loop3A_253 = tpu.vector_load_idx %arg6[%parallel_loop3A_236, %add3A_20] : memref<16x512xf32, #tpu.memory_space<vmem>>[vector<16xi32>, vector<16xi32>], vector<16xf32>,
      %parallel_loop3A_254 = arith.index_cast %parallel_loop3A_235 : i32 to index
      %parallel_loop3A_255 = arith.constant 64 : index
      %parallel_loop3A_256 = tpu.vector_load %arg8[%parallel_loop3A_254, %parallel_loop3A_255] {strides = array<i32>} : memref<16x256xf32, #tpu.memory_space<vmem>>, vector<16xf32>,
      tpu.vector_store %arg8[%parallel_loop3A_254, %parallel_loop3A_255], %parallel_loop3A_253 {strides = array<i32>} : memref<16x256xf32, #tpu.memory_space<vmem>>, vector<16xf32>,
      %parallel_loop3A_257 = tpu.vector_load_idx %arg6[%parallel_loop3A_236, %add3A_23] : memref<16x512xf32, #tpu.memory_space<vmem>>[vector<16xi32>, vector<16xi32>], vector<16xf32>,
      %parallel_loop3A_258 = arith.index_cast %parallel_loop3A_235 : i32 to index
      %parallel_loop3A_259 = arith.constant 80 : index
      %parallel_loop3A_260 = tpu.vector_load %arg8[%parallel_loop3A_258, %parallel_loop3A_259] {strides = array<i32>} : memref<16x256xf32, #tpu.memory_space<vmem>>, vector<16xf32>,
      tpu.vector_store %arg8[%parallel_loop3A_258, %parallel_loop3A_259], %parallel_loop3A_257 {strides = array<i32>} : memref<16x256xf32, #tpu.memory_space<vmem>>, vector<16xf32>,
      %parallel_loop3A_261 = tpu.vector_load_idx %arg6[%parallel_loop3A_236, %add3A_26] : memref<16x512xf32, #tpu.memory_space<vmem>>[vector<16xi32>, vector<16xi32>], vector<16xf32>,
      %parallel_loop3A_262 = arith.index_cast %parallel_loop3A_235 : i32 to index
      %parallel_loop3A_263 = arith.constant 96 : index
      %parallel_loop3A_264 = tpu.vector_load %arg8[%parallel_loop3A_262, %parallel_loop3A_263] {strides = array<i32>} : memref<16x256xf32, #tpu.memory_space<vmem>>, vector<16xf32>,
      tpu.vector_store %arg8[%parallel_loop3A_262, %parallel_loop3A_263], %parallel_loop3A_261 {strides = array<i32>} : memref<16x256xf32, #tpu.memory_space<vmem>>, vector<16xf32>,
      %parallel_loop3A_265 = tpu.vector_load_idx %arg6[%parallel_loop3A_236, %add3A_29] : memref<16x512xf32, #tpu.memory_space<vmem>>[vector<16xi32>, vector<16xi32>], vector<16xf32>,
      %parallel_loop3A_266 = arith.index_cast %parallel_loop3A_235 : i32 to index
      %parallel_loop3A_267 = arith.constant 112 : index
      %parallel_loop3A_268 = tpu.vector_load %arg8[%parallel_loop3A_266, %parallel_loop3A_267] {strides = array<i32>} : memref<16x256xf32, #tpu.memory_space<vmem>>, vector<16xf32>,
      tpu.vector_store %arg8[%parallel_loop3A_266, %parallel_loop3A_267], %parallel_loop3A_265 {strides = array<i32>} : memref<16x256xf32, #tpu.memory_space<vmem>>, vector<16xf32>,
      %parallel_loop3A_269 = tpu.vector_load_idx %arg6[%parallel_loop3A_236, %add3A_32] : memref<16x512xf32, #tpu.memory_space<vmem>>[vector<16xi32>, vector<16xi32>], vector<16xf32>,
      %parallel_loop3A_270 = arith.index_cast %parallel_loop3A_235 : i32 to index
      %parallel_loop3A_271 = arith.constant 128 : index
      %parallel_loop3A_272 = tpu.vector_load %arg8[%parallel_loop3A_270, %parallel_loop3A_271] {strides = array<i32>} : memref<16x256xf32, #tpu.memory_space<vmem>>, vector<16xf32>,
      tpu.vector_store %arg8[%parallel_loop3A_270, %parallel_loop3A_271], %parallel_loop3A_269 {strides = array<i32>} : memref<16x256xf32, #tpu.memory_space<vmem>>, vector<16xf32>,
      %parallel_loop3A_273 = tpu.vector_load_idx %arg6[%parallel_loop3A_236, %add3A_35] : memref<16x512xf32, #tpu.memory_space<vmem>>[vector<16xi32>, vector<16xi32>], vector<16xf32>,
      %parallel_loop3A_274 = arith.index_cast %parallel_loop3A_235 : i32 to index
      %parallel_loop3A_275 = arith.constant 144 : index
      %parallel_loop3A_276 = tpu.vector_load %arg8[%parallel_loop3A_274, %parallel_loop3A_275] {strides = array<i32>} : memref<16x256xf32, #tpu.memory_space<vmem>>, vector<16xf32>,
      tpu.vector_store %arg8[%parallel_loop3A_274, %parallel_loop3A_275], %parallel_loop3A_273 {strides = array<i32>} : memref<16x256xf32, #tpu.memory_space<vmem>>, vector<16xf32>,
      %parallel_loop3A_277 = tpu.vector_load_idx %arg6[%parallel_loop3A_236, %add3A_38] : memref<16x512xf32, #tpu.memory_space<vmem>>[vector<16xi32>, vector<16xi32>], vector<16xf32>,
      %parallel_loop3A_278 = arith.index_cast %parallel_loop3A_235 : i32 to index
      %parallel_loop3A_279 = arith.constant 160 : index
      %parallel_loop3A_280 = tpu.vector_load %arg8[%parallel_loop3A_278, %parallel_loop3A_279] {strides = array<i32>} : memref<16x256xf32, #tpu.memory_space<vmem>>, vector<16xf32>,
      tpu.vector_store %arg8[%parallel_loop3A_278, %parallel_loop3A_279], %parallel_loop3A_277 {strides = array<i32>} : memref<16x256xf32, #tpu.memory_space<vmem>>, vector<16xf32>,
      %parallel_loop3A_281 = tpu.vector_load_idx %arg6[%parallel_loop3A_236, %add3A_41] : memref<16x512xf32, #tpu.memory_space<vmem>>[vector<16xi32>, vector<16xi32>], vector<16xf32>,
      %parallel_loop3A_282 = arith.index_cast %parallel_loop3A_235 : i32 to index
      %parallel_loop3A_283 = arith.constant 176 : index
      %parallel_loop3A_284 = tpu.vector_load %arg8[%parallel_loop3A_282, %parallel_loop3A_283] {strides = array<i32>} : memref<16x256xf32, #tpu.memory_space<vmem>>, vector<16xf32>,
      tpu.vector_store %arg8[%parallel_loop3A_282, %parallel_loop3A_283], %parallel_loop3A_281 {strides = array<i32>} : memref<16x256xf32, #tpu.memory_space<vmem>>, vector<16xf32>,
      %parallel_loop3A_285 = tpu.vector_load_idx %arg6[%parallel_loop3A_236, %add3A_44] : memref<16x512xf32, #tpu.memory_space<vmem>>[vector<16xi32>, vector<16xi32>], vector<16xf32>,
      %parallel_loop3A_286 = arith.index_cast %parallel_loop3A_235 : i32 to index
      %parallel_loop3A_287 = arith.constant 192 : index
      %parallel_loop3A_288 = tpu.vector_load %arg8[%parallel_loop3A_286, %parallel_loop3A_287] {strides = array<i32>} : memref<16x256xf32, #tpu.memory_space<vmem>>, vector<16xf32>,
      tpu.vector_store %arg8[%parallel_loop3A_286, %parallel_loop3A_287], %parallel_loop3A_285 {strides = array<i32>} : memref<16x256xf32, #tpu.memory_space<vmem>>, vector<16xf32>,
      %parallel_loop3A_289 = tpu.vector_load_idx %arg6[%parallel_loop3A_236, %add3A_47] : memref<16x512xf32, #tpu.memory_space<vmem>>[vector<16xi32>, vector<16xi32>], vector<16xf32>,
      %parallel_loop3A_290 = arith.index_cast %parallel_loop3A_235 : i32 to index
      %parallel_loop3A_291 = arith.constant 208 : index
      %parallel_loop3A_292 = tpu.vector_load %arg8[%parallel_loop3A_290, %parallel_loop3A_291] {strides = array<i32>} : memref<16x256xf32, #tpu.memory_space<vmem>>, vector<16xf32>,
      tpu.vector_store %arg8[%parallel_loop3A_290, %parallel_loop3A_291], %parallel_loop3A_289 {strides = array<i32>} : memref<16x256xf32, #tpu.memory_space<vmem>>, vector<16xf32>,
      %parallel_loop3A_293 = tpu.vector_load_idx %arg6[%parallel_loop3A_236, %add3A_50] : memref<16x512xf32, #tpu.memory_space<vmem>>[vector<16xi32>, vector<16xi32>], vector<16xf32>,
      %parallel_loop3A_294 = arith.index_cast %parallel_loop3A_235 : i32 to index
      %parallel_loop3A_295 = arith.constant 224 : index
      %parallel_loop3A_296 = tpu.vector_load %arg8[%parallel_loop3A_294, %parallel_loop3A_295] {strides = array<i32>} : memref<16x256xf32, #tpu.memory_space<vmem>>, vector<16xf32>,
      tpu.vector_store %arg8[%parallel_loop3A_294, %parallel_loop3A_295], %parallel_loop3A_293 {strides = array<i32>} : memref<16x256xf32, #tpu.memory_space<vmem>>, vector<16xf32>,
      %parallel_loop3A_297 = tpu.vector_load_idx %arg6[%parallel_loop3A_236, %add3A_53] : memref<16x512xf32, #tpu.memory_space<vmem>>[vector<16xi32>, vector<16xi32>], vector<16xf32>,
      %parallel_loop3A_298 = arith.index_cast %parallel_loop3A_235 : i32 to index
      %parallel_loop3A_299 = arith.constant 240 : index
      %parallel_loop3A_300 = tpu.vector_load %arg8[%parallel_loop3A_298, %parallel_loop3A_299] {strides = array<i32>} : memref<16x256xf32, #tpu.memory_space<vmem>>, vector<16xf32>,
      tpu.vector_store %arg8[%parallel_loop3A_298, %parallel_loop3A_299], %parallel_loop3A_297 {strides = array<i32>} : memref<16x256xf32, #tpu.memory_space<vmem>>, vector<16xf32>,
    } {sc.loop_unroll_factor = 4 : i64, sc.parallel_access}
    %add3A_204 = arith.constant 96 : i32
    %add3A_205 = arith.addi %mul3A_2, %add3A_204 : i32
    %dma_start3A_206 = arith.constant 0 : i32
    %dma_start3A_207 = tpu.memref_slice %arg3[%add3A_205, %dma_start3A_206] : memref<4096x256xf32, #tpu.memory_space<hbm>> -> memref<16x256xf32, #tpu.memory_space<hbm>>
    %dma_start3A_208 = arith.constant 0 : i32
    %dma_start3A_209 = tpu.memref_slice %arg3[%add3A_205, %dma_start3A_208] : memref<4096x256xf32, #tpu.memory_space<hbm>> -> memref<16x256xf32, #tpu.memory_space<hbm>>
    tpu.enqueue_dma source(%arg8 : memref<16x256xf32, #tpu.memory_space<vmem>>) target(%dma_start3A_209 : memref<16x256xf32, #tpu.memory_space<hbm>>) target_semaphore(%arg14 : memref<!tpu.dma_semaphore, #tpu.memory_space<semaphore_mem>>)
    %dma_wait3A_210 = arith.constant 0 : i32
    %dma_wait3A_211 = tpu.memref_slice %arg2[%add3A_158, %dma_wait3A_210] : memref<4096x512xf32, #tpu.memory_space<hbm>> -> memref<16x512xf32, #tpu.memory_space<hbm>>
    %dma_wait3A_212 = arith.constant 0 : i32
    %dma_wait3A_213 = tpu.memref_slice %arg2[%add3A_158, %dma_wait3A_212] : memref<4096x512xf32, #tpu.memory_space<hbm>> -> memref<16x512xf32, #tpu.memory_space<hbm>>
    tpu.wait_dma2 semaphore(%arg13 : memref<!tpu.dma_semaphore, #tpu.memory_space<semaphore_mem>>) src(%dma_wait3A_213 : memref<16x512xf32, #tpu.memory_space<hbm>>) dst(%arg7 : memref<16x512xf32, #tpu.memory_space<vmem>>)
    %dma_wait3A_214 = arith.constant 0 : i32
    %dma_wait3A_215 = tpu.memref_slice %arg3[%add3A_188, %dma_wait3A_214] : memref<4096x256xf32, #tpu.memory_space<hbm>> -> memref<16x256xf32, #tpu.memory_space<hbm>>
    %dma_wait3A_216 = arith.constant 0 : i32
    %dma_wait3A_217 = tpu.memref_slice %arg3[%add3A_188, %dma_wait3A_216] : memref<4096x256xf32, #tpu.memory_space<hbm>> -> memref<16x256xf32, #tpu.memory_space<hbm>>
    tpu.wait_dma2 semaphore(%arg15 : memref<!tpu.dma_semaphore, #tpu.memory_space<semaphore_mem>>) src(%arg9 : memref<16x256xf32, #tpu.memory_space<vmem>>) dst(%dma_wait3A_217 : memref<16x256xf32, #tpu.memory_space<hbm>>)
    %parallel_loop3A_218 = arith.constant 0 : i32
    %parallel_loop3A_219 = arith.constant 16 : i32
    %parallel_loop3A_220 = arith.constant 1 : i32
    scf.for %parallel_loop3A_235 = %parallel_loop3A_218 to %parallel_loop3A_219 step %parallel_loop3A_220  : i32 {
      %parallel_loop3A_236 = vector.broadcast %parallel_loop3A_235 : i32 to vector<16xi32>
      %parallel_loop3A_237 = tpu.vector_load_idx %arg7[%parallel_loop3A_236, %add3A_8] : memref<16x512xf32, #tpu.memory_space<vmem>>[vector<16xi32>, vector<16xi32>], vector<16xf32>,
      %parallel_loop3A_238 = arith.index_cast %parallel_loop3A_235 : i32 to index
      %parallel_loop3A_239 = arith.constant 0 : index
      %parallel_loop3A_240 = tpu.vector_load %arg9[%parallel_loop3A_238, %parallel_loop3A_239] {strides = array<i32>} : memref<16x256xf32, #tpu.memory_space<vmem>>, vector<16xf32>,
      tpu.vector_store %arg9[%parallel_loop3A_238, %parallel_loop3A_239], %parallel_loop3A_237 {strides = array<i32>} : memref<16x256xf32, #tpu.memory_space<vmem>>, vector<16xf32>,
      %parallel_loop3A_241 = tpu.vector_load_idx %arg7[%parallel_loop3A_236, %add3A_11] : memref<16x512xf32, #tpu.memory_space<vmem>>[vector<16xi32>, vector<16xi32>], vector<16xf32>,
      %parallel_loop3A_242 = arith.index_cast %parallel_loop3A_235 : i32 to index
      %parallel_loop3A_243 = arith.constant 16 : index
      %parallel_loop3A_244 = tpu.vector_load %arg9[%parallel_loop3A_242, %parallel_loop3A_243] {strides = array<i32>} : memref<16x256xf32, #tpu.memory_space<vmem>>, vector<16xf32>,
      tpu.vector_store %arg9[%parallel_loop3A_242, %parallel_loop3A_243], %parallel_loop3A_241 {strides = array<i32>} : memref<16x256xf32, #tpu.memory_space<vmem>>, vector<16xf32>,
      %parallel_loop3A_245 = tpu.vector_load_idx %arg7[%parallel_loop3A_236, %add3A_14] : memref<16x512xf32, #tpu.memory_space<vmem>>[vector<16xi32>, vector<16xi32>], vector<16xf32>,
      %parallel_loop3A_246 = arith.index_cast %parallel_loop3A_235 : i32 to index
      %parallel_loop3A_247 = arith.constant 32 : index
      %parallel_loop3A_248 = tpu.vector_load %arg9[%parallel_loop3A_246, %parallel_loop3A_247] {strides = array<i32>} : memref<16x256xf32, #tpu.memory_space<vmem>>, vector<16xf32>,
      tpu.vector_store %arg9[%parallel_loop3A_246, %parallel_loop3A_247], %parallel_loop3A_245 {strides = array<i32>} : memref<16x256xf32, #tpu.memory_space<vmem>>, vector<16xf32>,
      %parallel_loop3A_249 = tpu.vector_load_idx %arg7[%parallel_loop3A_236, %add3A_17] : memref<16x512xf32, #tpu.memory_space<vmem>>[vector<16xi32>, vector<16xi32>], vector<16xf32>,
      %parallel_loop3A_250 = arith.index_cast %parallel_loop3A_235 : i32 to index
      %parallel_loop3A_251 = arith.constant 48 : index
      %parallel_loop3A_252 = tpu.vector_load %arg9[%parallel_loop3A_250, %parallel_loop3A_251] {strides = array<i32>} : memref<16x256xf32, #tpu.memory_space<vmem>>, vector<16xf32>,
      tpu.vector_store %arg9[%parallel_loop3A_250, %parallel_loop3A_251], %parallel_loop3A_249 {strides = array<i32>} : memref<16x256xf32, #tpu.memory_space<vmem>>, vector<16xf32>,
      %parallel_loop3A_253 = tpu.vector_load_idx %arg7[%parallel_loop3A_236, %add3A_20] : memref<16x512xf32, #tpu.memory_space<vmem>>[vector<16xi32>, vector<16xi32>], vector<16xf32>,
      %parallel_loop3A_254 = arith.index_cast %parallel_loop3A_235 : i32 to index
      %parallel_loop3A_255 = arith.constant 64 : index
      %parallel_loop3A_256 = tpu.vector_load %arg9[%parallel_loop3A_254, %parallel_loop3A_255] {strides = array<i32>} : memref<16x256xf32, #tpu.memory_space<vmem>>, vector<16xf32>,
      tpu.vector_store %arg9[%parallel_loop3A_254, %parallel_loop3A_255], %parallel_loop3A_253 {strides = array<i32>} : memref<16x256xf32, #tpu.memory_space<vmem>>, vector<16xf32>,
      %parallel_loop3A_257 = tpu.vector_load_idx %arg7[%parallel_loop3A_236, %add3A_23] : memref<16x512xf32, #tpu.memory_space<vmem>>[vector<16xi32>, vector<16xi32>], vector<16xf32>,
      %parallel_loop3A_258 = arith.index_cast %parallel_loop3A_235 : i32 to index
      %parallel_loop3A_259 = arith.constant 80 : index
      %parallel_loop3A_260 = tpu.vector_load %arg9[%parallel_loop3A_258, %parallel_loop3A_259] {strides = array<i32>} : memref<16x256xf32, #tpu.memory_space<vmem>>, vector<16xf32>,
      tpu.vector_store %arg9[%parallel_loop3A_258, %parallel_loop3A_259], %parallel_loop3A_257 {strides = array<i32>} : memref<16x256xf32, #tpu.memory_space<vmem>>, vector<16xf32>,
      %parallel_loop3A_261 = tpu.vector_load_idx %arg7[%parallel_loop3A_236, %add3A_26] : memref<16x512xf32, #tpu.memory_space<vmem>>[vector<16xi32>, vector<16xi32>], vector<16xf32>,
      %parallel_loop3A_262 = arith.index_cast %parallel_loop3A_235 : i32 to index
      %parallel_loop3A_263 = arith.constant 96 : index
      %parallel_loop3A_264 = tpu.vector_load %arg9[%parallel_loop3A_262, %parallel_loop3A_263] {strides = array<i32>} : memref<16x256xf32, #tpu.memory_space<vmem>>, vector<16xf32>,
      tpu.vector_store %arg9[%parallel_loop3A_262, %parallel_loop3A_263], %parallel_loop3A_261 {strides = array<i32>} : memref<16x256xf32, #tpu.memory_space<vmem>>, vector<16xf32>,
      %parallel_loop3A_265 = tpu.vector_load_idx %arg7[%parallel_loop3A_236, %add3A_29] : memref<16x512xf32, #tpu.memory_space<vmem>>[vector<16xi32>, vector<16xi32>], vector<16xf32>,
      %parallel_loop3A_266 = arith.index_cast %parallel_loop3A_235 : i32 to index
      %parallel_loop3A_267 = arith.constant 112 : index
      %parallel_loop3A_268 = tpu.vector_load %arg9[%parallel_loop3A_266, %parallel_loop3A_267] {strides = array<i32>} : memref<16x256xf32, #tpu.memory_space<vmem>>, vector<16xf32>,
      tpu.vector_store %arg9[%parallel_loop3A_266, %parallel_loop3A_267], %parallel_loop3A_265 {strides = array<i32>} : memref<16x256xf32, #tpu.memory_space<vmem>>, vector<16xf32>,
      %parallel_loop3A_269 = tpu.vector_load_idx %arg7[%parallel_loop3A_236, %add3A_32] : memref<16x512xf32, #tpu.memory_space<vmem>>[vector<16xi32>, vector<16xi32>], vector<16xf32>,
      %parallel_loop3A_270 = arith.index_cast %parallel_loop3A_235 : i32 to index
      %parallel_loop3A_271 = arith.constant 128 : index
      %parallel_loop3A_272 = tpu.vector_load %arg9[%parallel_loop3A_270, %parallel_loop3A_271] {strides = array<i32>} : memref<16x256xf32, #tpu.memory_space<vmem>>, vector<16xf32>,
      tpu.vector_store %arg9[%parallel_loop3A_270, %parallel_loop3A_271], %parallel_loop3A_269 {strides = array<i32>} : memref<16x256xf32, #tpu.memory_space<vmem>>, vector<16xf32>,
      %parallel_loop3A_273 = tpu.vector_load_idx %arg7[%parallel_loop3A_236, %add3A_35] : memref<16x512xf32, #tpu.memory_space<vmem>>[vector<16xi32>, vector<16xi32>], vector<16xf32>,
      %parallel_loop3A_274 = arith.index_cast %parallel_loop3A_235 : i32 to index
      %parallel_loop3A_275 = arith.constant 144 : index
      %parallel_loop3A_276 = tpu.vector_load %arg9[%parallel_loop3A_274, %parallel_loop3A_275] {strides = array<i32>} : memref<16x256xf32, #tpu.memory_space<vmem>>, vector<16xf32>,
      tpu.vector_store %arg9[%parallel_loop3A_274, %parallel_loop3A_275], %parallel_loop3A_273 {strides = array<i32>} : memref<16x256xf32, #tpu.memory_space<vmem>>, vector<16xf32>,
      %parallel_loop3A_277 = tpu.vector_load_idx %arg7[%parallel_loop3A_236, %add3A_38] : memref<16x512xf32, #tpu.memory_space<vmem>>[vector<16xi32>, vector<16xi32>], vector<16xf32>,
      %parallel_loop3A_278 = arith.index_cast %parallel_loop3A_235 : i32 to index
      %parallel_loop3A_279 = arith.constant 160 : index
      %parallel_loop3A_280 = tpu.vector_load %arg9[%parallel_loop3A_278, %parallel_loop3A_279] {strides = array<i32>} : memref<16x256xf32, #tpu.memory_space<vmem>>, vector<16xf32>,
      tpu.vector_store %arg9[%parallel_loop3A_278, %parallel_loop3A_279], %parallel_loop3A_277 {strides = array<i32>} : memref<16x256xf32, #tpu.memory_space<vmem>>, vector<16xf32>,
      %parallel_loop3A_281 = tpu.vector_load_idx %arg7[%parallel_loop3A_236, %add3A_41] : memref<16x512xf32, #tpu.memory_space<vmem>>[vector<16xi32>, vector<16xi32>], vector<16xf32>,
      %parallel_loop3A_282 = arith.index_cast %parallel_loop3A_235 : i32 to index
      %parallel_loop3A_283 = arith.constant 176 : index
      %parallel_loop3A_284 = tpu.vector_load %arg9[%parallel_loop3A_282, %parallel_loop3A_283] {strides = array<i32>} : memref<16x256xf32, #tpu.memory_space<vmem>>, vector<16xf32>,
      tpu.vector_store %arg9[%parallel_loop3A_282, %parallel_loop3A_283], %parallel_loop3A_281 {strides = array<i32>} : memref<16x256xf32, #tpu.memory_space<vmem>>, vector<16xf32>,
      %parallel_loop3A_285 = tpu.vector_load_idx %arg7[%parallel_loop3A_236, %add3A_44] : memref<16x512xf32, #tpu.memory_space<vmem>>[vector<16xi32>, vector<16xi32>], vector<16xf32>,
      %parallel_loop3A_286 = arith.index_cast %parallel_loop3A_235 : i32 to index
      %parallel_loop3A_287 = arith.constant 192 : index
      %parallel_loop3A_288 = tpu.vector_load %arg9[%parallel_loop3A_286, %parallel_loop3A_287] {strides = array<i32>} : memref<16x256xf32, #tpu.memory_space<vmem>>, vector<16xf32>,
      tpu.vector_store %arg9[%parallel_loop3A_286, %parallel_loop3A_287], %parallel_loop3A_285 {strides = array<i32>} : memref<16x256xf32, #tpu.memory_space<vmem>>, vector<16xf32>,
      %parallel_loop3A_289 = tpu.vector_load_idx %arg7[%parallel_loop3A_236, %add3A_47] : memref<16x512xf32, #tpu.memory_space<vmem>>[vector<16xi32>, vector<16xi32>], vector<16xf32>,
      %parallel_loop3A_290 = arith.index_cast %parallel_loop3A_235 : i32 to index
      %parallel_loop3A_291 = arith.constant 208 : index
      %parallel_loop3A_292 = tpu.vector_load %arg9[%parallel_loop3A_290, %parallel_loop3A_291] {strides = array<i32>} : memref<16x256xf32, #tpu.memory_space<vmem>>, vector<16xf32>,
      tpu.vector_store %arg9[%parallel_loop3A_290, %parallel_loop3A_291], %parallel_loop3A_289 {strides = array<i32>} : memref<16x256xf32, #tpu.memory_space<vmem>>, vector<16xf32>,
      %parallel_loop3A_293 = tpu.vector_load_idx %arg7[%parallel_loop3A_236, %add3A_50] : memref<16x512xf32, #tpu.memory_space<vmem>>[vector<16xi32>, vector<16xi32>], vector<16xf32>,
      %parallel_loop3A_294 = arith.index_cast %parallel_loop3A_235 : i32 to index
      %parallel_loop3A_295 = arith.constant 224 : index
      %parallel_loop3A_296 = tpu.vector_load %arg9[%parallel_loop3A_294, %parallel_loop3A_295] {strides = array<i32>} : memref<16x256xf32, #tpu.memory_space<vmem>>, vector<16xf32>,
      tpu.vector_store %arg9[%parallel_loop3A_294, %parallel_loop3A_295], %parallel_loop3A_293 {strides = array<i32>} : memref<16x256xf32, #tpu.memory_space<vmem>>, vector<16xf32>,
      %parallel_loop3A_297 = tpu.vector_load_idx %arg7[%parallel_loop3A_236, %add3A_53] : memref<16x512xf32, #tpu.memory_space<vmem>>[vector<16xi32>, vector<16xi32>], vector<16xf32>,
      %parallel_loop3A_298 = arith.index_cast %parallel_loop3A_235 : i32 to index
      %parallel_loop3A_299 = arith.constant 240 : index
      %parallel_loop3A_300 = tpu.vector_load %arg9[%parallel_loop3A_298, %parallel_loop3A_299] {strides = array<i32>} : memref<16x256xf32, #tpu.memory_space<vmem>>, vector<16xf32>,
      tpu.vector_store %arg9[%parallel_loop3A_298, %parallel_loop3A_299], %parallel_loop3A_297 {strides = array<i32>} : memref<16x256xf32, #tpu.memory_space<vmem>>, vector<16xf32>,
    } {sc.loop_unroll_factor = 4 : i64, sc.parallel_access}
    %add3A_221 = arith.constant 112 : i32
    %add3A_222 = arith.addi %mul3A_2, %add3A_221 : i32
    %dma_start3A_223 = arith.constant 0 : i32
    %dma_start3A_224 = tpu.memref_slice %arg3[%add3A_222, %dma_start3A_223] : memref<4096x256xf32, #tpu.memory_space<hbm>> -> memref<16x256xf32, #tpu.memory_space<hbm>>
    %dma_start3A_225 = arith.constant 0 : i32
    %dma_start3A_226 = tpu.memref_slice %arg3[%add3A_222, %dma_start3A_225] : memref<4096x256xf32, #tpu.memory_space<hbm>> -> memref<16x256xf32, #tpu.memory_space<hbm>>
    tpu.enqueue_dma source(%arg9 : memref<16x256xf32, #tpu.memory_space<vmem>>) target(%dma_start3A_226 : memref<16x256xf32, #tpu.memory_space<hbm>>) target_semaphore(%arg15 : memref<!tpu.dma_semaphore, #tpu.memory_space<semaphore_mem>>)
    %dma_wait3A_227 = arith.constant 0 : i32
    %dma_wait3A_228 = tpu.memref_slice %arg3[%add3A_205, %dma_wait3A_227] : memref<4096x256xf32, #tpu.memory_space<hbm>> -> memref<16x256xf32, #tpu.memory_space<hbm>>
    %dma_wait3A_229 = arith.constant 0 : i32
    %dma_wait3A_230 = tpu.memref_slice %arg3[%add3A_205, %dma_wait3A_229] : memref<4096x256xf32, #tpu.memory_space<hbm>> -> memref<16x256xf32, #tpu.memory_space<hbm>>
    tpu.wait_dma2 semaphore(%arg14 : memref<!tpu.dma_semaphore, #tpu.memory_space<semaphore_mem>>) src(%arg8 : memref<16x256xf32, #tpu.memory_space<vmem>>) dst(%dma_wait3A_230 : memref<16x256xf32, #tpu.memory_space<hbm>>)
    %dma_wait3A_231 = arith.constant 0 : i32
    %dma_wait3A_232 = tpu.memref_slice %arg3[%add3A_222, %dma_wait3A_231] : memref<4096x256xf32, #tpu.memory_space<hbm>> -> memref<16x256xf32, #tpu.memory_space<hbm>>
    %dma_wait3A_233 = arith.constant 0 : i32
    %dma_wait3A_234 = tpu.memref_slice %arg3[%add3A_222, %dma_wait3A_233] : memref<4096x256xf32, #tpu.memory_space<hbm>> -> memref<16x256xf32, #tpu.memory_space<hbm>>
    tpu.wait_dma2 semaphore(%arg15 : memref<!tpu.dma_semaphore, #tpu.memory_space<semaphore_mem>>) src(%arg9 : memref<16x256xf32, #tpu.memory_space<vmem>>) dst(%dma_wait3A_234 : memref<16x256xf32, #tpu.memory_space<hbm>>)
    return
  }
}

</mosaic_0001>

<sc_bundles>
// kernel: kernel.3.cloned.1.call-start
scs
__scs_entry_jumppad:
0x0: {  	(pc) =	sbr.rel $0x88, $3  }
0x1: {  	(tag) =	ssettag $0x0;
	lr =	simm.s32 $0x1  }
0x2: {  	[smem:$0x3FA0] =	sst lr;
	_ =	strace $0xD0000000  }
0x3: {  	_ = 	snop  }
0x4: {  	_ = 	snop  }
0x5: {  	_ = 	snop  }
0x6: {  	_ = 	snop  }
0x7: {  	_ = 	snop  }
__scs_overlays_trampoline_lowered:
0x8: {  	[smem:$0x3FAF] =	sst s0  }
0x9: {  	[smem:$0x3FB0] =	sst s1  }
0xa: {  	[smem:$0x3FB1] =	sst s2  }
0xb: {  	[smem:$0x3FB2] =	sst s3  }
0xc: {  	[smem:$0x3FB3] =	sst s4  }
0xd: {  	[smem:$0x3FB4] =	sst s5  }
0xe: {  	[smem:$0x3FB5] =	sst s6  }
0xf: {  	[smem:$0x3FB6] =	sst s7  }
0x10: {  	[smem:$0x3FB7] =	sst s8  }
0x11: {  	[smem:$0x3FB8] =	sst s9;
	s0 =	simm.s32 @!p0 $0x0  }
0x12: {  	s1 =	sld [smem:$0x3F9E];
	s0 =	simm.s32 @p0 $0x1  }
0x13: {  	[smem:$0x3FB9] =	sst s0;
	s0 =	simm.s32 @!p1 $0x0  }
0x14: {  	s2 =	sld [smem:$0x3F9D];
	s0 =	simm.s32 @p1 $0x1  }
0x15: {  	[smem:$0x3FBA] =	sst s0;
	s0 =	simm.s32 @!p2 $0x0  }
0x16: {  	s3 =	sld [smem:$0x3FDB];
	s0 =	simm.s32 @p2 $0x1  }
0x17: {  	s4 =	simm.s32 $0x1BF5;
	[smem:$0x3FBC] =	sst s0  }
0x18: {  	s0 =	sld [smem:$0x3F9F];
	_ =	swait.ge [sflag:s4], $0x0  }
0x19: {  	s7 =	sld [smem:$0x3FA0]  }
0x1a: {  	s8 =	sadd.s32 $0xFFFFE003, lr  }
0x1b: {  	s9 =	sadd.s32 $0xFFFFFEF7, lr;
	s5 =	simm.s32 $0xFFFFFFFF;
	p2 =	slt.u32 s8, $0xFFFFF086  }
0x1c: {  	p1 =	slt.u32 s9, $0xF7A;
	s5 =	simm.s32 @!p2 $0x0  }
0x1d: {  	s5 =	simm.s32 @p1 $0x1;
	p0 =	seq.s32 s7, s2  }
0x1e: {  	s7 =	smul.u32 @!p0 $0xF7A, s2;
	p2 =	seq.s32 @!p0 s5, $0x0  }
0x1f: {  	s9 =	smul.u32 $0xF7A, s1;
	s8 =	simm.s32 @!p0 $0x1BF5;
	p2 =	por !p2, p0  }
0x20: {  	[sflag:s8] =	ssyncset.s32 @!p0 $0xFFFFF086;
	s6 =	sadd.s32 @!p0 s3, s7;
	s7 =	simm.s32 @!p0 $0x108  }
0x21: {  	s3 =	sadd.s32 s3, s9;
	s6 =	sadd.s32 @!p0 $0x88, s6;
	s7 =	simm.s32 @p2 $0x1082  }
0x22: {  	[simem:s7], [sflag:s8] =	dma.local @!p0 [hbm:s6], $0xF7A  }
0x23: {  	s9 =	sor.u32 $0xD0000000, s2;
	s6 =	simm.s32 $0x108;
	_ =	swait.ge @!p0 [sflag:s8], $0x0  }
0x24: {  	s3 =	sadd.s32 $0x88, s3;
	s6 =	simm.s32 @!p1 $0x1082;
	[sflag:s4] =	ssyncset.s32 $0xFFFFF086  }
0x25: {  	[simem:s6], [sflag:s4] =	dma.local [hbm:s3], $0xF7A  }
0x26: {  	[smem:$0x3FA0] =	sst s1;
	(tag) =	ssettag s2;
	_ =	strace s9  }
0x27: {  	s1 =	sld [smem:$0x3FB0]  }
0x28: {  	s2 =	sld [smem:$0x3FB1]  }
0x29: {  	s4 =	sld [smem:$0x3FB3]  }
0x2a: {  	p0 =	seq.s32 s5, $0x0;
	s5 =	sld [smem:$0x3FB4]  }
0x2b: {  	s6 =	sld [smem:$0x3FB5]  }
0x2c: {  	s7 =	sld [smem:$0x3FB6]  }
0x2d: {  	s3 =	simm.s32 $0x108;
	s8 =	sld [smem:$0x3FB7]  }
0x2e: {  	s3 =	simm.s32 @!p0 $0x1082;
	s9 =	sld [smem:$0x3FB8]  }
0x2f: {  	lr =	sadd.s32 s0, s3;
	s0 =	sld [smem:$0x3FAF]  }
0x30: {  	s3 =	sld [smem:$0x3FB2]  }
0x31: {  	[smem:$0x3FBB] =	sst s10  }
0x32: {  	s10 =	sld [smem:$0x3FB9];
	_ =	sdelay $0x3  }
0x33: {  	p0 =	seq.s32 s10, $0x1;
	s10 =	sld [smem:$0x3FBB];
	_ =	sdelay $0x3  }
0x34: {  	[smem:$0x3FBB] =	sst s10  }
0x35: {  	s10 =	sld [smem:$0x3FBA];
	_ =	sdelay $0x3  }
0x36: {  	p1 =	seq.s32 s10, $0x1;
	s10 =	sld [smem:$0x3FBB];
	_ =	sdelay $0x3  }
0x37: {  	[smem:$0x3FBB] =	sst s10  }
0x38: {  	s10 =	sld [smem:$0x3FBC]  }
0x39: {  	_ = 	snop;
	(pc) =	sbr.ind lr, $3  }
0x3a: {  	_ = 	snop  }
0x3b: {  	_ = 	snop  }
0x3c: {  	p2 =	seq.s32 s10, $0x1;
	s10 =	sld [smem:$0x3FBB]  }
0x3d: {  	_ =	shalt  }
0x3e: {  	_ =	shalt  }
0x3f: {  	_ =	shalt  }
0x40: {  	_ =	shalt  }
0x41: {  	_ =	shalt  }
0x42: {  	_ =	shalt  }
0x43: {  	_ =	shalt  }
0x44: {  	_ =	shalt  }
0x45: {  	_ =	shalt  }
0x46: {  	_ =	shalt  }
0x47: {  	_ =	shalt  }
0x48: {  	_ =	shalt  }
0x49: {  	_ =	shalt  }
0x4a: {  	_ =	shalt  }
0x4b: {  	_ =	shalt  }
0x4c: {  	_ =	shalt  }
0x4d: {  	_ =	shalt  }
0x4e: {  	_ =	shalt  }
0x4f: {  	_ =	shalt  }
0x50: {  	_ =	shalt  }
0x51: {  	_ =	shalt  }
0x52: {  	_ =	shalt  }
0x53: {  	_ =	shalt  }
0x54: {  	_ =	shalt  }
0x55: {  	_ =	shalt  }
0x56: {  	_ =	shalt  }
0x57: {  	_ =	shalt  }
0x58: {  	_ =	shalt  }
0x59: {  	_ =	shalt  }
0x5a: {  	_ =	shalt  }
0x5b: {  	_ =	shalt  }
0x5c: {  	_ =	shalt  }
0x5d: {  	_ =	shalt  }
0x5e: {  	_ =	shalt  }
0x5f: {  	_ =	shalt  }
0x60: {  	_ =	shalt  }
0x61: {  	_ =	shalt  }
0x62: {  	_ =	shalt  }
0x63: {  	_ =	shalt  }
0x64: {  	_ =	shalt  }
0x65: {  	_ =	shalt  }
0x66: {  	_ =	shalt  }
0x67: {  	_ =	shalt  }
0x68: {  	_ =	shalt  }
0x69: {  	_ =	shalt  }
0x6a: {  	_ =	shalt  }
0x6b: {  	_ =	shalt  }
0x6c: {  	_ =	shalt  }
0x6d: {  	_ =	shalt  }
0x6e: {  	_ =	shalt  }
0x6f: {  	_ =	shalt  }
0x70: {  	_ =	shalt  }
0x71: {  	_ =	shalt  }
0x72: {  	_ =	shalt  }
0x73: {  	_ =	shalt  }
0x74: {  	_ =	shalt  }
0x75: {  	_ =	shalt  }
0x76: {  	_ =	shalt  }
0x77: {  	_ =	shalt  }
0x78: {  	_ =	shalt  }
0x79: {  	_ =	shalt  }
0x7a: {  	_ =	shalt  }
0x7b: {  	_ =	shalt  }
0x7c: {  	_ =	shalt  }
0x7d: {  	_ =	shalt  }
0x7e: {  	_ =	shalt  }
0x7f: {  	_ =	shalt  }
0x80: {  	_ =	shalt  }
0x81: {  	_ =	shalt  }
0x82: {  	_ =	shalt  }
0x83: {  	_ =	shalt  }
0x84: {  	_ =	shalt  }
0x85: {  	_ =	shalt  }
0x86: {  	_ =	shalt  }
0x87: {  	_ =	shalt  }
.Lfunc_end0:
.L_simem_size_0:
called_computation_lowered:
.L_overlay_start_0:
0x88: {  	s2 =	sld [smem:$0x3FD9]  }
0x89: {  	s3 =	sld [smem:$0x3FFE];
	_ =	sdelay $0x1  }
0x8a: {  	s1 =	srdreg.scid  }
0x8b: {  	s0 =	sand.u32 $0x1, s1  }
0x8c: {  	s18 =	sshll.u32 s0, $0xA;
	s2 =	sadd.s32 s3, s2  }
0x8d: {  	s2 =	sadd.s32 s2, s18  }
0x8e: {  	[smem:$0x3FC7] =	sst s2  }
0x8f: {  	_ = 	snop  }
0x90: {  	s2 =	sld [smem:$0x3FC9]  }
0x91: {  	s19 =	sld [smem:$0x3FD0];
	(tm) =	ssettm $0x1  }
0x92: {  	s4 =	sld [smem:$0x3FFB];
	_ =	sdelay $0x3  }
0x93: {  	_ =	strace s4  }
0x94: {  	s4 =	sld [smem:$0x3FFC];
	_ =	sdelay $0x3  }
0x95: {  	_ =	strace s4  }
0x96: {  	s4 =	sld [smem:$0x3FFD];
	_ =	sdelay $0x3  }
0x97: {  	_ =	strace s4  }
0x98: {  	_ =	strace $0x8FFFFFFF  }
0x99: {  	s20 =	sld [smem:$0x3FDB];
	_ =	sdelay $0x1  }
0x9a: {  	s5 =	simm.s32 $_scs_section_size  }
0x9b: {  	s6 =	simm.s32 $_size__tile_overlayer_lowered;
	s7 =	simm.s32 $_tile_overlayer_lowered  }
0x9c: {  	s23 =	simm.s32 $0x1BFF;
	s22 =	sshll.u32 s7, $0x1;
	s4 =	sadd.s32 s5, s20  }
0x9d: {  	s8 =	simm.s32 $0x0;
	s21 =	sshll.u32 s6, $0x1;
	s6 =	sadd.s32 s22, s4  }
0x9e: {  	[timem:s8], [sflag:s23] =	dma.local [hbm:s6], s21  }
0x9f: {  	_ =	swait.ge [sflag:s23], s21  }
0xa0: {  	s5 =	ssub.s32 $0x0, s21;
	[sflag:s23] =	ssyncset.done $0x0  }
0xa1: {  	[sflag:s23] =	ssyncadd.s32 s5;
	_ =	sdelay $0x1  }
0xa2: {  	s24 =	simm.s32 $0x1B8B  }
0xa3: {  	_ =	swait.ge [sflag:s24], $0x1  }
0xa4: {  	[sflag:s24] =	ssyncset.done $0x0  }
0xa5: {  	s25 =	simm.s32 $0x1B8E;
	[sflag:s24] =	ssyncadd.s32 $0xFFFFFFFF  }
0xa6: {  	s26 =	simm.s32 $execute0_lowered;
	[smem:$0x3FD2] =	sst s25  }
0xa7: {  	s5 =	sshll.u32 s26, $0x1;
	_ =	strace $0x80000046;
	[dreg:$0x1] =	wrdreg $0xFFFFFFFF  }
0xa8: {  	s28 =	simm.s32 $_size_execute0_lowered;
	s4 =	sadd.s32 s4, s5;
	[dreg:$0x0] =	wrdreg $0x0  }
0xa9: {  	s5 =	sshll.u32 s28, $0x1;
	[dreg:$0x2] =	wrdreg s4  }
0xaa: {  	[dreg:$0x3] =	wrdreg s5  }
0xab: {  	[dreg:$0x4] =	wrdreg $0xC0  }
0xac: {  	_ =	task [dreg:s8], $0x5FFFF  }
0xad: {  	[dreg:$0x1] =	wrdreg $0xFFFFFFFF  }
0xae: {  	[dreg:$0x0] =	wrdreg $0x60  }
0xaf: {  	[dreg:$0x2] =	wrdreg s2  }
0xb0: {  	[dreg:$0x3] =	wrdreg s19  }
0xb1: {  	[dreg:$0x4] =	wrdreg $0x9  }
0xb2: {  	_ =	task.clear_ibuf [dreg:s8], $0x5FFFF;
	_ =	strace $0x90000046  }
0xb3: {  	s29 =	simm.s32 $0x9;
	_ =	strace $0x80000048  }
0xb4: {  	_ =	swait.ge [sflag:s29], $0x1  }
0xb5: {  	[sflag:s29] =	ssyncadd.s32 $0xFFFFFFFF  }
0xb6: {  	_ =	strace $0x90000048  }
0xb7: {  	_ =	sfence  }
0xb8: {  	s30 =	sld [smem:$0x0];
	_ =	sdelay $0x2  }
0xb9: {  	s31 =	sshll.u32 s1, $0xD;
	s1 =	sshrl.u32 s1, $0x2  }
0xba: {  	s3 =	sand.u32 $0x4000, s31;
	s1 =	sadd.s32 s1, s30  }
0xbb: {  	s0 =	sor.u32 s3, s0;
	s1 =	sshll.u32 s1, $0x11  }
0xbc: {  	s0 =	sor.u32 s1, s0  }
0xbd: {  	s0 =	sadd.s32 $0x8F2B, s0  }
0xbe: {  	[sflag:s0] =	ssyncadd.remote.s32 $0x1  }
0xbf: {  	_ =	sfence.sel $0xFFFF  }
0xc0: {  	[dreg:$0x0] =	wrdreg $0xFFFFFFFF;
	(pc) =	sbr.abs _section_cstart, $3  }
0xc1: {  	[dreg:$0x1] =	wrdreg $0xFFFFFFFF  }
0xc2: {  	_ =	task.clear_ibuf [dreg:s8], $0x2FFFF;
	_ =	strace $0x9FFFFFFF  }
0xc3: {  	(tm) =	ssettm $0x7FFFFFFF  }
tec
execute0_lowered:
.L_overlay_start_1:
0x0: {  	(tag) =	ssettag $0x1  }
0x1: {  	s0 =	rddreg [dreg:$0x0]  }
0x2: {  	s1 =	rddreg [dreg:$0x1]  }
0x3: {  	s2 =	simm.s32 $0x0;
	s3 =	srdreg.scid;
	s5 =	stileid.u32  }
0x4: {  	s31 =	simm.s32 $0x6;
	[smem:$0x7FF] =	sst s2;
	s3 =	sand.u32 $0x1, s3  }
0x5: {  	s5 =	sshll.u32 s5, $0x8;
	s4 =	ssub.s32 $0x2, s3;
	s3 =	sshll.u32 s3, $0x7  }
0x6: {  	_ =	strace $0x80000047;
	s6 =	sshrl.u32 s4, $0x1;
	s3 =	sor.u32 s3, s5  }
0x7: {  	s4 =	ssub.s32 s4, s6;
	s5 =	sshll.u32 s3, $0x6;
	s29 =	sshrl.u32 s3, $0x3  }
0x8: {  	s3 =	sshll.u32 s3, $0x5;
	s5 =	sadd.s32 s0, s5;
	s30 =	sor.u32 $0x2, s29  }
0x9: {  	s7 =	sor.u32 $0x4, s29;
	s10 =	sor.u32 $0x6, s29;
	s13 =	sor.u32 $0x8, s29  }
0xa: {  	s3 =	sadd.s32 s1, s3;
	s16 =	sor.u32 $0xA, s29;
	s18 =	sor.u32 $0xC, s29  }
0xb: {  	s6 =	sor.u32 $0xE, s29;
	[dreg:$0x3] =	wrdreg s5;
	s8 =	sshll.u32 s30, $0x9  }
0xc: {  	[dreg:$0x7] =	wrdreg s3;
	s5 =	sshll.u32 s30, $0x8;
	s30 =	smax.u32 s4, $0x1  }
0xd: {  	s9 =	sshll.u32 s7, $0x9;
	s8 =	sadd.s32 s0, s8;
	[dreg:$0x13] =	wrdreg s30  }
0xe: {  	s14 =	sshll.u32 s13, $0x9;
	s11 =	sadd.s32 s0, s9;
	[dreg:$0x4] =	wrdreg s8  }
0xf: {  	s12 =	sshll.u32 s10, $0x9;
	s3 =	sadd.s32 s0, s14;
	[dreg:$0x5] =	wrdreg s11  }
0x10: {  	s17 =	sshll.u32 s16, $0x9;
	s15 =	sadd.s32 s1, s5;
	[dreg:$0x8] =	wrdreg s3  }
0x11: {  	s7 =	sshll.u32 s7, $0x8;
	s5 =	sadd.s32 s0, s17;
	[dreg:$0x9] =	wrdreg s15  }
0x12: {  	s23 =	sshll.u32 s13, $0x8;
	s19 =	sadd.s32 s1, s7;
	[dreg:$0xa] =	wrdreg s5  }
0x13: {  	s28 =	sshll.u32 s6, $0x8;
	s24 =	sadd.s32 s1, s23;
	[dreg:$0xb] =	wrdreg s19  }
0x14: {  	v0 =	vlaneseq.u32;
	s20 =	sshll.u32 s18, $0x9;
	s29 =	sadd.s32 s1, s28;
	[dreg:$0xf] =	wrdreg s24  }
0x15: {  	v0 =	vmul.u32 $0x2, v0;
	s21 =	sshll.u32 s10, $0x8;
	s8 =	sadd.s32 s0, s12;
	[dreg:$0x12] =	wrdreg s29  }
0x16: {  	s22 =	sshll.u32 s6, $0x9;
	s5 =	sadd.s32 s0, s20;
	[dreg:$0x6] =	wrdreg s8  }
0x17: {  	v1 =	vor.u32 $0x20, v0;
	v2 =	vor.u32 $0x40, v0;
	v3 =	vor.u32 $0x60, v0;
	s25 =	sshll.u32 s16, $0x8;
	s0 =	sadd.s32 s0, s22;
	[dreg:$0xc] =	wrdreg s5  }
0x18: {  	v4 =	vor.u32 $0x400, v0;
	v5 =	vor.u32 $0x420, v0;
	v6 =	vor.u32 $0x440, v0;
	s26 =	sshll.u32 s18, $0x8;
	s5 =	sadd.s32 s1, s21;
	[dreg:$0xe] =	wrdreg s0  }
0x19: {  	v7 =	vor.u32 $0x460, v0;
	v8 =	vor.u32 $0x800, v0;
	v9 =	vor.u32 $0x820, v0;
	s23 =	simm.s32 $0x6000;
	s0 =	sadd.s32 s1, s25;
	[dreg:$0xd] =	wrdreg s5  }
0x1a: {  	v10 =	vor.u32 $0x840, v0;
	v11 =	vor.u32 $0x860, v0;
	v12 =	vor.u32 $0xC00, v0;
	s20 =	simm.s32 $0x2000;
	[dreg:$0x10] =	wrdreg s0;
	s0 =	sadd.s32 s1, s26  }
0x1b: {  	v13 =	vor.u32 $0xC20, v0;
	v14 =	vor.u32 $0xC40, v0;
	v15 =	vor.u32 $0xC60, v0;
	s21 =	simm.s32 $0x4000;
	[dreg:$0x11] =	wrdreg s0;
	s0 =	simm.s32 $0x0  }
.LBB2_1:
0x1c: {  	s1 =	rddreg [dreg:$0x3]  }
0x1d: {  	v16 =	vmov s2;
	[tilespmem:s2], [sflag:$0x1] =	stream.linear.gather [hbm4b:s1+s2], $0x2000, $0x38;
	[tilespmem:$0xA000] =	vst v63  }
0x1e: {  	s11 =	rddreg [dreg:$0x4];
	s12 =	simm.s32 $0x1;
	v17 =	vshll.u32 v16, $0x9;
	v16 =	vshll.u32 v16, $0x7  }
0x1f: {  	v18 =	vmov s12;
	v19 =	vand.u32 $0x1000, v17;
	v20 =	vand.u32 $0x200, v16;
	[tilespmem:s20], [sflag:$0x2] =	stream.linear.gather [hbm4b:s11+s2], $0x2000, $0x38;
	[tilespmem:$0xA000] =	vst v63  }
0x20: {  	s13 =	rddreg [dreg:$0x5];
	s14 =	simm.s32 $0x3;
	s3 =	simm.s32 $0x1;
	v16 =	vshll.u32 v18, $0x7;
	v18 =	vshll.u32 v18, $0x9;
	v19 =	vor.u32 v20, v19  }
0x21: {  	v16 =	vand.u32 $0x280, v16;
	v18 =	vand.u32 $0x1000, v18;
	v24 =	vor.u32 v0, v19;
	[tilespmem:s21], [sflag:$0x3] =	stream.linear.gather [hbm4b:s13+s2], $0x2000, $0x38;
	[tilespmem:$0xA000] =	vst v63  }
0x22: {  	v22 =	vmov s14;
	v21 =	vor.u32 v16, v18;
	_ =	swait.ge [sflag:s3], $0x2000  }
0x23: {  	s1 =	simm.s32 $0x2;
	v16 =	vshll.u32 v22, $0x9;
	v18 =	vshll.u32 v22, $0x7;
	v25 =	vor.u32 v0, v21;
	[sflag:s3] =	ssyncset.done $0x0  }
0x24: {  	v22 =	vmov s1;
	v16 =	vand.u32 $0x1000, v16;
	v18 =	vand.u32 $0x380, v18;
	s15 =	rddreg [dreg:$0x6];
	[sflag:s3] =	ssyncadd.s32 $0xFFFFE000  }
0x25: {  	v23 =	vshll.u32 v22, $0x7;
	v22 =	vshll.u32 v22, $0x9;
	v16 =	vor.u32 v18, v16;
	[tilespmem:s23], [sflag:$0x4] =	stream.linear.gather [hbm4b:s15+s2], $0x2000, $0x38;
	[tilespmem:$0xA000] =	vst v63  }
0x26: {  	v26 =	vand.u32 $0x1000, v22;
	v23 =	vand.u32 $0x300, v23;
	v18 =	vor.u32 v0, v16;
	v27 =	vld.idx.msk [tilespmem:v24+s2+$0x0], $0xffff  }
0x27: {  	v24 =	vor.u32 v23, v26;
	v26 =	vor.u32 v1, v19  }
0x28: {  	s16 =	sand.u32 $0x800, s2;
	s4 =	simm.s32 $0x0;
	v25 =	vld.idx.msk [tilespmem:v25+s2+$0x0], $0xffff;
	v28 =	vor.u32 v0, v24  }
0x29: {  	s4 =	sand.u32 $0x200, s4;
	s5 =	sor.u32 $0x8000, s16;
	v29 =	vor.u32 v1, v21  }
0x2a: {  	s17 =	simm.s32 $0x80;
	s6 =	sor.u32 s4, s5  }
0x2b: {  	s3 =	sand.u32 $0x280, s17;
	v18 =	vld.idx.msk [tilespmem:v18+s2+$0x0], $0xffff;
	[tilespmem:s6+$0x0] =	vst v27  }
0x2c: {  	s3 =	sor.u32 s3, s5;
	v27 =	vor.u32 v1, v16;
	v26 =	vld.idx.msk [tilespmem:v26+s2+$0x0], $0xffff  }
0x2d: {  	s18 =	simm.s32 $0x180;
	v30 =	vor.u32 v2, v19;
	[tilespmem:s3+$0x0] =	vst v25;
	v28 =	vld.idx.msk [tilespmem:v28+s2+$0x0], $0xffff  }
0x2e: {  	s4 =	sand.u32 $0x380, s18;
	v25 =	vor.u32 v1, v24;
	v29 =	vld.idx.msk [tilespmem:v29+s2+$0x0], $0xffff  }
0x2f: {  	s7 =	simm.s32 $0x100;
	s4 =	sor.u32 s4, s5;
	v31 =	vor.u32 v2, v21  }
0x30: {  	s7 =	sand.u32 $0x300, s7;
	[tilespmem:s4+$0x0] =	vst v18  }
0x31: {  	s7 =	sor.u32 s7, s5;
	v18 =	vld.idx.msk [tilespmem:v27+s2+$0x0], $0xffff;
	[tilespmem:s6+$0x10] =	vst v26  }
0x32: {  	[tilespmem:s7+$0x0] =	vst v28;
	v26 =	vor.u32 v2, v16;
	v27 =	vld.idx.msk [tilespmem:v30+s2+$0x0], $0xffff  }
0x33: {  	v28 =	vor.u32 v3, v19;
	[tilespmem:s3+$0x10] =	vst v29;
	v25 =	vld.idx.msk [tilespmem:v25+s2+$0x0], $0xffff  }
0x34: {  	v29 =	vor.u32 v2, v24;
	v30 =	vld.idx.msk [tilespmem:v31+s2+$0x0], $0xffff  }
0x35: {  	v31 =	vor.u32 v3, v21  }
0x36: {  	[tilespmem:s4+$0x10] =	vst v18  }
0x37: {  	v18 =	vld.idx.msk [tilespmem:v26+s2+$0x0], $0xffff;
	[tilespmem:s6+$0x20] =	vst v27  }
0x38: {  	v26 =	vor.u32 v3, v16;
	[tilespmem:s7+$0x10] =	vst v25;
	v25 =	vld.idx.msk [tilespmem:v28+s2+$0x0], $0xffff  }
0x39: {  	[tilespmem:s3+$0x20] =	vst v30;
	v27 =	vld.idx.msk [tilespmem:v29+s2+$0x0], $0xffff;
	v28 =	vor.u32 v4, v19  }
0x3a: {  	v29 =	vor.u32 v3, v24;
	v30 =	vld.idx.msk [tilespmem:v31+s2+$0x0], $0xffff  }
0x3b: {  	v31 =	vor.u32 v4, v21  }
0x3c: {  	[tilespmem:s4+$0x20] =	vst v18  }
0x3d: {  	v18 =	vld.idx.msk [tilespmem:v26+s2+$0x0], $0xffff;
	[tilespmem:s6+$0x30] =	vst v25  }
0x3e: {  	v26 =	vor.u32 v4, v16;
	[tilespmem:s7+$0x20] =	vst v27;
	v25 =	vld.idx.msk [tilespmem:v28+s2+$0x0], $0xffff  }
0x3f: {  	[tilespmem:s3+$0x30] =	vst v30;
	v27 =	vld.idx.msk [tilespmem:v29+s2+$0x0], $0xffff;
	v28 =	vor.u32 v5, v19  }
0x40: {  	v29 =	vor.u32 v4, v24;
	v30 =	vld.idx.msk [tilespmem:v31+s2+$0x0], $0xffff  }
0x41: {  	v31 =	vor.u32 v5, v21  }
0x42: {  	[tilespmem:s4+$0x30] =	vst v18  }
0x43: {  	v18 =	vld.idx.msk [tilespmem:v26+s2+$0x0], $0xffff;
	[tilespmem:s6+$0x40] =	vst v25  }
0x44: {  	v26 =	vor.u32 v5, v16;
	[tilespmem:s7+$0x30] =	vst v27;
	v25 =	vld.idx.msk [tilespmem:v28+s2+$0x0], $0xffff  }
0x45: {  	[tilespmem:s3+$0x40] =	vst v30;
	v27 =	vld.idx.msk [tilespmem:v29+s2+$0x0], $0xffff;
	v28 =	vor.u32 v6, v19  }
0x46: {  	v29 =	vor.u32 v5, v24;
	v30 =	vld.idx.msk [tilespmem:v31+s2+$0x0], $0xffff  }
0x47: {  	v31 =	vor.u32 v6, v21  }
0x48: {  	[tilespmem:s4+$0x40] =	vst v18  }
0x49: {  	v18 =	vld.idx.msk [tilespmem:v26+s2+$0x0], $0xffff;
	[tilespmem:s6+$0x50] =	vst v25  }
0x4a: {  	v26 =	vor.u32 v6, v16;
	[tilespmem:s7+$0x40] =	vst v27;
	v25 =	vld.idx.msk [tilespmem:v28+s2+$0x0], $0xffff  }
0x4b: {  	v19 =	vor.u32 v7, v19;
	[tilespmem:s3+$0x50] =	vst v30;
	v27 =	vld.idx.msk [tilespmem:v29+s2+$0x0], $0xffff  }
0x4c: {  	v17 =	vor.u32 v17, v20;
	v28 =	vor.u32 v6, v24;
	v29 =	vld.idx.msk [tilespmem:v31+s2+$0x0], $0xffff  }
0x4d: {  	v33 =	vor.u32 v8, v17;
	v20 =	vor.u32 v7, v21;
	s5 =	simm.s32 $0x4  }
0x4e: {  	s8 =	simm.s32 $0x5;
	s9 =	simm.s32 $0x7;
	v32 =	vmov s5;
	v34 =	vor.u32 v7, v24;
	v30 =	vor.u32 v8, v21;
	[tilespmem:s4+$0x50] =	vst v18  }
0x4f: {  	v31 =	vor.u32 v7, v16;
	v18 =	vmov s8;
	v35 =	vld.idx.msk [tilespmem:v26+s2+$0x0], $0xffff;
	v26 =	vmov s9;
	[tilespmem:s6+$0x60] =	vst v25  }
0x50: {  	v38 =	vshll.u32 v18, $0x9;
	v25 =	vshll.u32 v32, $0x9;
	[tilespmem:s7+$0x50] =	vst v27;
	v27 =	vshll.u32 v18, $0x7;
	v19 =	vld.idx.msk [tilespmem:v19+s2+$0x0], $0xffff  }
0x51: {  	[tilespmem:s3+$0x60] =	vst v29;
	v18 =	vshll.u32 v26, $0x7;
	v36 =	vand.u32 $0x1000, v25;
	v37 =	vld.idx.msk [tilespmem:v28+s2+$0x0], $0xffff;
	v28 =	vshll.u32 v26, $0x9  }
0x52: {  	v26 =	vshll.u32 v32, $0x7;
	v52 =	vld.idx.msk [tilespmem:v20+s2+$0x0], $0xffff;
	v18 =	vand.u32 $0x380, v18;
	v28 =	vand.u32 $0x1000, v28  }
0x53: {  	s19 =	simm.s32 $0x6;
	v39 =	vand.u32 $0x280, v27;
	v27 =	vand.u32 $0x200, v26;
	v18 =	vor.u32 v18, v28  }
0x54: {  	v20 =	vmov s19;
	v26 =	vor.u32 v27, v36;
	v53 =	vor.u32 v0, v18;
	[tilespmem:s4+$0x60] =	vst v35  }
0x55: {  	v29 =	vshll.u32 v20, $0x7;
	v28 =	vshll.u32 v20, $0x9;
	v54 =	vor.u32 v0, v26;
	v31 =	vld.idx.msk [tilespmem:v31+s2+$0x0], $0xffff;
	[tilespmem:s6+$0x70] =	vst v19  }
0x56: {  	p0 =	por $0x0, $0x0;
	v55 =	vor.u32 v8, v16;
	v29 =	vand.u32 $0x300, v29;
	[tilespmem:s7+$0x60] =	vst v37;
	v19 =	vand.u32 $0x1000, v28;
	s6 =	simm.s32 $0x1;
	v33 =	vld.idx.msk [tilespmem:v33+s2+$0x0], $0xffff  }
0x57: {  	v40 =	vor.u32 v9, v17;
	v38 =	vand.u32 $0x1000, v38;
	[tilespmem:s3+$0x70] =	vst v52;
	s6 =	simm.s32 @!p0 $0x0;
	v34 =	vld.idx.msk [tilespmem:v34+s2+$0x0], $0xffff;
	v20 =	vor.u32 v29, v19  }
0x58: {  	s24 =	sand.u32 $0x7, s2;
	v19 =	vor.u32 v39, v38;
	v30 =	vld.idx.msk [tilespmem:v30+s2+$0x0], $0xffff;
	s22 =	sshll.u32 s6, $0x9;
	v56 =	vor.u32 v0, v20  }
0x59: {  	v38 =	vor.u32 v0, v19;
	s6 =	sshll.u32 s24, $0x7;
	s3 =	sadd.s32 $0x0, s22;
	v36 =	vld.idx.msk [tilespmem:v53+s2+$0x0], $0xffff  }
0x5a: {  	v57 =	vor.u32 v9, v21;
	v35 =	vld.idx.msk [tilespmem:v54+s2+$0x0], $0xffff;
	s26 =	sadd.s32 $0x0, s6;
	s25 =	sor.u32 $0x400, s3;
	[tilespmem:s4+$0x70] =	vst v31  }
0x5b: {  	v63 =	vor.u32 v8, v24;
	s8 =	simm.s32 $0x400;
	s6 =	sadd.s32 $0x80, s26;
	v58 =	vld.idx.msk [tilespmem:v55+s2+$0x0], $0xffff;
	[tilespmem:s25+$0x8000] =	vst v33  }
0x5c: {  	s10 =	simm.s32 $0x200;
	s28 =	sand.u32 $0x800, s8;
	v31 =	vor.u32 v1, v26;
	s11 =	sor.u32 $0x400, s6;
	v59 =	vld.idx.msk [tilespmem:v40+s2+$0x0], $0xffff  }
0x5d: {  	s10 =	sand.u32 $0x200, s10;
	s9 =	simm.s32 $0x380;
	s13 =	sor.u32 $0x8000, s28;
	v61 =	vor.u32 v1, v18;
	[tilespmem:s11+$0x8000] =	vst v30;
	v32 =	vld.idx.msk [tilespmem:v56+s2+$0x0], $0xffff  }
0x5e: {  	v60 =	vor.u32 v9, v16;
	s12 =	sand.u32 $0x380, s9;
	s15 =	sor.u32 s10, s13;
	[tilespmem:s7+$0x70] =	vst v34;
	v30 =	vld.idx.msk [tilespmem:v38+s2+$0x0], $0xffff  }
0x5f: {  	s14 =	simm.s32 $0x300;
	v41 =	vor.u32 v10, v17;
	s12 =	sor.u32 s12, s13;
	s4 =	sadd.s32 $0x180, s26;
	v62 =	vld.idx.msk [tilespmem:v57+s2+$0x0], $0xffff;
	[tilespmem:s15+$0x0] =	vst v35  }
0x60: {  	s16 =	simm.s32 $0x280;
	s18 =	sand.u32 $0x3, s2;
	v45 =	vor.u32 v1, v19;
	s29 =	sor.u32 $0x400, s4;
	v51 =	vld.idx.msk [tilespmem:v63+s2+$0x0], $0xffff;
	[tilespmem:s12+$0x0] =	vst v36  }
0x61: {  	s10 =	sand.u32 $0x300, s14;
	s19 =	sshll.u32 s18, $0x8;
	v42 =	vor.u32 v1, v20;
	s30 =	sor.u32 $0x410, s3;
	v31 =	vld.idx.msk [tilespmem:v31+s2+$0x0], $0xffff;
	[tilespmem:s29+$0x8000] =	vst v58  }
0x62: {  	s17 =	sand.u32 $0x280, s16;
	s14 =	sor.u32 s10, s13;
	v53 =	vor.u32 v9, v24;
	s7 =	sadd.s32 $0x0, s19;
	v49 =	vld.idx.msk [tilespmem:v61+s2+$0x0], $0xffff;
	[tilespmem:s30+$0x8000] =	vst v59  }
0x63: {  	s17 =	sor.u32 s17, s13;
	v48 =	vor.u32 v2, v26;
	s7 =	sadd.s32 $0x100, s7;
	v46 =	vld.idx.msk [tilespmem:v60+s2+$0x0], $0xffff;
	[tilespmem:s14+$0x0] =	vst v32  }
0x64: {  	v52 =	vor.u32 v2, v18;
	s24 =	sor.u32 $0x400, s7;
	[tilespmem:s17+$0x0] =	vst v30;
	v47 =	vld.idx.msk [tilespmem:v41+s2+$0x0], $0xffff  }
0x65: {  	v50 =	vor.u32 v10, v16;
	[tilespmem:s24+$0x8000] =	vst v51;
	v33 =	vld.idx.msk [tilespmem:v45+s2+$0x0], $0xffff  }
0x66: {  	s25 =	sor.u32 $0x410, s6;
	v30 =	vld.idx.msk [tilespmem:v42+s2+$0x0], $0xffff;
	[tilespmem:s15+$0x10] =	vst v31;
	v31 =	vor.u32 v10, v21  }
0x67: {  	v54 =	vor.u32 v2, v19;
	[tilespmem:s25+$0x8000] =	vst v62;
	v32 =	vld.idx.msk [tilespmem:v53+s2+$0x0], $0xffff  }
0x68: {  	s22 =	sor.u32 $0x410, s4;
	v55 =	vor.u32 v2, v20;
	[tilespmem:s12+$0x10] =	vst v49;
	v40 =	vld.idx.msk [tilespmem:v48+s2+$0x0], $0xffff  }
0x69: {  	v59 =	vor.u32 v11, v17;
	v39 =	vld.idx.msk [tilespmem:v52+s2+$0x0], $0xffff;
	[tilespmem:s22+$0x8000] =	vst v46  }
0x6a: {  	v57 =	vor.u32 v3, v26;
	v56 =	vld.idx.msk [tilespmem:v50+s2+$0x0], $0xffff;
	[tilespmem:s17+$0x10] =	vst v33  }
0x6b: {  	s28 =	sor.u32 $0x420, s3;
	v45 =	vor.u32 v3, v18;
	[tilespmem:s14+$0x10] =	vst v30;
	v31 =	vld.idx.msk [tilespmem:v31+s2+$0x0], $0xffff  }
0x6c: {  	v58 =	vor.u32 v11, v16;
	s29 =	sor.u32 $0x410, s7;
	[tilespmem:s28+$0x8000] =	vst v47;
	v60 =	vld.idx.msk [tilespmem:v54+s2+$0x0], $0xffff  }
0x6d: {  	v30 =	vor.u32 v10, v24;
	[tilespmem:s29+$0x8000] =	vst v32;
	v37 =	vld.idx.msk [tilespmem:v55+s2+$0x0], $0xffff  }
0x6e: {  	v61 =	vor.u32 v11, v21;
	v33 =	vld.idx.msk [tilespmem:v59+s2+$0x0], $0xffff;
	[tilespmem:s15+$0x20] =	vst v40  }
0x6f: {  	s26 =	sor.u32 $0x420, s4;
	v62 =	vor.u32 v3, v19;
	[tilespmem:s12+$0x20] =	vst v39;
	v38 =	vld.idx.msk [tilespmem:v57+s2+$0x0], $0xffff  }
0x70: {  	v63 =	vor.u32 v3, v20;
	s30 =	sor.u32 $0x420, s6;
	v32 =	vld.idx.msk [tilespmem:v45+s2+$0x0], $0xffff;
	[tilespmem:s26+$0x8000] =	vst v56  }
0x71: {  	v44 =	vor.u32 v4, v26;
	v43 =	vld.idx.msk [tilespmem:v58+s2+$0x0], $0xffff;
	[tilespmem:s30+$0x8000] =	vst v31  }
0x72: {  	v30 =	vld.idx.msk [tilespmem:v30+s2+$0x0], $0xffff;
	[tilespmem:s17+$0x20] =	vst v60;
	v31 =	vor.u32 v12, v17  }
0x73: {  	s13 =	sor.u32 $0x430, s3;
	v24 =	vor.u32 v11, v24;
	[tilespmem:s14+$0x20] =	vst v37;
	v46 =	vld.idx.msk [tilespmem:v61+s2+$0x0], $0xffff  }
0x74: {  	v48 =	vor.u32 v12, v21;
	[tilespmem:s13+$0x8000] =	vst v33;
	v47 =	vld.idx.msk [tilespmem:v62+s2+$0x0], $0xffff  }
0x75: {  	v49 =	vor.u32 v4, v19;
	v34 =	vld.idx.msk [tilespmem:v63+s2+$0x0], $0xffff;
	[tilespmem:s15+$0x30] =	vst v38  }
0x76: {  	s16 =	sor.u32 $0x420, s7;
	v50 =	vor.u32 v4, v20;
	[tilespmem:s12+$0x30] =	vst v32;
	v35 =	vld.idx.msk [tilespmem:v44+s2+$0x0], $0xffff  }
0x77: {  	s18 =	sor.u32 $0x430, s6;
	v51 =	vor.u32 v5, v26;
	[tilespmem:s16+$0x8000] =	vst v30;
	v31 =	vld.idx.msk [tilespmem:v31+s2+$0x0], $0xffff  }
0x78: {  	v30 =	vor.u32 v4, v18;
	v24 =	vld.idx.msk [tilespmem:v24+s2+$0x0], $0xffff;
	[tilespmem:s18+$0x8000] =	vst v46  }
0x79: {  	v52 =	vor.u32 v23, v22;
	v22 =	vor.u32 v13, v17;
	[tilespmem:s17+$0x30] =	vst v47;
	v23 =	vld.idx.msk [tilespmem:v48+s2+$0x0], $0xffff  }
0x7a: {  	v54 =	vor.u32 v12, v52;
	[tilespmem:s14+$0x30] =	vst v34;
	v53 =	vld.idx.msk [tilespmem:v49+s2+$0x0], $0xffff  }
0x7b: {  	s19 =	sor.u32 $0x440, s3;
	v56 =	vor.u32 v13, v21;
	v55 =	vld.idx.msk [tilespmem:v50+s2+$0x0], $0xffff;
	[tilespmem:s15+$0x40] =	vst v35  }
0x7c: {  	s22 =	sor.u32 $0x430, s7;
	v57 =	vor.u32 v5, v19;
	v33 =	vld.idx.msk [tilespmem:v51+s2+$0x0], $0xffff;
	[tilespmem:s19+$0x8000] =	vst v31  }
0x7d: {  	s24 =	sor.u32 $0x440, s6;
	v58 =	vor.u32 v5, v20;
	v30 =	vld.idx.msk [tilespmem:v30+s2+$0x0], $0xffff;
	[tilespmem:s22+$0x8000] =	vst v24  }
0x7e: {  	v31 =	vor.u32 v6, v26;
	v22 =	vld.idx.msk [tilespmem:v22+s2+$0x0], $0xffff;
	[tilespmem:s24+$0x8000] =	vst v23  }
0x7f: {  	v24 =	vor.u32 v5, v18;
	v34 =	vld.idx.msk [tilespmem:v54+s2+$0x0], $0xffff;
	[tilespmem:s17+$0x40] =	vst v53  }
0x80: {  	v59 =	vor.u32 v14, v17;
	[tilespmem:s14+$0x40] =	vst v55;
	s24 =	sor.u32 $0x430, s4;
	v37 =	vld.idx.msk [tilespmem:v56+s2+$0x0], $0xffff  }
0x81: {  	v60 =	vor.u32 v13, v52;
	v38 =	vld.idx.msk [tilespmem:v57+s2+$0x0], $0xffff;
	[tilespmem:s24+$0x8000] =	vst v43  }
0x82: {  	v61 =	vor.u32 v14, v21;
	v32 =	vld.idx.msk [tilespmem:v58+s2+$0x0], $0xffff;
	[tilespmem:s15+$0x50] =	vst v33  }
0x83: {  	s25 =	sor.u32 $0x450, s3;
	v63 =	vor.u32 v6, v19;
	v44 =	vor.u32 v6, v20;
	[tilespmem:s12+$0x40] =	vst v30;
	v62 =	vld.idx.msk [tilespmem:v31+s2+$0x0], $0xffff  }
0x84: {  	s28 =	sor.u32 $0x440, s7;
	v23 =	vor.u32 v15, v21;
	v21 =	vor.u32 v25, v27;
	v36 =	vld.idx.msk [tilespmem:v24+s2+$0x0], $0xffff;
	[tilespmem:s25+$0x8000] =	vst v22  }
0x85: {  	s29 =	sand.u32 $0x7, s5;
	s26 =	sand.u32 $0x3, s1;
	s18 =	sor.u32 $0x450, s6;
	v22 =	vor.u32 v29, v28;
	v29 =	vor.u32 v7, v26;
	[tilespmem:s28+$0x8000] =	vst v34;
	v25 =	vld.idx.msk [tilespmem:v59+s2+$0x0], $0xffff  }
0x86: {  	p0 =	por !p0, !p0;
	s11 =	sshll.u32 s26, $0x8;
	s30 =	sshll.u32 s29, $0x7;
	v31 =	vor.u32 v12, v16;
	v28 =	vld.idx.msk [tilespmem:v60+s2+$0x0], $0xffff;
	[tilespmem:s18+$0x8000] =	vst v37  }
0x87: {  	v41 =	vor.u32 v7, v19;
	v40 =	vor.u32 v6, v18;
	s26 =	sor.u32 $0x460, s4;
	s11 =	sadd.s32 $0x400, s11;
	s13 =	sadd.s32 $0x400, s30;
	[tilespmem:s17+$0x50] =	vst v38;
	v27 =	vld.idx.msk [tilespmem:v61+s2+$0x0], $0xffff  }
0x88: {  	s10 =	sadd.s32 $0x100, s11;
	s11 =	sadd.s32 $0x80, s13;
	s13 =	sadd.s32 $0x180, s13;
	v35 =	vor.u32 v8, v19;
	v30 =	vor.u32 v13, v16;
	[tilespmem:s14+$0x50] =	vst v32;
	v37 =	vld.idx.msk [tilespmem:v63+s2+$0x0], $0xffff  }
0x89: {  	s16 =	sor.u32 $0x450, s7;
	s19 =	simm.s32 $0x8;
	s22 =	sor.u32 $0x450, s4;
	v24 =	vor.u32 v15, v19;
	v34 =	vor.u32 v14, v52;
	v39 =	vld.idx.msk [tilespmem:v44+s2+$0x0], $0xffff;
	[tilespmem:s15+$0x60] =	vst v62  }
0x8a: {  	s24 =	simm.s32 $0x400;
	v26 =	vor.u32 v14, v16;
	s25 =	sor.u32 $0x440, s4;
	s18 =	sor.u32 $0x450, s10;
	v32 =	vor.u32 v15, v52;
	v38 =	vld.idx.msk [tilespmem:v29+s2+$0x0], $0xffff;
	v29 =	vor.u32 v7, v18  }
.LBB2_2:
0x8b: {  	v33 =	vmov s19;
	s28 =	sadd.s32 $0x1, s19;
	s30 =	sadd.s32 $0x2, s19;
	s29 =	sadd.s32 $0x3, s19;
	v42 =	vor.u32 v8, v21;
	v43 =	vor.u32 v7, v20;
	[tilespmem:s12+$0x50] =	vst v36;
	v31 =	vld.idx.msk [tilespmem:v31+s2+$0x0], $0xffff  }
0x8c: {  	p1 =	slt.u32 s19, $0xC;
	s19 =	sadd.s32 $0x4, s19;
	v36 =	vshll.u32 v33, $0x9;
	v44 =	vmov s28;
	v45 =	vmov s29;
	s28 =	sor.u32 $0x460, s6;
	[tilespmem:s16+$0x8000] =	vst v28  }
0x8d: {  	s16 =	smov.u32 s18;
	v46 =	vand.u32 $0x1000, v36;
	v28 =	vshll.u32 v44, $0x7;
	v47 =	vshll.u32 v45, $0x9;
	v40 =	vld.idx.msk [tilespmem:v40+s2+$0x0], $0xffff;
	[tilespmem:s28+$0x8000] =	vst v27  }
0x8e: {  	v27 =	vshll.u32 v44, $0x9;
	v44 =	vmov s30;
	v28 =	vand.u32 $0x280, v28;
	[tilespmem:s17+$0x60] =	vst v37;
	v34 =	vld.idx.msk [tilespmem:v34+s2+$0x0], $0xffff  }
0x8f: {  	v33 =	vshll.u32 v33, $0x7;
	v45 =	vshll.u32 v45, $0x7;
	v37 =	vand.u32 $0x1000, v47;
	v41 =	vld.idx.msk [tilespmem:v41+s2+$0x0], $0xffff;
	[tilespmem:s14+$0x60] =	vst v39  }
0x90: {  	s28 =	sor.u32 $0x470, s4;
	s4 =	smov.u32 s13;
	v27 =	vand.u32 $0x1000, v27;
	v45 =	vand.u32 $0x380, v45;
	v39 =	vshll.u32 v44, $0x7;
	[tilespmem:s15+$0x70] =	vst v38;
	v38 =	vld.idx.msk [tilespmem:v23+s2+$0x0], $0xffff;
	v23 =	vmovc v24  }
0x91: {  	v28 =	vor.u32 v28, v27;
	v24 =	vand.u32 $0x200, v33;
	v33 =	vor.u32 v45, v37;
	v37 =	vld.idx.msk [tilespmem:v42+s2+$0x0], $0xffff;
	[tilespmem:s25+$0x8000] =	vst v31  }
0x92: {  	s13 =	simm.s32 $0x1;
	v27 =	vor.u32 v24, v46;
	v31 =	vshll.u32 v44, $0x9;
	v42 =	vor.u32 v0, v33;
	v44 =	vld.idx.msk [tilespmem:v30+s2+$0x0], $0xffff  }
0x93: {  	s13 =	simm.s32 @!p0 $0x0;
	v39 =	vand.u32 $0x300, v39;
	s15 =	sor.u32 $0x460, s7;
	v45 =	vor.u32 v0, v27;
	v30 =	vand.u32 $0x1000, v31;
	v43 =	vld.idx.msk [tilespmem:v43+s2+$0x0], $0xffff;
	[tilespmem:s12+$0x60] =	vst v40  }
0x94: {  	s8 =	sadd.s32 $0x400, s8;
	s6 =	sor.u32 $0x470, s6;
	s13 =	sshll.u32 s13, $0x9;
	v36 =	vor.u32 v36, v24;
	v30 =	vor.u32 v39, v30;
	v40 =	vld.idx.msk [tilespmem:v29+s2+$0x0], $0xffff;
	[tilespmem:s15+$0x8000] =	vst v34  }
0x95: {  	s5 =	sadd.s32 $0x4, s5;
	s1 =	sadd.s32 $0x2, s1;
	s25 =	sadd.s32 s13, s24;
	v46 =	vor.u32 v9, v21;
	v34 =	vor.u32 v0, v30;
	[tilespmem:s17+$0x70] =	vst v41;
	v32 =	vld.idx.msk [tilespmem:v32+s2+$0x0], $0xffff  }
0x96: {  	s13 =	sand.u32 $0x7, s5;
	s15 =	sand.u32 $0x3, s1;
	v29 =	vor.u32 v39, v31;
	s17 =	sor.u32 $0x400, s25;
	v31 =	vld.idx.msk [tilespmem:v35+s2+$0x0], $0xffff;
	v35 =	vor.u32 v8, v18;
	[tilespmem:s6+$0x8000] =	vst v38  }
0x97: {  	s9 =	sadd.s32 $0x200, s9;
	v24 =	vor.u32 v15, v28;
	s6 =	sshll.u32 s13, $0x7;
	s13 =	sshll.u32 s15, $0x8;
	v38 =	vor.u32 v0, v28;
	v39 =	vld.idx.msk [tilespmem:v42+s2+$0x0], $0xffff;
	[tilespmem:s17+$0x8000] =	vst v37  }
0x98: {  	s24 =	smov.u32 s8;
	s6 =	sadd.s32 s8, s6;
	s13 =	sadd.s32 s8, s13;
	v37 =	vld.idx.msk [tilespmem:v45+s2+$0x0], $0xffff;
	[tilespmem:s22+$0x8000] =	vst v44  }
0x99: {  	v41 =	vor.u32 v15, v17;
	v17 =	vmov v21;
	v21 =	vmov v36;
	s17 =	sadd.s32 $0x80, s6;
	s22 =	sadd.s32 $0x100, s13;
	s13 =	sadd.s32 $0x180, s6;
	[tilespmem:s14+$0x70] =	vst v43;
	v26 =	vld.idx.msk [tilespmem:v26+s2+$0x0], $0xffff  }
0x9a: {  	s7 =	sor.u32 $0x470, s7;
	v42 =	vor.u32 v9, v19;
	s6 =	smov.u32 s11;
	s18 =	sor.u32 $0x450, s22;
	v36 =	vld.idx.msk [tilespmem:v46+s2+$0x0], $0xffff;
	[tilespmem:s12+$0x70] =	vst v40  }
0x9b: {  	s11 =	sand.u32 $0x800, s8;
	s14 =	sor.u32 $0x400, s6;
	s12 =	sadd.s32 $0xFFFFFE80, s9;
	v40 =	vor.u32 v1, v27;
	v35 =	vld.idx.msk [tilespmem:v35+s2+$0x0], $0xffff;
	[tilespmem:s7+$0x8000] =	vst v32;
	v32 =	vor.u32 v15, v16;
	v16 =	vmov v18  }
0x9c: {  	s29 =	sor.u32 $0x8000, s11;
	s11 =	sor.u32 $0x460, s3;
	s7 =	sand.u32 $0x200, s12;
	v18 =	vmov v33;
	v34 =	vld.idx.msk [tilespmem:v34+s2+$0x0], $0xffff;
	[tilespmem:s14+$0x8000] =	vst v31  }
0x9d: {  	s15 =	sor.u32 s7, s29;
	v33 =	vor.u32 v9, v16;
	s7 =	smov.u32 s10;
	v31 =	vld.idx.msk [tilespmem:v38+s2+$0x0], $0xffff;
	[tilespmem:s11+$0x8000] =	vst v25;
	s11 =	smov.u32 s17  }
0x9e: {  	s10 =	smov.u32 s22;
	v25 =	vor.u32 v1, v28;
	[tilespmem:s15+$0x0] =	vst v37;
	v37 =	vor.u32 v10, v17;
	v38 =	vld.idx.msk [tilespmem:v41+s2+$0x0], $0xffff  }
0x9f: {  	s12 =	sor.u32 $0x410, s25;
	v41 =	vor.u32 v1, v18;
	v42 =	vld.idx.msk [tilespmem:v42+s2+$0x0], $0xffff;
	[tilespmem:s26+$0x8000] =	vst v26  }
0xa0: {  	v26 =	vor.u32 v1, v30;
	[tilespmem:s12+$0x8000] =	vst v36;
	v36 =	vor.u32 v8, v20;
	s12 =	sor.u32 $0x400, s4;
	v32 =	vld.idx.msk [tilespmem:v32+s2+$0x0], $0xffff  }
0xa1: {  	s14 =	sadd.s32 $0xFFFFFF80, s9;
	s17 =	sand.u32 $0x380, s9;
	v40 =	vld.idx.msk [tilespmem:v40+s2+$0x0], $0xffff;
	[tilespmem:s12+$0x8000] =	vst v35  }
0xa2: {  	s14 =	sand.u32 $0x300, s14;
	s12 =	sor.u32 s17, s29;
	v33 =	vld.idx.msk [tilespmem:v33+s2+$0x0], $0xffff  }
0xa3: {  	s3 =	sor.u32 $0x470, s3;
	s14 =	sor.u32 s14, s29;
	s17 =	sadd.s32 $0xFFFFFF00, s9;
	[tilespmem:s12+$0x0] =	vst v39;
	v35 =	vld.idx.msk [tilespmem:v37+s2+$0x0], $0xffff  }
0xa4: {  	s17 =	sand.u32 $0x280, s17;
	v37 =	vor.u32 v2, v27;
	v39 =	vld.idx.msk [tilespmem:v41+s2+$0x0], $0xffff;
	[tilespmem:s3+$0x8000] =	vst v38;
	s3 =	smov.u32 s25  }
0xa5: {  	s17 =	sor.u32 s17, s29;
	[tilespmem:s14+$0x0] =	vst v34;
	v34 =	vld.idx.msk [tilespmem:v36+s2+$0x0], $0xffff;
	v36 =	vor.u32 v10, v16  }
0xa6: {  	[tilespmem:s17+$0x0] =	vst v31;
	v26 =	vld.idx.msk [tilespmem:v26+s2+$0x0], $0xffff;
	v31 =	vor.u32 v2, v18  }
0xa7: {  	v38 =	vor.u32 v9, v20;
	v25 =	vld.idx.msk [tilespmem:v25+s2+$0x0], $0xffff;
	[tilespmem:s28+$0x8000] =	vst v32  }
0xa8: {  	s22 =	sor.u32 $0x410, s4;
	v32 =	vor.u32 v10, v19;
	[tilespmem:s15+$0x10] =	vst v40  }
0xa9: {  	v40 =	vor.u32 v2, v28;
	v37 =	vld.idx.msk [tilespmem:v37+s2+$0x0], $0xffff;
	[tilespmem:s22+$0x8000] =	vst v33  }
0xaa: {  	v33 =	vor.u32 v2, v30;
	s22 =	sor.u32 $0x400, s7;
	[tilespmem:s12+$0x10] =	vst v39;
	v36 =	vld.idx.msk [tilespmem:v36+s2+$0x0], $0xffff  }
0xab: {  	s25 =	sor.u32 $0x410, s6;
	v39 =	vor.u32 v3, v27;
	v41 =	vld.idx.msk [tilespmem:v31+s2+$0x0], $0xffff;
	[tilespmem:s22+$0x8000] =	vst v34  }
0xac: {  	v34 =	vor.u32 v11, v16;
	[tilespmem:s25+$0x8000] =	vst v42;
	v31 =	vld.idx.msk [tilespmem:v38+s2+$0x0], $0xffff  }
0xad: {  	[tilespmem:s17+$0x10] =	vst v25;
	v25 =	vor.u32 v11, v17;
	v32 =	vld.idx.msk [tilespmem:v32+s2+$0x0], $0xffff  }
0xae: {  	v38 =	vld.idx.msk [tilespmem:v40+s2+$0x0], $0xffff;
	[tilespmem:s14+$0x10] =	vst v26;
	v26 =	vor.u32 v10, v20  }
0xaf: {  	s22 =	sor.u32 $0x420, s4;
	v40 =	vor.u32 v11, v19;
	[tilespmem:s15+$0x20] =	vst v37;
	v37 =	vld.idx.msk [tilespmem:v33+s2+$0x0], $0xffff  }
0xb0: {  	v42 =	vor.u32 v3, v28;
	s25 =	sor.u32 $0x420, s3;
	v39 =	vld.idx.msk [tilespmem:v39+s2+$0x0], $0xffff;
	[tilespmem:s22+$0x8000] =	vst v36  }
0xb1: {  	v36 =	vor.u32 v3, v30;
	s22 =	sor.u32 $0x410, s7;
	[tilespmem:s25+$0x8000] =	vst v35;
	v33 =	vld.idx.msk [tilespmem:v34+s2+$0x0], $0xffff  }
0xb2: {  	v34 =	vor.u32 v4, v27;
	s25 =	sor.u32 $0x420, s6;
	v25 =	vld.idx.msk [tilespmem:v25+s2+$0x0], $0xffff;
	[tilespmem:s22+$0x8000] =	vst v31  }
0xb3: {  	v35 =	vor.u32 v3, v18;
	v31 =	vor.u32 v12, v16;
	[tilespmem:s25+$0x8000] =	vst v32;
	v26 =	vld.idx.msk [tilespmem:v26+s2+$0x0], $0xffff  }
0xb4: {  	v32 =	vor.u32 v12, v17;
	[tilespmem:s17+$0x20] =	vst v38;
	v38 =	vld.idx.msk [tilespmem:v40+s2+$0x0], $0xffff  }
0xb5: {  	v40 =	vld.idx.msk [tilespmem:v42+s2+$0x0], $0xffff;
	[tilespmem:s14+$0x20] =	vst v37;
	v37 =	vor.u32 v11, v20;
	v20 =	vmov v30  }
0xb6: {  	[tilespmem:s15+$0x30] =	vst v39;
	v36 =	vld.idx.msk [tilespmem:v36+s2+$0x0], $0xffff;
	v39 =	vor.u32 v12, v19  }
0xb7: {  	s22 =	sor.u32 $0x430, s3;
	v42 =	vor.u32 v4, v28;
	v34 =	vld.idx.msk [tilespmem:v34+s2+$0x0], $0xffff;
	[tilespmem:s12+$0x20] =	vst v41  }
0xb8: {  	v41 =	vor.u32 v4, v20;
	v35 =	vld.idx.msk [tilespmem:v35+s2+$0x0], $0xffff;
	[tilespmem:s22+$0x8000] =	vst v25;
	s22 =	sor.u32 $0x420, s7  }
0xb9: {  	s25 =	sor.u32 $0x430, s6;
	v25 =	vor.u32 v5, v27;
	v32 =	vld.idx.msk [tilespmem:v32+s2+$0x0], $0xffff;
	[tilespmem:s22+$0x8000] =	vst v26  }
0xba: {  	v30 =	vor.u32 v13, v16;
	v26 =	vor.u32 v4, v18;
	[tilespmem:s25+$0x8000] =	vst v38;
	v37 =	vld.idx.msk [tilespmem:v37+s2+$0x0], $0xffff  }
0xbb: {  	v38 =	vor.u32 v13, v17;
	[tilespmem:s17+$0x30] =	vst v40;
	v39 =	vld.idx.msk [tilespmem:v39+s2+$0x0], $0xffff  }
0xbc: {  	v40 =	vld.idx.msk [tilespmem:v42+s2+$0x0], $0xffff;
	[tilespmem:s14+$0x30] =	vst v36;
	v36 =	vor.u32 v12, v22  }
0xbd: {  	s25 =	sor.u32 $0x440, s4;
	[tilespmem:s15+$0x40] =	vst v34;
	v34 =	vld.idx.msk [tilespmem:v41+s2+$0x0], $0xffff;
	v41 =	vor.u32 v13, v19  }
0xbe: {  	s22 =	sor.u32 $0x440, s3;
	v42 =	vor.u32 v5, v28;
	v25 =	vld.idx.msk [tilespmem:v25+s2+$0x0], $0xffff;
	[tilespmem:s12+$0x30] =	vst v35  }
0xbf: {  	v35 =	vor.u32 v5, v20;
	v43 =	vld.idx.msk [tilespmem:v26+s2+$0x0], $0xffff;
	[tilespmem:s22+$0x8000] =	vst v32;
	s22 =	sor.u32 $0x430, s7  }
0xc0: {  	s26 =	sor.u32 $0x440, s6;
	v32 =	vor.u32 v6, v27;
	v38 =	vld.idx.msk [tilespmem:v38+s2+$0x0], $0xffff;
	[tilespmem:s22+$0x8000] =	vst v37  }
0xc1: {  	v26 =	vor.u32 v14, v16;
	v37 =	vor.u32 v5, v18;
	[tilespmem:s26+$0x8000] =	vst v39;
	v39 =	vld.idx.msk [tilespmem:v36+s2+$0x0], $0xffff  }
0xc2: {  	[tilespmem:s17+$0x40] =	vst v40;
	v40 =	vor.u32 v14, v17;
	v41 =	vld.idx.msk [tilespmem:v41+s2+$0x0], $0xffff  }
0xc3: {  	v42 =	vld.idx.msk [tilespmem:v42+s2+$0x0], $0xffff;
	[tilespmem:s14+$0x40] =	vst v34;
	v34 =	vor.u32 v13, v22  }
0xc4: {  	v44 =	vor.u32 v14, v19;
	v19 =	vmov v28;
	s22 =	sor.u32 $0x450, s4;
	[tilespmem:s15+$0x50] =	vst v25;
	v35 =	vld.idx.msk [tilespmem:v35+s2+$0x0], $0xffff  }
0xc5: {  	s26 =	sor.u32 $0x450, s3;
	v45 =	vld.idx.msk [tilespmem:v32+s2+$0x0], $0xffff;
	v32 =	vor.u32 v6, v19;
	[tilespmem:s12+$0x40] =	vst v43  }
0xc6: {  	v43 =	vor.u32 v6, v20;
	v36 =	vld.idx.msk [tilespmem:v37+s2+$0x0], $0xffff;
	[tilespmem:s26+$0x8000] =	vst v38;
	s26 =	sor.u32 $0x440, s7  }
0xc7: {  	s28 =	sor.u32 $0x450, s6;
	v38 =	vor.u32 v7, v27;
	v25 =	vld.idx.msk [tilespmem:v40+s2+$0x0], $0xffff;
	[tilespmem:s26+$0x8000] =	vst v39  }
.Ltmp0:
0xc8: {  	[tilespmem:s28+$0x8000] =	vst v41;
	v28 =	vld.idx.msk [tilespmem:v34+s2+$0x0], $0xffff;
	(pc) =	sbr.rel @p1 .LBB2_2-.Ltmp0, $4  }
0xc9: {  	[tilespmem:s17+$0x50] =	vst v42;
	v27 =	vld.idx.msk [tilespmem:v44+s2+$0x0], $0xffff  }
0xca: {  	v40 =	vor.u32 v6, v18;
	s28 =	sor.u32 $0x430, s4;
	v37 =	vld.idx.msk [tilespmem:v32+s2+$0x0], $0xffff;
	[tilespmem:s14+$0x50] =	vst v35;
	v32 =	vor.u32 v15, v22  }
0xcb: {  	s26 =	sor.u32 $0x460, s4;
	v34 =	vor.u32 v14, v22;
	v35 =	vor.u32 v8, v19;
	v22 =	vmov v29;
	[tilespmem:s15+$0x60] =	vst v45;
	v39 =	vld.idx.msk [tilespmem:v43+s2+$0x0], $0xffff  }
0xcc: {  	p0 =	por !p0, !p0;
	v41 =	vor.u32 v7, v19;
	v29 =	vor.u32 v7, v18;
	v38 =	vld.idx.msk [tilespmem:v38+s2+$0x0], $0xffff;
	[tilespmem:s28+$0x8000] =	vst v33  }
0xcd: {  	_ =	sdelay $0x2  }
0xce: {  	v33 =	vor.u32 v7, v20;
	[tilespmem:s12+$0x50] =	vst v36  }
0xcf: {  	v36 =	vld.idx.msk [tilespmem:v40+s2+$0x0], $0xffff;
	_ =	sdelay $0x1  }
0xd0: {  	[tilespmem:s17+$0x60] =	vst v37  }
0xd1: {  	v37 =	vld.idx.msk [tilespmem:v41+s2+$0x0], $0xffff;
	[tilespmem:s14+$0x60] =	vst v39  }
0xd2: {  	v33 =	vld.idx.msk [tilespmem:v33+s2+$0x0], $0xffff  }
0xd3: {  	v46 =	vor.u32 v8, v20;
	[tilespmem:s12+$0x60] =	vst v36  }
0xd4: {  	v47 =	vor.u32 v8, v21;
	v29 =	vld.idx.msk [tilespmem:v29+s2+$0x0], $0xffff  }
0xd5: {  	v48 =	vor.u32 v8, v18  }
0xd6: {  	[tilespmem:s17+$0x70] =	vst v37  }
0xd7: {  	v35 =	vld.idx.msk [tilespmem:v35+s2+$0x0], $0xffff;
	[tilespmem:s14+$0x70] =	vst v33  }
0xd8: {  	v49 =	vor.u32 v9, v19;
	[tilespmem:s15+$0x70] =	vst v38;
	v36 =	vld.idx.msk [tilespmem:v46+s2+$0x0], $0xffff  }
0xd9: {  	s1 =	simm.s32 $0x1;
	v50 =	vld.idx.msk [tilespmem:v47+s2+$0x0], $0xffff;
	[tilespmem:s12+$0x70] =	vst v29;
	v29 =	vor.u32 v9, v20  }
0xda: {  	v51 =	vor.u32 v9, v21;
	s1 =	simm.s32 @!p0 $0x0;
	v52 =	vld.idx.msk [tilespmem:v48+s2+$0x0], $0xffff  }
0xdb: {  	s5 =	sor.u32 $0x400, s11;
	v53 =	vor.u32 v9, v18;
	s1 =	sshll.u32 s1, $0x9  }
0xdc: {  	s29 =	sor.u32 $0x400, s10;
	s1 =	sadd.s32 s1, s24;
	[tilespmem:s5+$0x8000] =	vst v35  }
0xdd: {  	s8 =	sor.u32 $0x400, s1;
	v33 =	vld.idx.msk [tilespmem:v49+s2+$0x0], $0xffff;
	[tilespmem:s29+$0x8000] =	vst v36  }
0xde: {  	s30 =	sor.u32 $0x400, s13;
	v54 =	vor.u32 v10, v19;
	[tilespmem:s8+$0x8000] =	vst v50;
	v29 =	vld.idx.msk [tilespmem:v29+s2+$0x0], $0xffff  }
0xdf: {  	v56 =	vor.u32 v10, v20;
	v55 =	vld.idx.msk [tilespmem:v51+s2+$0x0], $0xffff;
	[tilespmem:s30+$0x8000] =	vst v52  }
0xe0: {  	v57 =	vor.u32 v10, v21;
	v39 =	vld.idx.msk [tilespmem:v53+s2+$0x0], $0xffff  }
0xe1: {  	v58 =	vor.u32 v10, v18;
	s8 =	sor.u32 $0x410, s11  }
0xe2: {  	s9 =	sor.u32 $0x410, s10;
	[tilespmem:s8+$0x8000] =	vst v33  }
0xe3: {  	s12 =	sor.u32 $0x410, s1;
	v33 =	vld.idx.msk [tilespmem:v54+s2+$0x0], $0xffff;
	[tilespmem:s9+$0x8000] =	vst v29  }
0xe4: {  	s14 =	sor.u32 $0x410, s13;
	[tilespmem:s12+$0x8000] =	vst v55;
	v29 =	vor.u32 v11, v19;
	v59 =	vld.idx.msk [tilespmem:v56+s2+$0x0], $0xffff  }
0xe5: {  	v20 =	vor.u32 v11, v20;
	v36 =	vld.idx.msk [tilespmem:v57+s2+$0x0], $0xffff;
	[tilespmem:s14+$0x8000] =	vst v39  }
0xe6: {  	v61 =	vor.u32 v11, v21;
	[tilespmem:s16+$0x8000] =	vst v28;
	s24 =	sor.u32 $0x460, s6;
	v60 =	vld.idx.msk [tilespmem:v58+s2+$0x0], $0xffff  }
0xe7: {  	v28 =	vor.u32 v11, v18;
	v31 =	vld.idx.msk [tilespmem:v31+s2+$0x0], $0xffff;
	s15 =	sor.u32 $0x420, s11;
	[tilespmem:s24+$0x8000] =	vst v27  }
0xe8: {  	s16 =	sor.u32 $0x420, s10;
	[tilespmem:s15+$0x8000] =	vst v33  }
0xe9: {  	s17 =	sor.u32 $0x420, s1;
	v29 =	vld.idx.msk [tilespmem:v29+s2+$0x0], $0xffff;
	[tilespmem:s16+$0x8000] =	vst v59  }
0xea: {  	s19 =	sor.u32 $0x420, s13;
	v62 =	vor.u32 v12, v19;
	[tilespmem:s17+$0x8000] =	vst v36;
	v20 =	vld.idx.msk [tilespmem:v20+s2+$0x0], $0xffff  }
0xeb: {  	v40 =	vor.u32 v12, v22;
	v63 =	vld.idx.msk [tilespmem:v61+s2+$0x0], $0xffff;
	[tilespmem:s19+$0x8000] =	vst v60  }
0xec: {  	[tilespmem:s25+$0x8000] =	vst v31;
	v27 =	vld.idx.msk [tilespmem:v28+s2+$0x0], $0xffff;
	v28 =	vor.u32 v12, v21  }
0xed: {  	s28 =	sor.u32 $0x430, s11;
	v31 =	vor.u32 v12, v18;
	v30 =	vld.idx.msk [tilespmem:v30+s2+$0x0], $0xffff  }
0xee: {  	v23 =	vld.idx.msk [tilespmem:v23+s2+$0x0], $0xffff;
	s29 =	sor.u32 $0x430, s10;
	[tilespmem:s28+$0x8000] =	vst v29  }
0xef: {  	s30 =	sor.u32 $0x430, s1;
	v29 =	vld.idx.msk [tilespmem:v62+s2+$0x0], $0xffff;
	[tilespmem:s29+$0x8000] =	vst v20  }
0xf0: {  	s9 =	sor.u32 $0x430, s13;
	[tilespmem:s30+$0x8000] =	vst v63;
	v20 =	vor.u32 v13, v19;
	v41 =	vld.idx.msk [tilespmem:v40+s2+$0x0], $0xffff  }
0xf1: {  	v42 =	vor.u32 v13, v22;
	v28 =	vld.idx.msk [tilespmem:v28+s2+$0x0], $0xffff;
	[tilespmem:s9+$0x8000] =	vst v27  }
0xf2: {  	[tilespmem:s22+$0x8000] =	vst v30;
	s14 =	sor.u32 $0x470, s6;
	v27 =	vor.u32 v13, v21;
	v31 =	vld.idx.msk [tilespmem:v31+s2+$0x0], $0xffff  }
0xf3: {  	v34 =	vld.idx.msk [tilespmem:v34+s2+$0x0], $0xffff;
	[tilespmem:s14+$0x8000] =	vst v23;
	v23 =	vor.u32 v13, v18;
	s15 =	sor.u32 $0x440, s11  }
0xf4: {  	v26 =	vld.idx.msk [tilespmem:v26+s2+$0x0], $0xffff;
	s16 =	sor.u32 $0x440, s10;
	[tilespmem:s15+$0x8000] =	vst v29  }
0xf5: {  	s17 =	sor.u32 $0x440, s1;
	v20 =	vld.idx.msk [tilespmem:v20+s2+$0x0], $0xffff;
	[tilespmem:s16+$0x8000] =	vst v41  }
0xf6: {  	s19 =	sor.u32 $0x440, s13;
	v19 =	vor.u32 v14, v19;
	[tilespmem:s17+$0x8000] =	vst v28;
	v28 =	vld.idx.msk [tilespmem:v42+s2+$0x0], $0xffff  }
0xf7: {  	s12 =	sor.u32 $0x460, s7;
	v29 =	vor.u32 v14, v22;
	v27 =	vld.idx.msk [tilespmem:v27+s2+$0x0], $0xffff;
	[tilespmem:s19+$0x8000] =	vst v31  }
0xf8: {  	v30 =	vor.u32 v14, v21;
	[tilespmem:s12+$0x8000] =	vst v34;
	v23 =	vld.idx.msk [tilespmem:v23+s2+$0x0], $0xffff  }
0xf9: {  	s25 =	sor.u32 $0x450, s11;
	[tilespmem:s26+$0x8000] =	vst v26;
	v31 =	vor.u32 v14, v18  }
0xfa: {  	v17 =	vor.u32 v15, v17;
	v32 =	vld.idx.msk [tilespmem:v32+s2+$0x0], $0xffff;
	[tilespmem:s25+$0x8000] =	vst v20  }
0xfb: {  	v16 =	vor.u32 v15, v16;
	s28 =	sor.u32 $0x450, s1;
	v19 =	vld.idx.msk [tilespmem:v19+s2+$0x0], $0xffff;
	[tilespmem:s18+$0x8000] =	vst v28  }
0xfc: {  	s29 =	sor.u32 $0x450, s13;
	[tilespmem:s28+$0x8000] =	vst v27;
	v20 =	vld.idx.msk [tilespmem:v29+s2+$0x0], $0xffff  }
0xfd: {  	s30 =	sor.u32 $0x460, s3;
	v22 =	vor.u32 v15, v22;
	v27 =	vld.idx.msk [tilespmem:v30+s2+$0x0], $0xffff;
	[tilespmem:s29+$0x8000] =	vst v23  }
0xfe: {  	s24 =	sor.u32 $0x470, s7;
	[tilespmem:s30+$0x8000] =	vst v25;
	v21 =	vor.u32 v15, v21;
	v23 =	vld.idx.msk [tilespmem:v31+s2+$0x0], $0xffff  }
0xff: {  	[tilespmem:s24+$0x8000] =	vst v32;
	s6 =	sor.u32 $0x460, s11;
	v17 =	vld.idx.msk [tilespmem:v17+s2+$0x0], $0xffff;
	v18 =	vor.u32 v15, v18  }
0x100: {  	s7 =	sor.u32 $0x460, s10;
	v16 =	vld.idx.msk [tilespmem:v16+s2+$0x0], $0xffff;
	[tilespmem:s6+$0x8000] =	vst v19  }
0x101: {  	s8 =	sor.u32 $0x460, s1;
	v19 =	vld.idx.msk [tilespmem:v24+s2+$0x0], $0xffff;
	[tilespmem:s7+$0x8000] =	vst v20  }
0x102: {  	s9 =	sor.u32 $0x460, s13;
	v20 =	vld.idx.msk [tilespmem:v22+s2+$0x0], $0xffff;
	[tilespmem:s8+$0x8000] =	vst v27  }
0x103: {  	s12 =	sor.u32 $0x470, s3;
	v21 =	vld.idx.msk [tilespmem:v21+s2+$0x0], $0xffff;
	[tilespmem:s9+$0x8000] =	vst v23  }
0x104: {  	s4 =	sor.u32 $0x470, s4;
	[tilespmem:s12+$0x8000] =	vst v17;
	v17 =	vld.idx.msk [tilespmem:v18+s2+$0x0], $0xffff  }
0x105: {  	[tilespmem:s4+$0x8000] =	vst v16;
	s14 =	sor.u32 $0x470, s11  }
0x106: {  	s15 =	sor.u32 $0x470, s10;
	s7 =	simm.s32 $0x0;
	[tilespmem:s14+$0x8000] =	vst v19  }
0x107: {  	s1 =	sor.u32 $0x470, s1;
	v16 =	vmov s7;
	[tilespmem:s15+$0x8000] =	vst v20  }
0x108: {  	s16 =	sor.u32 $0x470, s13;
	s17 =	simm.s32 $0x1;
	v18 =	vshll.u32 v16, $0x9;
	v16 =	vshll.u32 v16, $0x7;
	[tilespmem:s1+$0x8000] =	vst v21  }
0x109: {  	s22 =	simm.s32 $0x3;
	v19 =	vand.u32 $0x1000, v18;
	v20 =	vand.u32 $0x200, v16;
	[tilespmem:s16+$0x8000] =	vst v17;
	v17 =	vmov s17  }
0x10a: {  	s24 =	simm.s32 $0x2;
	s19 =	simm.s32 $0x8000;
	v19 =	vor.u32 v20, v19;
	s18 =	rddreg [dreg:$0x7];
	v16 =	vshll.u32 v17, $0x7;
	v17 =	vshll.u32 v17, $0x9  }
0x10b: {  	v24 =	vor.u32 v0, v19;
	[hbm4b:s18+s7] =	stream.linear.scatter [tilespmem:s19], [sflag:$0x5], $0x1000, $0x38;
	v16 =	vand.u32 $0x280, v16;
	v17 =	vand.u32 $0x1000, v17;
	[tilespmem:$0xA000] =	vst v63  }
0x10c: {  	v22 =	vmov s22;
	_ =	swait.ge [sflag:s24], $0x2000;
	v21 =	vor.u32 v16, v17  }
0x10d: {  	s1 =	simm.s32 $0x2;
	v16 =	vshll.u32 v22, $0x9;
	v17 =	vshll.u32 v22, $0x7;
	[sflag:s24] =	ssyncset.done $0x0;
	v25 =	vor.u32 v0, v21  }
0x10e: {  	v22 =	vmov s1;
	v16 =	vand.u32 $0x1000, v16;
	v17 =	vand.u32 $0x380, v17;
	s25 =	rddreg [dreg:$0x8];
	[sflag:s24] =	ssyncadd.s32 $0xFFFFE000  }
0x10f: {  	v23 =	vshll.u32 v22, $0x7;
	v22 =	vshll.u32 v22, $0x9;
	v16 =	vor.u32 v17, v16;
	[tilespmem:s7], [sflag:$0x1] =	stream.linear.gather [hbm4b:s25+s7], $0x2000, $0x38;
	[tilespmem:$0xA000] =	vst v63  }
0x110: {  	v26 =	vand.u32 $0x1000, v22;
	v23 =	vand.u32 $0x300, v23;
	v17 =	vor.u32 v0, v16;
	v27 =	vld.idx.msk [tilespmem:v24+s20+$0x0], $0xffff  }
0x111: {  	v24 =	vor.u32 v23, v26;
	v26 =	vor.u32 v1, v19  }
0x112: {  	s28 =	simm.s32 $0x0;
	s26 =	sand.u32 $0x800, s7;
	v28 =	vor.u32 v0, v24;
	v25 =	vld.idx.msk [tilespmem:v25+s20+$0x0], $0xffff  }
0x113: {  	s4 =	sand.u32 $0x200, s28;
	s29 =	sor.u32 $0x9000, s26;
	v29 =	vor.u32 v1, v21  }
0x114: {  	s10 =	simm.s32 $0x80;
	s30 =	sor.u32 s4, s29  }
0x115: {  	s3 =	sand.u32 $0x280, s10;
	v17 =	vld.idx.msk [tilespmem:v17+s20+$0x0], $0xffff;
	[tilespmem:s30+$0x0] =	vst v27  }
0x116: {  	s3 =	sor.u32 s3, s29;
	v27 =	vor.u32 v1, v16;
	v26 =	vld.idx.msk [tilespmem:v26+s20+$0x0], $0xffff  }
0x117: {  	s11 =	simm.s32 $0x180;
	v30 =	vor.u32 v2, v19;
	v28 =	vld.idx.msk [tilespmem:v28+s20+$0x0], $0xffff;
	[tilespmem:s3+$0x0] =	vst v25  }
0x118: {  	s4 =	sand.u32 $0x380, s11;
	v25 =	vor.u32 v1, v24;
	v29 =	vld.idx.msk [tilespmem:v29+s20+$0x0], $0xffff  }
0x119: {  	s12 =	simm.s32 $0x100;
	s4 =	sor.u32 s4, s29;
	v31 =	vor.u32 v2, v21  }
0x11a: {  	s8 =	sand.u32 $0x300, s12;
	[tilespmem:s4+$0x0] =	vst v17  }
0x11b: {  	s13 =	sor.u32 s8, s29;
	v17 =	vld.idx.msk [tilespmem:v27+s20+$0x0], $0xffff;
	[tilespmem:s30+$0x10] =	vst v26  }
0x11c: {  	[tilespmem:s13+$0x0] =	vst v28;
	v26 =	vor.u32 v2, v16;
	v27 =	vld.idx.msk [tilespmem:v30+s20+$0x0], $0xffff  }
0x11d: {  	v28 =	vor.u32 v3, v19;
	v25 =	vld.idx.msk [tilespmem:v25+s20+$0x0], $0xffff;
	[tilespmem:s3+$0x10] =	vst v29  }
0x11e: {  	v29 =	vor.u32 v2, v24;
	v30 =	vld.idx.msk [tilespmem:v31+s20+$0x0], $0xffff  }
0x11f: {  	v31 =	vor.u32 v3, v21  }
0x120: {  	[tilespmem:s4+$0x10] =	vst v17  }
0x121: {  	v17 =	vld.idx.msk [tilespmem:v26+s20+$0x0], $0xffff;
	[tilespmem:s30+$0x20] =	vst v27  }
0x122: {  	v26 =	vor.u32 v3, v16;
	[tilespmem:s13+$0x10] =	vst v25;
	v25 =	vld.idx.msk [tilespmem:v28+s20+$0x0], $0xffff  }
0x123: {  	v27 =	vld.idx.msk [tilespmem:v29+s20+$0x0], $0xffff;
	v28 =	vor.u32 v4, v19;
	[tilespmem:s3+$0x20] =	vst v30  }
0x124: {  	v29 =	vor.u32 v3, v24;
	v30 =	vld.idx.msk [tilespmem:v31+s20+$0x0], $0xffff  }
0x125: {  	v31 =	vor.u32 v4, v21  }
0x126: {  	[tilespmem:s4+$0x20] =	vst v17  }
0x127: {  	v17 =	vld.idx.msk [tilespmem:v26+s20+$0x0], $0xffff;
	[tilespmem:s30+$0x30] =	vst v25  }
0x128: {  	v26 =	vor.u32 v4, v16;
	[tilespmem:s13+$0x20] =	vst v27;
	v25 =	vld.idx.msk [tilespmem:v28+s20+$0x0], $0xffff  }
0x129: {  	v27 =	vld.idx.msk [tilespmem:v29+s20+$0x0], $0xffff;
	v28 =	vor.u32 v5, v19;
	[tilespmem:s3+$0x30] =	vst v30  }
0x12a: {  	v29 =	vor.u32 v4, v24;
	v30 =	vld.idx.msk [tilespmem:v31+s20+$0x0], $0xffff  }
0x12b: {  	v31 =	vor.u32 v5, v21  }
0x12c: {  	[tilespmem:s4+$0x30] =	vst v17  }
0x12d: {  	v17 =	vld.idx.msk [tilespmem:v26+s20+$0x0], $0xffff;
	[tilespmem:s30+$0x40] =	vst v25  }
0x12e: {  	v26 =	vor.u32 v5, v16;
	[tilespmem:s13+$0x30] =	vst v27;
	v25 =	vld.idx.msk [tilespmem:v28+s20+$0x0], $0xffff  }
0x12f: {  	v27 =	vld.idx.msk [tilespmem:v29+s20+$0x0], $0xffff;
	v28 =	vor.u32 v6, v19;
	[tilespmem:s3+$0x40] =	vst v30  }
0x130: {  	v29 =	vor.u32 v5, v24;
	v30 =	vld.idx.msk [tilespmem:v31+s20+$0x0], $0xffff  }
0x131: {  	v31 =	vor.u32 v6, v21  }
0x132: {  	[tilespmem:s4+$0x40] =	vst v17  }
0x133: {  	[tilespmem:s30+$0x50] =	vst v25;
	v25 =	vld.idx.msk [tilespmem:v26+s20+$0x0], $0xffff  }
0x134: {  	[tilespmem:s13+$0x40] =	vst v27;
	v27 =	vor.u32 v6, v16;
	v26 =	vld.idx.msk [tilespmem:v28+s20+$0x0], $0xffff  }
0x135: {  	v19 =	vor.u32 v7, v19;
	v28 =	vld.idx.msk [tilespmem:v29+s20+$0x0], $0xffff;
	[tilespmem:s3+$0x50] =	vst v30  }
0x136: {  	v29 =	vor.u32 v6, v24;
	v30 =	vld.idx.msk [tilespmem:v31+s20+$0x0], $0xffff  }
0x137: {  	s5 =	simm.s32 $0x4;
	v17 =	vor.u32 v18, v20;
	v18 =	vor.u32 v7, v21  }
0x138: {  	v43 =	vmov s5;
	s14 =	simm.s32 $0x5;
	v45 =	vor.u32 v7, v24;
	v20 =	vor.u32 v7, v16;
	[tilespmem:s4+$0x50] =	vst v25  }
0x139: {  	s9 =	simm.s32 $0x7;
	v44 =	vor.u32 v8, v17;
	v31 =	vor.u32 v8, v21;
	[tilespmem:s30+$0x60] =	vst v26;
	v26 =	vmov s14;
	v46 =	vld.idx.msk [tilespmem:v27+s20+$0x0], $0xffff  }
0x13a: {  	v25 =	vshll.u32 v43, $0x9;
	[tilespmem:s13+$0x50] =	vst v28;
	v27 =	vmov s9;
	v19 =	vld.idx.msk [tilespmem:v19+s20+$0x0], $0xffff;
	v47 =	vshll.u32 v26, $0x7  }
0x13b: {  	v29 =	vld.idx.msk [tilespmem:v29+s20+$0x0], $0xffff;
	v48 =	vshll.u32 v27, $0x9;
	v49 =	vshll.u32 v26, $0x9;
	v26 =	vshll.u32 v27, $0x7;
	[tilespmem:s3+$0x60] =	vst v30  }
0x13c: {  	v27 =	vshll.u32 v43, $0x7;
	v30 =	vand.u32 $0x1000, v48;
	v50 =	vld.idx.msk [tilespmem:v18+s20+$0x0], $0xffff;
	v18 =	vand.u32 $0x380, v26  }
0x13d: {  	s15 =	simm.s32 $0x6;
	v28 =	vand.u32 $0x1000, v25;
	v27 =	vand.u32 $0x200, v27;
	v18 =	vor.u32 v18, v30  }
0x13e: {  	v26 =	vor.u32 v27, v28;
	v30 =	vmov s15;
	v51 =	vor.u32 v0, v18;
	[tilespmem:s4+$0x60] =	vst v46  }
0x13f: {  	v52 =	vshll.u32 v30, $0x7;
	v28 =	vshll.u32 v30, $0x9;
	v30 =	vor.u32 v0, v26;
	[tilespmem:s30+$0x70] =	vst v19;
	v53 =	vld.idx.msk [tilespmem:v20+s20+$0x0], $0xffff  }
0x140: {  	p0 =	por $0x0, $0x0;
	s6 =	simm.s32 $0x1;
	v54 =	vor.u32 v8, v16;
	[tilespmem:s13+$0x60] =	vst v29;
	v19 =	vand.u32 $0x1000, v28;
	v29 =	vand.u32 $0x300, v52;
	v33 =	vld.idx.msk [tilespmem:v44+s20+$0x0], $0xffff  }
0x141: {  	s6 =	simm.s32 @!p0 $0x0;
	v55 =	vor.u32 v9, v17;
	v34 =	vld.idx.msk [tilespmem:v45+s20+$0x0], $0xffff;
	v20 =	vor.u32 v29, v19;
	[tilespmem:s3+$0x70] =	vst v50  }
0x142: {  	s16 =	sshll.u32 s6, $0x9;
	v36 =	vand.u32 $0x280, v47;
	v38 =	vand.u32 $0x1000, v49;
	v56 =	vor.u32 v0, v20;
	v31 =	vld.idx.msk [tilespmem:v31+s20+$0x0], $0xffff  }
0x143: {  	s17 =	sand.u32 $0x7, s7;
	v63 =	vor.u32 v8, v24;
	v19 =	vor.u32 v36, v38;
	s3 =	sadd.s32 $0x0, s16;
	v37 =	vld.idx.msk [tilespmem:v51+s20+$0x0], $0xffff  }
0x144: {  	s8 =	simm.s32 $0x400;
	s6 =	sshll.u32 s17, $0x7;
	v36 =	vor.u32 v0, v19;
	s18 =	sor.u32 $0x400, s3;
	v30 =	vld.idx.msk [tilespmem:v30+s20+$0x0], $0xffff;
	[tilespmem:s4+$0x70] =	vst v53  }
0x145: {  	s22 =	sand.u32 $0x800, s8;
	s19 =	sadd.s32 $0x0, s6;
	v57 =	vor.u32 v9, v21;
	[tilespmem:s18+$0x9000] =	vst v33;
	v35 =	vld.idx.msk [tilespmem:v54+s20+$0x0], $0xffff  }
0x146: {  	s26 =	sor.u32 $0x9000, s22;
	s6 =	sadd.s32 $0x80, s19;
	s24 =	simm.s32 $0x200;
	v58 =	vor.u32 v1, v26;
	v59 =	vld.idx.msk [tilespmem:v55+s20+$0x0], $0xffff  }
0x147: {  	s25 =	sor.u32 $0x400, s6;
	s11 =	sand.u32 $0x200, s24;
	s9 =	simm.s32 $0x380;
	v62 =	vor.u32 v1, v18;
	[tilespmem:s13+$0x70] =	vst v34;
	v32 =	vld.idx.msk [tilespmem:v56+s20+$0x0], $0xffff  }
0x148: {  	v60 =	vor.u32 v9, v16;
	s15 =	sor.u32 s11, s26;
	s30 =	sand.u32 $0x380, s9;
	v50 =	vld.idx.msk [tilespmem:v63+s20+$0x0], $0xffff;
	[tilespmem:s25+$0x9000] =	vst v31  }
0x149: {  	s7 =	sand.u32 $0x3, s7;
	v61 =	vor.u32 v10, v17;
	s12 =	sor.u32 s30, s26;
	s4 =	sadd.s32 $0x180, s19;
	v31 =	vld.idx.msk [tilespmem:v36+s20+$0x0], $0xffff;
	[tilespmem:s15+$0x0] =	vst v30  }
0x14a: {  	s7 =	sshll.u32 s7, $0x8;
	v42 =	vor.u32 v1, v20;
	s16 =	simm.s32 $0x300;
	s28 =	sor.u32 $0x400, s4;
	v30 =	vld.idx.msk [tilespmem:v57+s20+$0x0], $0xffff;
	[tilespmem:s12+$0x0] =	vst v37  }
0x14b: {  	s7 =	sadd.s32 $0x0, s7;
	v44 =	vor.u32 v1, v19;
	s29 =	sor.u32 $0x410, s3;
	s11 =	sand.u32 $0x300, s16;
	v33 =	vld.idx.msk [tilespmem:v58+s20+$0x0], $0xffff;
	[tilespmem:s28+$0x9000] =	vst v35  }
0x14c: {  	s17 =	simm.s32 $0x280;
	s7 =	sadd.s32 $0x100, s7;
	v52 =	vor.u32 v9, v24;
	s14 =	sor.u32 s11, s26;
	v48 =	vld.idx.msk [tilespmem:v62+s20+$0x0], $0xffff;
	[tilespmem:s29+$0x9000] =	vst v59  }
0x14d: {  	s22 =	sor.u32 $0x400, s7;
	v53 =	vor.u32 v10, v21;
	s18 =	sand.u32 $0x280, s17;
	v45 =	vld.idx.msk [tilespmem:v60+s20+$0x0], $0xffff;
	[tilespmem:s14+$0x0] =	vst v32  }
0x14e: {  	v47 =	vor.u32 v2, v26;
	s17 =	sor.u32 s18, s26;
	[tilespmem:s22+$0x9000] =	vst v50;
	v46 =	vld.idx.msk [tilespmem:v61+s20+$0x0], $0xffff  }
0x14f: {  	s24 =	sor.u32 $0x410, s6;
	v51 =	vor.u32 v2, v18;
	[tilespmem:s17+$0x0] =	vst v31;
	v31 =	vld.idx.msk [tilespmem:v42+s20+$0x0], $0xffff  }
0x150: {  	v49 =	vor.u32 v10, v16;
	v35 =	vld.idx.msk [tilespmem:v44+s20+$0x0], $0xffff;
	[tilespmem:s24+$0x9000] =	vst v30  }
0x151: {  	v55 =	vor.u32 v2, v20;
	v30 =	vld.idx.msk [tilespmem:v52+s20+$0x0], $0xffff;
	[tilespmem:s15+$0x10] =	vst v33  }
0x152: {  	s19 =	sor.u32 $0x410, s4;
	v59 =	vor.u32 v11, v17;
	[tilespmem:s12+$0x10] =	vst v48;
	v33 =	vld.idx.msk [tilespmem:v53+s20+$0x0], $0xffff  }
0x153: {  	v54 =	vor.u32 v2, v19;
	v40 =	vld.idx.msk [tilespmem:v47+s20+$0x0], $0xffff;
	[tilespmem:s19+$0x9000] =	vst v45  }
0x154: {  	s26 =	sor.u32 $0x420, s3;
	v61 =	vor.u32 v11, v21;
	v38 =	vld.idx.msk [tilespmem:v51+s20+$0x0], $0xffff;
	[tilespmem:s14+$0x10] =	vst v31  }
0x155: {  	v57 =	vor.u32 v3, v26;
	v56 =	vld.idx.msk [tilespmem:v49+s20+$0x0], $0xffff;
	[tilespmem:s26+$0x9000] =	vst v46  }
0x156: {  	s28 =	sor.u32 $0x410, s7;
	v31 =	vor.u32 v10, v24;
	[tilespmem:s17+$0x10] =	vst v35;
	v39 =	vld.idx.msk [tilespmem:v55+s20+$0x0], $0xffff  }
0x157: {  	v58 =	vor.u32 v11, v16;
	s29 =	sor.u32 $0x420, s6;
	v35 =	vld.idx.msk [tilespmem:v59+s20+$0x0], $0xffff;
	[tilespmem:s28+$0x9000] =	vst v30  }
0x158: {  	v30 =	vor.u32 v3, v18;
	v60 =	vld.idx.msk [tilespmem:v54+s20+$0x0], $0xffff;
	[tilespmem:s29+$0x9000] =	vst v33  }
0x159: {  	v63 =	vor.u32 v3, v20;
	[tilespmem:s15+$0x20] =	vst v40;
	v46 =	vld.idx.msk [tilespmem:v61+s20+$0x0], $0xffff  }
0x15a: {  	s25 =	sor.u32 $0x420, s4;
	v45 =	vor.u32 v12, v17;
	[tilespmem:s12+$0x20] =	vst v38;
	v36 =	vld.idx.msk [tilespmem:v57+s20+$0x0], $0xffff  }
0x15b: {  	v62 =	vor.u32 v3, v19;
	[tilespmem:s25+$0x9000] =	vst v56;
	v31 =	vld.idx.msk [tilespmem:v31+s20+$0x0], $0xffff  }
0x15c: {  	s30 =	sor.u32 $0x430, s3;
	v48 =	vor.u32 v12, v21;
	v43 =	vld.idx.msk [tilespmem:v58+s20+$0x0], $0xffff;
	[tilespmem:s14+$0x20] =	vst v39  }
0x15d: {  	v44 =	vor.u32 v4, v26;
	v30 =	vld.idx.msk [tilespmem:v30+s20+$0x0], $0xffff;
	[tilespmem:s30+$0x9000] =	vst v35  }
0x15e: {  	s13 =	sor.u32 $0x430, s6;
	v24 =	vor.u32 v11, v24;
	[tilespmem:s17+$0x20] =	vst v60;
	v34 =	vld.idx.msk [tilespmem:v63+s20+$0x0], $0xffff  }
0x15f: {  	v50 =	vor.u32 v4, v20;
	v33 =	vld.idx.msk [tilespmem:v45+s20+$0x0], $0xffff;
	[tilespmem:s13+$0x9000] =	vst v46  }
0x160: {  	s11 =	sor.u32 $0x420, s7;
	v52 =	vor.u32 v23, v22;
	v22 =	vor.u32 v13, v17;
	v47 =	vld.idx.msk [tilespmem:v62+s20+$0x0], $0xffff;
	[tilespmem:s15+$0x30] =	vst v36  }
0x161: {  	v49 =	vor.u32 v4, v19;
	v23 =	vld.idx.msk [tilespmem:v48+s20+$0x0], $0xffff;
	[tilespmem:s11+$0x9000] =	vst v31  }
0x162: {  	v32 =	vld.idx.msk [tilespmem:v44+s20+$0x0], $0xffff;
	v31 =	vor.u32 v4, v18;
	[tilespmem:s12+$0x30] =	vst v30  }
0x163: {  	s16 =	sor.u32 $0x440, s3;
	v51 =	vor.u32 v5, v26;
	v24 =	vld.idx.msk [tilespmem:v24+s20+$0x0], $0xffff;
	[tilespmem:s14+$0x30] =	vst v34  }
0x164: {  	v56 =	vor.u32 v13, v21;
	[tilespmem:s16+$0x9000] =	vst v33;
	v55 =	vld.idx.msk [tilespmem:v50+s20+$0x0], $0xffff  }
0x165: {  	v54 =	vor.u32 v12, v52;
	s30 =	sor.u32 $0x430, s4;
	[tilespmem:s17+$0x30] =	vst v47;
	v22 =	vld.idx.msk [tilespmem:v22+s20+$0x0], $0xffff  }
0x166: {  	v30 =	vor.u32 v5, v20;
	[tilespmem:s30+$0x9000] =	vst v43;
	v53 =	vld.idx.msk [tilespmem:v49+s20+$0x0], $0xffff  }
0x167: {  	s19 =	sor.u32 $0x440, s6;
	v59 =	vor.u32 v14, v17;
	[tilespmem:s15+$0x40] =	vst v32;
	v31 =	vld.idx.msk [tilespmem:v31+s20+$0x0], $0xffff  }
0x168: {  	s18 =	sor.u32 $0x430, s7;
	v57 =	vor.u32 v5, v19;
	[tilespmem:s19+$0x9000] =	vst v23;
	v35 =	vld.idx.msk [tilespmem:v51+s20+$0x0], $0xffff  }
0x169: {  	v58 =	vor.u32 v6, v26;
	v37 =	vld.idx.msk [tilespmem:v56+s20+$0x0], $0xffff;
	[tilespmem:s18+$0x9000] =	vst v24  }
0x16a: {  	s22 =	sor.u32 $0x450, s3;
	v24 =	vor.u32 v5, v18;
	v34 =	vld.idx.msk [tilespmem:v54+s20+$0x0], $0xffff;
	[tilespmem:s14+$0x40] =	vst v55  }
0x16b: {  	v60 =	vor.u32 v13, v52;
	v62 =	vor.u32 v14, v21;
	[tilespmem:s22+$0x9000] =	vst v22;
	v61 =	vld.idx.msk [tilespmem:v30+s20+$0x0], $0xffff  }
0x16c: {  	v23 =	vor.u32 v15, v21;
	v21 =	vor.u32 v25, v27;
	[tilespmem:s17+$0x40] =	vst v53;
	v25 =	vld.idx.msk [tilespmem:v59+s20+$0x0], $0xffff  }
0x16d: {  	v44 =	vor.u32 v6, v20;
	v38 =	vld.idx.msk [tilespmem:v57+s20+$0x0], $0xffff;
	[tilespmem:s15+$0x50] =	vst v35  }
0x16e: {  	s28 =	sor.u32 $0x450, s6;
	v63 =	vor.u32 v6, v19;
	[tilespmem:s12+$0x40] =	vst v31;
	v33 =	vld.idx.msk [tilespmem:v58+s20+$0x0], $0xffff  }
0x16f: {  	s24 =	sand.u32 $0x3, s1;
	s26 =	sand.u32 $0x7, s5;
	s25 =	sor.u32 $0x440, s7;
	v22 =	vor.u32 v29, v28;
	v29 =	vor.u32 v7, v26;
	[tilespmem:s28+$0x9000] =	vst v37;
	v36 =	vld.idx.msk [tilespmem:v24+s20+$0x0], $0xffff  }
0x170: {  	p0 =	por !p0, !p0;
	s29 =	sshll.u32 s26, $0x7;
	s11 =	sshll.u32 s24, $0x8;
	v31 =	vor.u32 v12, v16;
	v27 =	vld.idx.msk [tilespmem:v62+s20+$0x0], $0xffff;
	[tilespmem:s25+$0x9000] =	vst v34  }
0x171: {  	v41 =	vor.u32 v7, v19;
	s26 =	sor.u32 $0x460, s4;
	v40 =	vor.u32 v6, v18;
	s13 =	sadd.s32 $0x400, s29;
	s11 =	sadd.s32 $0x400, s11;
	v28 =	vld.idx.msk [tilespmem:v60+s20+$0x0], $0xffff;
	[tilespmem:s14+$0x50] =	vst v61  }
0x172: {  	s24 =	simm.s32 $0x400;
	s16 =	sor.u32 $0x450, s7;
	s10 =	sadd.s32 $0x100, s11;
	v32 =	vor.u32 v15, v52;
	v26 =	vor.u32 v14, v16;
	[tilespmem:s17+$0x50] =	vst v38;
	v39 =	vld.idx.msk [tilespmem:v44+s20+$0x0], $0xffff  }
0x173: {  	s11 =	sadd.s32 $0x80, s13;
	s13 =	sadd.s32 $0x180, s13;
	s19 =	simm.s32 $0x8;
	v30 =	vor.u32 v13, v16;
	v34 =	vor.u32 v14, v52;
	v37 =	vld.idx.msk [tilespmem:v63+s20+$0x0], $0xffff;
	[tilespmem:s15+$0x60] =	vst v33  }
0x174: {  	s18 =	sor.u32 $0x450, s10;
	s22 =	sor.u32 $0x450, s4;
	v24 =	vor.u32 v15, v19;
	v35 =	vor.u32 v8, v19;
	s25 =	sor.u32 $0x440, s4;
	v38 =	vld.idx.msk [tilespmem:v29+s20+$0x0], $0xffff;
	v29 =	vor.u32 v7, v18  }
.LBB2_4:
0x175: {  	v33 =	vmov s19;
	s28 =	sadd.s32 $0x1, s19;
	s29 =	sadd.s32 $0x2, s19;
	s30 =	sadd.s32 $0x3, s19;
	v42 =	vor.u32 v8, v21;
	v43 =	vor.u32 v7, v20;
	[tilespmem:s12+$0x50] =	vst v36;
	v31 =	vld.idx.msk [tilespmem:v31+s20+$0x0], $0xffff  }
0x176: {  	p1 =	slt.u32 s19, $0xC;
	s19 =	sadd.s32 $0x4, s19;
	v36 =	vshll.u32 v33, $0x9;
	v44 =	vmov s28;
	v45 =	vmov s30;
	s28 =	sor.u32 $0x460, s6;
	[tilespmem:s16+$0x9000] =	vst v28  }
0x177: {  	s16 =	smov.u32 s18;
	v46 =	vand.u32 $0x1000, v36;
	v28 =	vshll.u32 v44, $0x7;
	v47 =	vshll.u32 v45, $0x9;
	v40 =	vld.idx.msk [tilespmem:v40+s20+$0x0], $0xffff;
	[tilespmem:s28+$0x9000] =	vst v27  }
0x178: {  	v27 =	vshll.u32 v44, $0x9;
	v44 =	vmov s29;
	v28 =	vand.u32 $0x280, v28;
	[tilespmem:s17+$0x60] =	vst v37;
	v34 =	vld.idx.msk [tilespmem:v34+s20+$0x0], $0xffff  }
0x179: {  	v33 =	vshll.u32 v33, $0x7;
	v45 =	vshll.u32 v45, $0x7;
	v37 =	vand.u32 $0x1000, v47;
	v41 =	vld.idx.msk [tilespmem:v41+s20+$0x0], $0xffff;
	[tilespmem:s14+$0x60] =	vst v39  }
0x17a: {  	s28 =	sor.u32 $0x470, s4;
	s4 =	smov.u32 s13;
	v27 =	vand.u32 $0x1000, v27;
	v45 =	vand.u32 $0x380, v45;
	v39 =	vshll.u32 v44, $0x7;
	[tilespmem:s15+$0x70] =	vst v38;
	v38 =	vld.idx.msk [tilespmem:v23+s20+$0x0], $0xffff;
	v23 =	vmovc v24  }
0x17b: {  	v28 =	vor.u32 v28, v27;
	v24 =	vand.u32 $0x200, v33;
	v33 =	vor.u32 v45, v37;
	v37 =	vld.idx.msk [tilespmem:v42+s20+$0x0], $0xffff;
	[tilespmem:s25+$0x9000] =	vst v31  }
0x17c: {  	s13 =	simm.s32 $0x1;
	v27 =	vor.u32 v24, v46;
	v31 =	vshll.u32 v44, $0x9;
	v42 =	vor.u32 v0, v33;
	v44 =	vld.idx.msk [tilespmem:v30+s20+$0x0], $0xffff  }
0x17d: {  	s13 =	simm.s32 @!p0 $0x0;
	v39 =	vand.u32 $0x300, v39;
	s15 =	sor.u32 $0x460, s7;
	v45 =	vor.u32 v0, v27;
	v30 =	vand.u32 $0x1000, v31;
	v43 =	vld.idx.msk [tilespmem:v43+s20+$0x0], $0xffff;
	[tilespmem:s12+$0x60] =	vst v40  }
0x17e: {  	s8 =	sadd.s32 $0x400, s8;
	s6 =	sor.u32 $0x470, s6;
	s13 =	sshll.u32 s13, $0x9;
	v36 =	vor.u32 v36, v24;
	v30 =	vor.u32 v39, v30;
	v40 =	vld.idx.msk [tilespmem:v29+s20+$0x0], $0xffff;
	[tilespmem:s15+$0x9000] =	vst v34  }
0x17f: {  	s5 =	sadd.s32 $0x4, s5;
	s1 =	sadd.s32 $0x2, s1;
	s25 =	sadd.s32 s13, s24;
	v46 =	vor.u32 v9, v21;
	v34 =	vor.u32 v0, v30;
	[tilespmem:s17+$0x70] =	vst v41;
	v32 =	vld.idx.msk [tilespmem:v32+s20+$0x0], $0xffff  }
0x180: {  	s13 =	sand.u32 $0x7, s5;
	s15 =	sand.u32 $0x3, s1;
	v29 =	vor.u32 v39, v31;
	s17 =	sor.u32 $0x400, s25;
	v31 =	vld.idx.msk [tilespmem:v35+s20+$0x0], $0xffff;
	v35 =	vor.u32 v8, v18;
	[tilespmem:s6+$0x9000] =	vst v38  }
0x181: {  	s9 =	sadd.s32 $0x200, s9;
	v24 =	vor.u32 v15, v28;
	s6 =	sshll.u32 s13, $0x7;
	s13 =	sshll.u32 s15, $0x8;
	v38 =	vor.u32 v0, v28;
	v39 =	vld.idx.msk [tilespmem:v42+s20+$0x0], $0xffff;
	[tilespmem:s17+$0x9000] =	vst v37  }
0x182: {  	s24 =	smov.u32 s8;
	s6 =	sadd.s32 s8, s6;
	s13 =	sadd.s32 s8, s13;
	v37 =	vld.idx.msk [tilespmem:v45+s20+$0x0], $0xffff;
	[tilespmem:s22+$0x9000] =	vst v44  }
0x183: {  	v41 =	vor.u32 v15, v17;
	v17 =	vmov v21;
	v21 =	vmov v36;
	s17 =	sadd.s32 $0x80, s6;
	s22 =	sadd.s32 $0x100, s13;
	s13 =	sadd.s32 $0x180, s6;
	[tilespmem:s14+$0x70] =	vst v43;
	v26 =	vld.idx.msk [tilespmem:v26+s20+$0x0], $0xffff  }
0x184: {  	s7 =	sor.u32 $0x470, s7;
	v42 =	vor.u32 v9, v19;
	s6 =	smov.u32 s11;
	s18 =	sor.u32 $0x450, s22;
	v36 =	vld.idx.msk [tilespmem:v46+s20+$0x0], $0xffff;
	[tilespmem:s12+$0x70] =	vst v40  }
0x185: {  	s11 =	sand.u32 $0x800, s8;
	s14 =	sor.u32 $0x400, s6;
	s12 =	sadd.s32 $0xFFFFFE80, s9;
	v40 =	vor.u32 v1, v27;
	v35 =	vld.idx.msk [tilespmem:v35+s20+$0x0], $0xffff;
	[tilespmem:s7+$0x9000] =	vst v32;
	v32 =	vor.u32 v15, v16;
	v16 =	vmov v18  }
0x186: {  	s29 =	sor.u32 $0x9000, s11;
	s11 =	sor.u32 $0x460, s3;
	s7 =	sand.u32 $0x200, s12;
	v18 =	vmov v33;
	v34 =	vld.idx.msk [tilespmem:v34+s20+$0x0], $0xffff;
	[tilespmem:s14+$0x9000] =	vst v31  }
0x187: {  	s15 =	sor.u32 s7, s29;
	v33 =	vor.u32 v9, v16;
	s7 =	smov.u32 s10;
	v31 =	vld.idx.msk [tilespmem:v38+s20+$0x0], $0xffff;
	[tilespmem:s11+$0x9000] =	vst v25;
	s11 =	smov.u32 s17  }
0x188: {  	s10 =	smov.u32 s22;
	v25 =	vor.u32 v1, v28;
	[tilespmem:s15+$0x0] =	vst v37;
	v37 =	vor.u32 v10, v17;
	v38 =	vld.idx.msk [tilespmem:v41+s20+$0x0], $0xffff  }
0x189: {  	s12 =	sor.u32 $0x410, s25;
	v41 =	vor.u32 v1, v18;
	v42 =	vld.idx.msk [tilespmem:v42+s20+$0x0], $0xffff;
	[tilespmem:s26+$0x9000] =	vst v26  }
0x18a: {  	v26 =	vor.u32 v1, v30;
	[tilespmem:s12+$0x9000] =	vst v36;
	v36 =	vor.u32 v8, v20;
	s12 =	sor.u32 $0x400, s4;
	v32 =	vld.idx.msk [tilespmem:v32+s20+$0x0], $0xffff  }
0x18b: {  	s14 =	sadd.s32 $0xFFFFFF80, s9;
	s17 =	sand.u32 $0x380, s9;
	v40 =	vld.idx.msk [tilespmem:v40+s20+$0x0], $0xffff;
	[tilespmem:s12+$0x9000] =	vst v35  }
0x18c: {  	s14 =	sand.u32 $0x300, s14;
	s12 =	sor.u32 s17, s29;
	v33 =	vld.idx.msk [tilespmem:v33+s20+$0x0], $0xffff  }
0x18d: {  	s3 =	sor.u32 $0x470, s3;
	s14 =	sor.u32 s14, s29;
	s17 =	sadd.s32 $0xFFFFFF00, s9;
	[tilespmem:s12+$0x0] =	vst v39;
	v35 =	vld.idx.msk [tilespmem:v37+s20+$0x0], $0xffff  }
0x18e: {  	s17 =	sand.u32 $0x280, s17;
	v37 =	vor.u32 v2, v27;
	v39 =	vld.idx.msk [tilespmem:v41+s20+$0x0], $0xffff;
	[tilespmem:s3+$0x9000] =	vst v38;
	s3 =	smov.u32 s25  }
0x18f: {  	s17 =	sor.u32 s17, s29;
	[tilespmem:s14+$0x0] =	vst v34;
	v34 =	vld.idx.msk [tilespmem:v36+s20+$0x0], $0xffff;
	v36 =	vor.u32 v10, v16  }
0x190: {  	[tilespmem:s17+$0x0] =	vst v31;
	v26 =	vld.idx.msk [tilespmem:v26+s20+$0x0], $0xffff;
	v31 =	vor.u32 v2, v18  }
0x191: {  	v38 =	vor.u32 v9, v20;
	v25 =	vld.idx.msk [tilespmem:v25+s20+$0x0], $0xffff;
	[tilespmem:s28+$0x9000] =	vst v32  }
0x192: {  	s22 =	sor.u32 $0x410, s4;
	v32 =	vor.u32 v10, v19;
	[tilespmem:s15+$0x10] =	vst v40  }
0x193: {  	v40 =	vor.u32 v2, v28;
	v37 =	vld.idx.msk [tilespmem:v37+s20+$0x0], $0xffff;
	[tilespmem:s22+$0x9000] =	vst v33  }
0x194: {  	v33 =	vor.u32 v2, v30;
	s22 =	sor.u32 $0x400, s7;
	[tilespmem:s12+$0x10] =	vst v39;
	v36 =	vld.idx.msk [tilespmem:v36+s20+$0x0], $0xffff  }
0x195: {  	s25 =	sor.u32 $0x410, s6;
	v39 =	vor.u32 v3, v27;
	v41 =	vld.idx.msk [tilespmem:v31+s20+$0x0], $0xffff;
	[tilespmem:s22+$0x9000] =	vst v34  }
0x196: {  	v34 =	vor.u32 v11, v16;
	[tilespmem:s25+$0x9000] =	vst v42;
	v31 =	vld.idx.msk [tilespmem:v38+s20+$0x0], $0xffff  }
0x197: {  	[tilespmem:s17+$0x10] =	vst v25;
	v25 =	vor.u32 v11, v17;
	v32 =	vld.idx.msk [tilespmem:v32+s20+$0x0], $0xffff  }
0x198: {  	v38 =	vld.idx.msk [tilespmem:v40+s20+$0x0], $0xffff;
	[tilespmem:s14+$0x10] =	vst v26;
	v26 =	vor.u32 v10, v20  }
0x199: {  	s22 =	sor.u32 $0x420, s4;
	v40 =	vor.u32 v11, v19;
	[tilespmem:s15+$0x20] =	vst v37;
	v37 =	vld.idx.msk [tilespmem:v33+s20+$0x0], $0xffff  }
0x19a: {  	v42 =	vor.u32 v3, v28;
	s25 =	sor.u32 $0x420, s3;
	v39 =	vld.idx.msk [tilespmem:v39+s20+$0x0], $0xffff;
	[tilespmem:s22+$0x9000] =	vst v36  }
0x19b: {  	v36 =	vor.u32 v3, v30;
	s22 =	sor.u32 $0x410, s7;
	[tilespmem:s25+$0x9000] =	vst v35;
	v33 =	vld.idx.msk [tilespmem:v34+s20+$0x0], $0xffff  }
0x19c: {  	v34 =	vor.u32 v4, v27;
	s25 =	sor.u32 $0x420, s6;
	v25 =	vld.idx.msk [tilespmem:v25+s20+$0x0], $0xffff;
	[tilespmem:s22+$0x9000] =	vst v31  }
0x19d: {  	v35 =	vor.u32 v3, v18;
	v31 =	vor.u32 v12, v16;
	[tilespmem:s25+$0x9000] =	vst v32;
	v26 =	vld.idx.msk [tilespmem:v26+s20+$0x0], $0xffff  }
0x19e: {  	v32 =	vor.u32 v12, v17;
	[tilespmem:s17+$0x20] =	vst v38;
	v38 =	vld.idx.msk [tilespmem:v40+s20+$0x0], $0xffff  }
0x19f: {  	v40 =	vld.idx.msk [tilespmem:v42+s20+$0x0], $0xffff;
	[tilespmem:s14+$0x20] =	vst v37;
	v37 =	vor.u32 v11, v20;
	v20 =	vmov v30  }
0x1a0: {  	[tilespmem:s15+$0x30] =	vst v39;
	v36 =	vld.idx.msk [tilespmem:v36+s20+$0x0], $0xffff;
	v39 =	vor.u32 v12, v19  }
0x1a1: {  	s22 =	sor.u32 $0x430, s3;
	v42 =	vor.u32 v4, v28;
	v34 =	vld.idx.msk [tilespmem:v34+s20+$0x0], $0xffff;
	[tilespmem:s12+$0x20] =	vst v41  }
0x1a2: {  	v41 =	vor.u32 v4, v20;
	v35 =	vld.idx.msk [tilespmem:v35+s20+$0x0], $0xffff;
	[tilespmem:s22+$0x9000] =	vst v25;
	s22 =	sor.u32 $0x420, s7  }
0x1a3: {  	s25 =	sor.u32 $0x430, s6;
	v25 =	vor.u32 v5, v27;
	v32 =	vld.idx.msk [tilespmem:v32+s20+$0x0], $0xffff;
	[tilespmem:s22+$0x9000] =	vst v26  }
0x1a4: {  	v30 =	vor.u32 v13, v16;
	v26 =	vor.u32 v4, v18;
	[tilespmem:s25+$0x9000] =	vst v38;
	v37 =	vld.idx.msk [tilespmem:v37+s20+$0x0], $0xffff  }
0x1a5: {  	v38 =	vor.u32 v13, v17;
	[tilespmem:s17+$0x30] =	vst v40;
	v39 =	vld.idx.msk [tilespmem:v39+s20+$0x0], $0xffff  }
0x1a6: {  	v40 =	vld.idx.msk [tilespmem:v42+s20+$0x0], $0xffff;
	[tilespmem:s14+$0x30] =	vst v36;
	v36 =	vor.u32 v12, v22  }
0x1a7: {  	s25 =	sor.u32 $0x440, s4;
	[tilespmem:s15+$0x40] =	vst v34;
	v34 =	vld.idx.msk [tilespmem:v41+s20+$0x0], $0xffff;
	v41 =	vor.u32 v13, v19  }
0x1a8: {  	s22 =	sor.u32 $0x440, s3;
	v42 =	vor.u32 v5, v28;
	v25 =	vld.idx.msk [tilespmem:v25+s20+$0x0], $0xffff;
	[tilespmem:s12+$0x30] =	vst v35  }
0x1a9: {  	v35 =	vor.u32 v5, v20;
	v43 =	vld.idx.msk [tilespmem:v26+s20+$0x0], $0xffff;
	[tilespmem:s22+$0x9000] =	vst v32;
	s22 =	sor.u32 $0x430, s7  }
0x1aa: {  	s26 =	sor.u32 $0x440, s6;
	v32 =	vor.u32 v6, v27;
	v38 =	vld.idx.msk [tilespmem:v38+s20+$0x0], $0xffff;
	[tilespmem:s22+$0x9000] =	vst v37  }
0x1ab: {  	v26 =	vor.u32 v14, v16;
	v37 =	vor.u32 v5, v18;
	[tilespmem:s26+$0x9000] =	vst v39;
	v39 =	vld.idx.msk [tilespmem:v36+s20+$0x0], $0xffff  }
0x1ac: {  	[tilespmem:s17+$0x40] =	vst v40;
	v40 =	vor.u32 v14, v17;
	v41 =	vld.idx.msk [tilespmem:v41+s20+$0x0], $0xffff  }
0x1ad: {  	v42 =	vld.idx.msk [tilespmem:v42+s20+$0x0], $0xffff;
	[tilespmem:s14+$0x40] =	vst v34;
	v34 =	vor.u32 v13, v22  }
0x1ae: {  	v44 =	vor.u32 v14, v19;
	v19 =	vmov v28;
	s22 =	sor.u32 $0x450, s4;
	[tilespmem:s15+$0x50] =	vst v25;
	v35 =	vld.idx.msk [tilespmem:v35+s20+$0x0], $0xffff  }
0x1af: {  	s26 =	sor.u32 $0x450, s3;
	v45 =	vld.idx.msk [tilespmem:v32+s20+$0x0], $0xffff;
	v32 =	vor.u32 v6, v19;
	[tilespmem:s12+$0x40] =	vst v43  }
0x1b0: {  	v43 =	vor.u32 v6, v20;
	v36 =	vld.idx.msk [tilespmem:v37+s20+$0x0], $0xffff;
	[tilespmem:s26+$0x9000] =	vst v38;
	s26 =	sor.u32 $0x440, s7  }
0x1b1: {  	s28 =	sor.u32 $0x450, s6;
	v38 =	vor.u32 v7, v27;
	v25 =	vld.idx.msk [tilespmem:v40+s20+$0x0], $0xffff;
	[tilespmem:s26+$0x9000] =	vst v39  }
.Ltmp1:
0x1b2: {  	[tilespmem:s28+$0x9000] =	vst v41;
	v28 =	vld.idx.msk [tilespmem:v34+s20+$0x0], $0xffff;
	(pc) =	sbr.rel @p1 .LBB2_4-.Ltmp1, $4  }
0x1b3: {  	[tilespmem:s17+$0x50] =	vst v42;
	v27 =	vld.idx.msk [tilespmem:v44+s20+$0x0], $0xffff  }
0x1b4: {  	v40 =	vor.u32 v6, v18;
	s28 =	sor.u32 $0x430, s4;
	v37 =	vld.idx.msk [tilespmem:v32+s20+$0x0], $0xffff;
	[tilespmem:s14+$0x50] =	vst v35;
	v32 =	vor.u32 v15, v22  }
0x1b5: {  	s26 =	sor.u32 $0x460, s4;
	v34 =	vor.u32 v14, v22;
	v35 =	vor.u32 v8, v19;
	v22 =	vmov v29;
	[tilespmem:s15+$0x60] =	vst v45;
	v39 =	vld.idx.msk [tilespmem:v43+s20+$0x0], $0xffff  }
0x1b6: {  	p0 =	por !p0, !p0;
	v41 =	vor.u32 v7, v19;
	v29 =	vor.u32 v7, v18;
	v38 =	vld.idx.msk [tilespmem:v38+s20+$0x0], $0xffff;
	[tilespmem:s28+$0x9000] =	vst v33  }
0x1b7: {  	_ =	sdelay $0x2  }
0x1b8: {  	v33 =	vor.u32 v7, v20;
	[tilespmem:s12+$0x50] =	vst v36  }
0x1b9: {  	v36 =	vld.idx.msk [tilespmem:v40+s20+$0x0], $0xffff;
	_ =	sdelay $0x1  }
0x1ba: {  	[tilespmem:s17+$0x60] =	vst v37  }
0x1bb: {  	v37 =	vld.idx.msk [tilespmem:v41+s20+$0x0], $0xffff;
	[tilespmem:s14+$0x60] =	vst v39  }
0x1bc: {  	v33 =	vld.idx.msk [tilespmem:v33+s20+$0x0], $0xffff  }
0x1bd: {  	v45 =	vor.u32 v8, v20;
	[tilespmem:s12+$0x60] =	vst v36  }
0x1be: {  	v46 =	vor.u32 v8, v21;
	v29 =	vld.idx.msk [tilespmem:v29+s20+$0x0], $0xffff  }
0x1bf: {  	v47 =	vor.u32 v8, v18  }
0x1c0: {  	[tilespmem:s17+$0x70] =	vst v37  }
0x1c1: {  	v35 =	vld.idx.msk [tilespmem:v35+s20+$0x0], $0xffff;
	[tilespmem:s14+$0x70] =	vst v33  }
0x1c2: {  	v48 =	vor.u32 v9, v19;
	[tilespmem:s15+$0x70] =	vst v38;
	v36 =	vld.idx.msk [tilespmem:v45+s20+$0x0], $0xffff  }
0x1c3: {  	s1 =	simm.s32 $0x1;
	v49 =	vld.idx.msk [tilespmem:v46+s20+$0x0], $0xffff;
	[tilespmem:s12+$0x70] =	vst v29;
	v29 =	vor.u32 v9, v20  }
0x1c4: {  	v50 =	vor.u32 v9, v21;
	s1 =	simm.s32 @!p0 $0x0;
	v51 =	vld.idx.msk [tilespmem:v47+s20+$0x0], $0xffff  }
0x1c5: {  	s5 =	sor.u32 $0x400, s11;
	v52 =	vor.u32 v9, v18;
	s1 =	sshll.u32 s1, $0x9  }
0x1c6: {  	s29 =	sor.u32 $0x400, s10;
	s1 =	sadd.s32 s1, s24;
	[tilespmem:s5+$0x9000] =	vst v35  }
0x1c7: {  	s8 =	sor.u32 $0x400, s1;
	v33 =	vld.idx.msk [tilespmem:v48+s20+$0x0], $0xffff;
	[tilespmem:s29+$0x9000] =	vst v36  }
0x1c8: {  	s30 =	sor.u32 $0x400, s13;
	v53 =	vor.u32 v10, v19;
	[tilespmem:s8+$0x9000] =	vst v49;
	v29 =	vld.idx.msk [tilespmem:v29+s20+$0x0], $0xffff  }
0x1c9: {  	v55 =	vor.u32 v10, v20;
	v54 =	vld.idx.msk [tilespmem:v50+s20+$0x0], $0xffff;
	[tilespmem:s30+$0x9000] =	vst v51  }
0x1ca: {  	v56 =	vor.u32 v10, v21;
	v39 =	vld.idx.msk [tilespmem:v52+s20+$0x0], $0xffff  }
0x1cb: {  	v57 =	vor.u32 v10, v18;
	s8 =	sor.u32 $0x410, s11  }
0x1cc: {  	s9 =	sor.u32 $0x410, s10;
	[tilespmem:s8+$0x9000] =	vst v33  }
0x1cd: {  	s12 =	sor.u32 $0x410, s1;
	v33 =	vld.idx.msk [tilespmem:v53+s20+$0x0], $0xffff;
	[tilespmem:s9+$0x9000] =	vst v29  }
0x1ce: {  	s14 =	sor.u32 $0x410, s13;
	[tilespmem:s12+$0x9000] =	vst v54;
	v29 =	vor.u32 v11, v19;
	v58 =	vld.idx.msk [tilespmem:v55+s20+$0x0], $0xffff  }
0x1cf: {  	v20 =	vor.u32 v11, v20;
	v36 =	vld.idx.msk [tilespmem:v56+s20+$0x0], $0xffff;
	[tilespmem:s14+$0x9000] =	vst v39  }
0x1d0: {  	v60 =	vor.u32 v11, v21;
	[tilespmem:s16+$0x9000] =	vst v28;
	s24 =	sor.u32 $0x460, s6;
	v59 =	vld.idx.msk [tilespmem:v57+s20+$0x0], $0xffff  }
0x1d1: {  	v28 =	vor.u32 v11, v18;
	v31 =	vld.idx.msk [tilespmem:v31+s20+$0x0], $0xffff;
	s15 =	sor.u32 $0x420, s11;
	[tilespmem:s24+$0x9000] =	vst v27  }
0x1d2: {  	s16 =	sor.u32 $0x420, s10;
	[tilespmem:s15+$0x9000] =	vst v33  }
0x1d3: {  	s17 =	sor.u32 $0x420, s1;
	v29 =	vld.idx.msk [tilespmem:v29+s20+$0x0], $0xffff;
	[tilespmem:s16+$0x9000] =	vst v58  }
0x1d4: {  	s19 =	sor.u32 $0x420, s13;
	v61 =	vor.u32 v12, v19;
	[tilespmem:s17+$0x9000] =	vst v36;
	v20 =	vld.idx.msk [tilespmem:v20+s20+$0x0], $0xffff  }
0x1d5: {  	v63 =	vor.u32 v12, v22;
	v62 =	vld.idx.msk [tilespmem:v60+s20+$0x0], $0xffff;
	[tilespmem:s19+$0x9000] =	vst v59  }
0x1d6: {  	[tilespmem:s25+$0x9000] =	vst v31;
	v27 =	vld.idx.msk [tilespmem:v28+s20+$0x0], $0xffff;
	v28 =	vor.u32 v12, v21  }
0x1d7: {  	s28 =	sor.u32 $0x430, s11;
	v31 =	vor.u32 v12, v18;
	v30 =	vld.idx.msk [tilespmem:v30+s20+$0x0], $0xffff  }
0x1d8: {  	v23 =	vld.idx.msk [tilespmem:v23+s20+$0x0], $0xffff;
	s29 =	sor.u32 $0x430, s10;
	[tilespmem:s28+$0x9000] =	vst v29  }
0x1d9: {  	s30 =	sor.u32 $0x430, s1;
	v29 =	vld.idx.msk [tilespmem:v61+s20+$0x0], $0xffff;
	[tilespmem:s29+$0x9000] =	vst v20  }
0x1da: {  	s9 =	sor.u32 $0x430, s13;
	[tilespmem:s30+$0x9000] =	vst v62;
	v20 =	vor.u32 v13, v19;
	v40 =	vld.idx.msk [tilespmem:v63+s20+$0x0], $0xffff  }
0x1db: {  	v41 =	vor.u32 v13, v22;
	v28 =	vld.idx.msk [tilespmem:v28+s20+$0x0], $0xffff;
	[tilespmem:s9+$0x9000] =	vst v27  }
0x1dc: {  	[tilespmem:s22+$0x9000] =	vst v30;
	s14 =	sor.u32 $0x470, s6;
	v27 =	vor.u32 v13, v21;
	v31 =	vld.idx.msk [tilespmem:v31+s20+$0x0], $0xffff  }
0x1dd: {  	v34 =	vld.idx.msk [tilespmem:v34+s20+$0x0], $0xffff;
	[tilespmem:s14+$0x9000] =	vst v23;
	v23 =	vor.u32 v13, v18;
	s15 =	sor.u32 $0x440, s11  }
0x1de: {  	v26 =	vld.idx.msk [tilespmem:v26+s20+$0x0], $0xffff;
	s16 =	sor.u32 $0x440, s10;
	[tilespmem:s15+$0x9000] =	vst v29  }
0x1df: {  	s17 =	sor.u32 $0x440, s1;
	v20 =	vld.idx.msk [tilespmem:v20+s20+$0x0], $0xffff;
	[tilespmem:s16+$0x9000] =	vst v40  }
0x1e0: {  	s19 =	sor.u32 $0x440, s13;
	v19 =	vor.u32 v14, v19;
	[tilespmem:s17+$0x9000] =	vst v28;
	v28 =	vld.idx.msk [tilespmem:v41+s20+$0x0], $0xffff  }
0x1e1: {  	s12 =	sor.u32 $0x460, s7;
	v29 =	vor.u32 v14, v22;
	v27 =	vld.idx.msk [tilespmem:v27+s20+$0x0], $0xffff;
	[tilespmem:s19+$0x9000] =	vst v31  }
0x1e2: {  	v30 =	vor.u32 v14, v21;
	[tilespmem:s12+$0x9000] =	vst v34;
	v23 =	vld.idx.msk [tilespmem:v23+s20+$0x0], $0xffff  }
0x1e3: {  	s25 =	sor.u32 $0x450, s11;
	[tilespmem:s26+$0x9000] =	vst v26;
	v31 =	vor.u32 v14, v18  }
0x1e4: {  	v17 =	vor.u32 v15, v17;
	v32 =	vld.idx.msk [tilespmem:v32+s20+$0x0], $0xffff;
	[tilespmem:s25+$0x9000] =	vst v20  }
0x1e5: {  	v16 =	vor.u32 v15, v16;
	s28 =	sor.u32 $0x450, s1;
	v19 =	vld.idx.msk [tilespmem:v19+s20+$0x0], $0xffff;
	[tilespmem:s18+$0x9000] =	vst v28  }
0x1e6: {  	s29 =	sor.u32 $0x450, s13;
	[tilespmem:s28+$0x9000] =	vst v27;
	v20 =	vld.idx.msk [tilespmem:v29+s20+$0x0], $0xffff  }
0x1e7: {  	s30 =	sor.u32 $0x460, s3;
	v22 =	vor.u32 v15, v22;
	v27 =	vld.idx.msk [tilespmem:v30+s20+$0x0], $0xffff;
	[tilespmem:s29+$0x9000] =	vst v23  }
0x1e8: {  	s24 =	sor.u32 $0x470, s7;
	[tilespmem:s30+$0x9000] =	vst v25;
	v21 =	vor.u32 v15, v21;
	v23 =	vld.idx.msk [tilespmem:v31+s20+$0x0], $0xffff  }
0x1e9: {  	[tilespmem:s24+$0x9000] =	vst v32;
	s6 =	sor.u32 $0x460, s11;
	v17 =	vld.idx.msk [tilespmem:v17+s20+$0x0], $0xffff;
	v18 =	vor.u32 v15, v18  }
0x1ea: {  	s7 =	sor.u32 $0x460, s10;
	v16 =	vld.idx.msk [tilespmem:v16+s20+$0x0], $0xffff;
	[tilespmem:s6+$0x9000] =	vst v19  }
0x1eb: {  	s8 =	sor.u32 $0x460, s1;
	v19 =	vld.idx.msk [tilespmem:v24+s20+$0x0], $0xffff;
	[tilespmem:s7+$0x9000] =	vst v20  }
0x1ec: {  	s9 =	sor.u32 $0x460, s13;
	v20 =	vld.idx.msk [tilespmem:v22+s20+$0x0], $0xffff;
	[tilespmem:s8+$0x9000] =	vst v27  }
0x1ed: {  	s12 =	sor.u32 $0x470, s3;
	v21 =	vld.idx.msk [tilespmem:v21+s20+$0x0], $0xffff;
	[tilespmem:s9+$0x9000] =	vst v23  }
0x1ee: {  	s4 =	sor.u32 $0x470, s4;
	[tilespmem:s12+$0x9000] =	vst v17;
	v17 =	vld.idx.msk [tilespmem:v18+s20+$0x0], $0xffff  }
0x1ef: {  	[tilespmem:s4+$0x9000] =	vst v16;
	s14 =	sor.u32 $0x470, s11  }
0x1f0: {  	s15 =	sor.u32 $0x470, s10;
	[tilespmem:s14+$0x9000] =	vst v19  }
0x1f1: {  	s1 =	sor.u32 $0x470, s1;
	[tilespmem:s15+$0x9000] =	vst v20  }
0x1f2: {  	s16 =	sor.u32 $0x470, s13;
	[tilespmem:s1+$0x9000] =	vst v21  }
0x1f3: {  	s17 =	simm.s32 $0x9000;
	s7 =	simm.s32 $0x0;
	[tilespmem:s16+$0x9000] =	vst v17  }
0x1f4: {  	s19 =	simm.s32 $0x3;
	s18 =	simm.s32 $0x1;
	v16 =	vmov s7;
	s1 =	rddreg [dreg:$0x9]  }
0x1f5: {  	v17 =	vshll.u32 v16, $0x9;
	v16 =	vshll.u32 v16, $0x7;
	[hbm4b:s1+s7] =	stream.linear.scatter [tilespmem:s17], [sflag:$0x6], $0x1000, $0x38;
	[tilespmem:$0xA000] =	vst v63  }
0x1f6: {  	v18 =	vmov s18;
	v19 =	vand.u32 $0x1000, v17;
	v20 =	vand.u32 $0x200, v16;
	_ =	swait.ge [sflag:s19], $0x2000  }
0x1f7: {  	s22 =	simm.s32 $0x3;
	v16 =	vshll.u32 v18, $0x7;
	v18 =	vshll.u32 v18, $0x9;
	v19 =	vor.u32 v20, v19;
	[sflag:s19] =	ssyncset.done $0x0  }
0x1f8: {  	s25 =	simm.s32 $0x5;
	v16 =	vand.u32 $0x280, v16;
	v18 =	vand.u32 $0x1000, v18;
	v24 =	vor.u32 v0, v19;
	s24 =	rddreg [dreg:$0xa];
	[sflag:s19] =	ssyncadd.s32 $0xFFFFE000  }
0x1f9: {  	v22 =	vmov s22;
	v21 =	vor.u32 v16, v18;
	[tilespmem:s20], [sflag:$0x2] =	stream.linear.gather [hbm4b:s24+s7], $0x2000, $0x38;
	[tilespmem:$0xA000] =	vst v63  }
0x1fa: {  	s1 =	simm.s32 $0x2;
	v16 =	vshll.u32 v22, $0x9;
	v18 =	vshll.u32 v22, $0x7;
	v25 =	vor.u32 v0, v21;
	_ =	swait.ge [sflag:s25], $0x1000  }
0x1fb: {  	v22 =	vmov s1;
	v16 =	vand.u32 $0x1000, v16;
	v18 =	vand.u32 $0x380, v18;
	[sflag:s25] =	ssyncset.done $0x0  }
0x1fc: {  	v23 =	vshll.u32 v22, $0x7;
	v22 =	vshll.u32 v22, $0x9;
	v16 =	vor.u32 v18, v16;
	[sflag:s25] =	ssyncadd.s32 $0xFFFFF000  }
0x1fd: {  	v26 =	vand.u32 $0x1000, v22;
	v23 =	vand.u32 $0x300, v23;
	v18 =	vor.u32 v0, v16;
	v27 =	vld.idx.msk [tilespmem:v24+s21+$0x0], $0xffff  }
0x1fe: {  	v24 =	vor.u32 v23, v26;
	v26 =	vor.u32 v1, v19  }
0x1ff: {  	s28 =	simm.s32 $0x0;
	s26 =	sand.u32 $0x800, s7;
	v25 =	vld.idx.msk [tilespmem:v25+s21+$0x0], $0xffff;
	v28 =	vor.u32 v0, v24  }
0x200: {  	s4 =	sand.u32 $0x200, s28;
	s29 =	sor.u32 $0x8000, s26;
	v29 =	vor.u32 v1, v21  }
0x201: {  	s10 =	simm.s32 $0x80;
	s30 =	sor.u32 s4, s29  }
0x202: {  	s3 =	sand.u32 $0x280, s10;
	v18 =	vld.idx.msk [tilespmem:v18+s21+$0x0], $0xffff;
	[tilespmem:s30+$0x0] =	vst v27  }
0x203: {  	s3 =	sor.u32 s3, s29;
	v27 =	vor.u32 v1, v16;
	v26 =	vld.idx.msk [tilespmem:v26+s21+$0x0], $0xffff  }
0x204: {  	s11 =	simm.s32 $0x180;
	v30 =	vor.u32 v2, v19;
	[tilespmem:s3+$0x0] =	vst v25;
	v28 =	vld.idx.msk [tilespmem:v28+s21+$0x0], $0xffff  }
0x205: {  	s4 =	sand.u32 $0x380, s11;
	v25 =	vor.u32 v1, v24;
	v29 =	vld.idx.msk [tilespmem:v29+s21+$0x0], $0xffff  }
0x206: {  	s12 =	simm.s32 $0x100;
	s4 =	sor.u32 s4, s29;
	v31 =	vor.u32 v2, v21  }
0x207: {  	s8 =	sand.u32 $0x300, s12;
	[tilespmem:s4+$0x0] =	vst v18  }
0x208: {  	s13 =	sor.u32 s8, s29;
	v18 =	vld.idx.msk [tilespmem:v27+s21+$0x0], $0xffff;
	[tilespmem:s30+$0x10] =	vst v26  }
0x209: {  	[tilespmem:s13+$0x0] =	vst v28;
	v26 =	vor.u32 v2, v16;
	v27 =	vld.idx.msk [tilespmem:v30+s21+$0x0], $0xffff  }
0x20a: {  	v28 =	vor.u32 v3, v19;
	[tilespmem:s3+$0x10] =	vst v29;
	v25 =	vld.idx.msk [tilespmem:v25+s21+$0x0], $0xffff  }
0x20b: {  	v29 =	vor.u32 v2, v24;
	v30 =	vld.idx.msk [tilespmem:v31+s21+$0x0], $0xffff  }
0x20c: {  	v31 =	vor.u32 v3, v21  }
0x20d: {  	[tilespmem:s4+$0x10] =	vst v18  }
0x20e: {  	v18 =	vld.idx.msk [tilespmem:v26+s21+$0x0], $0xffff;
	[tilespmem:s30+$0x20] =	vst v27  }
0x20f: {  	v26 =	vor.u32 v3, v16;
	[tilespmem:s13+$0x10] =	vst v25;
	v25 =	vld.idx.msk [tilespmem:v28+s21+$0x0], $0xffff  }
0x210: {  	[tilespmem:s3+$0x20] =	vst v30;
	v27 =	vld.idx.msk [tilespmem:v29+s21+$0x0], $0xffff;
	v28 =	vor.u32 v4, v19  }
0x211: {  	v29 =	vor.u32 v3, v24;
	v30 =	vld.idx.msk [tilespmem:v31+s21+$0x0], $0xffff  }
0x212: {  	v31 =	vor.u32 v4, v21  }
0x213: {  	[tilespmem:s4+$0x20] =	vst v18  }
0x214: {  	v18 =	vld.idx.msk [tilespmem:v26+s21+$0x0], $0xffff;
	[tilespmem:s30+$0x30] =	vst v25  }
0x215: {  	v26 =	vor.u32 v4, v16;
	[tilespmem:s13+$0x20] =	vst v27;
	v25 =	vld.idx.msk [tilespmem:v28+s21+$0x0], $0xffff  }
0x216: {  	[tilespmem:s3+$0x30] =	vst v30;
	v27 =	vld.idx.msk [tilespmem:v29+s21+$0x0], $0xffff;
	v28 =	vor.u32 v5, v19  }
0x217: {  	v29 =	vor.u32 v4, v24;
	v30 =	vld.idx.msk [tilespmem:v31+s21+$0x0], $0xffff  }
0x218: {  	v31 =	vor.u32 v5, v21  }
0x219: {  	[tilespmem:s4+$0x30] =	vst v18  }
0x21a: {  	v18 =	vld.idx.msk [tilespmem:v26+s21+$0x0], $0xffff;
	[tilespmem:s30+$0x40] =	vst v25  }
0x21b: {  	v26 =	vor.u32 v5, v16;
	[tilespmem:s13+$0x30] =	vst v27;
	v25 =	vld.idx.msk [tilespmem:v28+s21+$0x0], $0xffff  }
0x21c: {  	[tilespmem:s3+$0x40] =	vst v30;
	v27 =	vld.idx.msk [tilespmem:v29+s21+$0x0], $0xffff;
	v28 =	vor.u32 v6, v19  }
0x21d: {  	v29 =	vor.u32 v5, v24;
	v30 =	vld.idx.msk [tilespmem:v31+s21+$0x0], $0xffff  }
0x21e: {  	v31 =	vor.u32 v6, v21  }
0x21f: {  	[tilespmem:s4+$0x40] =	vst v18  }
0x220: {  	v18 =	vld.idx.msk [tilespmem:v26+s21+$0x0], $0xffff;
	[tilespmem:s30+$0x50] =	vst v25  }
0x221: {  	v26 =	vor.u32 v6, v16;
	[tilespmem:s13+$0x40] =	vst v27;
	v25 =	vld.idx.msk [tilespmem:v28+s21+$0x0], $0xffff  }
0x222: {  	v19 =	vor.u32 v7, v19;
	[tilespmem:s3+$0x50] =	vst v30;
	v27 =	vld.idx.msk [tilespmem:v29+s21+$0x0], $0xffff  }
0x223: {  	s5 =	simm.s32 $0x4;
	v28 =	vor.u32 v6, v24;
	v29 =	vld.idx.msk [tilespmem:v31+s21+$0x0], $0xffff  }
0x224: {  	v42 =	vmov s5;
	v17 =	vor.u32 v17, v20;
	v20 =	vor.u32 v7, v21  }
0x225: {  	s9 =	simm.s32 $0x7;
	s14 =	simm.s32 $0x5;
	v43 =	vor.u32 v8, v17;
	v44 =	vor.u32 v7, v24;
	v30 =	vor.u32 v8, v21;
	[tilespmem:s4+$0x50] =	vst v18  }
0x226: {  	v31 =	vor.u32 v7, v16;
	v18 =	vmov s14;
	v45 =	vld.idx.msk [tilespmem:v26+s21+$0x0], $0xffff;
	v26 =	vmov s9;
	[tilespmem:s30+$0x60] =	vst v25  }
0x227: {  	v48 =	vshll.u32 v18, $0x9;
	v25 =	vshll.u32 v42, $0x9;
	[tilespmem:s13+$0x50] =	vst v27;
	v27 =	vshll.u32 v18, $0x7;
	v19 =	vld.idx.msk [tilespmem:v19+s21+$0x0], $0xffff  }
0x228: {  	[tilespmem:s3+$0x60] =	vst v29;
	v18 =	vshll.u32 v26, $0x7;
	v46 =	vand.u32 $0x1000, v25;
	v47 =	vld.idx.msk [tilespmem:v28+s21+$0x0], $0xffff;
	v28 =	vshll.u32 v26, $0x9  }
0x229: {  	v26 =	vshll.u32 v42, $0x7;
	v49 =	vld.idx.msk [tilespmem:v20+s21+$0x0], $0xffff;
	v18 =	vand.u32 $0x380, v18;
	v28 =	vand.u32 $0x1000, v28  }
0x22a: {  	s15 =	simm.s32 $0x6;
	v50 =	vand.u32 $0x280, v27;
	v27 =	vand.u32 $0x200, v26;
	v18 =	vor.u32 v18, v28  }
0x22b: {  	v20 =	vmov s15;
	v26 =	vor.u32 v27, v46;
	v51 =	vor.u32 v0, v18;
	[tilespmem:s4+$0x60] =	vst v45  }
0x22c: {  	v29 =	vshll.u32 v20, $0x7;
	v28 =	vshll.u32 v20, $0x9;
	v52 =	vor.u32 v0, v26;
	v31 =	vld.idx.msk [tilespmem:v31+s21+$0x0], $0xffff;
	[tilespmem:s30+$0x70] =	vst v19  }
0x22d: {  	p0 =	por $0x0, $0x0;
	s6 =	simm.s32 $0x1;
	v53 =	vor.u32 v8, v16;
	v29 =	vand.u32 $0x300, v29;
	[tilespmem:s13+$0x60] =	vst v47;
	v19 =	vand.u32 $0x1000, v28;
	v33 =	vld.idx.msk [tilespmem:v43+s21+$0x0], $0xffff  }
0x22e: {  	s6 =	simm.s32 @!p0 $0x0;
	v54 =	vor.u32 v9, v17;
	v38 =	vand.u32 $0x1000, v48;
	[tilespmem:s3+$0x70] =	vst v49;
	v34 =	vld.idx.msk [tilespmem:v44+s21+$0x0], $0xffff;
	v20 =	vor.u32 v29, v19  }
0x22f: {  	s16 =	sshll.u32 s6, $0x9;
	s17 =	sand.u32 $0x7, s7;
	v19 =	vor.u32 v50, v38;
	v30 =	vld.idx.msk [tilespmem:v30+s21+$0x0], $0xffff;
	v55 =	vor.u32 v0, v20  }
0x230: {  	s6 =	sshll.u32 s17, $0x7;
	s3 =	sadd.s32 $0x0, s16;
	v38 =	vor.u32 v0, v19;
	v36 =	vld.idx.msk [tilespmem:v51+s21+$0x0], $0xffff  }
0x231: {  	v56 =	vor.u32 v9, v21;
	s19 =	sadd.s32 $0x0, s6;
	s18 =	sor.u32 $0x400, s3;
	v35 =	vld.idx.msk [tilespmem:v52+s21+$0x0], $0xffff;
	[tilespmem:s4+$0x70] =	vst v31  }
0x232: {  	s8 =	simm.s32 $0x400;
	s6 =	sadd.s32 $0x80, s19;
	v63 =	vor.u32 v8, v24;
	v57 =	vld.idx.msk [tilespmem:v53+s21+$0x0], $0xffff;
	[tilespmem:s18+$0x8000] =	vst v33  }
0x233: {  	s22 =	sand.u32 $0x800, s8;
	s24 =	simm.s32 $0x200;
	s25 =	sor.u32 $0x400, s6;
	v31 =	vor.u32 v1, v26;
	v58 =	vld.idx.msk [tilespmem:v54+s21+$0x0], $0xffff  }
0x234: {  	s26 =	sor.u32 $0x8000, s22;
	s11 =	sand.u32 $0x200, s24;
	s9 =	simm.s32 $0x380;
	v61 =	vor.u32 v1, v18;
	[tilespmem:s25+$0x8000] =	vst v30;
	v32 =	vld.idx.msk [tilespmem:v55+s21+$0x0], $0xffff  }
0x235: {  	v59 =	vor.u32 v9, v16;
	s15 =	sor.u32 s11, s26;
	s30 =	sand.u32 $0x380, s9;
	[tilespmem:s13+$0x70] =	vst v34;
	v30 =	vld.idx.msk [tilespmem:v38+s21+$0x0], $0xffff  }
0x236: {  	v60 =	vor.u32 v10, v17;
	s17 =	simm.s32 $0x280;
	s12 =	sor.u32 s30, s26;
	s4 =	sadd.s32 $0x180, s19;
	v62 =	vld.idx.msk [tilespmem:v56+s21+$0x0], $0xffff;
	[tilespmem:s15+$0x0] =	vst v35  }
0x237: {  	s7 =	sand.u32 $0x3, s7;
	s16 =	simm.s32 $0x300;
	v45 =	vor.u32 v1, v19;
	s28 =	sor.u32 $0x400, s4;
	v51 =	vld.idx.msk [tilespmem:v63+s21+$0x0], $0xffff;
	[tilespmem:s12+$0x0] =	vst v36  }
0x238: {  	s7 =	sshll.u32 s7, $0x8;
	s29 =	sor.u32 $0x410, s3;
	s11 =	sand.u32 $0x300, s16;
	v42 =	vor.u32 v1, v20;
	v31 =	vld.idx.msk [tilespmem:v31+s21+$0x0], $0xffff;
	[tilespmem:s28+$0x8000] =	vst v57  }
0x239: {  	s7 =	sadd.s32 $0x0, s7;
	s14 =	sor.u32 s11, s26;
	v53 =	vor.u32 v9, v24;
	s18 =	sand.u32 $0x280, s17;
	v49 =	vld.idx.msk [tilespmem:v61+s21+$0x0], $0xffff;
	[tilespmem:s29+$0x8000] =	vst v58  }
0x23a: {  	s7 =	sadd.s32 $0x100, s7;
	v48 =	vor.u32 v2, v26;
	s17 =	sor.u32 s18, s26;
	v46 =	vld.idx.msk [tilespmem:v59+s21+$0x0], $0xffff;
	[tilespmem:s14+$0x0] =	vst v32  }
0x23b: {  	s22 =	sor.u32 $0x400, s7;
	v52 =	vor.u32 v2, v18;
	[tilespmem:s17+$0x0] =	vst v30;
	v47 =	vld.idx.msk [tilespmem:v60+s21+$0x0], $0xffff  }
0x23c: {  	v50 =	vor.u32 v10, v16;
	[tilespmem:s22+$0x8000] =	vst v51;
	v33 =	vld.idx.msk [tilespmem:v45+s21+$0x0], $0xffff  }
0x23d: {  	s24 =	sor.u32 $0x410, s6;
	v30 =	vld.idx.msk [tilespmem:v42+s21+$0x0], $0xffff;
	[tilespmem:s15+$0x10] =	vst v31;
	v31 =	vor.u32 v10, v21  }
0x23e: {  	v54 =	vor.u32 v2, v19;
	[tilespmem:s24+$0x8000] =	vst v62;
	v32 =	vld.idx.msk [tilespmem:v53+s21+$0x0], $0xffff  }
0x23f: {  	s19 =	sor.u32 $0x410, s4;
	v55 =	vor.u32 v2, v20;
	[tilespmem:s12+$0x10] =	vst v49;
	v40 =	vld.idx.msk [tilespmem:v48+s21+$0x0], $0xffff  }
0x240: {  	v59 =	vor.u32 v11, v17;
	v39 =	vld.idx.msk [tilespmem:v52+s21+$0x0], $0xffff;
	[tilespmem:s19+$0x8000] =	vst v46  }
0x241: {  	v57 =	vor.u32 v3, v26;
	v56 =	vld.idx.msk [tilespmem:v50+s21+$0x0], $0xffff;
	[tilespmem:s17+$0x10] =	vst v33  }
0x242: {  	s26 =	sor.u32 $0x420, s3;
	v45 =	vor.u32 v3, v18;
	[tilespmem:s14+$0x10] =	vst v30;
	v31 =	vld.idx.msk [tilespmem:v31+s21+$0x0], $0xffff  }
0x243: {  	s28 =	sor.u32 $0x410, s7;
	v58 =	vor.u32 v11, v16;
	[tilespmem:s26+$0x8000] =	vst v47;
	v60 =	vld.idx.msk [tilespmem:v54+s21+$0x0], $0xffff  }
0x244: {  	v30 =	vor.u32 v10, v24;
	[tilespmem:s28+$0x8000] =	vst v32;
	v37 =	vld.idx.msk [tilespmem:v55+s21+$0x0], $0xffff  }
0x245: {  	v61 =	vor.u32 v11, v21;
	v33 =	vld.idx.msk [tilespmem:v59+s21+$0x0], $0xffff;
	[tilespmem:s15+$0x20] =	vst v40  }
0x246: {  	s25 =	sor.u32 $0x420, s4;
	v62 =	vor.u32 v3, v19;
	[tilespmem:s12+$0x20] =	vst v39;
	v38 =	vld.idx.msk [tilespmem:v57+s21+$0x0], $0xffff  }
0x247: {  	v63 =	vor.u32 v3, v20;
	s29 =	sor.u32 $0x420, s6;
	v32 =	vld.idx.msk [tilespmem:v45+s21+$0x0], $0xffff;
	[tilespmem:s25+$0x8000] =	vst v56  }
0x248: {  	v44 =	vor.u32 v4, v26;
	v43 =	vld.idx.msk [tilespmem:v58+s21+$0x0], $0xffff;
	[tilespmem:s29+$0x8000] =	vst v31  }
0x249: {  	v30 =	vld.idx.msk [tilespmem:v30+s21+$0x0], $0xffff;
	[tilespmem:s17+$0x20] =	vst v60;
	v31 =	vor.u32 v12, v17  }
0x24a: {  	s30 =	sor.u32 $0x430, s3;
	v24 =	vor.u32 v11, v24;
	[tilespmem:s14+$0x20] =	vst v37;
	v46 =	vld.idx.msk [tilespmem:v61+s21+$0x0], $0xffff  }
0x24b: {  	v48 =	vor.u32 v12, v21;
	[tilespmem:s30+$0x8000] =	vst v33;
	v47 =	vld.idx.msk [tilespmem:v62+s21+$0x0], $0xffff  }
0x24c: {  	v49 =	vor.u32 v4, v19;
	v34 =	vld.idx.msk [tilespmem:v63+s21+$0x0], $0xffff;
	[tilespmem:s15+$0x30] =	vst v38  }
0x24d: {  	s11 =	sor.u32 $0x420, s7;
	v50 =	vor.u32 v4, v20;
	[tilespmem:s12+$0x30] =	vst v32;
	v35 =	vld.idx.msk [tilespmem:v44+s21+$0x0], $0xffff  }
0x24e: {  	s13 =	sor.u32 $0x430, s6;
	v51 =	vor.u32 v5, v26;
	[tilespmem:s11+$0x8000] =	vst v30;
	v31 =	vld.idx.msk [tilespmem:v31+s21+$0x0], $0xffff  }
0x24f: {  	v30 =	vor.u32 v4, v18;
	v24 =	vld.idx.msk [tilespmem:v24+s21+$0x0], $0xffff;
	[tilespmem:s13+$0x8000] =	vst v46  }
0x250: {  	v52 =	vor.u32 v23, v22;
	v22 =	vor.u32 v13, v17;
	[tilespmem:s17+$0x30] =	vst v47;
	v23 =	vld.idx.msk [tilespmem:v48+s21+$0x0], $0xffff  }
0x251: {  	v54 =	vor.u32 v12, v52;
	[tilespmem:s14+$0x30] =	vst v34;
	v53 =	vld.idx.msk [tilespmem:v49+s21+$0x0], $0xffff  }
0x252: {  	v56 =	vor.u32 v13, v21;
	s30 =	sor.u32 $0x430, s4;
	v55 =	vld.idx.msk [tilespmem:v50+s21+$0x0], $0xffff;
	[tilespmem:s15+$0x40] =	vst v35  }
0x253: {  	s16 =	sor.u32 $0x440, s3;
	v57 =	vor.u32 v5, v19;
	[tilespmem:s30+$0x8000] =	vst v43;
	v33 =	vld.idx.msk [tilespmem:v51+s21+$0x0], $0xffff  }
0x254: {  	s18 =	sor.u32 $0x430, s7;
	v58 =	vor.u32 v5, v20;
	v30 =	vld.idx.msk [tilespmem:v30+s21+$0x0], $0xffff;
	[tilespmem:s16+$0x8000] =	vst v31  }
0x255: {  	s19 =	sor.u32 $0x440, s6;
	v31 =	vor.u32 v6, v26;
	[tilespmem:s18+$0x8000] =	vst v24;
	v22 =	vld.idx.msk [tilespmem:v22+s21+$0x0], $0xffff  }
0x256: {  	v24 =	vor.u32 v5, v18;
	v34 =	vld.idx.msk [tilespmem:v54+s21+$0x0], $0xffff;
	[tilespmem:s19+$0x8000] =	vst v23  }
0x257: {  	v59 =	vor.u32 v14, v17;
	[tilespmem:s17+$0x40] =	vst v53;
	v37 =	vld.idx.msk [tilespmem:v56+s21+$0x0], $0xffff  }
0x258: {  	v60 =	vor.u32 v13, v52;
	[tilespmem:s14+$0x40] =	vst v55;
	v38 =	vld.idx.msk [tilespmem:v57+s21+$0x0], $0xffff  }
0x259: {  	v61 =	vor.u32 v14, v21;
	v32 =	vld.idx.msk [tilespmem:v58+s21+$0x0], $0xffff;
	[tilespmem:s15+$0x50] =	vst v33  }
0x25a: {  	s22 =	sor.u32 $0x450, s3;
	v63 =	vor.u32 v6, v19;
	v44 =	vor.u32 v6, v20;
	[tilespmem:s12+$0x40] =	vst v30;
	v62 =	vld.idx.msk [tilespmem:v31+s21+$0x0], $0xffff  }
0x25b: {  	s25 =	sor.u32 $0x440, s7;
	v23 =	vor.u32 v15, v21;
	v21 =	vor.u32 v25, v27;
	v36 =	vld.idx.msk [tilespmem:v24+s21+$0x0], $0xffff;
	[tilespmem:s22+$0x8000] =	vst v22  }
0x25c: {  	s24 =	sand.u32 $0x3, s1;
	s26 =	sand.u32 $0x7, s5;
	s28 =	sor.u32 $0x450, s6;
	v22 =	vor.u32 v29, v28;
	v29 =	vor.u32 v7, v26;
	[tilespmem:s25+$0x8000] =	vst v34;
	v25 =	vld.idx.msk [tilespmem:v59+s21+$0x0], $0xffff  }
0x25d: {  	p0 =	por !p0, !p0;
	s29 =	sshll.u32 s26, $0x7;
	s11 =	sshll.u32 s24, $0x8;
	v31 =	vor.u32 v12, v16;
	v28 =	vld.idx.msk [tilespmem:v60+s21+$0x0], $0xffff;
	[tilespmem:s28+$0x8000] =	vst v37  }
0x25e: {  	v41 =	vor.u32 v7, v19;
	v40 =	vor.u32 v6, v18;
	s26 =	sor.u32 $0x460, s4;
	s11 =	sadd.s32 $0x400, s11;
	s13 =	sadd.s32 $0x400, s29;
	[tilespmem:s17+$0x50] =	vst v38;
	v27 =	vld.idx.msk [tilespmem:v61+s21+$0x0], $0xffff  }
0x25f: {  	s24 =	simm.s32 $0x400;
	s10 =	sadd.s32 $0x100, s11;
	s11 =	sadd.s32 $0x80, s13;
	v35 =	vor.u32 v8, v19;
	v30 =	vor.u32 v13, v16;
	[tilespmem:s14+$0x50] =	vst v32;
	v37 =	vld.idx.msk [tilespmem:v63+s21+$0x0], $0xffff  }
0x260: {  	s13 =	sadd.s32 $0x180, s13;
	s16 =	sor.u32 $0x450, s7;
	s18 =	sor.u32 $0x450, s10;
	v24 =	vor.u32 v15, v19;
	v34 =	vor.u32 v14, v52;
	v39 =	vld.idx.msk [tilespmem:v44+s21+$0x0], $0xffff;
	[tilespmem:s15+$0x60] =	vst v62  }
0x261: {  	s19 =	simm.s32 $0x8;
	v26 =	vor.u32 v14, v16;
	s25 =	sor.u32 $0x440, s4;
	s22 =	sor.u32 $0x450, s4;
	v32 =	vor.u32 v15, v52;
	v38 =	vld.idx.msk [tilespmem:v29+s21+$0x0], $0xffff;
	v29 =	vor.u32 v7, v18  }
.LBB2_6:
0x262: {  	v33 =	vmov s19;
	s28 =	sadd.s32 $0x1, s19;
	s29 =	sadd.s32 $0x2, s19;
	s30 =	sadd.s32 $0x3, s19;
	v42 =	vor.u32 v8, v21;
	v43 =	vor.u32 v7, v20;
	[tilespmem:s12+$0x50] =	vst v36;
	v31 =	vld.idx.msk [tilespmem:v31+s21+$0x0], $0xffff  }
0x263: {  	p1 =	slt.u32 s19, $0xC;
	s19 =	sadd.s32 $0x4, s19;
	v36 =	vshll.u32 v33, $0x9;
	v44 =	vmov s28;
	v45 =	vmov s30;
	s28 =	sor.u32 $0x460, s6;
	[tilespmem:s16+$0x8000] =	vst v28  }
0x264: {  	s16 =	smov.u32 s18;
	v46 =	vand.u32 $0x1000, v36;
	v28 =	vshll.u32 v44, $0x7;
	v47 =	vshll.u32 v45, $0x9;
	v40 =	vld.idx.msk [tilespmem:v40+s21+$0x0], $0xffff;
	[tilespmem:s28+$0x8000] =	vst v27  }
0x265: {  	v27 =	vshll.u32 v44, $0x9;
	v44 =	vmov s29;
	v28 =	vand.u32 $0x280, v28;
	[tilespmem:s17+$0x60] =	vst v37;
	v34 =	vld.idx.msk [tilespmem:v34+s21+$0x0], $0xffff  }
0x266: {  	v33 =	vshll.u32 v33, $0x7;
	v45 =	vshll.u32 v45, $0x7;
	v37 =	vand.u32 $0x1000, v47;
	v41 =	vld.idx.msk [tilespmem:v41+s21+$0x0], $0xffff;
	[tilespmem:s14+$0x60] =	vst v39  }
0x267: {  	s28 =	sor.u32 $0x470, s4;
	s4 =	smov.u32 s13;
	v27 =	vand.u32 $0x1000, v27;
	v45 =	vand.u32 $0x380, v45;
	v39 =	vshll.u32 v44, $0x7;
	[tilespmem:s15+$0x70] =	vst v38;
	v38 =	vld.idx.msk [tilespmem:v23+s21+$0x0], $0xffff;
	v23 =	vmovc v24  }
0x268: {  	v28 =	vor.u32 v28, v27;
	v24 =	vand.u32 $0x200, v33;
	v33 =	vor.u32 v45, v37;
	v37 =	vld.idx.msk [tilespmem:v42+s21+$0x0], $0xffff;
	[tilespmem:s25+$0x8000] =	vst v31  }
0x269: {  	s13 =	simm.s32 $0x1;
	v27 =	vor.u32 v24, v46;
	v31 =	vshll.u32 v44, $0x9;
	v42 =	vor.u32 v0, v33;
	v44 =	vld.idx.msk [tilespmem:v30+s21+$0x0], $0xffff  }
0x26a: {  	s13 =	simm.s32 @!p0 $0x0;
	v39 =	vand.u32 $0x300, v39;
	s15 =	sor.u32 $0x460, s7;
	v45 =	vor.u32 v0, v27;
	v30 =	vand.u32 $0x1000, v31;
	v43 =	vld.idx.msk [tilespmem:v43+s21+$0x0], $0xffff;
	[tilespmem:s12+$0x60] =	vst v40  }
0x26b: {  	s8 =	sadd.s32 $0x400, s8;
	s6 =	sor.u32 $0x470, s6;
	s13 =	sshll.u32 s13, $0x9;
	v36 =	vor.u32 v36, v24;
	v30 =	vor.u32 v39, v30;
	v40 =	vld.idx.msk [tilespmem:v29+s21+$0x0], $0xffff;
	[tilespmem:s15+$0x8000] =	vst v34  }
0x26c: {  	s5 =	sadd.s32 $0x4, s5;
	s1 =	sadd.s32 $0x2, s1;
	s25 =	sadd.s32 s13, s24;
	v46 =	vor.u32 v9, v21;
	v34 =	vor.u32 v0, v30;
	[tilespmem:s17+$0x70] =	vst v41;
	v32 =	vld.idx.msk [tilespmem:v32+s21+$0x0], $0xffff  }
0x26d: {  	s13 =	sand.u32 $0x7, s5;
	s15 =	sand.u32 $0x3, s1;
	v29 =	vor.u32 v39, v31;
	s17 =	sor.u32 $0x400, s25;
	v31 =	vld.idx.msk [tilespmem:v35+s21+$0x0], $0xffff;
	v35 =	vor.u32 v8, v18;
	[tilespmem:s6+$0x8000] =	vst v38  }
0x26e: {  	s9 =	sadd.s32 $0x200, s9;
	v24 =	vor.u32 v15, v28;
	s6 =	sshll.u32 s13, $0x7;
	s13 =	sshll.u32 s15, $0x8;
	v38 =	vor.u32 v0, v28;
	v39 =	vld.idx.msk [tilespmem:v42+s21+$0x0], $0xffff;
	[tilespmem:s17+$0x8000] =	vst v37  }
0x26f: {  	s24 =	smov.u32 s8;
	s6 =	sadd.s32 s8, s6;
	s13 =	sadd.s32 s8, s13;
	v37 =	vld.idx.msk [tilespmem:v45+s21+$0x0], $0xffff;
	[tilespmem:s22+$0x8000] =	vst v44  }
0x270: {  	v41 =	vor.u32 v15, v17;
	v17 =	vmov v21;
	v21 =	vmov v36;
	s17 =	sadd.s32 $0x80, s6;
	s22 =	sadd.s32 $0x100, s13;
	s13 =	sadd.s32 $0x180, s6;
	[tilespmem:s14+$0x70] =	vst v43;
	v26 =	vld.idx.msk [tilespmem:v26+s21+$0x0], $0xffff  }
0x271: {  	s7 =	sor.u32 $0x470, s7;
	v42 =	vor.u32 v9, v19;
	s6 =	smov.u32 s11;
	s18 =	sor.u32 $0x450, s22;
	v36 =	vld.idx.msk [tilespmem:v46+s21+$0x0], $0xffff;
	[tilespmem:s12+$0x70] =	vst v40  }
0x272: {  	s11 =	sand.u32 $0x800, s8;
	s14 =	sor.u32 $0x400, s6;
	s12 =	sadd.s32 $0xFFFFFE80, s9;
	v40 =	vor.u32 v1, v27;
	v35 =	vld.idx.msk [tilespmem:v35+s21+$0x0], $0xffff;
	[tilespmem:s7+$0x8000] =	vst v32;
	v32 =	vor.u32 v15, v16;
	v16 =	vmov v18  }
0x273: {  	s29 =	sor.u32 $0x8000, s11;
	s11 =	sor.u32 $0x460, s3;
	s7 =	sand.u32 $0x200, s12;
	v18 =	vmov v33;
	v34 =	vld.idx.msk [tilespmem:v34+s21+$0x0], $0xffff;
	[tilespmem:s14+$0x8000] =	vst v31  }
0x274: {  	s15 =	sor.u32 s7, s29;
	v33 =	vor.u32 v9, v16;
	s7 =	smov.u32 s10;
	v31 =	vld.idx.msk [tilespmem:v38+s21+$0x0], $0xffff;
	[tilespmem:s11+$0x8000] =	vst v25;
	s11 =	smov.u32 s17  }
0x275: {  	s10 =	smov.u32 s22;
	v25 =	vor.u32 v1, v28;
	[tilespmem:s15+$0x0] =	vst v37;
	v37 =	vor.u32 v10, v17;
	v38 =	vld.idx.msk [tilespmem:v41+s21+$0x0], $0xffff  }
0x276: {  	s12 =	sor.u32 $0x410, s25;
	v41 =	vor.u32 v1, v18;
	v42 =	vld.idx.msk [tilespmem:v42+s21+$0x0], $0xffff;
	[tilespmem:s26+$0x8000] =	vst v26  }
0x277: {  	v26 =	vor.u32 v1, v30;
	[tilespmem:s12+$0x8000] =	vst v36;
	v36 =	vor.u32 v8, v20;
	s12 =	sor.u32 $0x400, s4;
	v32 =	vld.idx.msk [tilespmem:v32+s21+$0x0], $0xffff  }
0x278: {  	s14 =	sadd.s32 $0xFFFFFF80, s9;
	s17 =	sand.u32 $0x380, s9;
	v40 =	vld.idx.msk [tilespmem:v40+s21+$0x0], $0xffff;
	[tilespmem:s12+$0x8000] =	vst v35  }
0x279: {  	s14 =	sand.u32 $0x300, s14;
	s12 =	sor.u32 s17, s29;
	v33 =	vld.idx.msk [tilespmem:v33+s21+$0x0], $0xffff  }
0x27a: {  	s3 =	sor.u32 $0x470, s3;
	s14 =	sor.u32 s14, s29;
	s17 =	sadd.s32 $0xFFFFFF00, s9;
	[tilespmem:s12+$0x0] =	vst v39;
	v35 =	vld.idx.msk [tilespmem:v37+s21+$0x0], $0xffff  }
0x27b: {  	s17 =	sand.u32 $0x280, s17;
	v37 =	vor.u32 v2, v27;
	v39 =	vld.idx.msk [tilespmem:v41+s21+$0x0], $0xffff;
	[tilespmem:s3+$0x8000] =	vst v38;
	s3 =	smov.u32 s25  }
0x27c: {  	s17 =	sor.u32 s17, s29;
	[tilespmem:s14+$0x0] =	vst v34;
	v34 =	vld.idx.msk [tilespmem:v36+s21+$0x0], $0xffff;
	v36 =	vor.u32 v10, v16  }
0x27d: {  	[tilespmem:s17+$0x0] =	vst v31;
	v26 =	vld.idx.msk [tilespmem:v26+s21+$0x0], $0xffff;
	v31 =	vor.u32 v2, v18  }
0x27e: {  	v38 =	vor.u32 v9, v20;
	v25 =	vld.idx.msk [tilespmem:v25+s21+$0x0], $0xffff;
	[tilespmem:s28+$0x8000] =	vst v32  }
0x27f: {  	s22 =	sor.u32 $0x410, s4;
	v32 =	vor.u32 v10, v19;
	[tilespmem:s15+$0x10] =	vst v40  }
0x280: {  	v40 =	vor.u32 v2, v28;
	v37 =	vld.idx.msk [tilespmem:v37+s21+$0x0], $0xffff;
	[tilespmem:s22+$0x8000] =	vst v33  }
0x281: {  	v33 =	vor.u32 v2, v30;
	s22 =	sor.u32 $0x400, s7;
	[tilespmem:s12+$0x10] =	vst v39;
	v36 =	vld.idx.msk [tilespmem:v36+s21+$0x0], $0xffff  }
0x282: {  	s25 =	sor.u32 $0x410, s6;
	v39 =	vor.u32 v3, v27;
	v41 =	vld.idx.msk [tilespmem:v31+s21+$0x0], $0xffff;
	[tilespmem:s22+$0x8000] =	vst v34  }
0x283: {  	v34 =	vor.u32 v11, v16;
	[tilespmem:s25+$0x8000] =	vst v42;
	v31 =	vld.idx.msk [tilespmem:v38+s21+$0x0], $0xffff  }
0x284: {  	[tilespmem:s17+$0x10] =	vst v25;
	v25 =	vor.u32 v11, v17;
	v32 =	vld.idx.msk [tilespmem:v32+s21+$0x0], $0xffff  }
0x285: {  	v38 =	vld.idx.msk [tilespmem:v40+s21+$0x0], $0xffff;
	[tilespmem:s14+$0x10] =	vst v26;
	v26 =	vor.u32 v10, v20  }
0x286: {  	s22 =	sor.u32 $0x420, s4;
	v40 =	vor.u32 v11, v19;
	[tilespmem:s15+$0x20] =	vst v37;
	v37 =	vld.idx.msk [tilespmem:v33+s21+$0x0], $0xffff  }
0x287: {  	v42 =	vor.u32 v3, v28;
	s25 =	sor.u32 $0x420, s3;
	v39 =	vld.idx.msk [tilespmem:v39+s21+$0x0], $0xffff;
	[tilespmem:s22+$0x8000] =	vst v36  }
0x288: {  	v36 =	vor.u32 v3, v30;
	s22 =	sor.u32 $0x410, s7;
	[tilespmem:s25+$0x8000] =	vst v35;
	v33 =	vld.idx.msk [tilespmem:v34+s21+$0x0], $0xffff  }
0x289: {  	v34 =	vor.u32 v4, v27;
	s25 =	sor.u32 $0x420, s6;
	v25 =	vld.idx.msk [tilespmem:v25+s21+$0x0], $0xffff;
	[tilespmem:s22+$0x8000] =	vst v31  }
0x28a: {  	v35 =	vor.u32 v3, v18;
	v31 =	vor.u32 v12, v16;
	[tilespmem:s25+$0x8000] =	vst v32;
	v26 =	vld.idx.msk [tilespmem:v26+s21+$0x0], $0xffff  }
0x28b: {  	v32 =	vor.u32 v12, v17;
	[tilespmem:s17+$0x20] =	vst v38;
	v38 =	vld.idx.msk [tilespmem:v40+s21+$0x0], $0xffff  }
0x28c: {  	v40 =	vld.idx.msk [tilespmem:v42+s21+$0x0], $0xffff;
	[tilespmem:s14+$0x20] =	vst v37;
	v37 =	vor.u32 v11, v20;
	v20 =	vmov v30  }
0x28d: {  	[tilespmem:s15+$0x30] =	vst v39;
	v36 =	vld.idx.msk [tilespmem:v36+s21+$0x0], $0xffff;
	v39 =	vor.u32 v12, v19  }
0x28e: {  	s22 =	sor.u32 $0x430, s3;
	v42 =	vor.u32 v4, v28;
	v34 =	vld.idx.msk [tilespmem:v34+s21+$0x0], $0xffff;
	[tilespmem:s12+$0x20] =	vst v41  }
0x28f: {  	v41 =	vor.u32 v4, v20;
	v35 =	vld.idx.msk [tilespmem:v35+s21+$0x0], $0xffff;
	[tilespmem:s22+$0x8000] =	vst v25;
	s22 =	sor.u32 $0x420, s7  }
0x290: {  	s25 =	sor.u32 $0x430, s6;
	v25 =	vor.u32 v5, v27;
	v32 =	vld.idx.msk [tilespmem:v32+s21+$0x0], $0xffff;
	[tilespmem:s22+$0x8000] =	vst v26  }
0x291: {  	v30 =	vor.u32 v13, v16;
	v26 =	vor.u32 v4, v18;
	[tilespmem:s25+$0x8000] =	vst v38;
	v37 =	vld.idx.msk [tilespmem:v37+s21+$0x0], $0xffff  }
0x292: {  	v38 =	vor.u32 v13, v17;
	[tilespmem:s17+$0x30] =	vst v40;
	v39 =	vld.idx.msk [tilespmem:v39+s21+$0x0], $0xffff  }
0x293: {  	v40 =	vld.idx.msk [tilespmem:v42+s21+$0x0], $0xffff;
	[tilespmem:s14+$0x30] =	vst v36;
	v36 =	vor.u32 v12, v22  }
0x294: {  	s25 =	sor.u32 $0x440, s4;
	[tilespmem:s15+$0x40] =	vst v34;
	v34 =	vld.idx.msk [tilespmem:v41+s21+$0x0], $0xffff;
	v41 =	vor.u32 v13, v19  }
0x295: {  	s22 =	sor.u32 $0x440, s3;
	v42 =	vor.u32 v5, v28;
	v25 =	vld.idx.msk [tilespmem:v25+s21+$0x0], $0xffff;
	[tilespmem:s12+$0x30] =	vst v35  }
0x296: {  	v35 =	vor.u32 v5, v20;
	v43 =	vld.idx.msk [tilespmem:v26+s21+$0x0], $0xffff;
	[tilespmem:s22+$0x8000] =	vst v32;
	s22 =	sor.u32 $0x430, s7  }
0x297: {  	s26 =	sor.u32 $0x440, s6;
	v32 =	vor.u32 v6, v27;
	v38 =	vld.idx.msk [tilespmem:v38+s21+$0x0], $0xffff;
	[tilespmem:s22+$0x8000] =	vst v37  }
0x298: {  	v26 =	vor.u32 v14, v16;
	v37 =	vor.u32 v5, v18;
	[tilespmem:s26+$0x8000] =	vst v39;
	v39 =	vld.idx.msk [tilespmem:v36+s21+$0x0], $0xffff  }
0x299: {  	[tilespmem:s17+$0x40] =	vst v40;
	v40 =	vor.u32 v14, v17;
	v41 =	vld.idx.msk [tilespmem:v41+s21+$0x0], $0xffff  }
0x29a: {  	v42 =	vld.idx.msk [tilespmem:v42+s21+$0x0], $0xffff;
	[tilespmem:s14+$0x40] =	vst v34;
	v34 =	vor.u32 v13, v22  }
0x29b: {  	v44 =	vor.u32 v14, v19;
	v19 =	vmov v28;
	s22 =	sor.u32 $0x450, s4;
	[tilespmem:s15+$0x50] =	vst v25;
	v35 =	vld.idx.msk [tilespmem:v35+s21+$0x0], $0xffff  }
0x29c: {  	s26 =	sor.u32 $0x450, s3;
	v45 =	vld.idx.msk [tilespmem:v32+s21+$0x0], $0xffff;
	v32 =	vor.u32 v6, v19;
	[tilespmem:s12+$0x40] =	vst v43  }
0x29d: {  	v43 =	vor.u32 v6, v20;
	v36 =	vld.idx.msk [tilespmem:v37+s21+$0x0], $0xffff;
	[tilespmem:s26+$0x8000] =	vst v38;
	s26 =	sor.u32 $0x440, s7  }
0x29e: {  	s28 =	sor.u32 $0x450, s6;
	v38 =	vor.u32 v7, v27;
	v25 =	vld.idx.msk [tilespmem:v40+s21+$0x0], $0xffff;
	[tilespmem:s26+$0x8000] =	vst v39  }
.Ltmp2:
0x29f: {  	[tilespmem:s28+$0x8000] =	vst v41;
	v28 =	vld.idx.msk [tilespmem:v34+s21+$0x0], $0xffff;
	(pc) =	sbr.rel @p1 .LBB2_6-.Ltmp2, $4  }
0x2a0: {  	[tilespmem:s17+$0x50] =	vst v42;
	v27 =	vld.idx.msk [tilespmem:v44+s21+$0x0], $0xffff  }
0x2a1: {  	v40 =	vor.u32 v6, v18;
	s28 =	sor.u32 $0x430, s4;
	v37 =	vld.idx.msk [tilespmem:v32+s21+$0x0], $0xffff;
	[tilespmem:s14+$0x50] =	vst v35;
	v32 =	vor.u32 v15, v22  }
0x2a2: {  	s26 =	sor.u32 $0x460, s4;
	v34 =	vor.u32 v14, v22;
	v35 =	vor.u32 v8, v19;
	v22 =	vmov v29;
	[tilespmem:s15+$0x60] =	vst v45;
	v39 =	vld.idx.msk [tilespmem:v43+s21+$0x0], $0xffff  }
0x2a3: {  	p0 =	por !p0, !p0;
	v41 =	vor.u32 v7, v19;
	v29 =	vor.u32 v7, v18;
	v38 =	vld.idx.msk [tilespmem:v38+s21+$0x0], $0xffff;
	[tilespmem:s28+$0x8000] =	vst v33  }
0x2a4: {  	_ =	sdelay $0x2  }
0x2a5: {  	v33 =	vor.u32 v7, v20;
	[tilespmem:s12+$0x50] =	vst v36  }
0x2a6: {  	v36 =	vld.idx.msk [tilespmem:v40+s21+$0x0], $0xffff;
	_ =	sdelay $0x1  }
0x2a7: {  	[tilespmem:s17+$0x60] =	vst v37  }
0x2a8: {  	v37 =	vld.idx.msk [tilespmem:v41+s21+$0x0], $0xffff;
	[tilespmem:s14+$0x60] =	vst v39  }
0x2a9: {  	v33 =	vld.idx.msk [tilespmem:v33+s21+$0x0], $0xffff  }
0x2aa: {  	v45 =	vor.u32 v8, v20;
	[tilespmem:s12+$0x60] =	vst v36  }
0x2ab: {  	v46 =	vor.u32 v8, v21;
	v29 =	vld.idx.msk [tilespmem:v29+s21+$0x0], $0xffff  }
0x2ac: {  	v47 =	vor.u32 v8, v18  }
0x2ad: {  	[tilespmem:s17+$0x70] =	vst v37  }
0x2ae: {  	v35 =	vld.idx.msk [tilespmem:v35+s21+$0x0], $0xffff;
	[tilespmem:s14+$0x70] =	vst v33  }
0x2af: {  	v48 =	vor.u32 v9, v19;
	[tilespmem:s15+$0x70] =	vst v38;
	v36 =	vld.idx.msk [tilespmem:v45+s21+$0x0], $0xffff  }
0x2b0: {  	s1 =	simm.s32 $0x1;
	v49 =	vld.idx.msk [tilespmem:v46+s21+$0x0], $0xffff;
	[tilespmem:s12+$0x70] =	vst v29;
	v29 =	vor.u32 v9, v20  }
0x2b1: {  	v50 =	vor.u32 v9, v21;
	s1 =	simm.s32 @!p0 $0x0;
	v51 =	vld.idx.msk [tilespmem:v47+s21+$0x0], $0xffff  }
0x2b2: {  	s5 =	sor.u32 $0x400, s11;
	v52 =	vor.u32 v9, v18;
	s1 =	sshll.u32 s1, $0x9  }
0x2b3: {  	s29 =	sor.u32 $0x400, s10;
	s1 =	sadd.s32 s1, s24;
	[tilespmem:s5+$0x8000] =	vst v35  }
0x2b4: {  	s8 =	sor.u32 $0x400, s1;
	v33 =	vld.idx.msk [tilespmem:v48+s21+$0x0], $0xffff;
	[tilespmem:s29+$0x8000] =	vst v36  }
0x2b5: {  	s30 =	sor.u32 $0x400, s13;
	v53 =	vor.u32 v10, v19;
	[tilespmem:s8+$0x8000] =	vst v49;
	v29 =	vld.idx.msk [tilespmem:v29+s21+$0x0], $0xffff  }
0x2b6: {  	v55 =	vor.u32 v10, v20;
	v54 =	vld.idx.msk [tilespmem:v50+s21+$0x0], $0xffff;
	[tilespmem:s30+$0x8000] =	vst v51  }
0x2b7: {  	v56 =	vor.u32 v10, v21;
	v39 =	vld.idx.msk [tilespmem:v52+s21+$0x0], $0xffff  }
0x2b8: {  	v57 =	vor.u32 v10, v18;
	s8 =	sor.u32 $0x410, s11  }
0x2b9: {  	s9 =	sor.u32 $0x410, s10;
	[tilespmem:s8+$0x8000] =	vst v33  }
0x2ba: {  	s12 =	sor.u32 $0x410, s1;
	v33 =	vld.idx.msk [tilespmem:v53+s21+$0x0], $0xffff;
	[tilespmem:s9+$0x8000] =	vst v29  }
0x2bb: {  	s14 =	sor.u32 $0x410, s13;
	[tilespmem:s12+$0x8000] =	vst v54;
	v29 =	vor.u32 v11, v19;
	v58 =	vld.idx.msk [tilespmem:v55+s21+$0x0], $0xffff  }
0x2bc: {  	v20 =	vor.u32 v11, v20;
	v36 =	vld.idx.msk [tilespmem:v56+s21+$0x0], $0xffff;
	[tilespmem:s14+$0x8000] =	vst v39  }
0x2bd: {  	v60 =	vor.u32 v11, v21;
	[tilespmem:s16+$0x8000] =	vst v28;
	s24 =	sor.u32 $0x460, s6;
	v59 =	vld.idx.msk [tilespmem:v57+s21+$0x0], $0xffff  }
0x2be: {  	v28 =	vor.u32 v11, v18;
	v31 =	vld.idx.msk [tilespmem:v31+s21+$0x0], $0xffff;
	s15 =	sor.u32 $0x420, s11;
	[tilespmem:s24+$0x8000] =	vst v27  }
0x2bf: {  	s16 =	sor.u32 $0x420, s10;
	[tilespmem:s15+$0x8000] =	vst v33  }
0x2c0: {  	s17 =	sor.u32 $0x420, s1;
	v29 =	vld.idx.msk [tilespmem:v29+s21+$0x0], $0xffff;
	[tilespmem:s16+$0x8000] =	vst v58  }
0x2c1: {  	s19 =	sor.u32 $0x420, s13;
	v61 =	vor.u32 v12, v19;
	[tilespmem:s17+$0x8000] =	vst v36;
	v20 =	vld.idx.msk [tilespmem:v20+s21+$0x0], $0xffff  }
0x2c2: {  	v63 =	vor.u32 v12, v22;
	v62 =	vld.idx.msk [tilespmem:v60+s21+$0x0], $0xffff;
	[tilespmem:s19+$0x8000] =	vst v59  }
0x2c3: {  	[tilespmem:s25+$0x8000] =	vst v31;
	v27 =	vld.idx.msk [tilespmem:v28+s21+$0x0], $0xffff;
	v28 =	vor.u32 v12, v21  }
0x2c4: {  	s28 =	sor.u32 $0x430, s11;
	v31 =	vor.u32 v12, v18;
	v30 =	vld.idx.msk [tilespmem:v30+s21+$0x0], $0xffff  }
0x2c5: {  	v23 =	vld.idx.msk [tilespmem:v23+s21+$0x0], $0xffff;
	s29 =	sor.u32 $0x430, s10;
	[tilespmem:s28+$0x8000] =	vst v29  }
0x2c6: {  	s30 =	sor.u32 $0x430, s1;
	v29 =	vld.idx.msk [tilespmem:v61+s21+$0x0], $0xffff;
	[tilespmem:s29+$0x8000] =	vst v20  }
0x2c7: {  	s9 =	sor.u32 $0x430, s13;
	[tilespmem:s30+$0x8000] =	vst v62;
	v20 =	vor.u32 v13, v19;
	v40 =	vld.idx.msk [tilespmem:v63+s21+$0x0], $0xffff  }
0x2c8: {  	v41 =	vor.u32 v13, v22;
	v28 =	vld.idx.msk [tilespmem:v28+s21+$0x0], $0xffff;
	[tilespmem:s9+$0x8000] =	vst v27  }
0x2c9: {  	[tilespmem:s22+$0x8000] =	vst v30;
	s14 =	sor.u32 $0x470, s6;
	v27 =	vor.u32 v13, v21;
	v31 =	vld.idx.msk [tilespmem:v31+s21+$0x0], $0xffff  }
0x2ca: {  	v34 =	vld.idx.msk [tilespmem:v34+s21+$0x0], $0xffff;
	[tilespmem:s14+$0x8000] =	vst v23;
	v23 =	vor.u32 v13, v18;
	s15 =	sor.u32 $0x440, s11  }
0x2cb: {  	v26 =	vld.idx.msk [tilespmem:v26+s21+$0x0], $0xffff;
	s16 =	sor.u32 $0x440, s10;
	[tilespmem:s15+$0x8000] =	vst v29  }
0x2cc: {  	s17 =	sor.u32 $0x440, s1;
	v20 =	vld.idx.msk [tilespmem:v20+s21+$0x0], $0xffff;
	[tilespmem:s16+$0x8000] =	vst v40  }
0x2cd: {  	s19 =	sor.u32 $0x440, s13;
	v19 =	vor.u32 v14, v19;
	[tilespmem:s17+$0x8000] =	vst v28;
	v28 =	vld.idx.msk [tilespmem:v41+s21+$0x0], $0xffff  }
0x2ce: {  	s12 =	sor.u32 $0x460, s7;
	v29 =	vor.u32 v14, v22;
	v27 =	vld.idx.msk [tilespmem:v27+s21+$0x0], $0xffff;
	[tilespmem:s19+$0x8000] =	vst v31  }
0x2cf: {  	v30 =	vor.u32 v14, v21;
	[tilespmem:s12+$0x8000] =	vst v34;
	v23 =	vld.idx.msk [tilespmem:v23+s21+$0x0], $0xffff  }
0x2d0: {  	s25 =	sor.u32 $0x450, s11;
	[tilespmem:s26+$0x8000] =	vst v26;
	v31 =	vor.u32 v14, v18  }
0x2d1: {  	v17 =	vor.u32 v15, v17;
	v32 =	vld.idx.msk [tilespmem:v32+s21+$0x0], $0xffff;
	[tilespmem:s25+$0x8000] =	vst v20  }
0x2d2: {  	v16 =	vor.u32 v15, v16;
	s28 =	sor.u32 $0x450, s1;
	v19 =	vld.idx.msk [tilespmem:v19+s21+$0x0], $0xffff;
	[tilespmem:s18+$0x8000] =	vst v28  }
0x2d3: {  	s29 =	sor.u32 $0x450, s13;
	[tilespmem:s28+$0x8000] =	vst v27;
	v20 =	vld.idx.msk [tilespmem:v29+s21+$0x0], $0xffff  }
0x2d4: {  	s30 =	sor.u32 $0x460, s3;
	v22 =	vor.u32 v15, v22;
	v27 =	vld.idx.msk [tilespmem:v30+s21+$0x0], $0xffff;
	[tilespmem:s29+$0x8000] =	vst v23  }
0x2d5: {  	s24 =	sor.u32 $0x470, s7;
	[tilespmem:s30+$0x8000] =	vst v25;
	v21 =	vor.u32 v15, v21;
	v23 =	vld.idx.msk [tilespmem:v31+s21+$0x0], $0xffff  }
0x2d6: {  	s7 =	sor.u32 $0x460, s11;
	[tilespmem:s24+$0x8000] =	vst v32;
	v17 =	vld.idx.msk [tilespmem:v17+s21+$0x0], $0xffff;
	v18 =	vor.u32 v15, v18  }
0x2d7: {  	v16 =	vld.idx.msk [tilespmem:v16+s21+$0x0], $0xffff;
	s8 =	sor.u32 $0x460, s10;
	[tilespmem:s7+$0x8000] =	vst v19  }
0x2d8: {  	s9 =	sor.u32 $0x460, s1;
	v19 =	vld.idx.msk [tilespmem:v24+s21+$0x0], $0xffff;
	[tilespmem:s8+$0x8000] =	vst v20  }
0x2d9: {  	s12 =	sor.u32 $0x460, s13;
	v20 =	vld.idx.msk [tilespmem:v22+s21+$0x0], $0xffff;
	[tilespmem:s9+$0x8000] =	vst v27  }
0x2da: {  	s14 =	sor.u32 $0x470, s3;
	v21 =	vld.idx.msk [tilespmem:v21+s21+$0x0], $0xffff;
	[tilespmem:s12+$0x8000] =	vst v23  }
0x2db: {  	s4 =	sor.u32 $0x470, s4;
	[tilespmem:s14+$0x8000] =	vst v17;
	v17 =	vld.idx.msk [tilespmem:v18+s21+$0x0], $0xffff  }
0x2dc: {  	[tilespmem:s4+$0x8000] =	vst v16;
	s15 =	sor.u32 $0x470, s11  }
0x2dd: {  	s16 =	sor.u32 $0x470, s10;
	[tilespmem:s15+$0x8000] =	vst v19  }
0x2de: {  	s1 =	sor.u32 $0x470, s1;
	[tilespmem:s16+$0x8000] =	vst v20  }
0x2df: {  	s17 =	sor.u32 $0x470, s13;
	[tilespmem:s1+$0x8000] =	vst v21  }
0x2e0: {  	s22 =	simm.s32 $0x4;
	s7 =	simm.s32 $0x0;
	[tilespmem:s17+$0x8000] =	vst v17  }
0x2e1: {  	s19 =	simm.s32 $0x1;
	s18 =	simm.s32 $0x8000;
	v16 =	vmov s7;
	s1 =	rddreg [dreg:$0xb]  }
0x2e2: {  	v17 =	vshll.u32 v16, $0x9;
	v16 =	vshll.u32 v16, $0x7;
	[hbm4b:s1+s7] =	stream.linear.scatter [tilespmem:s18], [sflag:$0x5], $0x1000, $0x38;
	[tilespmem:$0xA000] =	vst v63  }
0x2e3: {  	v18 =	vmov s19;
	v19 =	vand.u32 $0x1000, v17;
	v20 =	vand.u32 $0x200, v16;
	_ =	swait.ge [sflag:s22], $0x2000  }
0x2e4: {  	v16 =	vshll.u32 v18, $0x7;
	v18 =	vshll.u32 v18, $0x9;
	v19 =	vor.u32 v20, v19;
	[sflag:s22] =	ssyncset.done $0x0  }
0x2e5: {  	s24 =	simm.s32 $0x3;
	v16 =	vand.u32 $0x280, v16;
	v18 =	vand.u32 $0x1000, v18;
	v24 =	vor.u32 v0, v19;
	s25 =	rddreg [dreg:$0xc];
	[sflag:s22] =	ssyncadd.s32 $0xFFFFE000  }
0x2e6: {  	v22 =	vmov s24;
	v21 =	vor.u32 v16, v18;
	[tilespmem:s21], [sflag:$0x3] =	stream.linear.gather [hbm4b:s25+s7], $0x2000, $0x38;
	[tilespmem:$0xA000] =	vst v63  }
0x2e7: {  	s1 =	simm.s32 $0x2;
	v16 =	vshll.u32 v22, $0x9;
	v18 =	vshll.u32 v22, $0x7;
	v25 =	vor.u32 v0, v21;
	_ =	swait.ge [sflag:s31], $0x1000  }
0x2e8: {  	v22 =	vmov s1;
	v16 =	vand.u32 $0x1000, v16;
	v18 =	vand.u32 $0x380, v18;
	[sflag:s31] =	ssyncset.done $0x0  }
0x2e9: {  	v23 =	vshll.u32 v22, $0x7;
	v22 =	vshll.u32 v22, $0x9;
	v16 =	vor.u32 v18, v16;
	[sflag:s31] =	ssyncadd.s32 $0xFFFFF000  }
0x2ea: {  	v26 =	vand.u32 $0x1000, v22;
	v23 =	vand.u32 $0x300, v23;
	v18 =	vor.u32 v0, v16;
	v27 =	vld.idx.msk [tilespmem:v24+s23+$0x0], $0xffff  }
0x2eb: {  	v24 =	vor.u32 v23, v26;
	v26 =	vor.u32 v1, v19  }
0x2ec: {  	s28 =	simm.s32 $0x0;
	s26 =	sand.u32 $0x800, s7;
	v25 =	vld.idx.msk [tilespmem:v25+s23+$0x0], $0xffff;
	v28 =	vor.u32 v0, v24  }
0x2ed: {  	s4 =	sand.u32 $0x200, s28;
	s29 =	sor.u32 $0x9000, s26;
	v29 =	vor.u32 v1, v21  }
0x2ee: {  	s10 =	simm.s32 $0x80;
	s30 =	sor.u32 s4, s29  }
0x2ef: {  	s3 =	sand.u32 $0x280, s10;
	v18 =	vld.idx.msk [tilespmem:v18+s23+$0x0], $0xffff;
	[tilespmem:s30+$0x0] =	vst v27  }
0x2f0: {  	s3 =	sor.u32 s3, s29;
	v27 =	vor.u32 v1, v16;
	v26 =	vld.idx.msk [tilespmem:v26+s23+$0x0], $0xffff  }
0x2f1: {  	s11 =	simm.s32 $0x180;
	v30 =	vor.u32 v2, v19;
	[tilespmem:s3+$0x0] =	vst v25;
	v28 =	vld.idx.msk [tilespmem:v28+s23+$0x0], $0xffff  }
0x2f2: {  	s4 =	sand.u32 $0x380, s11;
	v25 =	vor.u32 v1, v24;
	v29 =	vld.idx.msk [tilespmem:v29+s23+$0x0], $0xffff  }
0x2f3: {  	s12 =	simm.s32 $0x100;
	s4 =	sor.u32 s4, s29;
	v31 =	vor.u32 v2, v21  }
0x2f4: {  	s8 =	sand.u32 $0x300, s12;
	[tilespmem:s4+$0x0] =	vst v18  }
0x2f5: {  	s13 =	sor.u32 s8, s29;
	v18 =	vld.idx.msk [tilespmem:v27+s23+$0x0], $0xffff;
	[tilespmem:s30+$0x10] =	vst v26  }
0x2f6: {  	[tilespmem:s13+$0x0] =	vst v28;
	v26 =	vor.u32 v2, v16;
	v27 =	vld.idx.msk [tilespmem:v30+s23+$0x0], $0xffff  }
0x2f7: {  	v28 =	vor.u32 v3, v19;
	[tilespmem:s3+$0x10] =	vst v29;
	v25 =	vld.idx.msk [tilespmem:v25+s23+$0x0], $0xffff  }
0x2f8: {  	v29 =	vor.u32 v2, v24;
	v30 =	vld.idx.msk [tilespmem:v31+s23+$0x0], $0xffff  }
0x2f9: {  	v31 =	vor.u32 v3, v21  }
0x2fa: {  	[tilespmem:s4+$0x10] =	vst v18  }
0x2fb: {  	v18 =	vld.idx.msk [tilespmem:v26+s23+$0x0], $0xffff;
	[tilespmem:s30+$0x20] =	vst v27  }
0x2fc: {  	v26 =	vor.u32 v3, v16;
	[tilespmem:s13+$0x10] =	vst v25;
	v25 =	vld.idx.msk [tilespmem:v28+s23+$0x0], $0xffff  }
0x2fd: {  	[tilespmem:s3+$0x20] =	vst v30;
	v27 =	vld.idx.msk [tilespmem:v29+s23+$0x0], $0xffff;
	v28 =	vor.u32 v4, v19  }
0x2fe: {  	v29 =	vor.u32 v3, v24;
	v30 =	vld.idx.msk [tilespmem:v31+s23+$0x0], $0xffff  }
0x2ff: {  	v31 =	vor.u32 v4, v21  }
0x300: {  	[tilespmem:s4+$0x20] =	vst v18  }
0x301: {  	v18 =	vld.idx.msk [tilespmem:v26+s23+$0x0], $0xffff;
	[tilespmem:s30+$0x30] =	vst v25  }
0x302: {  	v26 =	vor.u32 v4, v16;
	[tilespmem:s13+$0x20] =	vst v27;
	v25 =	vld.idx.msk [tilespmem:v28+s23+$0x0], $0xffff  }
0x303: {  	[tilespmem:s3+$0x30] =	vst v30;
	v27 =	vld.idx.msk [tilespmem:v29+s23+$0x0], $0xffff;
	v28 =	vor.u32 v5, v19  }
0x304: {  	v29 =	vor.u32 v4, v24;
	v30 =	vld.idx.msk [tilespmem:v31+s23+$0x0], $0xffff  }
0x305: {  	v31 =	vor.u32 v5, v21  }
0x306: {  	[tilespmem:s4+$0x30] =	vst v18  }
0x307: {  	v18 =	vld.idx.msk [tilespmem:v26+s23+$0x0], $0xffff;
	[tilespmem:s30+$0x40] =	vst v25  }
0x308: {  	v26 =	vor.u32 v5, v16;
	[tilespmem:s13+$0x30] =	vst v27;
	v25 =	vld.idx.msk [tilespmem:v28+s23+$0x0], $0xffff  }
0x309: {  	[tilespmem:s3+$0x40] =	vst v30;
	v27 =	vld.idx.msk [tilespmem:v29+s23+$0x0], $0xffff;
	v28 =	vor.u32 v6, v19  }
0x30a: {  	v29 =	vor.u32 v5, v24;
	v30 =	vld.idx.msk [tilespmem:v31+s23+$0x0], $0xffff  }
0x30b: {  	v31 =	vor.u32 v6, v21  }
0x30c: {  	[tilespmem:s4+$0x40] =	vst v18  }
0x30d: {  	v18 =	vld.idx.msk [tilespmem:v26+s23+$0x0], $0xffff;
	[tilespmem:s30+$0x50] =	vst v25  }
0x30e: {  	v26 =	vor.u32 v6, v16;
	[tilespmem:s13+$0x40] =	vst v27;
	v25 =	vld.idx.msk [tilespmem:v28+s23+$0x0], $0xffff  }
0x30f: {  	v19 =	vor.u32 v7, v19;
	[tilespmem:s3+$0x50] =	vst v30;
	v27 =	vld.idx.msk [tilespmem:v29+s23+$0x0], $0xffff  }
0x310: {  	s5 =	simm.s32 $0x4;
	v28 =	vor.u32 v6, v24;
	v29 =	vld.idx.msk [tilespmem:v31+s23+$0x0], $0xffff  }
0x311: {  	v42 =	vmov s5;
	v17 =	vor.u32 v17, v20;
	v20 =	vor.u32 v7, v21  }
0x312: {  	s14 =	simm.s32 $0x5;
	s9 =	simm.s32 $0x7;
	v43 =	vor.u32 v8, v17;
	v44 =	vor.u32 v7, v24;
	v30 =	vor.u32 v8, v21;
	[tilespmem:s4+$0x50] =	vst v18  }
0x313: {  	v31 =	vor.u32 v7, v16;
	v18 =	vmov s14;
	v45 =	vld.idx.msk [tilespmem:v26+s23+$0x0], $0xffff;
	v26 =	vmov s9;
	[tilespmem:s30+$0x60] =	vst v25  }
0x314: {  	v48 =	vshll.u32 v18, $0x9;
	v25 =	vshll.u32 v42, $0x9;
	[tilespmem:s13+$0x50] =	vst v27;
	v27 =	vshll.u32 v18, $0x7;
	v19 =	vld.idx.msk [tilespmem:v19+s23+$0x0], $0xffff  }
0x315: {  	[tilespmem:s3+$0x60] =	vst v29;
	v18 =	vshll.u32 v26, $0x7;
	v46 =	vand.u32 $0x1000, v25;
	v47 =	vld.idx.msk [tilespmem:v28+s23+$0x0], $0xffff;
	v28 =	vshll.u32 v26, $0x9  }
0x316: {  	v26 =	vshll.u32 v42, $0x7;
	v49 =	vld.idx.msk [tilespmem:v20+s23+$0x0], $0xffff;
	v18 =	vand.u32 $0x380, v18;
	v28 =	vand.u32 $0x1000, v28  }
0x317: {  	s15 =	simm.s32 $0x6;
	v50 =	vand.u32 $0x280, v27;
	v27 =	vand.u32 $0x200, v26;
	v18 =	vor.u32 v18, v28  }
0x318: {  	v20 =	vmov s15;
	v26 =	vor.u32 v27, v46;
	v51 =	vor.u32 v0, v18;
	[tilespmem:s4+$0x60] =	vst v45  }
0x319: {  	v29 =	vshll.u32 v20, $0x7;
	v28 =	vshll.u32 v20, $0x9;
	v52 =	vor.u32 v0, v26;
	v31 =	vld.idx.msk [tilespmem:v31+s23+$0x0], $0xffff;
	[tilespmem:s30+$0x70] =	vst v19  }
0x31a: {  	p0 =	por $0x0, $0x0;
	s6 =	simm.s32 $0x1;
	v53 =	vor.u32 v8, v16;
	v29 =	vand.u32 $0x300, v29;
	[tilespmem:s13+$0x60] =	vst v47;
	v19 =	vand.u32 $0x1000, v28;
	v33 =	vld.idx.msk [tilespmem:v43+s23+$0x0], $0xffff  }
0x31b: {  	s6 =	simm.s32 @!p0 $0x0;
	v54 =	vor.u32 v9, v17;
	v38 =	vand.u32 $0x1000, v48;
	[tilespmem:s3+$0x70] =	vst v49;
	v34 =	vld.idx.msk [tilespmem:v44+s23+$0x0], $0xffff;
	v20 =	vor.u32 v29, v19  }
0x31c: {  	s16 =	sshll.u32 s6, $0x9;
	s17 =	sand.u32 $0x7, s7;
	v19 =	vor.u32 v50, v38;
	v30 =	vld.idx.msk [tilespmem:v30+s23+$0x0], $0xffff;
	v55 =	vor.u32 v0, v20  }
0x31d: {  	s6 =	sshll.u32 s17, $0x7;
	s3 =	sadd.s32 $0x0, s16;
	v38 =	vor.u32 v0, v19;
	v36 =	vld.idx.msk [tilespmem:v51+s23+$0x0], $0xffff  }
0x31e: {  	s19 =	sadd.s32 $0x0, s6;
	v56 =	vor.u32 v9, v21;
	s18 =	sor.u32 $0x400, s3;
	v35 =	vld.idx.msk [tilespmem:v52+s23+$0x0], $0xffff;
	[tilespmem:s4+$0x70] =	vst v31  }
0x31f: {  	s8 =	simm.s32 $0x400;
	s6 =	sadd.s32 $0x80, s19;
	v63 =	vor.u32 v8, v24;
	v57 =	vld.idx.msk [tilespmem:v53+s23+$0x0], $0xffff;
	[tilespmem:s18+$0x9000] =	vst v33  }
0x320: {  	s24 =	simm.s32 $0x200;
	s22 =	sand.u32 $0x800, s8;
	s25 =	sor.u32 $0x400, s6;
	v31 =	vor.u32 v1, v26;
	v58 =	vld.idx.msk [tilespmem:v54+s23+$0x0], $0xffff  }
0x321: {  	s11 =	sand.u32 $0x200, s24;
	s26 =	sor.u32 $0x9000, s22;
	s9 =	simm.s32 $0x380;
	v61 =	vor.u32 v1, v18;
	[tilespmem:s25+$0x9000] =	vst v30;
	v32 =	vld.idx.msk [tilespmem:v55+s23+$0x0], $0xffff  }
0x322: {  	v59 =	vor.u32 v9, v16;
	s15 =	sor.u32 s11, s26;
	s30 =	sand.u32 $0x380, s9;
	[tilespmem:s13+$0x70] =	vst v34;
	v30 =	vld.idx.msk [tilespmem:v38+s23+$0x0], $0xffff  }
0x323: {  	s17 =	simm.s32 $0x280;
	v60 =	vor.u32 v10, v17;
	s12 =	sor.u32 s30, s26;
	s4 =	sadd.s32 $0x180, s19;
	v62 =	vld.idx.msk [tilespmem:v56+s23+$0x0], $0xffff;
	[tilespmem:s15+$0x0] =	vst v35  }
0x324: {  	s7 =	sand.u32 $0x3, s7;
	s16 =	simm.s32 $0x300;
	v45 =	vor.u32 v1, v19;
	s28 =	sor.u32 $0x400, s4;
	v51 =	vld.idx.msk [tilespmem:v63+s23+$0x0], $0xffff;
	[tilespmem:s12+$0x0] =	vst v36  }
0x325: {  	s7 =	sshll.u32 s7, $0x8;
	s29 =	sor.u32 $0x410, s3;
	s11 =	sand.u32 $0x300, s16;
	v42 =	vor.u32 v1, v20;
	v31 =	vld.idx.msk [tilespmem:v31+s23+$0x0], $0xffff;
	[tilespmem:s28+$0x9000] =	vst v57  }
0x326: {  	s7 =	sadd.s32 $0x0, s7;
	s14 =	sor.u32 s11, s26;
	v53 =	vor.u32 v9, v24;
	s18 =	sand.u32 $0x280, s17;
	v49 =	vld.idx.msk [tilespmem:v61+s23+$0x0], $0xffff;
	[tilespmem:s29+$0x9000] =	vst v58  }
0x327: {  	s7 =	sadd.s32 $0x100, s7;
	v48 =	vor.u32 v2, v26;
	s17 =	sor.u32 s18, s26;
	v46 =	vld.idx.msk [tilespmem:v59+s23+$0x0], $0xffff;
	[tilespmem:s14+$0x0] =	vst v32  }
0x328: {  	s22 =	sor.u32 $0x400, s7;
	v52 =	vor.u32 v2, v18;
	[tilespmem:s17+$0x0] =	vst v30;
	v47 =	vld.idx.msk [tilespmem:v60+s23+$0x0], $0xffff  }
0x329: {  	v50 =	vor.u32 v10, v16;
	[tilespmem:s22+$0x9000] =	vst v51;
	v33 =	vld.idx.msk [tilespmem:v45+s23+$0x0], $0xffff  }
0x32a: {  	s24 =	sor.u32 $0x410, s6;
	v30 =	vld.idx.msk [tilespmem:v42+s23+$0x0], $0xffff;
	[tilespmem:s15+$0x10] =	vst v31;
	v31 =	vor.u32 v10, v21  }
0x32b: {  	v54 =	vor.u32 v2, v19;
	[tilespmem:s24+$0x9000] =	vst v62;
	v32 =	vld.idx.msk [tilespmem:v53+s23+$0x0], $0xffff  }
0x32c: {  	s19 =	sor.u32 $0x410, s4;
	v55 =	vor.u32 v2, v20;
	[tilespmem:s12+$0x10] =	vst v49;
	v40 =	vld.idx.msk [tilespmem:v48+s23+$0x0], $0xffff  }
0x32d: {  	v59 =	vor.u32 v11, v17;
	v39 =	vld.idx.msk [tilespmem:v52+s23+$0x0], $0xffff;
	[tilespmem:s19+$0x9000] =	vst v46  }
0x32e: {  	v57 =	vor.u32 v3, v26;
	v56 =	vld.idx.msk [tilespmem:v50+s23+$0x0], $0xffff;
	[tilespmem:s17+$0x10] =	vst v33  }
0x32f: {  	s26 =	sor.u32 $0x420, s3;
	v45 =	vor.u32 v3, v18;
	[tilespmem:s14+$0x10] =	vst v30;
	v31 =	vld.idx.msk [tilespmem:v31+s23+$0x0], $0xffff  }
0x330: {  	s28 =	sor.u32 $0x410, s7;
	v58 =	vor.u32 v11, v16;
	[tilespmem:s26+$0x9000] =	vst v47;
	v60 =	vld.idx.msk [tilespmem:v54+s23+$0x0], $0xffff  }
0x331: {  	v30 =	vor.u32 v10, v24;
	[tilespmem:s28+$0x9000] =	vst v32;
	v37 =	vld.idx.msk [tilespmem:v55+s23+$0x0], $0xffff  }
0x332: {  	v61 =	vor.u32 v11, v21;
	v33 =	vld.idx.msk [tilespmem:v59+s23+$0x0], $0xffff;
	[tilespmem:s15+$0x20] =	vst v40  }
0x333: {  	s25 =	sor.u32 $0x420, s4;
	v62 =	vor.u32 v3, v19;
	[tilespmem:s12+$0x20] =	vst v39;
	v38 =	vld.idx.msk [tilespmem:v57+s23+$0x0], $0xffff  }
0x334: {  	v63 =	vor.u32 v3, v20;
	s29 =	sor.u32 $0x420, s6;
	v32 =	vld.idx.msk [tilespmem:v45+s23+$0x0], $0xffff;
	[tilespmem:s25+$0x9000] =	vst v56  }
0x335: {  	v44 =	vor.u32 v4, v26;
	v43 =	vld.idx.msk [tilespmem:v58+s23+$0x0], $0xffff;
	[tilespmem:s29+$0x9000] =	vst v31  }
0x336: {  	v30 =	vld.idx.msk [tilespmem:v30+s23+$0x0], $0xffff;
	[tilespmem:s17+$0x20] =	vst v60;
	v31 =	vor.u32 v12, v17  }
0x337: {  	s30 =	sor.u32 $0x430, s3;
	v24 =	vor.u32 v11, v24;
	[tilespmem:s14+$0x20] =	vst v37;
	v46 =	vld.idx.msk [tilespmem:v61+s23+$0x0], $0xffff  }
0x338: {  	v48 =	vor.u32 v12, v21;
	[tilespmem:s30+$0x9000] =	vst v33;
	v47 =	vld.idx.msk [tilespmem:v62+s23+$0x0], $0xffff  }
0x339: {  	v49 =	vor.u32 v4, v19;
	v34 =	vld.idx.msk [tilespmem:v63+s23+$0x0], $0xffff;
	[tilespmem:s15+$0x30] =	vst v38  }
0x33a: {  	s11 =	sor.u32 $0x420, s7;
	v50 =	vor.u32 v4, v20;
	[tilespmem:s12+$0x30] =	vst v32;
	v35 =	vld.idx.msk [tilespmem:v44+s23+$0x0], $0xffff  }
0x33b: {  	s13 =	sor.u32 $0x430, s6;
	v51 =	vor.u32 v5, v26;
	[tilespmem:s11+$0x9000] =	vst v30;
	v31 =	vld.idx.msk [tilespmem:v31+s23+$0x0], $0xffff  }
0x33c: {  	v30 =	vor.u32 v4, v18;
	v24 =	vld.idx.msk [tilespmem:v24+s23+$0x0], $0xffff;
	[tilespmem:s13+$0x9000] =	vst v46  }
0x33d: {  	v52 =	vor.u32 v23, v22;
	v22 =	vor.u32 v13, v17;
	[tilespmem:s17+$0x30] =	vst v47;
	v23 =	vld.idx.msk [tilespmem:v48+s23+$0x0], $0xffff  }
0x33e: {  	v54 =	vor.u32 v12, v52;
	[tilespmem:s14+$0x30] =	vst v34;
	v53 =	vld.idx.msk [tilespmem:v49+s23+$0x0], $0xffff  }
0x33f: {  	v56 =	vor.u32 v13, v21;
	s30 =	sor.u32 $0x430, s4;
	v55 =	vld.idx.msk [tilespmem:v50+s23+$0x0], $0xffff;
	[tilespmem:s15+$0x40] =	vst v35  }
0x340: {  	s16 =	sor.u32 $0x440, s3;
	v57 =	vor.u32 v5, v19;
	[tilespmem:s30+$0x9000] =	vst v43;
	v33 =	vld.idx.msk [tilespmem:v51+s23+$0x0], $0xffff  }
0x341: {  	s18 =	sor.u32 $0x430, s7;
	v58 =	vor.u32 v5, v20;
	v30 =	vld.idx.msk [tilespmem:v30+s23+$0x0], $0xffff;
	[tilespmem:s16+$0x9000] =	vst v31  }
0x342: {  	s19 =	sor.u32 $0x440, s6;
	v31 =	vor.u32 v6, v26;
	[tilespmem:s18+$0x9000] =	vst v24;
	v22 =	vld.idx.msk [tilespmem:v22+s23+$0x0], $0xffff  }
0x343: {  	v24 =	vor.u32 v5, v18;
	v34 =	vld.idx.msk [tilespmem:v54+s23+$0x0], $0xffff;
	[tilespmem:s19+$0x9000] =	vst v23  }
0x344: {  	v59 =	vor.u32 v14, v17;
	[tilespmem:s17+$0x40] =	vst v53;
	v37 =	vld.idx.msk [tilespmem:v56+s23+$0x0], $0xffff  }
0x345: {  	v60 =	vor.u32 v13, v52;
	[tilespmem:s14+$0x40] =	vst v55;
	v38 =	vld.idx.msk [tilespmem:v57+s23+$0x0], $0xffff  }
0x346: {  	v61 =	vor.u32 v14, v21;
	v32 =	vld.idx.msk [tilespmem:v58+s23+$0x0], $0xffff;
	[tilespmem:s15+$0x50] =	vst v33  }
0x347: {  	s22 =	sor.u32 $0x450, s3;
	v63 =	vor.u32 v6, v19;
	v44 =	vor.u32 v6, v20;
	[tilespmem:s12+$0x40] =	vst v30;
	v62 =	vld.idx.msk [tilespmem:v31+s23+$0x0], $0xffff  }
0x348: {  	s25 =	sor.u32 $0x440, s7;
	v23 =	vor.u32 v15, v21;
	v21 =	vor.u32 v25, v27;
	v36 =	vld.idx.msk [tilespmem:v24+s23+$0x0], $0xffff;
	[tilespmem:s22+$0x9000] =	vst v22  }
0x349: {  	s24 =	sand.u32 $0x3, s1;
	s26 =	sand.u32 $0x7, s5;
	s28 =	sor.u32 $0x450, s6;
	v22 =	vor.u32 v29, v28;
	v29 =	vor.u32 v7, v26;
	[tilespmem:s25+$0x9000] =	vst v34;
	v25 =	vld.idx.msk [tilespmem:v59+s23+$0x0], $0xffff  }
0x34a: {  	p0 =	por !p0, !p0;
	s29 =	sshll.u32 s26, $0x7;
	s11 =	sshll.u32 s24, $0x8;
	v31 =	vor.u32 v12, v16;
	v28 =	vld.idx.msk [tilespmem:v60+s23+$0x0], $0xffff;
	[tilespmem:s28+$0x9000] =	vst v37  }
0x34b: {  	v41 =	vor.u32 v7, v19;
	v40 =	vor.u32 v6, v18;
	s26 =	sor.u32 $0x460, s4;
	s11 =	sadd.s32 $0x400, s11;
	s13 =	sadd.s32 $0x400, s29;
	[tilespmem:s17+$0x50] =	vst v38;
	v27 =	vld.idx.msk [tilespmem:v61+s23+$0x0], $0xffff  }
0x34c: {  	s24 =	simm.s32 $0x400;
	s10 =	sadd.s32 $0x100, s11;
	s11 =	sadd.s32 $0x80, s13;
	v35 =	vor.u32 v8, v19;
	v30 =	vor.u32 v13, v16;
	[tilespmem:s14+$0x50] =	vst v32;
	v37 =	vld.idx.msk [tilespmem:v63+s23+$0x0], $0xffff  }
0x34d: {  	s13 =	sadd.s32 $0x180, s13;
	s16 =	sor.u32 $0x450, s7;
	s18 =	sor.u32 $0x450, s10;
	v24 =	vor.u32 v15, v19;
	v34 =	vor.u32 v14, v52;
	v39 =	vld.idx.msk [tilespmem:v44+s23+$0x0], $0xffff;
	[tilespmem:s15+$0x60] =	vst v62  }
0x34e: {  	s19 =	simm.s32 $0x8;
	v26 =	vor.u32 v14, v16;
	s25 =	sor.u32 $0x440, s4;
	s22 =	sor.u32 $0x450, s4;
	v32 =	vor.u32 v15, v52;
	v38 =	vld.idx.msk [tilespmem:v29+s23+$0x0], $0xffff;
	v29 =	vor.u32 v7, v18  }
.LBB2_8:
0x34f: {  	v33 =	vmov s19;
	s28 =	sadd.s32 $0x1, s19;
	s29 =	sadd.s32 $0x2, s19;
	s30 =	sadd.s32 $0x3, s19;
	v42 =	vor.u32 v8, v21;
	v43 =	vor.u32 v7, v20;
	[tilespmem:s12+$0x50] =	vst v36;
	v31 =	vld.idx.msk [tilespmem:v31+s23+$0x0], $0xffff  }
0x350: {  	p1 =	slt.u32 s19, $0xC;
	s19 =	sadd.s32 $0x4, s19;
	v36 =	vshll.u32 v33, $0x9;
	v44 =	vmov s28;
	v45 =	vmov s30;
	s28 =	sor.u32 $0x460, s6;
	[tilespmem:s16+$0x9000] =	vst v28  }
0x351: {  	s16 =	smov.u32 s18;
	v46 =	vand.u32 $0x1000, v36;
	v28 =	vshll.u32 v44, $0x7;
	v47 =	vshll.u32 v45, $0x9;
	v40 =	vld.idx.msk [tilespmem:v40+s23+$0x0], $0xffff;
	[tilespmem:s28+$0x9000] =	vst v27  }
0x352: {  	v27 =	vshll.u32 v44, $0x9;
	v44 =	vmov s29;
	v28 =	vand.u32 $0x280, v28;
	[tilespmem:s17+$0x60] =	vst v37;
	v34 =	vld.idx.msk [tilespmem:v34+s23+$0x0], $0xffff  }
0x353: {  	v33 =	vshll.u32 v33, $0x7;
	v45 =	vshll.u32 v45, $0x7;
	v37 =	vand.u32 $0x1000, v47;
	v41 =	vld.idx.msk [tilespmem:v41+s23+$0x0], $0xffff;
	[tilespmem:s14+$0x60] =	vst v39  }
0x354: {  	s28 =	sor.u32 $0x470, s4;
	s4 =	smov.u32 s13;
	v27 =	vand.u32 $0x1000, v27;
	v45 =	vand.u32 $0x380, v45;
	v39 =	vshll.u32 v44, $0x7;
	[tilespmem:s15+$0x70] =	vst v38;
	v38 =	vld.idx.msk [tilespmem:v23+s23+$0x0], $0xffff;
	v23 =	vmovc v24  }
0x355: {  	v28 =	vor.u32 v28, v27;
	v24 =	vand.u32 $0x200, v33;
	v33 =	vor.u32 v45, v37;
	v37 =	vld.idx.msk [tilespmem:v42+s23+$0x0], $0xffff;
	[tilespmem:s25+$0x9000] =	vst v31  }
0x356: {  	s13 =	simm.s32 $0x1;
	v27 =	vor.u32 v24, v46;
	v31 =	vshll.u32 v44, $0x9;
	v42 =	vor.u32 v0, v33;
	v44 =	vld.idx.msk [tilespmem:v30+s23+$0x0], $0xffff  }
0x357: {  	s13 =	simm.s32 @!p0 $0x0;
	v39 =	vand.u32 $0x300, v39;
	s15 =	sor.u32 $0x460, s7;
	v45 =	vor.u32 v0, v27;
	v30 =	vand.u32 $0x1000, v31;
	v43 =	vld.idx.msk [tilespmem:v43+s23+$0x0], $0xffff;
	[tilespmem:s12+$0x60] =	vst v40  }
0x358: {  	s8 =	sadd.s32 $0x400, s8;
	s6 =	sor.u32 $0x470, s6;
	s13 =	sshll.u32 s13, $0x9;
	v36 =	vor.u32 v36, v24;
	v30 =	vor.u32 v39, v30;
	v40 =	vld.idx.msk [tilespmem:v29+s23+$0x0], $0xffff;
	[tilespmem:s15+$0x9000] =	vst v34  }
0x359: {  	s5 =	sadd.s32 $0x4, s5;
	s1 =	sadd.s32 $0x2, s1;
	s25 =	sadd.s32 s13, s24;
	v46 =	vor.u32 v9, v21;
	v34 =	vor.u32 v0, v30;
	[tilespmem:s17+$0x70] =	vst v41;
	v32 =	vld.idx.msk [tilespmem:v32+s23+$0x0], $0xffff  }
0x35a: {  	s13 =	sand.u32 $0x7, s5;
	s15 =	sand.u32 $0x3, s1;
	v29 =	vor.u32 v39, v31;
	s17 =	sor.u32 $0x400, s25;
	v31 =	vld.idx.msk [tilespmem:v35+s23+$0x0], $0xffff;
	v35 =	vor.u32 v8, v18;
	[tilespmem:s6+$0x9000] =	vst v38  }
0x35b: {  	s9 =	sadd.s32 $0x200, s9;
	v24 =	vor.u32 v15, v28;
	s6 =	sshll.u32 s13, $0x7;
	s13 =	sshll.u32 s15, $0x8;
	v38 =	vor.u32 v0, v28;
	v39 =	vld.idx.msk [tilespmem:v42+s23+$0x0], $0xffff;
	[tilespmem:s17+$0x9000] =	vst v37  }
0x35c: {  	s24 =	smov.u32 s8;
	s6 =	sadd.s32 s8, s6;
	s13 =	sadd.s32 s8, s13;
	v37 =	vld.idx.msk [tilespmem:v45+s23+$0x0], $0xffff;
	[tilespmem:s22+$0x9000] =	vst v44  }
0x35d: {  	v41 =	vor.u32 v15, v17;
	v17 =	vmov v21;
	v21 =	vmov v36;
	s17 =	sadd.s32 $0x80, s6;
	s22 =	sadd.s32 $0x100, s13;
	s13 =	sadd.s32 $0x180, s6;
	[tilespmem:s14+$0x70] =	vst v43;
	v26 =	vld.idx.msk [tilespmem:v26+s23+$0x0], $0xffff  }
0x35e: {  	s7 =	sor.u32 $0x470, s7;
	v42 =	vor.u32 v9, v19;
	s6 =	smov.u32 s11;
	s18 =	sor.u32 $0x450, s22;
	v36 =	vld.idx.msk [tilespmem:v46+s23+$0x0], $0xffff;
	[tilespmem:s12+$0x70] =	vst v40  }
0x35f: {  	s11 =	sand.u32 $0x800, s8;
	s14 =	sor.u32 $0x400, s6;
	s12 =	sadd.s32 $0xFFFFFE80, s9;
	v40 =	vor.u32 v1, v27;
	v35 =	vld.idx.msk [tilespmem:v35+s23+$0x0], $0xffff;
	[tilespmem:s7+$0x9000] =	vst v32;
	v32 =	vor.u32 v15, v16;
	v16 =	vmov v18  }
0x360: {  	s29 =	sor.u32 $0x9000, s11;
	s11 =	sor.u32 $0x460, s3;
	s7 =	sand.u32 $0x200, s12;
	v18 =	vmov v33;
	v34 =	vld.idx.msk [tilespmem:v34+s23+$0x0], $0xffff;
	[tilespmem:s14+$0x9000] =	vst v31  }
0x361: {  	s15 =	sor.u32 s7, s29;
	v33 =	vor.u32 v9, v16;
	s7 =	smov.u32 s10;
	v31 =	vld.idx.msk [tilespmem:v38+s23+$0x0], $0xffff;
	[tilespmem:s11+$0x9000] =	vst v25;
	s11 =	smov.u32 s17  }
0x362: {  	s10 =	smov.u32 s22;
	v25 =	vor.u32 v1, v28;
	[tilespmem:s15+$0x0] =	vst v37;
	v37 =	vor.u32 v10, v17;
	v38 =	vld.idx.msk [tilespmem:v41+s23+$0x0], $0xffff  }
0x363: {  	s12 =	sor.u32 $0x410, s25;
	v41 =	vor.u32 v1, v18;
	v42 =	vld.idx.msk [tilespmem:v42+s23+$0x0], $0xffff;
	[tilespmem:s26+$0x9000] =	vst v26  }
0x364: {  	v26 =	vor.u32 v1, v30;
	[tilespmem:s12+$0x9000] =	vst v36;
	v36 =	vor.u32 v8, v20;
	s12 =	sor.u32 $0x400, s4;
	v32 =	vld.idx.msk [tilespmem:v32+s23+$0x0], $0xffff  }
0x365: {  	s14 =	sadd.s32 $0xFFFFFF80, s9;
	s17 =	sand.u32 $0x380, s9;
	v40 =	vld.idx.msk [tilespmem:v40+s23+$0x0], $0xffff;
	[tilespmem:s12+$0x9000] =	vst v35  }
0x366: {  	s14 =	sand.u32 $0x300, s14;
	s12 =	sor.u32 s17, s29;
	v33 =	vld.idx.msk [tilespmem:v33+s23+$0x0], $0xffff  }
0x367: {  	s3 =	sor.u32 $0x470, s3;
	s14 =	sor.u32 s14, s29;
	s17 =	sadd.s32 $0xFFFFFF00, s9;
	[tilespmem:s12+$0x0] =	vst v39;
	v35 =	vld.idx.msk [tilespmem:v37+s23+$0x0], $0xffff  }
0x368: {  	s17 =	sand.u32 $0x280, s17;
	v37 =	vor.u32 v2, v27;
	v39 =	vld.idx.msk [tilespmem:v41+s23+$0x0], $0xffff;
	[tilespmem:s3+$0x9000] =	vst v38;
	s3 =	smov.u32 s25  }
0x369: {  	s17 =	sor.u32 s17, s29;
	[tilespmem:s14+$0x0] =	vst v34;
	v34 =	vld.idx.msk [tilespmem:v36+s23+$0x0], $0xffff;
	v36 =	vor.u32 v10, v16  }
0x36a: {  	[tilespmem:s17+$0x0] =	vst v31;
	v26 =	vld.idx.msk [tilespmem:v26+s23+$0x0], $0xffff;
	v31 =	vor.u32 v2, v18  }
0x36b: {  	v38 =	vor.u32 v9, v20;
	v25 =	vld.idx.msk [tilespmem:v25+s23+$0x0], $0xffff;
	[tilespmem:s28+$0x9000] =	vst v32  }
0x36c: {  	s22 =	sor.u32 $0x410, s4;
	v32 =	vor.u32 v10, v19;
	[tilespmem:s15+$0x10] =	vst v40  }
0x36d: {  	v40 =	vor.u32 v2, v28;
	v37 =	vld.idx.msk [tilespmem:v37+s23+$0x0], $0xffff;
	[tilespmem:s22+$0x9000] =	vst v33  }
0x36e: {  	v33 =	vor.u32 v2, v30;
	s22 =	sor.u32 $0x400, s7;
	[tilespmem:s12+$0x10] =	vst v39;
	v36 =	vld.idx.msk [tilespmem:v36+s23+$0x0], $0xffff  }
0x36f: {  	s25 =	sor.u32 $0x410, s6;
	v39 =	vor.u32 v3, v27;
	v41 =	vld.idx.msk [tilespmem:v31+s23+$0x0], $0xffff;
	[tilespmem:s22+$0x9000] =	vst v34  }
0x370: {  	v34 =	vor.u32 v11, v16;
	[tilespmem:s25+$0x9000] =	vst v42;
	v31 =	vld.idx.msk [tilespmem:v38+s23+$0x0], $0xffff  }
0x371: {  	[tilespmem:s17+$0x10] =	vst v25;
	v25 =	vor.u32 v11, v17;
	v32 =	vld.idx.msk [tilespmem:v32+s23+$0x0], $0xffff  }
0x372: {  	v38 =	vld.idx.msk [tilespmem:v40+s23+$0x0], $0xffff;
	[tilespmem:s14+$0x10] =	vst v26;
	v26 =	vor.u32 v10, v20  }
0x373: {  	s22 =	sor.u32 $0x420, s4;
	v40 =	vor.u32 v11, v19;
	[tilespmem:s15+$0x20] =	vst v37;
	v37 =	vld.idx.msk [tilespmem:v33+s23+$0x0], $0xffff  }
0x374: {  	v42 =	vor.u32 v3, v28;
	s25 =	sor.u32 $0x420, s3;
	v39 =	vld.idx.msk [tilespmem:v39+s23+$0x0], $0xffff;
	[tilespmem:s22+$0x9000] =	vst v36  }
0x375: {  	v36 =	vor.u32 v3, v30;
	s22 =	sor.u32 $0x410, s7;
	[tilespmem:s25+$0x9000] =	vst v35;
	v33 =	vld.idx.msk [tilespmem:v34+s23+$0x0], $0xffff  }
0x376: {  	v34 =	vor.u32 v4, v27;
	s25 =	sor.u32 $0x420, s6;
	v25 =	vld.idx.msk [tilespmem:v25+s23+$0x0], $0xffff;
	[tilespmem:s22+$0x9000] =	vst v31  }
0x377: {  	v35 =	vor.u32 v3, v18;
	v31 =	vor.u32 v12, v16;
	[tilespmem:s25+$0x9000] =	vst v32;
	v26 =	vld.idx.msk [tilespmem:v26+s23+$0x0], $0xffff  }
0x378: {  	v32 =	vor.u32 v12, v17;
	[tilespmem:s17+$0x20] =	vst v38;
	v38 =	vld.idx.msk [tilespmem:v40+s23+$0x0], $0xffff  }
0x379: {  	v40 =	vld.idx.msk [tilespmem:v42+s23+$0x0], $0xffff;
	[tilespmem:s14+$0x20] =	vst v37;
	v37 =	vor.u32 v11, v20;
	v20 =	vmov v30  }
0x37a: {  	[tilespmem:s15+$0x30] =	vst v39;
	v36 =	vld.idx.msk [tilespmem:v36+s23+$0x0], $0xffff;
	v39 =	vor.u32 v12, v19  }
0x37b: {  	s22 =	sor.u32 $0x430, s3;
	v42 =	vor.u32 v4, v28;
	v34 =	vld.idx.msk [tilespmem:v34+s23+$0x0], $0xffff;
	[tilespmem:s12+$0x20] =	vst v41  }
0x37c: {  	v41 =	vor.u32 v4, v20;
	v35 =	vld.idx.msk [tilespmem:v35+s23+$0x0], $0xffff;
	[tilespmem:s22+$0x9000] =	vst v25;
	s22 =	sor.u32 $0x420, s7  }
0x37d: {  	s25 =	sor.u32 $0x430, s6;
	v25 =	vor.u32 v5, v27;
	v32 =	vld.idx.msk [tilespmem:v32+s23+$0x0], $0xffff;
	[tilespmem:s22+$0x9000] =	vst v26  }
0x37e: {  	v30 =	vor.u32 v13, v16;
	v26 =	vor.u32 v4, v18;
	[tilespmem:s25+$0x9000] =	vst v38;
	v37 =	vld.idx.msk [tilespmem:v37+s23+$0x0], $0xffff  }
0x37f: {  	v38 =	vor.u32 v13, v17;
	[tilespmem:s17+$0x30] =	vst v40;
	v39 =	vld.idx.msk [tilespmem:v39+s23+$0x0], $0xffff  }
0x380: {  	v40 =	vld.idx.msk [tilespmem:v42+s23+$0x0], $0xffff;
	[tilespmem:s14+$0x30] =	vst v36;
	v36 =	vor.u32 v12, v22  }
0x381: {  	s25 =	sor.u32 $0x440, s4;
	[tilespmem:s15+$0x40] =	vst v34;
	v34 =	vld.idx.msk [tilespmem:v41+s23+$0x0], $0xffff;
	v41 =	vor.u32 v13, v19  }
0x382: {  	s22 =	sor.u32 $0x440, s3;
	v42 =	vor.u32 v5, v28;
	v25 =	vld.idx.msk [tilespmem:v25+s23+$0x0], $0xffff;
	[tilespmem:s12+$0x30] =	vst v35  }
0x383: {  	v35 =	vor.u32 v5, v20;
	v43 =	vld.idx.msk [tilespmem:v26+s23+$0x0], $0xffff;
	[tilespmem:s22+$0x9000] =	vst v32;
	s22 =	sor.u32 $0x430, s7  }
0x384: {  	s26 =	sor.u32 $0x440, s6;
	v32 =	vor.u32 v6, v27;
	v38 =	vld.idx.msk [tilespmem:v38+s23+$0x0], $0xffff;
	[tilespmem:s22+$0x9000] =	vst v37  }
0x385: {  	v26 =	vor.u32 v14, v16;
	v37 =	vor.u32 v5, v18;
	[tilespmem:s26+$0x9000] =	vst v39;
	v39 =	vld.idx.msk [tilespmem:v36+s23+$0x0], $0xffff  }
0x386: {  	[tilespmem:s17+$0x40] =	vst v40;
	v40 =	vor.u32 v14, v17;
	v41 =	vld.idx.msk [tilespmem:v41+s23+$0x0], $0xffff  }
0x387: {  	v42 =	vld.idx.msk [tilespmem:v42+s23+$0x0], $0xffff;
	[tilespmem:s14+$0x40] =	vst v34;
	v34 =	vor.u32 v13, v22  }
0x388: {  	v44 =	vor.u32 v14, v19;
	v19 =	vmov v28;
	s22 =	sor.u32 $0x450, s4;
	[tilespmem:s15+$0x50] =	vst v25;
	v35 =	vld.idx.msk [tilespmem:v35+s23+$0x0], $0xffff  }
0x389: {  	s26 =	sor.u32 $0x450, s3;
	v45 =	vld.idx.msk [tilespmem:v32+s23+$0x0], $0xffff;
	v32 =	vor.u32 v6, v19;
	[tilespmem:s12+$0x40] =	vst v43  }
0x38a: {  	v43 =	vor.u32 v6, v20;
	v36 =	vld.idx.msk [tilespmem:v37+s23+$0x0], $0xffff;
	[tilespmem:s26+$0x9000] =	vst v38;
	s26 =	sor.u32 $0x440, s7  }
0x38b: {  	s28 =	sor.u32 $0x450, s6;
	v38 =	vor.u32 v7, v27;
	v25 =	vld.idx.msk [tilespmem:v40+s23+$0x0], $0xffff;
	[tilespmem:s26+$0x9000] =	vst v39  }
.Ltmp3:
0x38c: {  	[tilespmem:s28+$0x9000] =	vst v41;
	v28 =	vld.idx.msk [tilespmem:v34+s23+$0x0], $0xffff;
	(pc) =	sbr.rel @p1 .LBB2_8-.Ltmp3, $4  }
0x38d: {  	[tilespmem:s17+$0x50] =	vst v42;
	v27 =	vld.idx.msk [tilespmem:v44+s23+$0x0], $0xffff  }
0x38e: {  	v40 =	vor.u32 v6, v18;
	s28 =	sor.u32 $0x430, s4;
	v37 =	vld.idx.msk [tilespmem:v32+s23+$0x0], $0xffff;
	[tilespmem:s14+$0x50] =	vst v35;
	v32 =	vor.u32 v15, v22  }
0x38f: {  	s26 =	sor.u32 $0x460, s4;
	v34 =	vor.u32 v14, v22;
	v35 =	vor.u32 v8, v19;
	v22 =	vmov v29;
	[tilespmem:s15+$0x60] =	vst v45;
	v39 =	vld.idx.msk [tilespmem:v43+s23+$0x0], $0xffff  }
0x390: {  	p0 =	por !p0, !p0;
	v41 =	vor.u32 v7, v19;
	v29 =	vor.u32 v7, v18;
	v38 =	vld.idx.msk [tilespmem:v38+s23+$0x0], $0xffff;
	[tilespmem:s28+$0x9000] =	vst v33  }
0x391: {  	_ =	sdelay $0x2  }
0x392: {  	v33 =	vor.u32 v7, v20;
	[tilespmem:s12+$0x50] =	vst v36  }
0x393: {  	v36 =	vld.idx.msk [tilespmem:v40+s23+$0x0], $0xffff;
	_ =	sdelay $0x1  }
0x394: {  	[tilespmem:s17+$0x60] =	vst v37  }
0x395: {  	v37 =	vld.idx.msk [tilespmem:v41+s23+$0x0], $0xffff;
	[tilespmem:s14+$0x60] =	vst v39  }
0x396: {  	v33 =	vld.idx.msk [tilespmem:v33+s23+$0x0], $0xffff  }
0x397: {  	v45 =	vor.u32 v8, v20;
	[tilespmem:s12+$0x60] =	vst v36  }
0x398: {  	v46 =	vor.u32 v8, v21;
	v29 =	vld.idx.msk [tilespmem:v29+s23+$0x0], $0xffff  }
0x399: {  	v47 =	vor.u32 v8, v18  }
0x39a: {  	[tilespmem:s17+$0x70] =	vst v37  }
0x39b: {  	v35 =	vld.idx.msk [tilespmem:v35+s23+$0x0], $0xffff;
	[tilespmem:s14+$0x70] =	vst v33  }
0x39c: {  	v48 =	vor.u32 v9, v19;
	[tilespmem:s15+$0x70] =	vst v38;
	v36 =	vld.idx.msk [tilespmem:v45+s23+$0x0], $0xffff  }
0x39d: {  	s1 =	simm.s32 $0x1;
	v49 =	vld.idx.msk [tilespmem:v46+s23+$0x0], $0xffff;
	[tilespmem:s12+$0x70] =	vst v29;
	v29 =	vor.u32 v9, v20  }
0x39e: {  	v50 =	vor.u32 v9, v21;
	s1 =	simm.s32 @!p0 $0x0;
	v51 =	vld.idx.msk [tilespmem:v47+s23+$0x0], $0xffff  }
0x39f: {  	s5 =	sor.u32 $0x400, s11;
	v52 =	vor.u32 v9, v18;
	s1 =	sshll.u32 s1, $0x9  }
0x3a0: {  	s29 =	sor.u32 $0x400, s10;
	s1 =	sadd.s32 s1, s24;
	[tilespmem:s5+$0x9000] =	vst v35  }
0x3a1: {  	s8 =	sor.u32 $0x400, s1;
	v33 =	vld.idx.msk [tilespmem:v48+s23+$0x0], $0xffff;
	[tilespmem:s29+$0x9000] =	vst v36  }
0x3a2: {  	s30 =	sor.u32 $0x400, s13;
	v53 =	vor.u32 v10, v19;
	[tilespmem:s8+$0x9000] =	vst v49;
	v29 =	vld.idx.msk [tilespmem:v29+s23+$0x0], $0xffff  }
0x3a3: {  	v55 =	vor.u32 v10, v20;
	v54 =	vld.idx.msk [tilespmem:v50+s23+$0x0], $0xffff;
	[tilespmem:s30+$0x9000] =	vst v51  }
0x3a4: {  	v56 =	vor.u32 v10, v21;
	v39 =	vld.idx.msk [tilespmem:v52+s23+$0x0], $0xffff  }
0x3a5: {  	v57 =	vor.u32 v10, v18;
	s8 =	sor.u32 $0x410, s11  }
0x3a6: {  	s9 =	sor.u32 $0x410, s10;
	[tilespmem:s8+$0x9000] =	vst v33  }
0x3a7: {  	s12 =	sor.u32 $0x410, s1;
	v33 =	vld.idx.msk [tilespmem:v53+s23+$0x0], $0xffff;
	[tilespmem:s9+$0x9000] =	vst v29  }
0x3a8: {  	s14 =	sor.u32 $0x410, s13;
	[tilespmem:s12+$0x9000] =	vst v54;
	v29 =	vor.u32 v11, v19;
	v58 =	vld.idx.msk [tilespmem:v55+s23+$0x0], $0xffff  }
0x3a9: {  	v20 =	vor.u32 v11, v20;
	v36 =	vld.idx.msk [tilespmem:v56+s23+$0x0], $0xffff;
	[tilespmem:s14+$0x9000] =	vst v39  }
0x3aa: {  	v60 =	vor.u32 v11, v21;
	[tilespmem:s16+$0x9000] =	vst v28;
	s24 =	sor.u32 $0x460, s6;
	v59 =	vld.idx.msk [tilespmem:v57+s23+$0x0], $0xffff  }
0x3ab: {  	v28 =	vor.u32 v11, v18;
	v31 =	vld.idx.msk [tilespmem:v31+s23+$0x0], $0xffff;
	s15 =	sor.u32 $0x420, s11;
	[tilespmem:s24+$0x9000] =	vst v27  }
0x3ac: {  	s16 =	sor.u32 $0x420, s10;
	[tilespmem:s15+$0x9000] =	vst v33  }
0x3ad: {  	s17 =	sor.u32 $0x420, s1;
	v29 =	vld.idx.msk [tilespmem:v29+s23+$0x0], $0xffff;
	[tilespmem:s16+$0x9000] =	vst v58  }
0x3ae: {  	s19 =	sor.u32 $0x420, s13;
	v61 =	vor.u32 v12, v19;
	[tilespmem:s17+$0x9000] =	vst v36;
	v20 =	vld.idx.msk [tilespmem:v20+s23+$0x0], $0xffff  }
0x3af: {  	v63 =	vor.u32 v12, v22;
	v62 =	vld.idx.msk [tilespmem:v60+s23+$0x0], $0xffff;
	[tilespmem:s19+$0x9000] =	vst v59  }
0x3b0: {  	[tilespmem:s25+$0x9000] =	vst v31;
	v27 =	vld.idx.msk [tilespmem:v28+s23+$0x0], $0xffff;
	v28 =	vor.u32 v12, v21  }
0x3b1: {  	s28 =	sor.u32 $0x430, s11;
	v31 =	vor.u32 v12, v18;
	v30 =	vld.idx.msk [tilespmem:v30+s23+$0x0], $0xffff  }
0x3b2: {  	v23 =	vld.idx.msk [tilespmem:v23+s23+$0x0], $0xffff;
	s29 =	sor.u32 $0x430, s10;
	[tilespmem:s28+$0x9000] =	vst v29  }
0x3b3: {  	s30 =	sor.u32 $0x430, s1;
	v29 =	vld.idx.msk [tilespmem:v61+s23+$0x0], $0xffff;
	[tilespmem:s29+$0x9000] =	vst v20  }
0x3b4: {  	s9 =	sor.u32 $0x430, s13;
	[tilespmem:s30+$0x9000] =	vst v62;
	v20 =	vor.u32 v13, v19;
	v40 =	vld.idx.msk [tilespmem:v63+s23+$0x0], $0xffff  }
0x3b5: {  	v41 =	vor.u32 v13, v22;
	v28 =	vld.idx.msk [tilespmem:v28+s23+$0x0], $0xffff;
	[tilespmem:s9+$0x9000] =	vst v27  }
0x3b6: {  	[tilespmem:s22+$0x9000] =	vst v30;
	s14 =	sor.u32 $0x470, s6;
	v27 =	vor.u32 v13, v21;
	v31 =	vld.idx.msk [tilespmem:v31+s23+$0x0], $0xffff  }
0x3b7: {  	v34 =	vld.idx.msk [tilespmem:v34+s23+$0x0], $0xffff;
	[tilespmem:s14+$0x9000] =	vst v23;
	v23 =	vor.u32 v13, v18;
	s15 =	sor.u32 $0x440, s11  }
0x3b8: {  	v26 =	vld.idx.msk [tilespmem:v26+s23+$0x0], $0xffff;
	s16 =	sor.u32 $0x440, s10;
	[tilespmem:s15+$0x9000] =	vst v29  }
0x3b9: {  	s17 =	sor.u32 $0x440, s1;
	v20 =	vld.idx.msk [tilespmem:v20+s23+$0x0], $0xffff;
	[tilespmem:s16+$0x9000] =	vst v40  }
0x3ba: {  	s19 =	sor.u32 $0x440, s13;
	v19 =	vor.u32 v14, v19;
	[tilespmem:s17+$0x9000] =	vst v28;
	v28 =	vld.idx.msk [tilespmem:v41+s23+$0x0], $0xffff  }
0x3bb: {  	s12 =	sor.u32 $0x460, s7;
	v29 =	vor.u32 v14, v22;
	v27 =	vld.idx.msk [tilespmem:v27+s23+$0x0], $0xffff;
	[tilespmem:s19+$0x9000] =	vst v31  }
0x3bc: {  	v30 =	vor.u32 v14, v21;
	[tilespmem:s12+$0x9000] =	vst v34;
	v23 =	vld.idx.msk [tilespmem:v23+s23+$0x0], $0xffff  }
0x3bd: {  	s25 =	sor.u32 $0x450, s11;
	[tilespmem:s26+$0x9000] =	vst v26;
	v31 =	vor.u32 v14, v18  }
0x3be: {  	v17 =	vor.u32 v15, v17;
	v32 =	vld.idx.msk [tilespmem:v32+s23+$0x0], $0xffff;
	[tilespmem:s25+$0x9000] =	vst v20  }
0x3bf: {  	v16 =	vor.u32 v15, v16;
	s28 =	sor.u32 $0x450, s1;
	v19 =	vld.idx.msk [tilespmem:v19+s23+$0x0], $0xffff;
	[tilespmem:s18+$0x9000] =	vst v28  }
0x3c0: {  	s29 =	sor.u32 $0x450, s13;
	[tilespmem:s28+$0x9000] =	vst v27;
	v20 =	vld.idx.msk [tilespmem:v29+s23+$0x0], $0xffff  }
0x3c1: {  	s30 =	sor.u32 $0x460, s3;
	v22 =	vor.u32 v15, v22;
	v27 =	vld.idx.msk [tilespmem:v30+s23+$0x0], $0xffff;
	[tilespmem:s29+$0x9000] =	vst v23  }
0x3c2: {  	s24 =	sor.u32 $0x470, s7;
	[tilespmem:s30+$0x9000] =	vst v25;
	v21 =	vor.u32 v15, v21;
	v23 =	vld.idx.msk [tilespmem:v31+s23+$0x0], $0xffff  }
0x3c3: {  	[tilespmem:s24+$0x9000] =	vst v32;
	s6 =	sor.u32 $0x460, s11;
	v17 =	vld.idx.msk [tilespmem:v17+s23+$0x0], $0xffff;
	v18 =	vor.u32 v15, v18  }
0x3c4: {  	s7 =	sor.u32 $0x460, s10;
	v16 =	vld.idx.msk [tilespmem:v16+s23+$0x0], $0xffff;
	[tilespmem:s6+$0x9000] =	vst v19  }
0x3c5: {  	s8 =	sor.u32 $0x460, s1;
	v19 =	vld.idx.msk [tilespmem:v24+s23+$0x0], $0xffff;
	[tilespmem:s7+$0x9000] =	vst v20  }
0x3c6: {  	s9 =	sor.u32 $0x460, s13;
	v20 =	vld.idx.msk [tilespmem:v22+s23+$0x0], $0xffff;
	[tilespmem:s8+$0x9000] =	vst v27  }
0x3c7: {  	s12 =	sor.u32 $0x470, s3;
	v21 =	vld.idx.msk [tilespmem:v21+s23+$0x0], $0xffff;
	[tilespmem:s9+$0x9000] =	vst v23  }
0x3c8: {  	s4 =	sor.u32 $0x470, s4;
	[tilespmem:s12+$0x9000] =	vst v17;
	v17 =	vld.idx.msk [tilespmem:v18+s23+$0x0], $0xffff  }
0x3c9: {  	[tilespmem:s4+$0x9000] =	vst v16;
	s14 =	sor.u32 $0x470, s11  }
0x3ca: {  	s15 =	sor.u32 $0x470, s10;
	[tilespmem:s14+$0x9000] =	vst v19  }
0x3cb: {  	s1 =	sor.u32 $0x470, s1;
	[tilespmem:s15+$0x9000] =	vst v20  }
0x3cc: {  	s16 =	sor.u32 $0x470, s13;
	[tilespmem:s1+$0x9000] =	vst v21  }
0x3cd: {  	s17 =	simm.s32 $0x9000;
	s7 =	simm.s32 $0x0;
	[tilespmem:s16+$0x9000] =	vst v17  }
0x3ce: {  	s19 =	simm.s32 $0x1;
	s18 =	simm.s32 $0x1;
	v16 =	vmov s7;
	s1 =	rddreg [dreg:$0xd]  }
0x3cf: {  	v17 =	vshll.u32 v16, $0x9;
	v16 =	vshll.u32 v16, $0x7;
	[hbm4b:s1+s7] =	stream.linear.scatter [tilespmem:s17], [sflag:$0x6], $0x1000, $0x38;
	[tilespmem:$0xA000] =	vst v63  }
0x3d0: {  	v18 =	vmov s18;
	v19 =	vand.u32 $0x1000, v17;
	v20 =	vand.u32 $0x200, v16;
	_ =	swait.ge [sflag:s19], $0x2000  }
0x3d1: {  	s22 =	simm.s32 $0x3;
	v16 =	vshll.u32 v18, $0x7;
	v18 =	vshll.u32 v18, $0x9;
	v19 =	vor.u32 v20, v19;
	[sflag:s19] =	ssyncset.done $0x0  }
0x3d2: {  	s25 =	simm.s32 $0x5;
	v16 =	vand.u32 $0x280, v16;
	v18 =	vand.u32 $0x1000, v18;
	v24 =	vor.u32 v0, v19;
	s24 =	rddreg [dreg:$0xe];
	[sflag:s19] =	ssyncadd.s32 $0xFFFFE000  }
0x3d3: {  	v22 =	vmov s22;
	v21 =	vor.u32 v16, v18;
	[tilespmem:s23], [sflag:$0x4] =	stream.linear.gather [hbm4b:s24+s7], $0x2000, $0x38;
	[tilespmem:$0xA000] =	vst v63  }
0x3d4: {  	s1 =	simm.s32 $0x2;
	v16 =	vshll.u32 v22, $0x9;
	v18 =	vshll.u32 v22, $0x7;
	v25 =	vor.u32 v0, v21;
	_ =	swait.ge [sflag:s25], $0x1000  }
0x3d5: {  	v22 =	vmov s1;
	v16 =	vand.u32 $0x1000, v16;
	v18 =	vand.u32 $0x380, v18;
	[sflag:s25] =	ssyncset.done $0x0  }
0x3d6: {  	v23 =	vshll.u32 v22, $0x7;
	v22 =	vshll.u32 v22, $0x9;
	v16 =	vor.u32 v18, v16;
	[sflag:s25] =	ssyncadd.s32 $0xFFFFF000  }
0x3d7: {  	v26 =	vand.u32 $0x1000, v22;
	v23 =	vand.u32 $0x300, v23;
	v18 =	vor.u32 v0, v16;
	v27 =	vld.idx.msk [tilespmem:v24+s2+$0x0], $0xffff  }
0x3d8: {  	v24 =	vor.u32 v23, v26;
	v26 =	vor.u32 v1, v19  }
0x3d9: {  	s28 =	simm.s32 $0x0;
	s26 =	sand.u32 $0x800, s7;
	v25 =	vld.idx.msk [tilespmem:v25+s2+$0x0], $0xffff;
	v28 =	vor.u32 v0, v24  }
0x3da: {  	s4 =	sand.u32 $0x200, s28;
	s29 =	sor.u32 $0x8000, s26;
	v29 =	vor.u32 v1, v21  }
0x3db: {  	s10 =	simm.s32 $0x80;
	s30 =	sor.u32 s4, s29  }
0x3dc: {  	s3 =	sand.u32 $0x280, s10;
	v18 =	vld.idx.msk [tilespmem:v18+s2+$0x0], $0xffff;
	[tilespmem:s30+$0x0] =	vst v27  }
0x3dd: {  	s3 =	sor.u32 s3, s29;
	v27 =	vor.u32 v1, v16;
	v26 =	vld.idx.msk [tilespmem:v26+s2+$0x0], $0xffff  }
0x3de: {  	s11 =	simm.s32 $0x180;
	v30 =	vor.u32 v2, v19;
	[tilespmem:s3+$0x0] =	vst v25;
	v28 =	vld.idx.msk [tilespmem:v28+s2+$0x0], $0xffff  }
0x3df: {  	s4 =	sand.u32 $0x380, s11;
	v25 =	vor.u32 v1, v24;
	v29 =	vld.idx.msk [tilespmem:v29+s2+$0x0], $0xffff  }
0x3e0: {  	s12 =	simm.s32 $0x100;
	s4 =	sor.u32 s4, s29;
	v31 =	vor.u32 v2, v21  }
0x3e1: {  	s8 =	sand.u32 $0x300, s12;
	[tilespmem:s4+$0x0] =	vst v18  }
0x3e2: {  	s13 =	sor.u32 s8, s29;
	v18 =	vld.idx.msk [tilespmem:v27+s2+$0x0], $0xffff;
	[tilespmem:s30+$0x10] =	vst v26  }
0x3e3: {  	[tilespmem:s13+$0x0] =	vst v28;
	v26 =	vor.u32 v2, v16;
	v27 =	vld.idx.msk [tilespmem:v30+s2+$0x0], $0xffff  }
0x3e4: {  	v28 =	vor.u32 v3, v19;
	[tilespmem:s3+$0x10] =	vst v29;
	v25 =	vld.idx.msk [tilespmem:v25+s2+$0x0], $0xffff  }
0x3e5: {  	v29 =	vor.u32 v2, v24;
	v30 =	vld.idx.msk [tilespmem:v31+s2+$0x0], $0xffff  }
0x3e6: {  	v31 =	vor.u32 v3, v21  }
0x3e7: {  	[tilespmem:s4+$0x10] =	vst v18  }
0x3e8: {  	v18 =	vld.idx.msk [tilespmem:v26+s2+$0x0], $0xffff;
	[tilespmem:s30+$0x20] =	vst v27  }
0x3e9: {  	v26 =	vor.u32 v3, v16;
	[tilespmem:s13+$0x10] =	vst v25;
	v25 =	vld.idx.msk [tilespmem:v28+s2+$0x0], $0xffff  }
0x3ea: {  	[tilespmem:s3+$0x20] =	vst v30;
	v27 =	vld.idx.msk [tilespmem:v29+s2+$0x0], $0xffff;
	v28 =	vor.u32 v4, v19  }
0x3eb: {  	v29 =	vor.u32 v3, v24;
	v30 =	vld.idx.msk [tilespmem:v31+s2+$0x0], $0xffff  }
0x3ec: {  	v31 =	vor.u32 v4, v21  }
0x3ed: {  	[tilespmem:s4+$0x20] =	vst v18  }
0x3ee: {  	v18 =	vld.idx.msk [tilespmem:v26+s2+$0x0], $0xffff;
	[tilespmem:s30+$0x30] =	vst v25  }
0x3ef: {  	v26 =	vor.u32 v4, v16;
	[tilespmem:s13+$0x20] =	vst v27;
	v25 =	vld.idx.msk [tilespmem:v28+s2+$0x0], $0xffff  }
0x3f0: {  	[tilespmem:s3+$0x30] =	vst v30;
	v27 =	vld.idx.msk [tilespmem:v29+s2+$0x0], $0xffff;
	v28 =	vor.u32 v5, v19  }
0x3f1: {  	v29 =	vor.u32 v4, v24;
	v30 =	vld.idx.msk [tilespmem:v31+s2+$0x0], $0xffff  }
0x3f2: {  	v31 =	vor.u32 v5, v21  }
0x3f3: {  	[tilespmem:s4+$0x30] =	vst v18  }
0x3f4: {  	v18 =	vld.idx.msk [tilespmem:v26+s2+$0x0], $0xffff;
	[tilespmem:s30+$0x40] =	vst v25  }
0x3f5: {  	v26 =	vor.u32 v5, v16;
	[tilespmem:s13+$0x30] =	vst v27;
	v25 =	vld.idx.msk [tilespmem:v28+s2+$0x0], $0xffff  }
0x3f6: {  	[tilespmem:s3+$0x40] =	vst v30;
	v27 =	vld.idx.msk [tilespmem:v29+s2+$0x0], $0xffff;
	v28 =	vor.u32 v6, v19  }
0x3f7: {  	v29 =	vor.u32 v5, v24;
	v30 =	vld.idx.msk [tilespmem:v31+s2+$0x0], $0xffff  }
0x3f8: {  	v31 =	vor.u32 v6, v21  }
0x3f9: {  	[tilespmem:s4+$0x40] =	vst v18  }
0x3fa: {  	v18 =	vld.idx.msk [tilespmem:v26+s2+$0x0], $0xffff;
	[tilespmem:s30+$0x50] =	vst v25  }
0x3fb: {  	v26 =	vor.u32 v6, v16;
	[tilespmem:s13+$0x40] =	vst v27;
	v25 =	vld.idx.msk [tilespmem:v28+s2+$0x0], $0xffff  }
0x3fc: {  	v19 =	vor.u32 v7, v19;
	[tilespmem:s3+$0x50] =	vst v30;
	v27 =	vld.idx.msk [tilespmem:v29+s2+$0x0], $0xffff  }
0x3fd: {  	s5 =	simm.s32 $0x4;
	v28 =	vor.u32 v6, v24;
	v29 =	vld.idx.msk [tilespmem:v31+s2+$0x0], $0xffff  }
0x3fe: {  	v42 =	vmov s5;
	v17 =	vor.u32 v17, v20;
	v20 =	vor.u32 v7, v21  }
0x3ff: {  	s9 =	simm.s32 $0x7;
	s14 =	simm.s32 $0x5;
	v43 =	vor.u32 v8, v17;
	v44 =	vor.u32 v7, v24;
	v30 =	vor.u32 v8, v21;
	[tilespmem:s4+$0x50] =	vst v18  }
0x400: {  	v31 =	vor.u32 v7, v16;
	v18 =	vmov s14;
	v45 =	vld.idx.msk [tilespmem:v26+s2+$0x0], $0xffff;
	v26 =	vmov s9;
	[tilespmem:s30+$0x60] =	vst v25  }
0x401: {  	v48 =	vshll.u32 v18, $0x9;
	v25 =	vshll.u32 v42, $0x9;
	[tilespmem:s13+$0x50] =	vst v27;
	v27 =	vshll.u32 v18, $0x7;
	v19 =	vld.idx.msk [tilespmem:v19+s2+$0x0], $0xffff  }
0x402: {  	[tilespmem:s3+$0x60] =	vst v29;
	v18 =	vshll.u32 v26, $0x7;
	v46 =	vand.u32 $0x1000, v25;
	v47 =	vld.idx.msk [tilespmem:v28+s2+$0x0], $0xffff;
	v28 =	vshll.u32 v26, $0x9  }
0x403: {  	v26 =	vshll.u32 v42, $0x7;
	v49 =	vld.idx.msk [tilespmem:v20+s2+$0x0], $0xffff;
	v18 =	vand.u32 $0x380, v18;
	v28 =	vand.u32 $0x1000, v28  }
0x404: {  	s15 =	simm.s32 $0x6;
	v50 =	vand.u32 $0x280, v27;
	v27 =	vand.u32 $0x200, v26;
	v18 =	vor.u32 v18, v28  }
0x405: {  	v20 =	vmov s15;
	v26 =	vor.u32 v27, v46;
	v51 =	vor.u32 v0, v18;
	[tilespmem:s4+$0x60] =	vst v45  }
0x406: {  	v29 =	vshll.u32 v20, $0x7;
	v28 =	vshll.u32 v20, $0x9;
	v52 =	vor.u32 v0, v26;
	v31 =	vld.idx.msk [tilespmem:v31+s2+$0x0], $0xffff;
	[tilespmem:s30+$0x70] =	vst v19  }
0x407: {  	p0 =	por $0x0, $0x0;
	s6 =	simm.s32 $0x1;
	v53 =	vor.u32 v8, v16;
	v29 =	vand.u32 $0x300, v29;
	[tilespmem:s13+$0x60] =	vst v47;
	v19 =	vand.u32 $0x1000, v28;
	v33 =	vld.idx.msk [tilespmem:v43+s2+$0x0], $0xffff  }
0x408: {  	s6 =	simm.s32 @!p0 $0x0;
	v54 =	vor.u32 v9, v17;
	v38 =	vand.u32 $0x1000, v48;
	[tilespmem:s3+$0x70] =	vst v49;
	v34 =	vld.idx.msk [tilespmem:v44+s2+$0x0], $0xffff;
	v20 =	vor.u32 v29, v19  }
0x409: {  	s16 =	sshll.u32 s6, $0x9;
	s17 =	sand.u32 $0x7, s7;
	v19 =	vor.u32 v50, v38;
	v30 =	vld.idx.msk [tilespmem:v30+s2+$0x0], $0xffff;
	v55 =	vor.u32 v0, v20  }
0x40a: {  	s6 =	sshll.u32 s17, $0x7;
	s3 =	sadd.s32 $0x0, s16;
	v38 =	vor.u32 v0, v19;
	v36 =	vld.idx.msk [tilespmem:v51+s2+$0x0], $0xffff  }
0x40b: {  	v56 =	vor.u32 v9, v21;
	s19 =	sadd.s32 $0x0, s6;
	s18 =	sor.u32 $0x400, s3;
	v35 =	vld.idx.msk [tilespmem:v52+s2+$0x0], $0xffff;
	[tilespmem:s4+$0x70] =	vst v31  }
0x40c: {  	s8 =	simm.s32 $0x400;
	s6 =	sadd.s32 $0x80, s19;
	v63 =	vor.u32 v8, v24;
	v57 =	vld.idx.msk [tilespmem:v53+s2+$0x0], $0xffff;
	[tilespmem:s18+$0x8000] =	vst v33  }
0x40d: {  	s22 =	sand.u32 $0x800, s8;
	s24 =	simm.s32 $0x200;
	s25 =	sor.u32 $0x400, s6;
	v31 =	vor.u32 v1, v26;
	v58 =	vld.idx.msk [tilespmem:v54+s2+$0x0], $0xffff  }
0x40e: {  	s26 =	sor.u32 $0x8000, s22;
	s11 =	sand.u32 $0x200, s24;
	s9 =	simm.s32 $0x380;
	v61 =	vor.u32 v1, v18;
	[tilespmem:s25+$0x8000] =	vst v30;
	v32 =	vld.idx.msk [tilespmem:v55+s2+$0x0], $0xffff  }
0x40f: {  	v59 =	vor.u32 v9, v16;
	s15 =	sor.u32 s11, s26;
	s30 =	sand.u32 $0x380, s9;
	[tilespmem:s13+$0x70] =	vst v34;
	v30 =	vld.idx.msk [tilespmem:v38+s2+$0x0], $0xffff  }
0x410: {  	v60 =	vor.u32 v10, v17;
	s17 =	simm.s32 $0x280;
	s12 =	sor.u32 s30, s26;
	s4 =	sadd.s32 $0x180, s19;
	v62 =	vld.idx.msk [tilespmem:v56+s2+$0x0], $0xffff;
	[tilespmem:s15+$0x0] =	vst v35  }
0x411: {  	s7 =	sand.u32 $0x3, s7;
	s16 =	simm.s32 $0x300;
	v45 =	vor.u32 v1, v19;
	s28 =	sor.u32 $0x400, s4;
	v51 =	vld.idx.msk [tilespmem:v63+s2+$0x0], $0xffff;
	[tilespmem:s12+$0x0] =	vst v36  }
0x412: {  	s7 =	sshll.u32 s7, $0x8;
	s29 =	sor.u32 $0x410, s3;
	s11 =	sand.u32 $0x300, s16;
	v42 =	vor.u32 v1, v20;
	v31 =	vld.idx.msk [tilespmem:v31+s2+$0x0], $0xffff;
	[tilespmem:s28+$0x8000] =	vst v57  }
0x413: {  	s7 =	sadd.s32 $0x0, s7;
	s14 =	sor.u32 s11, s26;
	v53 =	vor.u32 v9, v24;
	s18 =	sand.u32 $0x280, s17;
	v49 =	vld.idx.msk [tilespmem:v61+s2+$0x0], $0xffff;
	[tilespmem:s29+$0x8000] =	vst v58  }
0x414: {  	s7 =	sadd.s32 $0x100, s7;
	v48 =	vor.u32 v2, v26;
	s17 =	sor.u32 s18, s26;
	v46 =	vld.idx.msk [tilespmem:v59+s2+$0x0], $0xffff;
	[tilespmem:s14+$0x0] =	vst v32  }
0x415: {  	s22 =	sor.u32 $0x400, s7;
	v52 =	vor.u32 v2, v18;
	[tilespmem:s17+$0x0] =	vst v30;
	v47 =	vld.idx.msk [tilespmem:v60+s2+$0x0], $0xffff  }
0x416: {  	v50 =	vor.u32 v10, v16;
	[tilespmem:s22+$0x8000] =	vst v51;
	v33 =	vld.idx.msk [tilespmem:v45+s2+$0x0], $0xffff  }
0x417: {  	s24 =	sor.u32 $0x410, s6;
	v30 =	vld.idx.msk [tilespmem:v42+s2+$0x0], $0xffff;
	[tilespmem:s15+$0x10] =	vst v31;
	v31 =	vor.u32 v10, v21  }
0x418: {  	v54 =	vor.u32 v2, v19;
	[tilespmem:s24+$0x8000] =	vst v62;
	v32 =	vld.idx.msk [tilespmem:v53+s2+$0x0], $0xffff  }
0x419: {  	s19 =	sor.u32 $0x410, s4;
	v55 =	vor.u32 v2, v20;
	[tilespmem:s12+$0x10] =	vst v49;
	v40 =	vld.idx.msk [tilespmem:v48+s2+$0x0], $0xffff  }
0x41a: {  	v59 =	vor.u32 v11, v17;
	v39 =	vld.idx.msk [tilespmem:v52+s2+$0x0], $0xffff;
	[tilespmem:s19+$0x8000] =	vst v46  }
0x41b: {  	v57 =	vor.u32 v3, v26;
	v56 =	vld.idx.msk [tilespmem:v50+s2+$0x0], $0xffff;
	[tilespmem:s17+$0x10] =	vst v33  }
0x41c: {  	s26 =	sor.u32 $0x420, s3;
	v45 =	vor.u32 v3, v18;
	[tilespmem:s14+$0x10] =	vst v30;
	v31 =	vld.idx.msk [tilespmem:v31+s2+$0x0], $0xffff  }
0x41d: {  	s28 =	sor.u32 $0x410, s7;
	v58 =	vor.u32 v11, v16;
	[tilespmem:s26+$0x8000] =	vst v47;
	v60 =	vld.idx.msk [tilespmem:v54+s2+$0x0], $0xffff  }
0x41e: {  	v30 =	vor.u32 v10, v24;
	[tilespmem:s28+$0x8000] =	vst v32;
	v37 =	vld.idx.msk [tilespmem:v55+s2+$0x0], $0xffff  }
0x41f: {  	v61 =	vor.u32 v11, v21;
	v33 =	vld.idx.msk [tilespmem:v59+s2+$0x0], $0xffff;
	[tilespmem:s15+$0x20] =	vst v40  }
0x420: {  	s25 =	sor.u32 $0x420, s4;
	v62 =	vor.u32 v3, v19;
	[tilespmem:s12+$0x20] =	vst v39;
	v38 =	vld.idx.msk [tilespmem:v57+s2+$0x0], $0xffff  }
0x421: {  	v63 =	vor.u32 v3, v20;
	s29 =	sor.u32 $0x420, s6;
	v32 =	vld.idx.msk [tilespmem:v45+s2+$0x0], $0xffff;
	[tilespmem:s25+$0x8000] =	vst v56  }
0x422: {  	v44 =	vor.u32 v4, v26;
	v43 =	vld.idx.msk [tilespmem:v58+s2+$0x0], $0xffff;
	[tilespmem:s29+$0x8000] =	vst v31  }
0x423: {  	v30 =	vld.idx.msk [tilespmem:v30+s2+$0x0], $0xffff;
	[tilespmem:s17+$0x20] =	vst v60;
	v31 =	vor.u32 v12, v17  }
0x424: {  	s30 =	sor.u32 $0x430, s3;
	v24 =	vor.u32 v11, v24;
	[tilespmem:s14+$0x20] =	vst v37;
	v46 =	vld.idx.msk [tilespmem:v61+s2+$0x0], $0xffff  }
0x425: {  	v48 =	vor.u32 v12, v21;
	[tilespmem:s30+$0x8000] =	vst v33;
	v47 =	vld.idx.msk [tilespmem:v62+s2+$0x0], $0xffff  }
0x426: {  	v49 =	vor.u32 v4, v19;
	v34 =	vld.idx.msk [tilespmem:v63+s2+$0x0], $0xffff;
	[tilespmem:s15+$0x30] =	vst v38  }
0x427: {  	s11 =	sor.u32 $0x420, s7;
	v50 =	vor.u32 v4, v20;
	[tilespmem:s12+$0x30] =	vst v32;
	v35 =	vld.idx.msk [tilespmem:v44+s2+$0x0], $0xffff  }
0x428: {  	s13 =	sor.u32 $0x430, s6;
	v51 =	vor.u32 v5, v26;
	[tilespmem:s11+$0x8000] =	vst v30;
	v31 =	vld.idx.msk [tilespmem:v31+s2+$0x0], $0xffff  }
0x429: {  	v30 =	vor.u32 v4, v18;
	v24 =	vld.idx.msk [tilespmem:v24+s2+$0x0], $0xffff;
	[tilespmem:s13+$0x8000] =	vst v46  }
0x42a: {  	v52 =	vor.u32 v23, v22;
	v22 =	vor.u32 v13, v17;
	[tilespmem:s17+$0x30] =	vst v47;
	v23 =	vld.idx.msk [tilespmem:v48+s2+$0x0], $0xffff  }
0x42b: {  	v54 =	vor.u32 v12, v52;
	[tilespmem:s14+$0x30] =	vst v34;
	v53 =	vld.idx.msk [tilespmem:v49+s2+$0x0], $0xffff  }
0x42c: {  	v56 =	vor.u32 v13, v21;
	s30 =	sor.u32 $0x430, s4;
	v55 =	vld.idx.msk [tilespmem:v50+s2+$0x0], $0xffff;
	[tilespmem:s15+$0x40] =	vst v35  }
0x42d: {  	s16 =	sor.u32 $0x440, s3;
	v57 =	vor.u32 v5, v19;
	[tilespmem:s30+$0x8000] =	vst v43;
	v33 =	vld.idx.msk [tilespmem:v51+s2+$0x0], $0xffff  }
0x42e: {  	s18 =	sor.u32 $0x430, s7;
	v58 =	vor.u32 v5, v20;
	v30 =	vld.idx.msk [tilespmem:v30+s2+$0x0], $0xffff;
	[tilespmem:s16+$0x8000] =	vst v31  }
0x42f: {  	s19 =	sor.u32 $0x440, s6;
	v31 =	vor.u32 v6, v26;
	[tilespmem:s18+$0x8000] =	vst v24;
	v22 =	vld.idx.msk [tilespmem:v22+s2+$0x0], $0xffff  }
0x430: {  	v24 =	vor.u32 v5, v18;
	v34 =	vld.idx.msk [tilespmem:v54+s2+$0x0], $0xffff;
	[tilespmem:s19+$0x8000] =	vst v23  }
0x431: {  	v59 =	vor.u32 v14, v17;
	[tilespmem:s17+$0x40] =	vst v53;
	v37 =	vld.idx.msk [tilespmem:v56+s2+$0x0], $0xffff  }
0x432: {  	v60 =	vor.u32 v13, v52;
	[tilespmem:s14+$0x40] =	vst v55;
	v38 =	vld.idx.msk [tilespmem:v57+s2+$0x0], $0xffff  }
0x433: {  	v61 =	vor.u32 v14, v21;
	v32 =	vld.idx.msk [tilespmem:v58+s2+$0x0], $0xffff;
	[tilespmem:s15+$0x50] =	vst v33  }
0x434: {  	s22 =	sor.u32 $0x450, s3;
	v63 =	vor.u32 v6, v19;
	v44 =	vor.u32 v6, v20;
	[tilespmem:s12+$0x40] =	vst v30;
	v62 =	vld.idx.msk [tilespmem:v31+s2+$0x0], $0xffff  }
0x435: {  	s25 =	sor.u32 $0x440, s7;
	v23 =	vor.u32 v15, v21;
	v21 =	vor.u32 v25, v27;
	v36 =	vld.idx.msk [tilespmem:v24+s2+$0x0], $0xffff;
	[tilespmem:s22+$0x8000] =	vst v22  }
0x436: {  	s24 =	sand.u32 $0x3, s1;
	s26 =	sand.u32 $0x7, s5;
	s28 =	sor.u32 $0x450, s6;
	v22 =	vor.u32 v29, v28;
	v29 =	vor.u32 v7, v26;
	[tilespmem:s25+$0x8000] =	vst v34;
	v25 =	vld.idx.msk [tilespmem:v59+s2+$0x0], $0xffff  }
0x437: {  	p0 =	por !p0, !p0;
	s29 =	sshll.u32 s26, $0x7;
	s11 =	sshll.u32 s24, $0x8;
	v31 =	vor.u32 v12, v16;
	v28 =	vld.idx.msk [tilespmem:v60+s2+$0x0], $0xffff;
	[tilespmem:s28+$0x8000] =	vst v37  }
0x438: {  	v41 =	vor.u32 v7, v19;
	v40 =	vor.u32 v6, v18;
	s26 =	sor.u32 $0x460, s4;
	s11 =	sadd.s32 $0x400, s11;
	s13 =	sadd.s32 $0x400, s29;
	[tilespmem:s17+$0x50] =	vst v38;
	v27 =	vld.idx.msk [tilespmem:v61+s2+$0x0], $0xffff  }
0x439: {  	s24 =	simm.s32 $0x400;
	s10 =	sadd.s32 $0x100, s11;
	s11 =	sadd.s32 $0x80, s13;
	v35 =	vor.u32 v8, v19;
	v30 =	vor.u32 v13, v16;
	[tilespmem:s14+$0x50] =	vst v32;
	v37 =	vld.idx.msk [tilespmem:v63+s2+$0x0], $0xffff  }
0x43a: {  	s13 =	sadd.s32 $0x180, s13;
	s16 =	sor.u32 $0x450, s7;
	s18 =	sor.u32 $0x450, s10;
	v24 =	vor.u32 v15, v19;
	v34 =	vor.u32 v14, v52;
	v39 =	vld.idx.msk [tilespmem:v44+s2+$0x0], $0xffff;
	[tilespmem:s15+$0x60] =	vst v62  }
0x43b: {  	s19 =	simm.s32 $0x8;
	v26 =	vor.u32 v14, v16;
	s25 =	sor.u32 $0x440, s4;
	s22 =	sor.u32 $0x450, s4;
	v32 =	vor.u32 v15, v52;
	v38 =	vld.idx.msk [tilespmem:v29+s2+$0x0], $0xffff;
	v29 =	vor.u32 v7, v18  }
.LBB2_10:
0x43c: {  	v33 =	vmov s19;
	s28 =	sadd.s32 $0x1, s19;
	s29 =	sadd.s32 $0x2, s19;
	s30 =	sadd.s32 $0x3, s19;
	v42 =	vor.u32 v8, v21;
	v43 =	vor.u32 v7, v20;
	[tilespmem:s12+$0x50] =	vst v36;
	v31 =	vld.idx.msk [tilespmem:v31+s2+$0x0], $0xffff  }
0x43d: {  	p1 =	slt.u32 s19, $0xC;
	s19 =	sadd.s32 $0x4, s19;
	v36 =	vshll.u32 v33, $0x9;
	v44 =	vmov s28;
	v45 =	vmov s30;
	s28 =	sor.u32 $0x460, s6;
	[tilespmem:s16+$0x8000] =	vst v28  }
0x43e: {  	s16 =	smov.u32 s18;
	v46 =	vand.u32 $0x1000, v36;
	v28 =	vshll.u32 v44, $0x7;
	v47 =	vshll.u32 v45, $0x9;
	v40 =	vld.idx.msk [tilespmem:v40+s2+$0x0], $0xffff;
	[tilespmem:s28+$0x8000] =	vst v27  }
0x43f: {  	v27 =	vshll.u32 v44, $0x9;
	v44 =	vmov s29;
	v28 =	vand.u32 $0x280, v28;
	[tilespmem:s17+$0x60] =	vst v37;
	v34 =	vld.idx.msk [tilespmem:v34+s2+$0x0], $0xffff  }
0x440: {  	v33 =	vshll.u32 v33, $0x7;
	v45 =	vshll.u32 v45, $0x7;
	v37 =	vand.u32 $0x1000, v47;
	v41 =	vld.idx.msk [tilespmem:v41+s2+$0x0], $0xffff;
	[tilespmem:s14+$0x60] =	vst v39  }
0x441: {  	s28 =	sor.u32 $0x470, s4;
	s4 =	smov.u32 s13;
	v27 =	vand.u32 $0x1000, v27;
	v45 =	vand.u32 $0x380, v45;
	v39 =	vshll.u32 v44, $0x7;
	[tilespmem:s15+$0x70] =	vst v38;
	v38 =	vld.idx.msk [tilespmem:v23+s2+$0x0], $0xffff;
	v23 =	vmovc v24  }
0x442: {  	v28 =	vor.u32 v28, v27;
	v24 =	vand.u32 $0x200, v33;
	v33 =	vor.u32 v45, v37;
	v37 =	vld.idx.msk [tilespmem:v42+s2+$0x0], $0xffff;
	[tilespmem:s25+$0x8000] =	vst v31  }
0x443: {  	s13 =	simm.s32 $0x1;
	v27 =	vor.u32 v24, v46;
	v31 =	vshll.u32 v44, $0x9;
	v42 =	vor.u32 v0, v33;
	v44 =	vld.idx.msk [tilespmem:v30+s2+$0x0], $0xffff  }
0x444: {  	s13 =	simm.s32 @!p0 $0x0;
	v39 =	vand.u32 $0x300, v39;
	s15 =	sor.u32 $0x460, s7;
	v45 =	vor.u32 v0, v27;
	v30 =	vand.u32 $0x1000, v31;
	v43 =	vld.idx.msk [tilespmem:v43+s2+$0x0], $0xffff;
	[tilespmem:s12+$0x60] =	vst v40  }
0x445: {  	s8 =	sadd.s32 $0x400, s8;
	s6 =	sor.u32 $0x470, s6;
	s13 =	sshll.u32 s13, $0x9;
	v36 =	vor.u32 v36, v24;
	v30 =	vor.u32 v39, v30;
	v40 =	vld.idx.msk [tilespmem:v29+s2+$0x0], $0xffff;
	[tilespmem:s15+$0x8000] =	vst v34  }
0x446: {  	s5 =	sadd.s32 $0x4, s5;
	s1 =	sadd.s32 $0x2, s1;
	s25 =	sadd.s32 s13, s24;
	v46 =	vor.u32 v9, v21;
	v34 =	vor.u32 v0, v30;
	[tilespmem:s17+$0x70] =	vst v41;
	v32 =	vld.idx.msk [tilespmem:v32+s2+$0x0], $0xffff  }
0x447: {  	s13 =	sand.u32 $0x7, s5;
	s15 =	sand.u32 $0x3, s1;
	v29 =	vor.u32 v39, v31;
	s17 =	sor.u32 $0x400, s25;
	v31 =	vld.idx.msk [tilespmem:v35+s2+$0x0], $0xffff;
	v35 =	vor.u32 v8, v18;
	[tilespmem:s6+$0x8000] =	vst v38  }
0x448: {  	s9 =	sadd.s32 $0x200, s9;
	v24 =	vor.u32 v15, v28;
	s6 =	sshll.u32 s13, $0x7;
	s13 =	sshll.u32 s15, $0x8;
	v38 =	vor.u32 v0, v28;
	v39 =	vld.idx.msk [tilespmem:v42+s2+$0x0], $0xffff;
	[tilespmem:s17+$0x8000] =	vst v37  }
0x449: {  	s24 =	smov.u32 s8;
	s6 =	sadd.s32 s8, s6;
	s13 =	sadd.s32 s8, s13;
	v37 =	vld.idx.msk [tilespmem:v45+s2+$0x0], $0xffff;
	[tilespmem:s22+$0x8000] =	vst v44  }
0x44a: {  	v41 =	vor.u32 v15, v17;
	v17 =	vmov v21;
	v21 =	vmov v36;
	s17 =	sadd.s32 $0x80, s6;
	s22 =	sadd.s32 $0x100, s13;
	s13 =	sadd.s32 $0x180, s6;
	[tilespmem:s14+$0x70] =	vst v43;
	v26 =	vld.idx.msk [tilespmem:v26+s2+$0x0], $0xffff  }
0x44b: {  	s7 =	sor.u32 $0x470, s7;
	v42 =	vor.u32 v9, v19;
	s6 =	smov.u32 s11;
	s18 =	sor.u32 $0x450, s22;
	v36 =	vld.idx.msk [tilespmem:v46+s2+$0x0], $0xffff;
	[tilespmem:s12+$0x70] =	vst v40  }
0x44c: {  	s11 =	sand.u32 $0x800, s8;
	s14 =	sor.u32 $0x400, s6;
	s12 =	sadd.s32 $0xFFFFFE80, s9;
	v40 =	vor.u32 v1, v27;
	v35 =	vld.idx.msk [tilespmem:v35+s2+$0x0], $0xffff;
	[tilespmem:s7+$0x8000] =	vst v32;
	v32 =	vor.u32 v15, v16;
	v16 =	vmov v18  }
0x44d: {  	s29 =	sor.u32 $0x8000, s11;
	s11 =	sor.u32 $0x460, s3;
	s7 =	sand.u32 $0x200, s12;
	v18 =	vmov v33;
	v34 =	vld.idx.msk [tilespmem:v34+s2+$0x0], $0xffff;
	[tilespmem:s14+$0x8000] =	vst v31  }
0x44e: {  	s15 =	sor.u32 s7, s29;
	v33 =	vor.u32 v9, v16;
	s7 =	smov.u32 s10;
	v31 =	vld.idx.msk [tilespmem:v38+s2+$0x0], $0xffff;
	[tilespmem:s11+$0x8000] =	vst v25;
	s11 =	smov.u32 s17  }
0x44f: {  	s10 =	smov.u32 s22;
	v25 =	vor.u32 v1, v28;
	[tilespmem:s15+$0x0] =	vst v37;
	v37 =	vor.u32 v10, v17;
	v38 =	vld.idx.msk [tilespmem:v41+s2+$0x0], $0xffff  }
0x450: {  	s12 =	sor.u32 $0x410, s25;
	v41 =	vor.u32 v1, v18;
	v42 =	vld.idx.msk [tilespmem:v42+s2+$0x0], $0xffff;
	[tilespmem:s26+$0x8000] =	vst v26  }
0x451: {  	v26 =	vor.u32 v1, v30;
	[tilespmem:s12+$0x8000] =	vst v36;
	v36 =	vor.u32 v8, v20;
	s12 =	sor.u32 $0x400, s4;
	v32 =	vld.idx.msk [tilespmem:v32+s2+$0x0], $0xffff  }
0x452: {  	s14 =	sadd.s32 $0xFFFFFF80, s9;
	s17 =	sand.u32 $0x380, s9;
	v40 =	vld.idx.msk [tilespmem:v40+s2+$0x0], $0xffff;
	[tilespmem:s12+$0x8000] =	vst v35  }
0x453: {  	s14 =	sand.u32 $0x300, s14;
	s12 =	sor.u32 s17, s29;
	v33 =	vld.idx.msk [tilespmem:v33+s2+$0x0], $0xffff  }
0x454: {  	s3 =	sor.u32 $0x470, s3;
	s14 =	sor.u32 s14, s29;
	s17 =	sadd.s32 $0xFFFFFF00, s9;
	[tilespmem:s12+$0x0] =	vst v39;
	v35 =	vld.idx.msk [tilespmem:v37+s2+$0x0], $0xffff  }
0x455: {  	s17 =	sand.u32 $0x280, s17;
	v37 =	vor.u32 v2, v27;
	v39 =	vld.idx.msk [tilespmem:v41+s2+$0x0], $0xffff;
	[tilespmem:s3+$0x8000] =	vst v38;
	s3 =	smov.u32 s25  }
0x456: {  	s17 =	sor.u32 s17, s29;
	[tilespmem:s14+$0x0] =	vst v34;
	v34 =	vld.idx.msk [tilespmem:v36+s2+$0x0], $0xffff;
	v36 =	vor.u32 v10, v16  }
0x457: {  	[tilespmem:s17+$0x0] =	vst v31;
	v26 =	vld.idx.msk [tilespmem:v26+s2+$0x0], $0xffff;
	v31 =	vor.u32 v2, v18  }
0x458: {  	v38 =	vor.u32 v9, v20;
	v25 =	vld.idx.msk [tilespmem:v25+s2+$0x0], $0xffff;
	[tilespmem:s28+$0x8000] =	vst v32  }
0x459: {  	s22 =	sor.u32 $0x410, s4;
	v32 =	vor.u32 v10, v19;
	[tilespmem:s15+$0x10] =	vst v40  }
0x45a: {  	v40 =	vor.u32 v2, v28;
	v37 =	vld.idx.msk [tilespmem:v37+s2+$0x0], $0xffff;
	[tilespmem:s22+$0x8000] =	vst v33  }
0x45b: {  	v33 =	vor.u32 v2, v30;
	s22 =	sor.u32 $0x400, s7;
	[tilespmem:s12+$0x10] =	vst v39;
	v36 =	vld.idx.msk [tilespmem:v36+s2+$0x0], $0xffff  }
0x45c: {  	s25 =	sor.u32 $0x410, s6;
	v39 =	vor.u32 v3, v27;
	v41 =	vld.idx.msk [tilespmem:v31+s2+$0x0], $0xffff;
	[tilespmem:s22+$0x8000] =	vst v34  }
0x45d: {  	v34 =	vor.u32 v11, v16;
	[tilespmem:s25+$0x8000] =	vst v42;
	v31 =	vld.idx.msk [tilespmem:v38+s2+$0x0], $0xffff  }
0x45e: {  	[tilespmem:s17+$0x10] =	vst v25;
	v25 =	vor.u32 v11, v17;
	v32 =	vld.idx.msk [tilespmem:v32+s2+$0x0], $0xffff  }
0x45f: {  	v38 =	vld.idx.msk [tilespmem:v40+s2+$0x0], $0xffff;
	[tilespmem:s14+$0x10] =	vst v26;
	v26 =	vor.u32 v10, v20  }
0x460: {  	s22 =	sor.u32 $0x420, s4;
	v40 =	vor.u32 v11, v19;
	[tilespmem:s15+$0x20] =	vst v37;
	v37 =	vld.idx.msk [tilespmem:v33+s2+$0x0], $0xffff  }
0x461: {  	v42 =	vor.u32 v3, v28;
	s25 =	sor.u32 $0x420, s3;
	v39 =	vld.idx.msk [tilespmem:v39+s2+$0x0], $0xffff;
	[tilespmem:s22+$0x8000] =	vst v36  }
0x462: {  	v36 =	vor.u32 v3, v30;
	s22 =	sor.u32 $0x410, s7;
	[tilespmem:s25+$0x8000] =	vst v35;
	v33 =	vld.idx.msk [tilespmem:v34+s2+$0x0], $0xffff  }
0x463: {  	v34 =	vor.u32 v4, v27;
	s25 =	sor.u32 $0x420, s6;
	v25 =	vld.idx.msk [tilespmem:v25+s2+$0x0], $0xffff;
	[tilespmem:s22+$0x8000] =	vst v31  }
0x464: {  	v35 =	vor.u32 v3, v18;
	v31 =	vor.u32 v12, v16;
	[tilespmem:s25+$0x8000] =	vst v32;
	v26 =	vld.idx.msk [tilespmem:v26+s2+$0x0], $0xffff  }
0x465: {  	v32 =	vor.u32 v12, v17;
	[tilespmem:s17+$0x20] =	vst v38;
	v38 =	vld.idx.msk [tilespmem:v40+s2+$0x0], $0xffff  }
0x466: {  	v40 =	vld.idx.msk [tilespmem:v42+s2+$0x0], $0xffff;
	[tilespmem:s14+$0x20] =	vst v37;
	v37 =	vor.u32 v11, v20;
	v20 =	vmov v30  }
0x467: {  	[tilespmem:s15+$0x30] =	vst v39;
	v36 =	vld.idx.msk [tilespmem:v36+s2+$0x0], $0xffff;
	v39 =	vor.u32 v12, v19  }
0x468: {  	s22 =	sor.u32 $0x430, s3;
	v42 =	vor.u32 v4, v28;
	v34 =	vld.idx.msk [tilespmem:v34+s2+$0x0], $0xffff;
	[tilespmem:s12+$0x20] =	vst v41  }
0x469: {  	v41 =	vor.u32 v4, v20;
	v35 =	vld.idx.msk [tilespmem:v35+s2+$0x0], $0xffff;
	[tilespmem:s22+$0x8000] =	vst v25;
	s22 =	sor.u32 $0x420, s7  }
0x46a: {  	s25 =	sor.u32 $0x430, s6;
	v25 =	vor.u32 v5, v27;
	v32 =	vld.idx.msk [tilespmem:v32+s2+$0x0], $0xffff;
	[tilespmem:s22+$0x8000] =	vst v26  }
0x46b: {  	v30 =	vor.u32 v13, v16;
	v26 =	vor.u32 v4, v18;
	[tilespmem:s25+$0x8000] =	vst v38;
	v37 =	vld.idx.msk [tilespmem:v37+s2+$0x0], $0xffff  }
0x46c: {  	v38 =	vor.u32 v13, v17;
	[tilespmem:s17+$0x30] =	vst v40;
	v39 =	vld.idx.msk [tilespmem:v39+s2+$0x0], $0xffff  }
0x46d: {  	v40 =	vld.idx.msk [tilespmem:v42+s2+$0x0], $0xffff;
	[tilespmem:s14+$0x30] =	vst v36;
	v36 =	vor.u32 v12, v22  }
0x46e: {  	s25 =	sor.u32 $0x440, s4;
	[tilespmem:s15+$0x40] =	vst v34;
	v34 =	vld.idx.msk [tilespmem:v41+s2+$0x0], $0xffff;
	v41 =	vor.u32 v13, v19  }
0x46f: {  	s22 =	sor.u32 $0x440, s3;
	v42 =	vor.u32 v5, v28;
	v25 =	vld.idx.msk [tilespmem:v25+s2+$0x0], $0xffff;
	[tilespmem:s12+$0x30] =	vst v35  }
0x470: {  	v35 =	vor.u32 v5, v20;
	v43 =	vld.idx.msk [tilespmem:v26+s2+$0x0], $0xffff;
	[tilespmem:s22+$0x8000] =	vst v32;
	s22 =	sor.u32 $0x430, s7  }
0x471: {  	s26 =	sor.u32 $0x440, s6;
	v32 =	vor.u32 v6, v27;
	v38 =	vld.idx.msk [tilespmem:v38+s2+$0x0], $0xffff;
	[tilespmem:s22+$0x8000] =	vst v37  }
0x472: {  	v26 =	vor.u32 v14, v16;
	v37 =	vor.u32 v5, v18;
	[tilespmem:s26+$0x8000] =	vst v39;
	v39 =	vld.idx.msk [tilespmem:v36+s2+$0x0], $0xffff  }
0x473: {  	[tilespmem:s17+$0x40] =	vst v40;
	v40 =	vor.u32 v14, v17;
	v41 =	vld.idx.msk [tilespmem:v41+s2+$0x0], $0xffff  }
0x474: {  	v42 =	vld.idx.msk [tilespmem:v42+s2+$0x0], $0xffff;
	[tilespmem:s14+$0x40] =	vst v34;
	v34 =	vor.u32 v13, v22  }
0x475: {  	v44 =	vor.u32 v14, v19;
	v19 =	vmov v28;
	s22 =	sor.u32 $0x450, s4;
	[tilespmem:s15+$0x50] =	vst v25;
	v35 =	vld.idx.msk [tilespmem:v35+s2+$0x0], $0xffff  }
0x476: {  	s26 =	sor.u32 $0x450, s3;
	v45 =	vld.idx.msk [tilespmem:v32+s2+$0x0], $0xffff;
	v32 =	vor.u32 v6, v19;
	[tilespmem:s12+$0x40] =	vst v43  }
0x477: {  	v43 =	vor.u32 v6, v20;
	v36 =	vld.idx.msk [tilespmem:v37+s2+$0x0], $0xffff;
	[tilespmem:s26+$0x8000] =	vst v38;
	s26 =	sor.u32 $0x440, s7  }
0x478: {  	s28 =	sor.u32 $0x450, s6;
	v38 =	vor.u32 v7, v27;
	v25 =	vld.idx.msk [tilespmem:v40+s2+$0x0], $0xffff;
	[tilespmem:s26+$0x8000] =	vst v39  }
.Ltmp4:
0x479: {  	[tilespmem:s28+$0x8000] =	vst v41;
	v28 =	vld.idx.msk [tilespmem:v34+s2+$0x0], $0xffff;
	(pc) =	sbr.rel @p1 .LBB2_10-.Ltmp4, $4  }
0x47a: {  	[tilespmem:s17+$0x50] =	vst v42;
	v27 =	vld.idx.msk [tilespmem:v44+s2+$0x0], $0xffff  }
0x47b: {  	v40 =	vor.u32 v6, v18;
	s28 =	sor.u32 $0x430, s4;
	v37 =	vld.idx.msk [tilespmem:v32+s2+$0x0], $0xffff;
	[tilespmem:s14+$0x50] =	vst v35;
	v32 =	vor.u32 v15, v22  }
0x47c: {  	s26 =	sor.u32 $0x460, s4;
	v34 =	vor.u32 v14, v22;
	v35 =	vor.u32 v8, v19;
	v22 =	vmov v29;
	[tilespmem:s15+$0x60] =	vst v45;
	v39 =	vld.idx.msk [tilespmem:v43+s2+$0x0], $0xffff  }
0x47d: {  	p0 =	por !p0, !p0;
	v41 =	vor.u32 v7, v19;
	v29 =	vor.u32 v7, v18;
	v38 =	vld.idx.msk [tilespmem:v38+s2+$0x0], $0xffff;
	[tilespmem:s28+$0x8000] =	vst v33  }
0x47e: {  	_ =	sdelay $0x2  }
0x47f: {  	v33 =	vor.u32 v7, v20;
	[tilespmem:s12+$0x50] =	vst v36  }
0x480: {  	v36 =	vld.idx.msk [tilespmem:v40+s2+$0x0], $0xffff;
	_ =	sdelay $0x1  }
0x481: {  	[tilespmem:s17+$0x60] =	vst v37  }
0x482: {  	v37 =	vld.idx.msk [tilespmem:v41+s2+$0x0], $0xffff;
	[tilespmem:s14+$0x60] =	vst v39  }
0x483: {  	v33 =	vld.idx.msk [tilespmem:v33+s2+$0x0], $0xffff  }
0x484: {  	v45 =	vor.u32 v8, v20;
	[tilespmem:s12+$0x60] =	vst v36  }
0x485: {  	v46 =	vor.u32 v8, v21;
	v29 =	vld.idx.msk [tilespmem:v29+s2+$0x0], $0xffff  }
0x486: {  	v47 =	vor.u32 v8, v18  }
0x487: {  	[tilespmem:s17+$0x70] =	vst v37  }
0x488: {  	v35 =	vld.idx.msk [tilespmem:v35+s2+$0x0], $0xffff;
	[tilespmem:s14+$0x70] =	vst v33  }
0x489: {  	v48 =	vor.u32 v9, v19;
	[tilespmem:s15+$0x70] =	vst v38;
	v36 =	vld.idx.msk [tilespmem:v45+s2+$0x0], $0xffff  }
0x48a: {  	s1 =	simm.s32 $0x1;
	v49 =	vld.idx.msk [tilespmem:v46+s2+$0x0], $0xffff;
	[tilespmem:s12+$0x70] =	vst v29;
	v29 =	vor.u32 v9, v20  }
0x48b: {  	v50 =	vor.u32 v9, v21;
	s1 =	simm.s32 @!p0 $0x0;
	v51 =	vld.idx.msk [tilespmem:v47+s2+$0x0], $0xffff  }
0x48c: {  	s5 =	sor.u32 $0x400, s11;
	v52 =	vor.u32 v9, v18;
	s1 =	sshll.u32 s1, $0x9  }
0x48d: {  	s30 =	sor.u32 $0x400, s10;
	s1 =	sadd.s32 s1, s24;
	[tilespmem:s5+$0x8000] =	vst v35  }
0x48e: {  	s8 =	sor.u32 $0x400, s1;
	v33 =	vld.idx.msk [tilespmem:v48+s2+$0x0], $0xffff;
	[tilespmem:s30+$0x8000] =	vst v36  }
0x48f: {  	v53 =	vor.u32 v10, v19;
	[tilespmem:s8+$0x8000] =	vst v49;
	s8 =	sor.u32 $0x400, s13;
	v29 =	vld.idx.msk [tilespmem:v29+s2+$0x0], $0xffff  }
0x490: {  	v55 =	vor.u32 v10, v20;
	v54 =	vld.idx.msk [tilespmem:v50+s2+$0x0], $0xffff;
	[tilespmem:s8+$0x8000] =	vst v51  }
0x491: {  	v56 =	vor.u32 v10, v21;
	v39 =	vld.idx.msk [tilespmem:v52+s2+$0x0], $0xffff  }
0x492: {  	v57 =	vor.u32 v10, v18;
	s9 =	sor.u32 $0x410, s11  }
0x493: {  	s12 =	sor.u32 $0x410, s10;
	[tilespmem:s9+$0x8000] =	vst v33  }
0x494: {  	s14 =	sor.u32 $0x410, s1;
	v33 =	vld.idx.msk [tilespmem:v53+s2+$0x0], $0xffff;
	[tilespmem:s12+$0x8000] =	vst v29  }
0x495: {  	s15 =	sor.u32 $0x410, s13;
	[tilespmem:s14+$0x8000] =	vst v54;
	v29 =	vor.u32 v11, v19;
	v58 =	vld.idx.msk [tilespmem:v55+s2+$0x0], $0xffff  }
0x496: {  	v20 =	vor.u32 v11, v20;
	v36 =	vld.idx.msk [tilespmem:v56+s2+$0x0], $0xffff;
	[tilespmem:s15+$0x8000] =	vst v39  }
0x497: {  	v60 =	vor.u32 v11, v21;
	[tilespmem:s16+$0x8000] =	vst v28;
	s29 =	sor.u32 $0x460, s6;
	v59 =	vld.idx.msk [tilespmem:v57+s2+$0x0], $0xffff  }
0x498: {  	v28 =	vor.u32 v11, v18;
	v31 =	vld.idx.msk [tilespmem:v31+s2+$0x0], $0xffff;
	[tilespmem:s29+$0x8000] =	vst v27;
	s17 =	sor.u32 $0x420, s11  }
0x499: {  	s19 =	sor.u32 $0x420, s10;
	[tilespmem:s17+$0x8000] =	vst v33  }
0x49a: {  	s24 =	sor.u32 $0x420, s1;
	v29 =	vld.idx.msk [tilespmem:v29+s2+$0x0], $0xffff;
	[tilespmem:s19+$0x8000] =	vst v58  }
0x49b: {  	s28 =	sor.u32 $0x420, s13;
	v61 =	vor.u32 v12, v19;
	[tilespmem:s24+$0x8000] =	vst v36;
	v20 =	vld.idx.msk [tilespmem:v20+s2+$0x0], $0xffff  }
0x49c: {  	v63 =	vor.u32 v12, v22;
	v62 =	vld.idx.msk [tilespmem:v60+s2+$0x0], $0xffff;
	[tilespmem:s28+$0x8000] =	vst v59  }
0x49d: {  	[tilespmem:s25+$0x8000] =	vst v31;
	v27 =	vld.idx.msk [tilespmem:v28+s2+$0x0], $0xffff;
	v28 =	vor.u32 v12, v21  }
0x49e: {  	v31 =	vor.u32 v12, v18;
	v30 =	vld.idx.msk [tilespmem:v30+s2+$0x0], $0xffff;
	s30 =	sor.u32 $0x430, s11  }
0x49f: {  	v23 =	vld.idx.msk [tilespmem:v23+s2+$0x0], $0xffff;
	s8 =	sor.u32 $0x430, s10;
	[tilespmem:s30+$0x8000] =	vst v29  }
0x4a0: {  	s9 =	sor.u32 $0x430, s1;
	v29 =	vld.idx.msk [tilespmem:v61+s2+$0x0], $0xffff;
	[tilespmem:s8+$0x8000] =	vst v20  }
0x4a1: {  	s12 =	sor.u32 $0x430, s13;
	[tilespmem:s9+$0x8000] =	vst v62;
	v20 =	vor.u32 v13, v19;
	v40 =	vld.idx.msk [tilespmem:v63+s2+$0x0], $0xffff  }
0x4a2: {  	v41 =	vor.u32 v13, v22;
	v28 =	vld.idx.msk [tilespmem:v28+s2+$0x0], $0xffff;
	[tilespmem:s12+$0x8000] =	vst v27  }
0x4a3: {  	[tilespmem:s22+$0x8000] =	vst v30;
	s15 =	sor.u32 $0x470, s6;
	v27 =	vor.u32 v13, v21;
	v31 =	vld.idx.msk [tilespmem:v31+s2+$0x0], $0xffff  }
0x4a4: {  	s16 =	sor.u32 $0x440, s11;
	v34 =	vld.idx.msk [tilespmem:v34+s2+$0x0], $0xffff;
	[tilespmem:s15+$0x8000] =	vst v23;
	v23 =	vor.u32 v13, v18  }
0x4a5: {  	s17 =	sor.u32 $0x440, s10;
	[tilespmem:s16+$0x8000] =	vst v29  }
0x4a6: {  	s19 =	sor.u32 $0x440, s1;
	v20 =	vld.idx.msk [tilespmem:v20+s2+$0x0], $0xffff;
	[tilespmem:s17+$0x8000] =	vst v40  }
0x4a7: {  	s24 =	sor.u32 $0x440, s13;
	v19 =	vor.u32 v14, v19;
	[tilespmem:s19+$0x8000] =	vst v28;
	v28 =	vld.idx.msk [tilespmem:v41+s2+$0x0], $0xffff  }
0x4a8: {  	s14 =	sor.u32 $0x460, s7;
	v29 =	vor.u32 v14, v22;
	v27 =	vld.idx.msk [tilespmem:v27+s2+$0x0], $0xffff;
	[tilespmem:s24+$0x8000] =	vst v31  }
0x4a9: {  	s25 =	sor.u32 $0x470, s7;
	v30 =	vor.u32 v14, v21;
	s7 =	sor.u32 $0x460, s3;
	[tilespmem:s14+$0x8000] =	vst v34;
	v23 =	vld.idx.msk [tilespmem:v23+s2+$0x0], $0xffff  }
0x4aa: {  	v26 =	vld.idx.msk [tilespmem:v26+s2+$0x0], $0xffff;
	[tilespmem:s7+$0x8000] =	vst v25;
	s28 =	sor.u32 $0x450, s11;
	v31 =	vor.u32 v14, v18  }
0x4ab: {  	v17 =	vor.u32 v15, v17;
	v32 =	vld.idx.msk [tilespmem:v32+s2+$0x0], $0xffff;
	[tilespmem:s28+$0x8000] =	vst v20  }
0x4ac: {  	v16 =	vor.u32 v15, v16;
	s29 =	sor.u32 $0x450, s1;
	v19 =	vld.idx.msk [tilespmem:v19+s2+$0x0], $0xffff;
	[tilespmem:s18+$0x8000] =	vst v28  }
0x4ad: {  	s30 =	sor.u32 $0x450, s13;
	[tilespmem:s29+$0x8000] =	vst v27;
	v20 =	vld.idx.msk [tilespmem:v29+s2+$0x0], $0xffff  }
0x4ae: {  	v22 =	vor.u32 v15, v22;
	v27 =	vld.idx.msk [tilespmem:v30+s2+$0x0], $0xffff;
	[tilespmem:s30+$0x8000] =	vst v23  }
0x4af: {  	[tilespmem:s26+$0x8000] =	vst v26;
	v21 =	vor.u32 v15, v21;
	v23 =	vld.idx.msk [tilespmem:v31+s2+$0x0], $0xffff  }
0x4b0: {  	v17 =	vld.idx.msk [tilespmem:v17+s2+$0x0], $0xffff;
	[tilespmem:s25+$0x8000] =	vst v32;
	s8 =	sor.u32 $0x460, s11;
	v18 =	vor.u32 v15, v18  }
0x4b1: {  	v16 =	vld.idx.msk [tilespmem:v16+s2+$0x0], $0xffff;
	s9 =	sor.u32 $0x460, s10;
	[tilespmem:s8+$0x8000] =	vst v19  }
0x4b2: {  	s12 =	sor.u32 $0x460, s1;
	v19 =	vld.idx.msk [tilespmem:v24+s2+$0x0], $0xffff;
	[tilespmem:s9+$0x8000] =	vst v20  }
0x4b3: {  	s14 =	sor.u32 $0x460, s13;
	v20 =	vld.idx.msk [tilespmem:v22+s2+$0x0], $0xffff;
	[tilespmem:s12+$0x8000] =	vst v27  }
0x4b4: {  	s15 =	sor.u32 $0x470, s3;
	v21 =	vld.idx.msk [tilespmem:v21+s2+$0x0], $0xffff;
	[tilespmem:s14+$0x8000] =	vst v23  }
0x4b5: {  	s4 =	sor.u32 $0x470, s4;
	[tilespmem:s15+$0x8000] =	vst v17;
	v17 =	vld.idx.msk [tilespmem:v18+s2+$0x0], $0xffff  }
0x4b6: {  	[tilespmem:s4+$0x8000] =	vst v16;
	s16 =	sor.u32 $0x470, s11  }
0x4b7: {  	s17 =	sor.u32 $0x470, s10;
	[tilespmem:s16+$0x8000] =	vst v19  }
0x4b8: {  	s1 =	sor.u32 $0x470, s1;
	[tilespmem:s17+$0x8000] =	vst v20  }
0x4b9: {  	s7 =	simm.s32 $0x0;
	s18 =	sor.u32 $0x470, s13;
	[tilespmem:s1+$0x8000] =	vst v21  }
0x4ba: {  	s22 =	simm.s32 $0x8000;
	v16 =	vmov s7;
	[tilespmem:s18+$0x8000] =	vst v17  }
0x4bb: {  	s19 =	simm.s32 $0x1;
	s24 =	simm.s32 $0x2;
	v17 =	vshll.u32 v16, $0x9;
	v16 =	vshll.u32 v16, $0x7;
	s3 =	rddreg [dreg:$0xf]  }
0x4bc: {  	v18 =	vmov s19;
	v19 =	vand.u32 $0x1000, v17;
	v20 =	vand.u32 $0x200, v16;
	[hbm4b:s3+s7] =	stream.linear.scatter [tilespmem:s22], [sflag:$0x5], $0x1000, $0x38;
	[tilespmem:$0xA000] =	vst v63  }
0x4bd: {  	v16 =	vshll.u32 v18, $0x7;
	v18 =	vshll.u32 v18, $0x9;
	v19 =	vor.u32 v20, v19;
	_ =	swait.ge [sflag:s24], $0x2000  }
0x4be: {  	s25 =	simm.s32 $0x3;
	v16 =	vand.u32 $0x280, v16;
	v18 =	vand.u32 $0x1000, v18;
	v24 =	vor.u32 v0, v19;
	[sflag:s24] =	ssyncset.done $0x0  }
0x4bf: {  	v22 =	vmov s25;
	v21 =	vor.u32 v16, v18;
	[sflag:s24] =	ssyncadd.s32 $0xFFFFE000  }
0x4c0: {  	s1 =	simm.s32 $0x2;
	v16 =	vshll.u32 v22, $0x9;
	v18 =	vshll.u32 v22, $0x7;
	v25 =	vor.u32 v0, v21;
	_ =	swait.ge [sflag:s31], $0x1000  }
0x4c1: {  	v22 =	vmov s1;
	v16 =	vand.u32 $0x1000, v16;
	v18 =	vand.u32 $0x380, v18;
	[sflag:s31] =	ssyncset.done $0x0  }
0x4c2: {  	v23 =	vshll.u32 v22, $0x7;
	v22 =	vshll.u32 v22, $0x9;
	v16 =	vor.u32 v18, v16;
	[sflag:s31] =	ssyncadd.s32 $0xFFFFF000  }
0x4c3: {  	v26 =	vand.u32 $0x1000, v22;
	v23 =	vand.u32 $0x300, v23;
	v18 =	vor.u32 v0, v16;
	v27 =	vld.idx.msk [tilespmem:v24+s20+$0x0], $0xffff  }
0x4c4: {  	v24 =	vor.u32 v23, v26;
	v26 =	vor.u32 v1, v19  }
0x4c5: {  	s26 =	sand.u32 $0x800, s7;
	s28 =	simm.s32 $0x0;
	v25 =	vld.idx.msk [tilespmem:v25+s20+$0x0], $0xffff;
	v28 =	vor.u32 v0, v24  }
0x4c6: {  	s4 =	sand.u32 $0x200, s28;
	s29 =	sor.u32 $0x9000, s26;
	v29 =	vor.u32 v1, v21  }
0x4c7: {  	s10 =	simm.s32 $0x80;
	s30 =	sor.u32 s4, s29  }
0x4c8: {  	s3 =	sand.u32 $0x280, s10;
	v18 =	vld.idx.msk [tilespmem:v18+s20+$0x0], $0xffff;
	[tilespmem:s30+$0x0] =	vst v27  }
0x4c9: {  	s3 =	sor.u32 s3, s29;
	v27 =	vor.u32 v1, v16;
	v26 =	vld.idx.msk [tilespmem:v26+s20+$0x0], $0xffff  }
0x4ca: {  	s11 =	simm.s32 $0x180;
	v30 =	vor.u32 v2, v19;
	[tilespmem:s3+$0x0] =	vst v25;
	v28 =	vld.idx.msk [tilespmem:v28+s20+$0x0], $0xffff  }
0x4cb: {  	s4 =	sand.u32 $0x380, s11;
	v25 =	vor.u32 v1, v24;
	v29 =	vld.idx.msk [tilespmem:v29+s20+$0x0], $0xffff  }
0x4cc: {  	s4 =	sor.u32 s4, s29;
	s12 =	simm.s32 $0x100;
	v31 =	vor.u32 v2, v21  }
0x4cd: {  	s8 =	sand.u32 $0x300, s12;
	[tilespmem:s4+$0x0] =	vst v18  }
0x4ce: {  	s13 =	sor.u32 s8, s29;
	v18 =	vld.idx.msk [tilespmem:v27+s20+$0x0], $0xffff;
	[tilespmem:s30+$0x10] =	vst v26  }
0x4cf: {  	[tilespmem:s13+$0x0] =	vst v28;
	v26 =	vor.u32 v2, v16;
	v27 =	vld.idx.msk [tilespmem:v30+s20+$0x0], $0xffff  }
0x4d0: {  	v28 =	vor.u32 v3, v19;
	[tilespmem:s3+$0x10] =	vst v29;
	v25 =	vld.idx.msk [tilespmem:v25+s20+$0x0], $0xffff  }
0x4d1: {  	v29 =	vor.u32 v2, v24;
	v30 =	vld.idx.msk [tilespmem:v31+s20+$0x0], $0xffff  }
0x4d2: {  	v31 =	vor.u32 v3, v21  }
0x4d3: {  	[tilespmem:s4+$0x10] =	vst v18  }
0x4d4: {  	v18 =	vld.idx.msk [tilespmem:v26+s20+$0x0], $0xffff;
	[tilespmem:s30+$0x20] =	vst v27  }
0x4d5: {  	v26 =	vor.u32 v3, v16;
	[tilespmem:s13+$0x10] =	vst v25;
	v25 =	vld.idx.msk [tilespmem:v28+s20+$0x0], $0xffff  }
0x4d6: {  	[tilespmem:s3+$0x20] =	vst v30;
	v27 =	vld.idx.msk [tilespmem:v29+s20+$0x0], $0xffff;
	v28 =	vor.u32 v4, v19  }
0x4d7: {  	v29 =	vor.u32 v3, v24;
	v30 =	vld.idx.msk [tilespmem:v31+s20+$0x0], $0xffff  }
0x4d8: {  	v31 =	vor.u32 v4, v21  }
0x4d9: {  	[tilespmem:s4+$0x20] =	vst v18  }
0x4da: {  	v18 =	vld.idx.msk [tilespmem:v26+s20+$0x0], $0xffff;
	[tilespmem:s30+$0x30] =	vst v25  }
0x4db: {  	v26 =	vor.u32 v4, v16;
	[tilespmem:s13+$0x20] =	vst v27;
	v25 =	vld.idx.msk [tilespmem:v28+s20+$0x0], $0xffff  }
0x4dc: {  	[tilespmem:s3+$0x30] =	vst v30;
	v27 =	vld.idx.msk [tilespmem:v29+s20+$0x0], $0xffff;
	v28 =	vor.u32 v5, v19  }
0x4dd: {  	v29 =	vor.u32 v4, v24;
	v30 =	vld.idx.msk [tilespmem:v31+s20+$0x0], $0xffff  }
0x4de: {  	v31 =	vor.u32 v5, v21  }
0x4df: {  	[tilespmem:s4+$0x30] =	vst v18  }
0x4e0: {  	v18 =	vld.idx.msk [tilespmem:v26+s20+$0x0], $0xffff;
	[tilespmem:s30+$0x40] =	vst v25  }
0x4e1: {  	v26 =	vor.u32 v5, v16;
	[tilespmem:s13+$0x30] =	vst v27;
	v25 =	vld.idx.msk [tilespmem:v28+s20+$0x0], $0xffff  }
0x4e2: {  	[tilespmem:s3+$0x40] =	vst v30;
	v27 =	vld.idx.msk [tilespmem:v29+s20+$0x0], $0xffff;
	v28 =	vor.u32 v6, v19  }
0x4e3: {  	v29 =	vor.u32 v5, v24;
	v30 =	vld.idx.msk [tilespmem:v31+s20+$0x0], $0xffff  }
0x4e4: {  	v31 =	vor.u32 v6, v21  }
0x4e5: {  	[tilespmem:s4+$0x40] =	vst v18  }
0x4e6: {  	v18 =	vld.idx.msk [tilespmem:v26+s20+$0x0], $0xffff;
	[tilespmem:s30+$0x50] =	vst v25  }
0x4e7: {  	v26 =	vor.u32 v6, v16;
	[tilespmem:s13+$0x40] =	vst v27;
	v25 =	vld.idx.msk [tilespmem:v28+s20+$0x0], $0xffff  }
0x4e8: {  	v19 =	vor.u32 v7, v19;
	[tilespmem:s3+$0x50] =	vst v30;
	v27 =	vld.idx.msk [tilespmem:v29+s20+$0x0], $0xffff  }
0x4e9: {  	s5 =	simm.s32 $0x4;
	v28 =	vor.u32 v6, v24;
	v29 =	vld.idx.msk [tilespmem:v31+s20+$0x0], $0xffff  }
0x4ea: {  	v42 =	vmov s5;
	v17 =	vor.u32 v17, v20;
	v20 =	vor.u32 v7, v21  }
0x4eb: {  	s9 =	simm.s32 $0x7;
	s14 =	simm.s32 $0x5;
	v43 =	vor.u32 v8, v17;
	v44 =	vor.u32 v7, v24;
	v30 =	vor.u32 v8, v21;
	[tilespmem:s4+$0x50] =	vst v18  }
0x4ec: {  	v31 =	vor.u32 v7, v16;
	v18 =	vmov s14;
	v45 =	vld.idx.msk [tilespmem:v26+s20+$0x0], $0xffff;
	v26 =	vmov s9;
	[tilespmem:s30+$0x60] =	vst v25  }
0x4ed: {  	v48 =	vshll.u32 v18, $0x9;
	v25 =	vshll.u32 v42, $0x9;
	[tilespmem:s13+$0x50] =	vst v27;
	v27 =	vshll.u32 v18, $0x7;
	v19 =	vld.idx.msk [tilespmem:v19+s20+$0x0], $0xffff  }
0x4ee: {  	[tilespmem:s3+$0x60] =	vst v29;
	v18 =	vshll.u32 v26, $0x7;
	v46 =	vand.u32 $0x1000, v25;
	v47 =	vld.idx.msk [tilespmem:v28+s20+$0x0], $0xffff;
	v28 =	vshll.u32 v26, $0x9  }
0x4ef: {  	v26 =	vshll.u32 v42, $0x7;
	v49 =	vld.idx.msk [tilespmem:v20+s20+$0x0], $0xffff;
	v18 =	vand.u32 $0x380, v18;
	v28 =	vand.u32 $0x1000, v28  }
0x4f0: {  	s15 =	simm.s32 $0x6;
	v50 =	vand.u32 $0x280, v27;
	v27 =	vand.u32 $0x200, v26;
	v18 =	vor.u32 v18, v28  }
0x4f1: {  	v20 =	vmov s15;
	v26 =	vor.u32 v27, v46;
	v51 =	vor.u32 v0, v18;
	[tilespmem:s4+$0x60] =	vst v45  }
0x4f2: {  	v29 =	vshll.u32 v20, $0x7;
	v28 =	vshll.u32 v20, $0x9;
	v52 =	vor.u32 v0, v26;
	v31 =	vld.idx.msk [tilespmem:v31+s20+$0x0], $0xffff;
	[tilespmem:s30+$0x70] =	vst v19  }
0x4f3: {  	p0 =	por $0x0, $0x0;
	s6 =	simm.s32 $0x1;
	v53 =	vor.u32 v8, v16;
	v29 =	vand.u32 $0x300, v29;
	[tilespmem:s13+$0x60] =	vst v47;
	v19 =	vand.u32 $0x1000, v28;
	v33 =	vld.idx.msk [tilespmem:v43+s20+$0x0], $0xffff  }
0x4f4: {  	s6 =	simm.s32 @!p0 $0x0;
	v54 =	vor.u32 v9, v17;
	v38 =	vand.u32 $0x1000, v48;
	[tilespmem:s3+$0x70] =	vst v49;
	v34 =	vld.idx.msk [tilespmem:v44+s20+$0x0], $0xffff;
	v20 =	vor.u32 v29, v19  }
0x4f5: {  	s16 =	sshll.u32 s6, $0x9;
	s17 =	sand.u32 $0x7, s7;
	v19 =	vor.u32 v50, v38;
	v30 =	vld.idx.msk [tilespmem:v30+s20+$0x0], $0xffff;
	v55 =	vor.u32 v0, v20  }
0x4f6: {  	s6 =	sshll.u32 s17, $0x7;
	s3 =	sadd.s32 $0x0, s16;
	v38 =	vor.u32 v0, v19;
	v36 =	vld.idx.msk [tilespmem:v51+s20+$0x0], $0xffff  }
0x4f7: {  	s19 =	sadd.s32 $0x0, s6;
	v56 =	vor.u32 v9, v21;
	s18 =	sor.u32 $0x400, s3;
	v35 =	vld.idx.msk [tilespmem:v52+s20+$0x0], $0xffff;
	[tilespmem:s4+$0x70] =	vst v31  }
0x4f8: {  	s8 =	simm.s32 $0x400;
	s6 =	sadd.s32 $0x80, s19;
	v63 =	vor.u32 v8, v24;
	v57 =	vld.idx.msk [tilespmem:v53+s20+$0x0], $0xffff;
	[tilespmem:s18+$0x9000] =	vst v33  }
0x4f9: {  	s22 =	sand.u32 $0x800, s8;
	s25 =	sor.u32 $0x400, s6;
	s24 =	simm.s32 $0x200;
	v31 =	vor.u32 v1, v26;
	v58 =	vld.idx.msk [tilespmem:v54+s20+$0x0], $0xffff  }
0x4fa: {  	s26 =	sor.u32 $0x9000, s22;
	s11 =	sand.u32 $0x200, s24;
	s9 =	simm.s32 $0x380;
	v61 =	vor.u32 v1, v18;
	[tilespmem:s25+$0x9000] =	vst v30;
	v32 =	vld.idx.msk [tilespmem:v55+s20+$0x0], $0xffff  }
0x4fb: {  	v59 =	vor.u32 v9, v16;
	s15 =	sor.u32 s11, s26;
	s30 =	sand.u32 $0x380, s9;
	[tilespmem:s13+$0x70] =	vst v34;
	v30 =	vld.idx.msk [tilespmem:v38+s20+$0x0], $0xffff  }
0x4fc: {  	s17 =	simm.s32 $0x280;
	v60 =	vor.u32 v10, v17;
	s12 =	sor.u32 s30, s26;
	s4 =	sadd.s32 $0x180, s19;
	v62 =	vld.idx.msk [tilespmem:v56+s20+$0x0], $0xffff;
	[tilespmem:s15+$0x0] =	vst v35  }
0x4fd: {  	s7 =	sand.u32 $0x3, s7;
	s16 =	simm.s32 $0x300;
	v45 =	vor.u32 v1, v19;
	s28 =	sor.u32 $0x400, s4;
	v51 =	vld.idx.msk [tilespmem:v63+s20+$0x0], $0xffff;
	[tilespmem:s12+$0x0] =	vst v36  }
0x4fe: {  	s7 =	sshll.u32 s7, $0x8;
	s29 =	sor.u32 $0x410, s3;
	s11 =	sand.u32 $0x300, s16;
	v42 =	vor.u32 v1, v20;
	v31 =	vld.idx.msk [tilespmem:v31+s20+$0x0], $0xffff;
	[tilespmem:s28+$0x9000] =	vst v57  }
0x4ff: {  	s7 =	sadd.s32 $0x0, s7;
	s14 =	sor.u32 s11, s26;
	v53 =	vor.u32 v9, v24;
	s18 =	sand.u32 $0x280, s17;
	v49 =	vld.idx.msk [tilespmem:v61+s20+$0x0], $0xffff;
	[tilespmem:s29+$0x9000] =	vst v58  }
0x500: {  	s7 =	sadd.s32 $0x100, s7;
	v48 =	vor.u32 v2, v26;
	s17 =	sor.u32 s18, s26;
	v46 =	vld.idx.msk [tilespmem:v59+s20+$0x0], $0xffff;
	[tilespmem:s14+$0x0] =	vst v32  }
0x501: {  	s22 =	sor.u32 $0x400, s7;
	v52 =	vor.u32 v2, v18;
	[tilespmem:s17+$0x0] =	vst v30;
	v47 =	vld.idx.msk [tilespmem:v60+s20+$0x0], $0xffff  }
0x502: {  	v50 =	vor.u32 v10, v16;
	[tilespmem:s22+$0x9000] =	vst v51;
	v33 =	vld.idx.msk [tilespmem:v45+s20+$0x0], $0xffff  }
0x503: {  	s24 =	sor.u32 $0x410, s6;
	v30 =	vld.idx.msk [tilespmem:v42+s20+$0x0], $0xffff;
	[tilespmem:s15+$0x10] =	vst v31;
	v31 =	vor.u32 v10, v21  }
0x504: {  	v54 =	vor.u32 v2, v19;
	[tilespmem:s24+$0x9000] =	vst v62;
	v32 =	vld.idx.msk [tilespmem:v53+s20+$0x0], $0xffff  }
0x505: {  	s19 =	sor.u32 $0x410, s4;
	v55 =	vor.u32 v2, v20;
	[tilespmem:s12+$0x10] =	vst v49;
	v40 =	vld.idx.msk [tilespmem:v48+s20+$0x0], $0xffff  }
0x506: {  	v59 =	vor.u32 v11, v17;
	v39 =	vld.idx.msk [tilespmem:v52+s20+$0x0], $0xffff;
	[tilespmem:s19+$0x9000] =	vst v46  }
0x507: {  	v57 =	vor.u32 v3, v26;
	v56 =	vld.idx.msk [tilespmem:v50+s20+$0x0], $0xffff;
	[tilespmem:s17+$0x10] =	vst v33  }
0x508: {  	s26 =	sor.u32 $0x420, s3;
	v45 =	vor.u32 v3, v18;
	[tilespmem:s14+$0x10] =	vst v30;
	v31 =	vld.idx.msk [tilespmem:v31+s20+$0x0], $0xffff  }
0x509: {  	s28 =	sor.u32 $0x410, s7;
	v58 =	vor.u32 v11, v16;
	[tilespmem:s26+$0x9000] =	vst v47;
	v60 =	vld.idx.msk [tilespmem:v54+s20+$0x0], $0xffff  }
0x50a: {  	v30 =	vor.u32 v10, v24;
	[tilespmem:s28+$0x9000] =	vst v32;
	v37 =	vld.idx.msk [tilespmem:v55+s20+$0x0], $0xffff  }
0x50b: {  	v61 =	vor.u32 v11, v21;
	v33 =	vld.idx.msk [tilespmem:v59+s20+$0x0], $0xffff;
	[tilespmem:s15+$0x20] =	vst v40  }
0x50c: {  	s25 =	sor.u32 $0x420, s4;
	v62 =	vor.u32 v3, v19;
	[tilespmem:s12+$0x20] =	vst v39;
	v38 =	vld.idx.msk [tilespmem:v57+s20+$0x0], $0xffff  }
0x50d: {  	v63 =	vor.u32 v3, v20;
	s29 =	sor.u32 $0x420, s6;
	v32 =	vld.idx.msk [tilespmem:v45+s20+$0x0], $0xffff;
	[tilespmem:s25+$0x9000] =	vst v56  }
0x50e: {  	v44 =	vor.u32 v4, v26;
	v43 =	vld.idx.msk [tilespmem:v58+s20+$0x0], $0xffff;
	[tilespmem:s29+$0x9000] =	vst v31  }
0x50f: {  	v30 =	vld.idx.msk [tilespmem:v30+s20+$0x0], $0xffff;
	[tilespmem:s17+$0x20] =	vst v60;
	v31 =	vor.u32 v12, v17  }
0x510: {  	s30 =	sor.u32 $0x430, s3;
	v24 =	vor.u32 v11, v24;
	[tilespmem:s14+$0x20] =	vst v37;
	v46 =	vld.idx.msk [tilespmem:v61+s20+$0x0], $0xffff  }
0x511: {  	v48 =	vor.u32 v12, v21;
	[tilespmem:s30+$0x9000] =	vst v33;
	v47 =	vld.idx.msk [tilespmem:v62+s20+$0x0], $0xffff  }
0x512: {  	v49 =	vor.u32 v4, v19;
	v34 =	vld.idx.msk [tilespmem:v63+s20+$0x0], $0xffff;
	[tilespmem:s15+$0x30] =	vst v38  }
0x513: {  	s11 =	sor.u32 $0x420, s7;
	v50 =	vor.u32 v4, v20;
	[tilespmem:s12+$0x30] =	vst v32;
	v35 =	vld.idx.msk [tilespmem:v44+s20+$0x0], $0xffff  }
0x514: {  	s13 =	sor.u32 $0x430, s6;
	v51 =	vor.u32 v5, v26;
	[tilespmem:s11+$0x9000] =	vst v30;
	v31 =	vld.idx.msk [tilespmem:v31+s20+$0x0], $0xffff  }
0x515: {  	v30 =	vor.u32 v4, v18;
	v24 =	vld.idx.msk [tilespmem:v24+s20+$0x0], $0xffff;
	[tilespmem:s13+$0x9000] =	vst v46  }
0x516: {  	v52 =	vor.u32 v23, v22;
	v22 =	vor.u32 v13, v17;
	[tilespmem:s17+$0x30] =	vst v47;
	v23 =	vld.idx.msk [tilespmem:v48+s20+$0x0], $0xffff  }
0x517: {  	v54 =	vor.u32 v12, v52;
	[tilespmem:s14+$0x30] =	vst v34;
	v53 =	vld.idx.msk [tilespmem:v49+s20+$0x0], $0xffff  }
0x518: {  	v56 =	vor.u32 v13, v21;
	s30 =	sor.u32 $0x430, s4;
	v55 =	vld.idx.msk [tilespmem:v50+s20+$0x0], $0xffff;
	[tilespmem:s15+$0x40] =	vst v35  }
0x519: {  	s16 =	sor.u32 $0x440, s3;
	v57 =	vor.u32 v5, v19;
	[tilespmem:s30+$0x9000] =	vst v43;
	v33 =	vld.idx.msk [tilespmem:v51+s20+$0x0], $0xffff  }
0x51a: {  	s18 =	sor.u32 $0x430, s7;
	v58 =	vor.u32 v5, v20;
	v30 =	vld.idx.msk [tilespmem:v30+s20+$0x0], $0xffff;
	[tilespmem:s16+$0x9000] =	vst v31  }
0x51b: {  	s19 =	sor.u32 $0x440, s6;
	v31 =	vor.u32 v6, v26;
	[tilespmem:s18+$0x9000] =	vst v24;
	v22 =	vld.idx.msk [tilespmem:v22+s20+$0x0], $0xffff  }
0x51c: {  	v24 =	vor.u32 v5, v18;
	v34 =	vld.idx.msk [tilespmem:v54+s20+$0x0], $0xffff;
	[tilespmem:s19+$0x9000] =	vst v23  }
0x51d: {  	v59 =	vor.u32 v14, v17;
	[tilespmem:s17+$0x40] =	vst v53;
	v37 =	vld.idx.msk [tilespmem:v56+s20+$0x0], $0xffff  }
0x51e: {  	v60 =	vor.u32 v13, v52;
	[tilespmem:s14+$0x40] =	vst v55;
	v38 =	vld.idx.msk [tilespmem:v57+s20+$0x0], $0xffff  }
0x51f: {  	v61 =	vor.u32 v14, v21;
	v32 =	vld.idx.msk [tilespmem:v58+s20+$0x0], $0xffff;
	[tilespmem:s15+$0x50] =	vst v33  }
0x520: {  	s22 =	sor.u32 $0x450, s3;
	v63 =	vor.u32 v6, v19;
	v44 =	vor.u32 v6, v20;
	[tilespmem:s12+$0x40] =	vst v30;
	v62 =	vld.idx.msk [tilespmem:v31+s20+$0x0], $0xffff  }
0x521: {  	s25 =	sor.u32 $0x440, s7;
	v23 =	vor.u32 v15, v21;
	v21 =	vor.u32 v25, v27;
	v36 =	vld.idx.msk [tilespmem:v24+s20+$0x0], $0xffff;
	[tilespmem:s22+$0x9000] =	vst v22  }
0x522: {  	s24 =	sand.u32 $0x3, s1;
	s26 =	sand.u32 $0x7, s5;
	s28 =	sor.u32 $0x450, s6;
	v22 =	vor.u32 v29, v28;
	v29 =	vor.u32 v7, v26;
	[tilespmem:s25+$0x9000] =	vst v34;
	v25 =	vld.idx.msk [tilespmem:v59+s20+$0x0], $0xffff  }
0x523: {  	p0 =	por !p0, !p0;
	s29 =	sshll.u32 s26, $0x7;
	s11 =	sshll.u32 s24, $0x8;
	v31 =	vor.u32 v12, v16;
	v28 =	vld.idx.msk [tilespmem:v60+s20+$0x0], $0xffff;
	[tilespmem:s28+$0x9000] =	vst v37  }
0x524: {  	v41 =	vor.u32 v7, v19;
	v40 =	vor.u32 v6, v18;
	s26 =	sor.u32 $0x460, s4;
	s11 =	sadd.s32 $0x400, s11;
	s13 =	sadd.s32 $0x400, s29;
	[tilespmem:s17+$0x50] =	vst v38;
	v27 =	vld.idx.msk [tilespmem:v61+s20+$0x0], $0xffff  }
0x525: {  	s24 =	simm.s32 $0x400;
	s10 =	sadd.s32 $0x100, s11;
	s11 =	sadd.s32 $0x80, s13;
	v35 =	vor.u32 v8, v19;
	v30 =	vor.u32 v13, v16;
	[tilespmem:s14+$0x50] =	vst v32;
	v37 =	vld.idx.msk [tilespmem:v63+s20+$0x0], $0xffff  }
0x526: {  	s13 =	sadd.s32 $0x180, s13;
	s16 =	sor.u32 $0x450, s7;
	s18 =	sor.u32 $0x450, s10;
	v24 =	vor.u32 v15, v19;
	v34 =	vor.u32 v14, v52;
	v39 =	vld.idx.msk [tilespmem:v44+s20+$0x0], $0xffff;
	[tilespmem:s15+$0x60] =	vst v62  }
0x527: {  	s19 =	simm.s32 $0x8;
	v26 =	vor.u32 v14, v16;
	s25 =	sor.u32 $0x440, s4;
	s22 =	sor.u32 $0x450, s4;
	v32 =	vor.u32 v15, v52;
	v38 =	vld.idx.msk [tilespmem:v29+s20+$0x0], $0xffff;
	v29 =	vor.u32 v7, v18  }
.LBB2_12:
0x528: {  	v33 =	vmov s19;
	s28 =	sadd.s32 $0x1, s19;
	s29 =	sadd.s32 $0x2, s19;
	s30 =	sadd.s32 $0x3, s19;
	v42 =	vor.u32 v8, v21;
	v43 =	vor.u32 v7, v20;
	[tilespmem:s12+$0x50] =	vst v36;
	v31 =	vld.idx.msk [tilespmem:v31+s20+$0x0], $0xffff  }
0x529: {  	p1 =	slt.u32 s19, $0xC;
	s19 =	sadd.s32 $0x4, s19;
	v36 =	vshll.u32 v33, $0x9;
	v44 =	vmov s28;
	v45 =	vmov s30;
	s28 =	sor.u32 $0x460, s6;
	[tilespmem:s16+$0x9000] =	vst v28  }
0x52a: {  	s16 =	smov.u32 s18;
	v46 =	vand.u32 $0x1000, v36;
	v28 =	vshll.u32 v44, $0x7;
	v47 =	vshll.u32 v45, $0x9;
	v40 =	vld.idx.msk [tilespmem:v40+s20+$0x0], $0xffff;
	[tilespmem:s28+$0x9000] =	vst v27  }
0x52b: {  	v27 =	vshll.u32 v44, $0x9;
	v44 =	vmov s29;
	v28 =	vand.u32 $0x280, v28;
	[tilespmem:s17+$0x60] =	vst v37;
	v34 =	vld.idx.msk [tilespmem:v34+s20+$0x0], $0xffff  }
0x52c: {  	v33 =	vshll.u32 v33, $0x7;
	v45 =	vshll.u32 v45, $0x7;
	v37 =	vand.u32 $0x1000, v47;
	v41 =	vld.idx.msk [tilespmem:v41+s20+$0x0], $0xffff;
	[tilespmem:s14+$0x60] =	vst v39  }
0x52d: {  	s28 =	sor.u32 $0x470, s4;
	s4 =	smov.u32 s13;
	v27 =	vand.u32 $0x1000, v27;
	v45 =	vand.u32 $0x380, v45;
	v39 =	vshll.u32 v44, $0x7;
	[tilespmem:s15+$0x70] =	vst v38;
	v38 =	vld.idx.msk [tilespmem:v23+s20+$0x0], $0xffff;
	v23 =	vmovc v24  }
0x52e: {  	v28 =	vor.u32 v28, v27;
	v24 =	vand.u32 $0x200, v33;
	v33 =	vor.u32 v45, v37;
	v37 =	vld.idx.msk [tilespmem:v42+s20+$0x0], $0xffff;
	[tilespmem:s25+$0x9000] =	vst v31  }
0x52f: {  	s13 =	simm.s32 $0x1;
	v27 =	vor.u32 v24, v46;
	v31 =	vshll.u32 v44, $0x9;
	v42 =	vor.u32 v0, v33;
	v44 =	vld.idx.msk [tilespmem:v30+s20+$0x0], $0xffff  }
0x530: {  	s13 =	simm.s32 @!p0 $0x0;
	v39 =	vand.u32 $0x300, v39;
	s15 =	sor.u32 $0x460, s7;
	v45 =	vor.u32 v0, v27;
	v30 =	vand.u32 $0x1000, v31;
	v43 =	vld.idx.msk [tilespmem:v43+s20+$0x0], $0xffff;
	[tilespmem:s12+$0x60] =	vst v40  }
0x531: {  	s8 =	sadd.s32 $0x400, s8;
	s6 =	sor.u32 $0x470, s6;
	s13 =	sshll.u32 s13, $0x9;
	v36 =	vor.u32 v36, v24;
	v30 =	vor.u32 v39, v30;
	v40 =	vld.idx.msk [tilespmem:v29+s20+$0x0], $0xffff;
	[tilespmem:s15+$0x9000] =	vst v34  }
0x532: {  	s5 =	sadd.s32 $0x4, s5;
	s1 =	sadd.s32 $0x2, s1;
	s25 =	sadd.s32 s13, s24;
	v46 =	vor.u32 v9, v21;
	v34 =	vor.u32 v0, v30;
	[tilespmem:s17+$0x70] =	vst v41;
	v32 =	vld.idx.msk [tilespmem:v32+s20+$0x0], $0xffff  }
0x533: {  	s13 =	sand.u32 $0x7, s5;
	s15 =	sand.u32 $0x3, s1;
	v29 =	vor.u32 v39, v31;
	s17 =	sor.u32 $0x400, s25;
	v31 =	vld.idx.msk [tilespmem:v35+s20+$0x0], $0xffff;
	v35 =	vor.u32 v8, v18;
	[tilespmem:s6+$0x9000] =	vst v38  }
0x534: {  	s9 =	sadd.s32 $0x200, s9;
	v24 =	vor.u32 v15, v28;
	s6 =	sshll.u32 s13, $0x7;
	s13 =	sshll.u32 s15, $0x8;
	v38 =	vor.u32 v0, v28;
	v39 =	vld.idx.msk [tilespmem:v42+s20+$0x0], $0xffff;
	[tilespmem:s17+$0x9000] =	vst v37  }
0x535: {  	s24 =	smov.u32 s8;
	s6 =	sadd.s32 s8, s6;
	s13 =	sadd.s32 s8, s13;
	v37 =	vld.idx.msk [tilespmem:v45+s20+$0x0], $0xffff;
	[tilespmem:s22+$0x9000] =	vst v44  }
0x536: {  	v41 =	vor.u32 v15, v17;
	v17 =	vmov v21;
	v21 =	vmov v36;
	s17 =	sadd.s32 $0x80, s6;
	s22 =	sadd.s32 $0x100, s13;
	s13 =	sadd.s32 $0x180, s6;
	[tilespmem:s14+$0x70] =	vst v43;
	v26 =	vld.idx.msk [tilespmem:v26+s20+$0x0], $0xffff  }
0x537: {  	s7 =	sor.u32 $0x470, s7;
	v42 =	vor.u32 v9, v19;
	s6 =	smov.u32 s11;
	s18 =	sor.u32 $0x450, s22;
	v36 =	vld.idx.msk [tilespmem:v46+s20+$0x0], $0xffff;
	[tilespmem:s12+$0x70] =	vst v40  }
0x538: {  	s11 =	sand.u32 $0x800, s8;
	s14 =	sor.u32 $0x400, s6;
	s12 =	sadd.s32 $0xFFFFFE80, s9;
	v40 =	vor.u32 v1, v27;
	v35 =	vld.idx.msk [tilespmem:v35+s20+$0x0], $0xffff;
	[tilespmem:s7+$0x9000] =	vst v32;
	v32 =	vor.u32 v15, v16;
	v16 =	vmov v18  }
0x539: {  	s29 =	sor.u32 $0x9000, s11;
	s11 =	sor.u32 $0x460, s3;
	s7 =	sand.u32 $0x200, s12;
	v18 =	vmov v33;
	v34 =	vld.idx.msk [tilespmem:v34+s20+$0x0], $0xffff;
	[tilespmem:s14+$0x9000] =	vst v31  }
0x53a: {  	s15 =	sor.u32 s7, s29;
	v33 =	vor.u32 v9, v16;
	s7 =	smov.u32 s10;
	v31 =	vld.idx.msk [tilespmem:v38+s20+$0x0], $0xffff;
	[tilespmem:s11+$0x9000] =	vst v25;
	s11 =	smov.u32 s17  }
0x53b: {  	s10 =	smov.u32 s22;
	v25 =	vor.u32 v1, v28;
	[tilespmem:s15+$0x0] =	vst v37;
	v37 =	vor.u32 v10, v17;
	v38 =	vld.idx.msk [tilespmem:v41+s20+$0x0], $0xffff  }
0x53c: {  	s12 =	sor.u32 $0x410, s25;
	v41 =	vor.u32 v1, v18;
	v42 =	vld.idx.msk [tilespmem:v42+s20+$0x0], $0xffff;
	[tilespmem:s26+$0x9000] =	vst v26  }
0x53d: {  	v26 =	vor.u32 v1, v30;
	[tilespmem:s12+$0x9000] =	vst v36;
	v36 =	vor.u32 v8, v20;
	s12 =	sor.u32 $0x400, s4;
	v32 =	vld.idx.msk [tilespmem:v32+s20+$0x0], $0xffff  }
0x53e: {  	s14 =	sadd.s32 $0xFFFFFF80, s9;
	s17 =	sand.u32 $0x380, s9;
	v40 =	vld.idx.msk [tilespmem:v40+s20+$0x0], $0xffff;
	[tilespmem:s12+$0x9000] =	vst v35  }
0x53f: {  	s14 =	sand.u32 $0x300, s14;
	s12 =	sor.u32 s17, s29;
	v33 =	vld.idx.msk [tilespmem:v33+s20+$0x0], $0xffff  }
0x540: {  	s3 =	sor.u32 $0x470, s3;
	s14 =	sor.u32 s14, s29;
	s17 =	sadd.s32 $0xFFFFFF00, s9;
	[tilespmem:s12+$0x0] =	vst v39;
	v35 =	vld.idx.msk [tilespmem:v37+s20+$0x0], $0xffff  }
0x541: {  	s17 =	sand.u32 $0x280, s17;
	v37 =	vor.u32 v2, v27;
	v39 =	vld.idx.msk [tilespmem:v41+s20+$0x0], $0xffff;
	[tilespmem:s3+$0x9000] =	vst v38;
	s3 =	smov.u32 s25  }
0x542: {  	s17 =	sor.u32 s17, s29;
	[tilespmem:s14+$0x0] =	vst v34;
	v34 =	vld.idx.msk [tilespmem:v36+s20+$0x0], $0xffff;
	v36 =	vor.u32 v10, v16  }
0x543: {  	[tilespmem:s17+$0x0] =	vst v31;
	v26 =	vld.idx.msk [tilespmem:v26+s20+$0x0], $0xffff;
	v31 =	vor.u32 v2, v18  }
0x544: {  	v38 =	vor.u32 v9, v20;
	v25 =	vld.idx.msk [tilespmem:v25+s20+$0x0], $0xffff;
	[tilespmem:s28+$0x9000] =	vst v32  }
0x545: {  	s22 =	sor.u32 $0x410, s4;
	v32 =	vor.u32 v10, v19;
	[tilespmem:s15+$0x10] =	vst v40  }
0x546: {  	v40 =	vor.u32 v2, v28;
	v37 =	vld.idx.msk [tilespmem:v37+s20+$0x0], $0xffff;
	[tilespmem:s22+$0x9000] =	vst v33  }
0x547: {  	v33 =	vor.u32 v2, v30;
	s22 =	sor.u32 $0x400, s7;
	[tilespmem:s12+$0x10] =	vst v39;
	v36 =	vld.idx.msk [tilespmem:v36+s20+$0x0], $0xffff  }
0x548: {  	s25 =	sor.u32 $0x410, s6;
	v39 =	vor.u32 v3, v27;
	v41 =	vld.idx.msk [tilespmem:v31+s20+$0x0], $0xffff;
	[tilespmem:s22+$0x9000] =	vst v34  }
0x549: {  	v34 =	vor.u32 v11, v16;
	[tilespmem:s25+$0x9000] =	vst v42;
	v31 =	vld.idx.msk [tilespmem:v38+s20+$0x0], $0xffff  }
0x54a: {  	[tilespmem:s17+$0x10] =	vst v25;
	v25 =	vor.u32 v11, v17;
	v32 =	vld.idx.msk [tilespmem:v32+s20+$0x0], $0xffff  }
0x54b: {  	v38 =	vld.idx.msk [tilespmem:v40+s20+$0x0], $0xffff;
	[tilespmem:s14+$0x10] =	vst v26;
	v26 =	vor.u32 v10, v20  }
0x54c: {  	s22 =	sor.u32 $0x420, s4;
	v40 =	vor.u32 v11, v19;
	[tilespmem:s15+$0x20] =	vst v37;
	v37 =	vld.idx.msk [tilespmem:v33+s20+$0x0], $0xffff  }
0x54d: {  	v42 =	vor.u32 v3, v28;
	s25 =	sor.u32 $0x420, s3;
	v39 =	vld.idx.msk [tilespmem:v39+s20+$0x0], $0xffff;
	[tilespmem:s22+$0x9000] =	vst v36  }
0x54e: {  	v36 =	vor.u32 v3, v30;
	s22 =	sor.u32 $0x410, s7;
	[tilespmem:s25+$0x9000] =	vst v35;
	v33 =	vld.idx.msk [tilespmem:v34+s20+$0x0], $0xffff  }
0x54f: {  	v34 =	vor.u32 v4, v27;
	s25 =	sor.u32 $0x420, s6;
	v25 =	vld.idx.msk [tilespmem:v25+s20+$0x0], $0xffff;
	[tilespmem:s22+$0x9000] =	vst v31  }
0x550: {  	v35 =	vor.u32 v3, v18;
	v31 =	vor.u32 v12, v16;
	[tilespmem:s25+$0x9000] =	vst v32;
	v26 =	vld.idx.msk [tilespmem:v26+s20+$0x0], $0xffff  }
0x551: {  	v32 =	vor.u32 v12, v17;
	[tilespmem:s17+$0x20] =	vst v38;
	v38 =	vld.idx.msk [tilespmem:v40+s20+$0x0], $0xffff  }
0x552: {  	v40 =	vld.idx.msk [tilespmem:v42+s20+$0x0], $0xffff;
	[tilespmem:s14+$0x20] =	vst v37;
	v37 =	vor.u32 v11, v20;
	v20 =	vmov v30  }
0x553: {  	[tilespmem:s15+$0x30] =	vst v39;
	v36 =	vld.idx.msk [tilespmem:v36+s20+$0x0], $0xffff;
	v39 =	vor.u32 v12, v19  }
0x554: {  	s22 =	sor.u32 $0x430, s3;
	v42 =	vor.u32 v4, v28;
	v34 =	vld.idx.msk [tilespmem:v34+s20+$0x0], $0xffff;
	[tilespmem:s12+$0x20] =	vst v41  }
0x555: {  	v41 =	vor.u32 v4, v20;
	v35 =	vld.idx.msk [tilespmem:v35+s20+$0x0], $0xffff;
	[tilespmem:s22+$0x9000] =	vst v25;
	s22 =	sor.u32 $0x420, s7  }
0x556: {  	s25 =	sor.u32 $0x430, s6;
	v25 =	vor.u32 v5, v27;
	v32 =	vld.idx.msk [tilespmem:v32+s20+$0x0], $0xffff;
	[tilespmem:s22+$0x9000] =	vst v26  }
0x557: {  	v30 =	vor.u32 v13, v16;
	v26 =	vor.u32 v4, v18;
	[tilespmem:s25+$0x9000] =	vst v38;
	v37 =	vld.idx.msk [tilespmem:v37+s20+$0x0], $0xffff  }
0x558: {  	v38 =	vor.u32 v13, v17;
	[tilespmem:s17+$0x30] =	vst v40;
	v39 =	vld.idx.msk [tilespmem:v39+s20+$0x0], $0xffff  }
0x559: {  	v40 =	vld.idx.msk [tilespmem:v42+s20+$0x0], $0xffff;
	[tilespmem:s14+$0x30] =	vst v36;
	v36 =	vor.u32 v12, v22  }
0x55a: {  	s25 =	sor.u32 $0x440, s4;
	[tilespmem:s15+$0x40] =	vst v34;
	v34 =	vld.idx.msk [tilespmem:v41+s20+$0x0], $0xffff;
	v41 =	vor.u32 v13, v19  }
0x55b: {  	s22 =	sor.u32 $0x440, s3;
	v42 =	vor.u32 v5, v28;
	v25 =	vld.idx.msk [tilespmem:v25+s20+$0x0], $0xffff;
	[tilespmem:s12+$0x30] =	vst v35  }
0x55c: {  	v35 =	vor.u32 v5, v20;
	v43 =	vld.idx.msk [tilespmem:v26+s20+$0x0], $0xffff;
	[tilespmem:s22+$0x9000] =	vst v32;
	s22 =	sor.u32 $0x430, s7  }
0x55d: {  	s26 =	sor.u32 $0x440, s6;
	v32 =	vor.u32 v6, v27;
	v38 =	vld.idx.msk [tilespmem:v38+s20+$0x0], $0xffff;
	[tilespmem:s22+$0x9000] =	vst v37  }
0x55e: {  	v26 =	vor.u32 v14, v16;
	v37 =	vor.u32 v5, v18;
	[tilespmem:s26+$0x9000] =	vst v39;
	v39 =	vld.idx.msk [tilespmem:v36+s20+$0x0], $0xffff  }
0x55f: {  	[tilespmem:s17+$0x40] =	vst v40;
	v40 =	vor.u32 v14, v17;
	v41 =	vld.idx.msk [tilespmem:v41+s20+$0x0], $0xffff  }
0x560: {  	v42 =	vld.idx.msk [tilespmem:v42+s20+$0x0], $0xffff;
	[tilespmem:s14+$0x40] =	vst v34;
	v34 =	vor.u32 v13, v22  }
0x561: {  	v44 =	vor.u32 v14, v19;
	v19 =	vmov v28;
	s22 =	sor.u32 $0x450, s4;
	[tilespmem:s15+$0x50] =	vst v25;
	v35 =	vld.idx.msk [tilespmem:v35+s20+$0x0], $0xffff  }
0x562: {  	s26 =	sor.u32 $0x450, s3;
	v45 =	vld.idx.msk [tilespmem:v32+s20+$0x0], $0xffff;
	v32 =	vor.u32 v6, v19;
	[tilespmem:s12+$0x40] =	vst v43  }
0x563: {  	v43 =	vor.u32 v6, v20;
	v36 =	vld.idx.msk [tilespmem:v37+s20+$0x0], $0xffff;
	[tilespmem:s26+$0x9000] =	vst v38;
	s26 =	sor.u32 $0x440, s7  }
0x564: {  	s28 =	sor.u32 $0x450, s6;
	v38 =	vor.u32 v7, v27;
	v25 =	vld.idx.msk [tilespmem:v40+s20+$0x0], $0xffff;
	[tilespmem:s26+$0x9000] =	vst v39  }
.Ltmp5:
0x565: {  	[tilespmem:s28+$0x9000] =	vst v41;
	v28 =	vld.idx.msk [tilespmem:v34+s20+$0x0], $0xffff;
	(pc) =	sbr.rel @p1 .LBB2_12-.Ltmp5, $4  }
0x566: {  	[tilespmem:s17+$0x50] =	vst v42;
	v27 =	vld.idx.msk [tilespmem:v44+s20+$0x0], $0xffff  }
0x567: {  	v40 =	vor.u32 v6, v18;
	s28 =	sor.u32 $0x430, s4;
	v37 =	vld.idx.msk [tilespmem:v32+s20+$0x0], $0xffff;
	[tilespmem:s14+$0x50] =	vst v35;
	v32 =	vor.u32 v15, v22  }
0x568: {  	s26 =	sor.u32 $0x460, s4;
	v34 =	vor.u32 v14, v22;
	v35 =	vor.u32 v8, v19;
	v22 =	vmov v29;
	[tilespmem:s15+$0x60] =	vst v45;
	v39 =	vld.idx.msk [tilespmem:v43+s20+$0x0], $0xffff  }
0x569: {  	p0 =	por !p0, !p0;
	v41 =	vor.u32 v7, v19;
	v29 =	vor.u32 v7, v18;
	v38 =	vld.idx.msk [tilespmem:v38+s20+$0x0], $0xffff;
	[tilespmem:s28+$0x9000] =	vst v33  }
0x56a: {  	_ =	sdelay $0x2  }
0x56b: {  	v33 =	vor.u32 v7, v20;
	[tilespmem:s12+$0x50] =	vst v36  }
0x56c: {  	v36 =	vld.idx.msk [tilespmem:v40+s20+$0x0], $0xffff;
	_ =	sdelay $0x1  }
0x56d: {  	[tilespmem:s17+$0x60] =	vst v37  }
0x56e: {  	v37 =	vld.idx.msk [tilespmem:v41+s20+$0x0], $0xffff;
	[tilespmem:s14+$0x60] =	vst v39  }
0x56f: {  	v33 =	vld.idx.msk [tilespmem:v33+s20+$0x0], $0xffff  }
0x570: {  	v45 =	vor.u32 v8, v20;
	[tilespmem:s12+$0x60] =	vst v36  }
0x571: {  	v46 =	vor.u32 v8, v21;
	v29 =	vld.idx.msk [tilespmem:v29+s20+$0x0], $0xffff  }
0x572: {  	v47 =	vor.u32 v8, v18  }
0x573: {  	[tilespmem:s17+$0x70] =	vst v37  }
0x574: {  	v35 =	vld.idx.msk [tilespmem:v35+s20+$0x0], $0xffff;
	[tilespmem:s14+$0x70] =	vst v33  }
0x575: {  	v48 =	vor.u32 v9, v19;
	[tilespmem:s15+$0x70] =	vst v38;
	v36 =	vld.idx.msk [tilespmem:v45+s20+$0x0], $0xffff  }
0x576: {  	s1 =	simm.s32 $0x1;
	v49 =	vld.idx.msk [tilespmem:v46+s20+$0x0], $0xffff;
	[tilespmem:s12+$0x70] =	vst v29;
	v29 =	vor.u32 v9, v20  }
0x577: {  	v50 =	vor.u32 v9, v21;
	s1 =	simm.s32 @!p0 $0x0;
	v51 =	vld.idx.msk [tilespmem:v47+s20+$0x0], $0xffff  }
0x578: {  	s5 =	sor.u32 $0x400, s11;
	v52 =	vor.u32 v9, v18;
	s1 =	sshll.u32 s1, $0x9  }
0x579: {  	s29 =	sor.u32 $0x400, s10;
	s1 =	sadd.s32 s1, s24;
	[tilespmem:s5+$0x9000] =	vst v35  }
0x57a: {  	s8 =	sor.u32 $0x400, s1;
	v33 =	vld.idx.msk [tilespmem:v48+s20+$0x0], $0xffff;
	[tilespmem:s29+$0x9000] =	vst v36  }
0x57b: {  	s30 =	sor.u32 $0x400, s13;
	v53 =	vor.u32 v10, v19;
	[tilespmem:s8+$0x9000] =	vst v49;
	v29 =	vld.idx.msk [tilespmem:v29+s20+$0x0], $0xffff  }
0x57c: {  	v55 =	vor.u32 v10, v20;
	v54 =	vld.idx.msk [tilespmem:v50+s20+$0x0], $0xffff;
	[tilespmem:s30+$0x9000] =	vst v51  }
0x57d: {  	v56 =	vor.u32 v10, v21;
	v39 =	vld.idx.msk [tilespmem:v52+s20+$0x0], $0xffff  }
0x57e: {  	v57 =	vor.u32 v10, v18;
	s8 =	sor.u32 $0x410, s11  }
0x57f: {  	s9 =	sor.u32 $0x410, s10;
	[tilespmem:s8+$0x9000] =	vst v33  }
0x580: {  	s12 =	sor.u32 $0x410, s1;
	v33 =	vld.idx.msk [tilespmem:v53+s20+$0x0], $0xffff;
	[tilespmem:s9+$0x9000] =	vst v29  }
0x581: {  	s14 =	sor.u32 $0x410, s13;
	[tilespmem:s12+$0x9000] =	vst v54;
	v29 =	vor.u32 v11, v19;
	v58 =	vld.idx.msk [tilespmem:v55+s20+$0x0], $0xffff  }
0x582: {  	v20 =	vor.u32 v11, v20;
	v36 =	vld.idx.msk [tilespmem:v56+s20+$0x0], $0xffff;
	[tilespmem:s14+$0x9000] =	vst v39  }
0x583: {  	v60 =	vor.u32 v11, v21;
	[tilespmem:s16+$0x9000] =	vst v28;
	s24 =	sor.u32 $0x460, s6;
	v59 =	vld.idx.msk [tilespmem:v57+s20+$0x0], $0xffff  }
0x584: {  	v28 =	vor.u32 v11, v18;
	v31 =	vld.idx.msk [tilespmem:v31+s20+$0x0], $0xffff;
	s15 =	sor.u32 $0x420, s11;
	[tilespmem:s24+$0x9000] =	vst v27  }
0x585: {  	s16 =	sor.u32 $0x420, s10;
	[tilespmem:s15+$0x9000] =	vst v33  }
0x586: {  	s17 =	sor.u32 $0x420, s1;
	v29 =	vld.idx.msk [tilespmem:v29+s20+$0x0], $0xffff;
	[tilespmem:s16+$0x9000] =	vst v58  }
0x587: {  	s19 =	sor.u32 $0x420, s13;
	v61 =	vor.u32 v12, v19;
	[tilespmem:s17+$0x9000] =	vst v36;
	v20 =	vld.idx.msk [tilespmem:v20+s20+$0x0], $0xffff  }
0x588: {  	v63 =	vor.u32 v12, v22;
	v62 =	vld.idx.msk [tilespmem:v60+s20+$0x0], $0xffff;
	[tilespmem:s19+$0x9000] =	vst v59  }
0x589: {  	[tilespmem:s25+$0x9000] =	vst v31;
	v27 =	vld.idx.msk [tilespmem:v28+s20+$0x0], $0xffff;
	v28 =	vor.u32 v12, v21  }
0x58a: {  	s28 =	sor.u32 $0x430, s11;
	v31 =	vor.u32 v12, v18;
	v30 =	vld.idx.msk [tilespmem:v30+s20+$0x0], $0xffff  }
0x58b: {  	v23 =	vld.idx.msk [tilespmem:v23+s20+$0x0], $0xffff;
	s29 =	sor.u32 $0x430, s10;
	[tilespmem:s28+$0x9000] =	vst v29  }
0x58c: {  	s30 =	sor.u32 $0x430, s1;
	v29 =	vld.idx.msk [tilespmem:v61+s20+$0x0], $0xffff;
	[tilespmem:s29+$0x9000] =	vst v20  }
0x58d: {  	s9 =	sor.u32 $0x430, s13;
	[tilespmem:s30+$0x9000] =	vst v62;
	v20 =	vor.u32 v13, v19;
	v40 =	vld.idx.msk [tilespmem:v63+s20+$0x0], $0xffff  }
0x58e: {  	v41 =	vor.u32 v13, v22;
	v28 =	vld.idx.msk [tilespmem:v28+s20+$0x0], $0xffff;
	[tilespmem:s9+$0x9000] =	vst v27  }
0x58f: {  	[tilespmem:s22+$0x9000] =	vst v30;
	s14 =	sor.u32 $0x470, s6;
	v27 =	vor.u32 v13, v21;
	v31 =	vld.idx.msk [tilespmem:v31+s20+$0x0], $0xffff  }
0x590: {  	v34 =	vld.idx.msk [tilespmem:v34+s20+$0x0], $0xffff;
	[tilespmem:s14+$0x9000] =	vst v23;
	v23 =	vor.u32 v13, v18;
	s15 =	sor.u32 $0x440, s11  }
0x591: {  	v26 =	vld.idx.msk [tilespmem:v26+s20+$0x0], $0xffff;
	s16 =	sor.u32 $0x440, s10;
	[tilespmem:s15+$0x9000] =	vst v29  }
0x592: {  	s17 =	sor.u32 $0x440, s1;
	v20 =	vld.idx.msk [tilespmem:v20+s20+$0x0], $0xffff;
	[tilespmem:s16+$0x9000] =	vst v40  }
0x593: {  	s19 =	sor.u32 $0x440, s13;
	v19 =	vor.u32 v14, v19;
	[tilespmem:s17+$0x9000] =	vst v28;
	v28 =	vld.idx.msk [tilespmem:v41+s20+$0x0], $0xffff  }
0x594: {  	s12 =	sor.u32 $0x460, s7;
	v29 =	vor.u32 v14, v22;
	v27 =	vld.idx.msk [tilespmem:v27+s20+$0x0], $0xffff;
	[tilespmem:s19+$0x9000] =	vst v31  }
0x595: {  	v30 =	vor.u32 v14, v21;
	[tilespmem:s12+$0x9000] =	vst v34;
	v23 =	vld.idx.msk [tilespmem:v23+s20+$0x0], $0xffff  }
0x596: {  	s25 =	sor.u32 $0x450, s11;
	[tilespmem:s26+$0x9000] =	vst v26;
	v31 =	vor.u32 v14, v18  }
0x597: {  	v17 =	vor.u32 v15, v17;
	v32 =	vld.idx.msk [tilespmem:v32+s20+$0x0], $0xffff;
	[tilespmem:s25+$0x9000] =	vst v20  }
0x598: {  	v16 =	vor.u32 v15, v16;
	s28 =	sor.u32 $0x450, s1;
	v19 =	vld.idx.msk [tilespmem:v19+s20+$0x0], $0xffff;
	[tilespmem:s18+$0x9000] =	vst v28  }
0x599: {  	s29 =	sor.u32 $0x450, s13;
	[tilespmem:s28+$0x9000] =	vst v27;
	v20 =	vld.idx.msk [tilespmem:v29+s20+$0x0], $0xffff  }
0x59a: {  	s30 =	sor.u32 $0x460, s3;
	v22 =	vor.u32 v15, v22;
	v27 =	vld.idx.msk [tilespmem:v30+s20+$0x0], $0xffff;
	[tilespmem:s29+$0x9000] =	vst v23  }
0x59b: {  	s24 =	sor.u32 $0x470, s7;
	[tilespmem:s30+$0x9000] =	vst v25;
	v21 =	vor.u32 v15, v21;
	v23 =	vld.idx.msk [tilespmem:v31+s20+$0x0], $0xffff  }
0x59c: {  	s7 =	sor.u32 $0x460, s11;
	[tilespmem:s24+$0x9000] =	vst v32;
	v17 =	vld.idx.msk [tilespmem:v17+s20+$0x0], $0xffff;
	v18 =	vor.u32 v15, v18  }
0x59d: {  	v16 =	vld.idx.msk [tilespmem:v16+s20+$0x0], $0xffff;
	s8 =	sor.u32 $0x460, s10;
	[tilespmem:s7+$0x9000] =	vst v19  }
0x59e: {  	s9 =	sor.u32 $0x460, s1;
	v19 =	vld.idx.msk [tilespmem:v24+s20+$0x0], $0xffff;
	[tilespmem:s8+$0x9000] =	vst v20  }
0x59f: {  	s12 =	sor.u32 $0x460, s13;
	v20 =	vld.idx.msk [tilespmem:v22+s20+$0x0], $0xffff;
	[tilespmem:s9+$0x9000] =	vst v27  }
0x5a0: {  	s14 =	sor.u32 $0x470, s3;
	v21 =	vld.idx.msk [tilespmem:v21+s20+$0x0], $0xffff;
	[tilespmem:s12+$0x9000] =	vst v23  }
0x5a1: {  	s4 =	sor.u32 $0x470, s4;
	[tilespmem:s14+$0x9000] =	vst v17;
	v17 =	vld.idx.msk [tilespmem:v18+s20+$0x0], $0xffff  }
0x5a2: {  	[tilespmem:s4+$0x9000] =	vst v16;
	s15 =	sor.u32 $0x470, s11  }
0x5a3: {  	s16 =	sor.u32 $0x470, s10;
	[tilespmem:s15+$0x9000] =	vst v19  }
0x5a4: {  	s1 =	sor.u32 $0x470, s1;
	[tilespmem:s16+$0x9000] =	vst v20  }
0x5a5: {  	s17 =	sor.u32 $0x470, s13;
	s7 =	simm.s32 $0x0;
	[tilespmem:s1+$0x9000] =	vst v21  }
0x5a6: {  	s22 =	simm.s32 $0x3;
	v16 =	vmov s7;
	[tilespmem:s17+$0x9000] =	vst v17  }
0x5a7: {  	s19 =	simm.s32 $0x9000;
	s18 =	simm.s32 $0x1;
	v17 =	vshll.u32 v16, $0x9;
	v16 =	vshll.u32 v16, $0x7;
	s3 =	rddreg [dreg:$0x10]  }
0x5a8: {  	v18 =	vmov s18;
	v19 =	vand.u32 $0x1000, v17;
	v20 =	vand.u32 $0x200, v16;
	[hbm4b:s3+s7] =	stream.linear.scatter [tilespmem:s19], [sflag:$0x6], $0x1000, $0x38;
	[tilespmem:$0xA000] =	vst v63  }
0x5a9: {  	v16 =	vshll.u32 v18, $0x7;
	v18 =	vshll.u32 v18, $0x9;
	v19 =	vor.u32 v20, v19;
	_ =	swait.ge [sflag:s22], $0x2000  }
0x5aa: {  	s24 =	simm.s32 $0x3;
	v16 =	vand.u32 $0x280, v16;
	v18 =	vand.u32 $0x1000, v18;
	v24 =	vor.u32 v0, v19;
	[sflag:s22] =	ssyncset.done $0x0  }
0x5ab: {  	s25 =	simm.s32 $0x5;
	v22 =	vmov s24;
	v21 =	vor.u32 v16, v18;
	[sflag:s22] =	ssyncadd.s32 $0xFFFFE000  }
0x5ac: {  	s1 =	simm.s32 $0x2;
	v16 =	vshll.u32 v22, $0x9;
	v18 =	vshll.u32 v22, $0x7;
	v25 =	vor.u32 v0, v21;
	_ =	swait.ge [sflag:s25], $0x1000  }
0x5ad: {  	v22 =	vmov s1;
	v16 =	vand.u32 $0x1000, v16;
	v18 =	vand.u32 $0x380, v18;
	[sflag:s25] =	ssyncset.done $0x0  }
0x5ae: {  	v23 =	vshll.u32 v22, $0x7;
	v22 =	vshll.u32 v22, $0x9;
	v16 =	vor.u32 v18, v16;
	[sflag:s25] =	ssyncadd.s32 $0xFFFFF000  }
0x5af: {  	v26 =	vand.u32 $0x1000, v22;
	v23 =	vand.u32 $0x300, v23;
	v18 =	vor.u32 v0, v16;
	v27 =	vld.idx.msk [tilespmem:v24+s21+$0x0], $0xffff  }
0x5b0: {  	v24 =	vor.u32 v23, v26;
	v26 =	vor.u32 v1, v19  }
0x5b1: {  	s28 =	simm.s32 $0x0;
	s26 =	sand.u32 $0x800, s7;
	v25 =	vld.idx.msk [tilespmem:v25+s21+$0x0], $0xffff;
	v28 =	vor.u32 v0, v24  }
0x5b2: {  	s4 =	sand.u32 $0x200, s28;
	s29 =	sor.u32 $0x8000, s26;
	v29 =	vor.u32 v1, v21  }
0x5b3: {  	s10 =	simm.s32 $0x80;
	s30 =	sor.u32 s4, s29  }
0x5b4: {  	s3 =	sand.u32 $0x280, s10;
	v18 =	vld.idx.msk [tilespmem:v18+s21+$0x0], $0xffff;
	[tilespmem:s30+$0x0] =	vst v27  }
0x5b5: {  	s3 =	sor.u32 s3, s29;
	v27 =	vor.u32 v1, v16;
	v26 =	vld.idx.msk [tilespmem:v26+s21+$0x0], $0xffff  }
0x5b6: {  	s11 =	simm.s32 $0x180;
	v30 =	vor.u32 v2, v19;
	[tilespmem:s3+$0x0] =	vst v25;
	v28 =	vld.idx.msk [tilespmem:v28+s21+$0x0], $0xffff  }
0x5b7: {  	s4 =	sand.u32 $0x380, s11;
	v25 =	vor.u32 v1, v24;
	v29 =	vld.idx.msk [tilespmem:v29+s21+$0x0], $0xffff  }
0x5b8: {  	s12 =	simm.s32 $0x100;
	s4 =	sor.u32 s4, s29;
	v31 =	vor.u32 v2, v21  }
0x5b9: {  	s8 =	sand.u32 $0x300, s12;
	[tilespmem:s4+$0x0] =	vst v18  }
0x5ba: {  	s13 =	sor.u32 s8, s29;
	v18 =	vld.idx.msk [tilespmem:v27+s21+$0x0], $0xffff;
	[tilespmem:s30+$0x10] =	vst v26  }
0x5bb: {  	[tilespmem:s13+$0x0] =	vst v28;
	v26 =	vor.u32 v2, v16;
	v27 =	vld.idx.msk [tilespmem:v30+s21+$0x0], $0xffff  }
0x5bc: {  	v28 =	vor.u32 v3, v19;
	[tilespmem:s3+$0x10] =	vst v29;
	v25 =	vld.idx.msk [tilespmem:v25+s21+$0x0], $0xffff  }
0x5bd: {  	v29 =	vor.u32 v2, v24;
	v30 =	vld.idx.msk [tilespmem:v31+s21+$0x0], $0xffff  }
0x5be: {  	v31 =	vor.u32 v3, v21  }
0x5bf: {  	[tilespmem:s4+$0x10] =	vst v18  }
0x5c0: {  	v18 =	vld.idx.msk [tilespmem:v26+s21+$0x0], $0xffff;
	[tilespmem:s30+$0x20] =	vst v27  }
0x5c1: {  	v26 =	vor.u32 v3, v16;
	[tilespmem:s13+$0x10] =	vst v25;
	v25 =	vld.idx.msk [tilespmem:v28+s21+$0x0], $0xffff  }
0x5c2: {  	[tilespmem:s3+$0x20] =	vst v30;
	v27 =	vld.idx.msk [tilespmem:v29+s21+$0x0], $0xffff;
	v28 =	vor.u32 v4, v19  }
0x5c3: {  	v29 =	vor.u32 v3, v24;
	v30 =	vld.idx.msk [tilespmem:v31+s21+$0x0], $0xffff  }
0x5c4: {  	v31 =	vor.u32 v4, v21  }
0x5c5: {  	[tilespmem:s4+$0x20] =	vst v18  }
0x5c6: {  	v18 =	vld.idx.msk [tilespmem:v26+s21+$0x0], $0xffff;
	[tilespmem:s30+$0x30] =	vst v25  }
0x5c7: {  	v26 =	vor.u32 v4, v16;
	[tilespmem:s13+$0x20] =	vst v27;
	v25 =	vld.idx.msk [tilespmem:v28+s21+$0x0], $0xffff  }
0x5c8: {  	[tilespmem:s3+$0x30] =	vst v30;
	v27 =	vld.idx.msk [tilespmem:v29+s21+$0x0], $0xffff;
	v28 =	vor.u32 v5, v19  }
0x5c9: {  	v29 =	vor.u32 v4, v24;
	v30 =	vld.idx.msk [tilespmem:v31+s21+$0x0], $0xffff  }
0x5ca: {  	v31 =	vor.u32 v5, v21  }
0x5cb: {  	[tilespmem:s4+$0x30] =	vst v18  }
0x5cc: {  	v18 =	vld.idx.msk [tilespmem:v26+s21+$0x0], $0xffff;
	[tilespmem:s30+$0x40] =	vst v25  }
0x5cd: {  	v26 =	vor.u32 v5, v16;
	[tilespmem:s13+$0x30] =	vst v27;
	v25 =	vld.idx.msk [tilespmem:v28+s21+$0x0], $0xffff  }
0x5ce: {  	[tilespmem:s3+$0x40] =	vst v30;
	v27 =	vld.idx.msk [tilespmem:v29+s21+$0x0], $0xffff;
	v28 =	vor.u32 v6, v19  }
0x5cf: {  	v29 =	vor.u32 v5, v24;
	v30 =	vld.idx.msk [tilespmem:v31+s21+$0x0], $0xffff  }
0x5d0: {  	v31 =	vor.u32 v6, v21  }
0x5d1: {  	[tilespmem:s4+$0x40] =	vst v18  }
0x5d2: {  	v18 =	vld.idx.msk [tilespmem:v26+s21+$0x0], $0xffff;
	[tilespmem:s30+$0x50] =	vst v25  }
0x5d3: {  	v26 =	vor.u32 v6, v16;
	[tilespmem:s13+$0x40] =	vst v27;
	v25 =	vld.idx.msk [tilespmem:v28+s21+$0x0], $0xffff  }
0x5d4: {  	v19 =	vor.u32 v7, v19;
	[tilespmem:s3+$0x50] =	vst v30;
	v27 =	vld.idx.msk [tilespmem:v29+s21+$0x0], $0xffff  }
0x5d5: {  	s5 =	simm.s32 $0x4;
	v28 =	vor.u32 v6, v24;
	v29 =	vld.idx.msk [tilespmem:v31+s21+$0x0], $0xffff  }
0x5d6: {  	v42 =	vmov s5;
	v17 =	vor.u32 v17, v20;
	v20 =	vor.u32 v7, v21  }
0x5d7: {  	s14 =	simm.s32 $0x5;
	s9 =	simm.s32 $0x7;
	v43 =	vor.u32 v8, v17;
	v44 =	vor.u32 v7, v24;
	v30 =	vor.u32 v8, v21;
	[tilespmem:s4+$0x50] =	vst v18  }
0x5d8: {  	v31 =	vor.u32 v7, v16;
	v18 =	vmov s14;
	v45 =	vld.idx.msk [tilespmem:v26+s21+$0x0], $0xffff;
	v26 =	vmov s9;
	[tilespmem:s30+$0x60] =	vst v25  }
0x5d9: {  	v48 =	vshll.u32 v18, $0x9;
	v25 =	vshll.u32 v42, $0x9;
	[tilespmem:s13+$0x50] =	vst v27;
	v27 =	vshll.u32 v18, $0x7;
	v19 =	vld.idx.msk [tilespmem:v19+s21+$0x0], $0xffff  }
0x5da: {  	[tilespmem:s3+$0x60] =	vst v29;
	v18 =	vshll.u32 v26, $0x7;
	v46 =	vand.u32 $0x1000, v25;
	v47 =	vld.idx.msk [tilespmem:v28+s21+$0x0], $0xffff;
	v28 =	vshll.u32 v26, $0x9  }
0x5db: {  	v26 =	vshll.u32 v42, $0x7;
	v49 =	vld.idx.msk [tilespmem:v20+s21+$0x0], $0xffff;
	v18 =	vand.u32 $0x380, v18;
	v28 =	vand.u32 $0x1000, v28  }
0x5dc: {  	s15 =	simm.s32 $0x6;
	v50 =	vand.u32 $0x280, v27;
	v27 =	vand.u32 $0x200, v26;
	v18 =	vor.u32 v18, v28  }
0x5dd: {  	v20 =	vmov s15;
	v26 =	vor.u32 v27, v46;
	v51 =	vor.u32 v0, v18;
	[tilespmem:s4+$0x60] =	vst v45  }
0x5de: {  	v29 =	vshll.u32 v20, $0x7;
	v28 =	vshll.u32 v20, $0x9;
	v52 =	vor.u32 v0, v26;
	v31 =	vld.idx.msk [tilespmem:v31+s21+$0x0], $0xffff;
	[tilespmem:s30+$0x70] =	vst v19  }
0x5df: {  	p0 =	por $0x0, $0x0;
	s6 =	simm.s32 $0x1;
	v53 =	vor.u32 v8, v16;
	v29 =	vand.u32 $0x300, v29;
	[tilespmem:s13+$0x60] =	vst v47;
	v19 =	vand.u32 $0x1000, v28;
	v33 =	vld.idx.msk [tilespmem:v43+s21+$0x0], $0xffff  }
0x5e0: {  	s6 =	simm.s32 @!p0 $0x0;
	v54 =	vor.u32 v9, v17;
	v38 =	vand.u32 $0x1000, v48;
	[tilespmem:s3+$0x70] =	vst v49;
	v34 =	vld.idx.msk [tilespmem:v44+s21+$0x0], $0xffff;
	v20 =	vor.u32 v29, v19  }
0x5e1: {  	s16 =	sshll.u32 s6, $0x9;
	s17 =	sand.u32 $0x7, s7;
	v19 =	vor.u32 v50, v38;
	v30 =	vld.idx.msk [tilespmem:v30+s21+$0x0], $0xffff;
	v55 =	vor.u32 v0, v20  }
0x5e2: {  	s6 =	sshll.u32 s17, $0x7;
	s3 =	sadd.s32 $0x0, s16;
	v38 =	vor.u32 v0, v19;
	v36 =	vld.idx.msk [tilespmem:v51+s21+$0x0], $0xffff  }
0x5e3: {  	s19 =	sadd.s32 $0x0, s6;
	v56 =	vor.u32 v9, v21;
	s18 =	sor.u32 $0x400, s3;
	v35 =	vld.idx.msk [tilespmem:v52+s21+$0x0], $0xffff;
	[tilespmem:s4+$0x70] =	vst v31  }
0x5e4: {  	s8 =	simm.s32 $0x400;
	s6 =	sadd.s32 $0x80, s19;
	v63 =	vor.u32 v8, v24;
	v57 =	vld.idx.msk [tilespmem:v53+s21+$0x0], $0xffff;
	[tilespmem:s18+$0x8000] =	vst v33  }
0x5e5: {  	s24 =	simm.s32 $0x200;
	s22 =	sand.u32 $0x800, s8;
	s25 =	sor.u32 $0x400, s6;
	v31 =	vor.u32 v1, v26;
	v58 =	vld.idx.msk [tilespmem:v54+s21+$0x0], $0xffff  }
0x5e6: {  	s11 =	sand.u32 $0x200, s24;
	s26 =	sor.u32 $0x8000, s22;
	s9 =	simm.s32 $0x380;
	v61 =	vor.u32 v1, v18;
	[tilespmem:s25+$0x8000] =	vst v30;
	v32 =	vld.idx.msk [tilespmem:v55+s21+$0x0], $0xffff  }
0x5e7: {  	v59 =	vor.u32 v9, v16;
	s15 =	sor.u32 s11, s26;
	s30 =	sand.u32 $0x380, s9;
	[tilespmem:s13+$0x70] =	vst v34;
	v30 =	vld.idx.msk [tilespmem:v38+s21+$0x0], $0xffff  }
0x5e8: {  	s17 =	simm.s32 $0x280;
	v60 =	vor.u32 v10, v17;
	s12 =	sor.u32 s30, s26;
	s4 =	sadd.s32 $0x180, s19;
	v62 =	vld.idx.msk [tilespmem:v56+s21+$0x0], $0xffff;
	[tilespmem:s15+$0x0] =	vst v35  }
0x5e9: {  	s7 =	sand.u32 $0x3, s7;
	s16 =	simm.s32 $0x300;
	v45 =	vor.u32 v1, v19;
	s28 =	sor.u32 $0x400, s4;
	v51 =	vld.idx.msk [tilespmem:v63+s21+$0x0], $0xffff;
	[tilespmem:s12+$0x0] =	vst v36  }
0x5ea: {  	s7 =	sshll.u32 s7, $0x8;
	s29 =	sor.u32 $0x410, s3;
	s11 =	sand.u32 $0x300, s16;
	v42 =	vor.u32 v1, v20;
	v31 =	vld.idx.msk [tilespmem:v31+s21+$0x0], $0xffff;
	[tilespmem:s28+$0x8000] =	vst v57  }
0x5eb: {  	s7 =	sadd.s32 $0x0, s7;
	s14 =	sor.u32 s11, s26;
	v53 =	vor.u32 v9, v24;
	s18 =	sand.u32 $0x280, s17;
	v49 =	vld.idx.msk [tilespmem:v61+s21+$0x0], $0xffff;
	[tilespmem:s29+$0x8000] =	vst v58  }
0x5ec: {  	s7 =	sadd.s32 $0x100, s7;
	v48 =	vor.u32 v2, v26;
	s17 =	sor.u32 s18, s26;
	v46 =	vld.idx.msk [tilespmem:v59+s21+$0x0], $0xffff;
	[tilespmem:s14+$0x0] =	vst v32  }
0x5ed: {  	s22 =	sor.u32 $0x400, s7;
	v52 =	vor.u32 v2, v18;
	[tilespmem:s17+$0x0] =	vst v30;
	v47 =	vld.idx.msk [tilespmem:v60+s21+$0x0], $0xffff  }
0x5ee: {  	v50 =	vor.u32 v10, v16;
	[tilespmem:s22+$0x8000] =	vst v51;
	v33 =	vld.idx.msk [tilespmem:v45+s21+$0x0], $0xffff  }
0x5ef: {  	s24 =	sor.u32 $0x410, s6;
	v30 =	vld.idx.msk [tilespmem:v42+s21+$0x0], $0xffff;
	[tilespmem:s15+$0x10] =	vst v31;
	v31 =	vor.u32 v10, v21  }
0x5f0: {  	v54 =	vor.u32 v2, v19;
	[tilespmem:s24+$0x8000] =	vst v62;
	v32 =	vld.idx.msk [tilespmem:v53+s21+$0x0], $0xffff  }
0x5f1: {  	s19 =	sor.u32 $0x410, s4;
	v55 =	vor.u32 v2, v20;
	[tilespmem:s12+$0x10] =	vst v49;
	v40 =	vld.idx.msk [tilespmem:v48+s21+$0x0], $0xffff  }
0x5f2: {  	v59 =	vor.u32 v11, v17;
	v39 =	vld.idx.msk [tilespmem:v52+s21+$0x0], $0xffff;
	[tilespmem:s19+$0x8000] =	vst v46  }
0x5f3: {  	v57 =	vor.u32 v3, v26;
	v56 =	vld.idx.msk [tilespmem:v50+s21+$0x0], $0xffff;
	[tilespmem:s17+$0x10] =	vst v33  }
0x5f4: {  	s26 =	sor.u32 $0x420, s3;
	v45 =	vor.u32 v3, v18;
	[tilespmem:s14+$0x10] =	vst v30;
	v31 =	vld.idx.msk [tilespmem:v31+s21+$0x0], $0xffff  }
0x5f5: {  	s28 =	sor.u32 $0x410, s7;
	v58 =	vor.u32 v11, v16;
	[tilespmem:s26+$0x8000] =	vst v47;
	v60 =	vld.idx.msk [tilespmem:v54+s21+$0x0], $0xffff  }
0x5f6: {  	v30 =	vor.u32 v10, v24;
	[tilespmem:s28+$0x8000] =	vst v32;
	v37 =	vld.idx.msk [tilespmem:v55+s21+$0x0], $0xffff  }
0x5f7: {  	v61 =	vor.u32 v11, v21;
	v33 =	vld.idx.msk [tilespmem:v59+s21+$0x0], $0xffff;
	[tilespmem:s15+$0x20] =	vst v40  }
0x5f8: {  	s25 =	sor.u32 $0x420, s4;
	v62 =	vor.u32 v3, v19;
	[tilespmem:s12+$0x20] =	vst v39;
	v38 =	vld.idx.msk [tilespmem:v57+s21+$0x0], $0xffff  }
0x5f9: {  	v63 =	vor.u32 v3, v20;
	s29 =	sor.u32 $0x420, s6;
	v32 =	vld.idx.msk [tilespmem:v45+s21+$0x0], $0xffff;
	[tilespmem:s25+$0x8000] =	vst v56  }
0x5fa: {  	v44 =	vor.u32 v4, v26;
	v43 =	vld.idx.msk [tilespmem:v58+s21+$0x0], $0xffff;
	[tilespmem:s29+$0x8000] =	vst v31  }
0x5fb: {  	v30 =	vld.idx.msk [tilespmem:v30+s21+$0x0], $0xffff;
	[tilespmem:s17+$0x20] =	vst v60;
	v31 =	vor.u32 v12, v17  }
0x5fc: {  	s30 =	sor.u32 $0x430, s3;
	v24 =	vor.u32 v11, v24;
	[tilespmem:s14+$0x20] =	vst v37;
	v46 =	vld.idx.msk [tilespmem:v61+s21+$0x0], $0xffff  }
0x5fd: {  	v48 =	vor.u32 v12, v21;
	[tilespmem:s30+$0x8000] =	vst v33;
	v47 =	vld.idx.msk [tilespmem:v62+s21+$0x0], $0xffff  }
0x5fe: {  	v49 =	vor.u32 v4, v19;
	v34 =	vld.idx.msk [tilespmem:v63+s21+$0x0], $0xffff;
	[tilespmem:s15+$0x30] =	vst v38  }
0x5ff: {  	s11 =	sor.u32 $0x420, s7;
	v50 =	vor.u32 v4, v20;
	[tilespmem:s12+$0x30] =	vst v32;
	v35 =	vld.idx.msk [tilespmem:v44+s21+$0x0], $0xffff  }
0x600: {  	s13 =	sor.u32 $0x430, s6;
	v51 =	vor.u32 v5, v26;
	[tilespmem:s11+$0x8000] =	vst v30;
	v31 =	vld.idx.msk [tilespmem:v31+s21+$0x0], $0xffff  }
0x601: {  	v30 =	vor.u32 v4, v18;
	v24 =	vld.idx.msk [tilespmem:v24+s21+$0x0], $0xffff;
	[tilespmem:s13+$0x8000] =	vst v46  }
0x602: {  	v52 =	vor.u32 v23, v22;
	v22 =	vor.u32 v13, v17;
	[tilespmem:s17+$0x30] =	vst v47;
	v23 =	vld.idx.msk [tilespmem:v48+s21+$0x0], $0xffff  }
0x603: {  	v54 =	vor.u32 v12, v52;
	[tilespmem:s14+$0x30] =	vst v34;
	v53 =	vld.idx.msk [tilespmem:v49+s21+$0x0], $0xffff  }
0x604: {  	v56 =	vor.u32 v13, v21;
	s30 =	sor.u32 $0x430, s4;
	v55 =	vld.idx.msk [tilespmem:v50+s21+$0x0], $0xffff;
	[tilespmem:s15+$0x40] =	vst v35  }
0x605: {  	s16 =	sor.u32 $0x440, s3;
	v57 =	vor.u32 v5, v19;
	[tilespmem:s30+$0x8000] =	vst v43;
	v33 =	vld.idx.msk [tilespmem:v51+s21+$0x0], $0xffff  }
0x606: {  	s18 =	sor.u32 $0x430, s7;
	v58 =	vor.u32 v5, v20;
	v30 =	vld.idx.msk [tilespmem:v30+s21+$0x0], $0xffff;
	[tilespmem:s16+$0x8000] =	vst v31  }
0x607: {  	s19 =	sor.u32 $0x440, s6;
	v31 =	vor.u32 v6, v26;
	[tilespmem:s18+$0x8000] =	vst v24;
	v22 =	vld.idx.msk [tilespmem:v22+s21+$0x0], $0xffff  }
0x608: {  	v24 =	vor.u32 v5, v18;
	v34 =	vld.idx.msk [tilespmem:v54+s21+$0x0], $0xffff;
	[tilespmem:s19+$0x8000] =	vst v23  }
0x609: {  	v59 =	vor.u32 v14, v17;
	[tilespmem:s17+$0x40] =	vst v53;
	v37 =	vld.idx.msk [tilespmem:v56+s21+$0x0], $0xffff  }
0x60a: {  	v60 =	vor.u32 v13, v52;
	[tilespmem:s14+$0x40] =	vst v55;
	v38 =	vld.idx.msk [tilespmem:v57+s21+$0x0], $0xffff  }
0x60b: {  	v61 =	vor.u32 v14, v21;
	v32 =	vld.idx.msk [tilespmem:v58+s21+$0x0], $0xffff;
	[tilespmem:s15+$0x50] =	vst v33  }
0x60c: {  	s22 =	sor.u32 $0x450, s3;
	v63 =	vor.u32 v6, v19;
	v44 =	vor.u32 v6, v20;
	[tilespmem:s12+$0x40] =	vst v30;
	v62 =	vld.idx.msk [tilespmem:v31+s21+$0x0], $0xffff  }
0x60d: {  	s25 =	sor.u32 $0x440, s7;
	v23 =	vor.u32 v15, v21;
	v21 =	vor.u32 v25, v27;
	v36 =	vld.idx.msk [tilespmem:v24+s21+$0x0], $0xffff;
	[tilespmem:s22+$0x8000] =	vst v22  }
0x60e: {  	s24 =	sand.u32 $0x3, s1;
	s26 =	sand.u32 $0x7, s5;
	s28 =	sor.u32 $0x450, s6;
	v22 =	vor.u32 v29, v28;
	v29 =	vor.u32 v7, v26;
	[tilespmem:s25+$0x8000] =	vst v34;
	v25 =	vld.idx.msk [tilespmem:v59+s21+$0x0], $0xffff  }
0x60f: {  	p0 =	por !p0, !p0;
	s29 =	sshll.u32 s26, $0x7;
	s11 =	sshll.u32 s24, $0x8;
	v31 =	vor.u32 v12, v16;
	v28 =	vld.idx.msk [tilespmem:v60+s21+$0x0], $0xffff;
	[tilespmem:s28+$0x8000] =	vst v37  }
0x610: {  	v41 =	vor.u32 v7, v19;
	v40 =	vor.u32 v6, v18;
	s26 =	sor.u32 $0x460, s4;
	s11 =	sadd.s32 $0x400, s11;
	s13 =	sadd.s32 $0x400, s29;
	[tilespmem:s17+$0x50] =	vst v38;
	v27 =	vld.idx.msk [tilespmem:v61+s21+$0x0], $0xffff  }
0x611: {  	s24 =	simm.s32 $0x400;
	s10 =	sadd.s32 $0x100, s11;
	s11 =	sadd.s32 $0x80, s13;
	v35 =	vor.u32 v8, v19;
	v30 =	vor.u32 v13, v16;
	[tilespmem:s14+$0x50] =	vst v32;
	v37 =	vld.idx.msk [tilespmem:v63+s21+$0x0], $0xffff  }
0x612: {  	s13 =	sadd.s32 $0x180, s13;
	s16 =	sor.u32 $0x450, s7;
	s18 =	sor.u32 $0x450, s10;
	v24 =	vor.u32 v15, v19;
	v34 =	vor.u32 v14, v52;
	v39 =	vld.idx.msk [tilespmem:v44+s21+$0x0], $0xffff;
	[tilespmem:s15+$0x60] =	vst v62  }
0x613: {  	s19 =	simm.s32 $0x8;
	v26 =	vor.u32 v14, v16;
	s25 =	sor.u32 $0x440, s4;
	s22 =	sor.u32 $0x450, s4;
	v32 =	vor.u32 v15, v52;
	v38 =	vld.idx.msk [tilespmem:v29+s21+$0x0], $0xffff;
	v29 =	vor.u32 v7, v18  }
.LBB2_14:
0x614: {  	v33 =	vmov s19;
	s28 =	sadd.s32 $0x1, s19;
	s29 =	sadd.s32 $0x2, s19;
	s30 =	sadd.s32 $0x3, s19;
	v42 =	vor.u32 v8, v21;
	v43 =	vor.u32 v7, v20;
	[tilespmem:s12+$0x50] =	vst v36;
	v31 =	vld.idx.msk [tilespmem:v31+s21+$0x0], $0xffff  }
0x615: {  	p1 =	slt.u32 s19, $0xC;
	s19 =	sadd.s32 $0x4, s19;
	v36 =	vshll.u32 v33, $0x9;
	v44 =	vmov s28;
	v45 =	vmov s30;
	s28 =	sor.u32 $0x460, s6;
	[tilespmem:s16+$0x8000] =	vst v28  }
0x616: {  	s16 =	smov.u32 s18;
	v46 =	vand.u32 $0x1000, v36;
	v28 =	vshll.u32 v44, $0x7;
	v47 =	vshll.u32 v45, $0x9;
	v40 =	vld.idx.msk [tilespmem:v40+s21+$0x0], $0xffff;
	[tilespmem:s28+$0x8000] =	vst v27  }
0x617: {  	v27 =	vshll.u32 v44, $0x9;
	v44 =	vmov s29;
	v28 =	vand.u32 $0x280, v28;
	[tilespmem:s17+$0x60] =	vst v37;
	v34 =	vld.idx.msk [tilespmem:v34+s21+$0x0], $0xffff  }
0x618: {  	v33 =	vshll.u32 v33, $0x7;
	v45 =	vshll.u32 v45, $0x7;
	v37 =	vand.u32 $0x1000, v47;
	v41 =	vld.idx.msk [tilespmem:v41+s21+$0x0], $0xffff;
	[tilespmem:s14+$0x60] =	vst v39  }
0x619: {  	s28 =	sor.u32 $0x470, s4;
	s4 =	smov.u32 s13;
	v27 =	vand.u32 $0x1000, v27;
	v45 =	vand.u32 $0x380, v45;
	v39 =	vshll.u32 v44, $0x7;
	[tilespmem:s15+$0x70] =	vst v38;
	v38 =	vld.idx.msk [tilespmem:v23+s21+$0x0], $0xffff;
	v23 =	vmovc v24  }
0x61a: {  	v28 =	vor.u32 v28, v27;
	v24 =	vand.u32 $0x200, v33;
	v33 =	vor.u32 v45, v37;
	v37 =	vld.idx.msk [tilespmem:v42+s21+$0x0], $0xffff;
	[tilespmem:s25+$0x8000] =	vst v31  }
0x61b: {  	s13 =	simm.s32 $0x1;
	v27 =	vor.u32 v24, v46;
	v31 =	vshll.u32 v44, $0x9;
	v42 =	vor.u32 v0, v33;
	v44 =	vld.idx.msk [tilespmem:v30+s21+$0x0], $0xffff  }
0x61c: {  	s13 =	simm.s32 @!p0 $0x0;
	v39 =	vand.u32 $0x300, v39;
	s15 =	sor.u32 $0x460, s7;
	v45 =	vor.u32 v0, v27;
	v30 =	vand.u32 $0x1000, v31;
	v43 =	vld.idx.msk [tilespmem:v43+s21+$0x0], $0xffff;
	[tilespmem:s12+$0x60] =	vst v40  }
0x61d: {  	s8 =	sadd.s32 $0x400, s8;
	s6 =	sor.u32 $0x470, s6;
	s13 =	sshll.u32 s13, $0x9;
	v36 =	vor.u32 v36, v24;
	v30 =	vor.u32 v39, v30;
	v40 =	vld.idx.msk [tilespmem:v29+s21+$0x0], $0xffff;
	[tilespmem:s15+$0x8000] =	vst v34  }
0x61e: {  	s5 =	sadd.s32 $0x4, s5;
	s1 =	sadd.s32 $0x2, s1;
	s25 =	sadd.s32 s13, s24;
	v46 =	vor.u32 v9, v21;
	v34 =	vor.u32 v0, v30;
	[tilespmem:s17+$0x70] =	vst v41;
	v32 =	vld.idx.msk [tilespmem:v32+s21+$0x0], $0xffff  }
0x61f: {  	s13 =	sand.u32 $0x7, s5;
	s15 =	sand.u32 $0x3, s1;
	v29 =	vor.u32 v39, v31;
	s17 =	sor.u32 $0x400, s25;
	v31 =	vld.idx.msk [tilespmem:v35+s21+$0x0], $0xffff;
	v35 =	vor.u32 v8, v18;
	[tilespmem:s6+$0x8000] =	vst v38  }
0x620: {  	s9 =	sadd.s32 $0x200, s9;
	v24 =	vor.u32 v15, v28;
	s6 =	sshll.u32 s13, $0x7;
	s13 =	sshll.u32 s15, $0x8;
	v38 =	vor.u32 v0, v28;
	v39 =	vld.idx.msk [tilespmem:v42+s21+$0x0], $0xffff;
	[tilespmem:s17+$0x8000] =	vst v37  }
0x621: {  	s24 =	smov.u32 s8;
	s6 =	sadd.s32 s8, s6;
	s13 =	sadd.s32 s8, s13;
	v37 =	vld.idx.msk [tilespmem:v45+s21+$0x0], $0xffff;
	[tilespmem:s22+$0x8000] =	vst v44  }
0x622: {  	v41 =	vor.u32 v15, v17;
	v17 =	vmov v21;
	v21 =	vmov v36;
	s17 =	sadd.s32 $0x80, s6;
	s22 =	sadd.s32 $0x100, s13;
	s13 =	sadd.s32 $0x180, s6;
	[tilespmem:s14+$0x70] =	vst v43;
	v26 =	vld.idx.msk [tilespmem:v26+s21+$0x0], $0xffff  }
0x623: {  	s7 =	sor.u32 $0x470, s7;
	v42 =	vor.u32 v9, v19;
	s6 =	smov.u32 s11;
	s18 =	sor.u32 $0x450, s22;
	v36 =	vld.idx.msk [tilespmem:v46+s21+$0x0], $0xffff;
	[tilespmem:s12+$0x70] =	vst v40  }
0x624: {  	s11 =	sand.u32 $0x800, s8;
	s14 =	sor.u32 $0x400, s6;
	s12 =	sadd.s32 $0xFFFFFE80, s9;
	v40 =	vor.u32 v1, v27;
	v35 =	vld.idx.msk [tilespmem:v35+s21+$0x0], $0xffff;
	[tilespmem:s7+$0x8000] =	vst v32;
	v32 =	vor.u32 v15, v16;
	v16 =	vmov v18  }
0x625: {  	s29 =	sor.u32 $0x8000, s11;
	s11 =	sor.u32 $0x460, s3;
	s7 =	sand.u32 $0x200, s12;
	v18 =	vmov v33;
	v34 =	vld.idx.msk [tilespmem:v34+s21+$0x0], $0xffff;
	[tilespmem:s14+$0x8000] =	vst v31  }
0x626: {  	s15 =	sor.u32 s7, s29;
	v33 =	vor.u32 v9, v16;
	s7 =	smov.u32 s10;
	v31 =	vld.idx.msk [tilespmem:v38+s21+$0x0], $0xffff;
	[tilespmem:s11+$0x8000] =	vst v25;
	s11 =	smov.u32 s17  }
0x627: {  	s10 =	smov.u32 s22;
	v25 =	vor.u32 v1, v28;
	[tilespmem:s15+$0x0] =	vst v37;
	v37 =	vor.u32 v10, v17;
	v38 =	vld.idx.msk [tilespmem:v41+s21+$0x0], $0xffff  }
0x628: {  	s12 =	sor.u32 $0x410, s25;
	v41 =	vor.u32 v1, v18;
	v42 =	vld.idx.msk [tilespmem:v42+s21+$0x0], $0xffff;
	[tilespmem:s26+$0x8000] =	vst v26  }
0x629: {  	v26 =	vor.u32 v1, v30;
	[tilespmem:s12+$0x8000] =	vst v36;
	v36 =	vor.u32 v8, v20;
	s12 =	sor.u32 $0x400, s4;
	v32 =	vld.idx.msk [tilespmem:v32+s21+$0x0], $0xffff  }
0x62a: {  	s14 =	sadd.s32 $0xFFFFFF80, s9;
	s17 =	sand.u32 $0x380, s9;
	v40 =	vld.idx.msk [tilespmem:v40+s21+$0x0], $0xffff;
	[tilespmem:s12+$0x8000] =	vst v35  }
0x62b: {  	s14 =	sand.u32 $0x300, s14;
	s12 =	sor.u32 s17, s29;
	v33 =	vld.idx.msk [tilespmem:v33+s21+$0x0], $0xffff  }
0x62c: {  	s3 =	sor.u32 $0x470, s3;
	s14 =	sor.u32 s14, s29;
	s17 =	sadd.s32 $0xFFFFFF00, s9;
	[tilespmem:s12+$0x0] =	vst v39;
	v35 =	vld.idx.msk [tilespmem:v37+s21+$0x0], $0xffff  }
0x62d: {  	s17 =	sand.u32 $0x280, s17;
	v37 =	vor.u32 v2, v27;
	v39 =	vld.idx.msk [tilespmem:v41+s21+$0x0], $0xffff;
	[tilespmem:s3+$0x8000] =	vst v38;
	s3 =	smov.u32 s25  }
0x62e: {  	s17 =	sor.u32 s17, s29;
	[tilespmem:s14+$0x0] =	vst v34;
	v34 =	vld.idx.msk [tilespmem:v36+s21+$0x0], $0xffff;
	v36 =	vor.u32 v10, v16  }
0x62f: {  	[tilespmem:s17+$0x0] =	vst v31;
	v26 =	vld.idx.msk [tilespmem:v26+s21+$0x0], $0xffff;
	v31 =	vor.u32 v2, v18  }
0x630: {  	v38 =	vor.u32 v9, v20;
	v25 =	vld.idx.msk [tilespmem:v25+s21+$0x0], $0xffff;
	[tilespmem:s28+$0x8000] =	vst v32  }
0x631: {  	s22 =	sor.u32 $0x410, s4;
	v32 =	vor.u32 v10, v19;
	[tilespmem:s15+$0x10] =	vst v40  }
0x632: {  	v40 =	vor.u32 v2, v28;
	v37 =	vld.idx.msk [tilespmem:v37+s21+$0x0], $0xffff;
	[tilespmem:s22+$0x8000] =	vst v33  }
0x633: {  	v33 =	vor.u32 v2, v30;
	s22 =	sor.u32 $0x400, s7;
	[tilespmem:s12+$0x10] =	vst v39;
	v36 =	vld.idx.msk [tilespmem:v36+s21+$0x0], $0xffff  }
0x634: {  	s25 =	sor.u32 $0x410, s6;
	v39 =	vor.u32 v3, v27;
	v41 =	vld.idx.msk [tilespmem:v31+s21+$0x0], $0xffff;
	[tilespmem:s22+$0x8000] =	vst v34  }
0x635: {  	v34 =	vor.u32 v11, v16;
	[tilespmem:s25+$0x8000] =	vst v42;
	v31 =	vld.idx.msk [tilespmem:v38+s21+$0x0], $0xffff  }
0x636: {  	[tilespmem:s17+$0x10] =	vst v25;
	v25 =	vor.u32 v11, v17;
	v32 =	vld.idx.msk [tilespmem:v32+s21+$0x0], $0xffff  }
0x637: {  	v38 =	vld.idx.msk [tilespmem:v40+s21+$0x0], $0xffff;
	[tilespmem:s14+$0x10] =	vst v26;
	v26 =	vor.u32 v10, v20  }
0x638: {  	s22 =	sor.u32 $0x420, s4;
	v40 =	vor.u32 v11, v19;
	[tilespmem:s15+$0x20] =	vst v37;
	v37 =	vld.idx.msk [tilespmem:v33+s21+$0x0], $0xffff  }
0x639: {  	v42 =	vor.u32 v3, v28;
	s25 =	sor.u32 $0x420, s3;
	v39 =	vld.idx.msk [tilespmem:v39+s21+$0x0], $0xffff;
	[tilespmem:s22+$0x8000] =	vst v36  }
0x63a: {  	v36 =	vor.u32 v3, v30;
	s22 =	sor.u32 $0x410, s7;
	[tilespmem:s25+$0x8000] =	vst v35;
	v33 =	vld.idx.msk [tilespmem:v34+s21+$0x0], $0xffff  }
0x63b: {  	v34 =	vor.u32 v4, v27;
	s25 =	sor.u32 $0x420, s6;
	v25 =	vld.idx.msk [tilespmem:v25+s21+$0x0], $0xffff;
	[tilespmem:s22+$0x8000] =	vst v31  }
0x63c: {  	v35 =	vor.u32 v3, v18;
	v31 =	vor.u32 v12, v16;
	[tilespmem:s25+$0x8000] =	vst v32;
	v26 =	vld.idx.msk [tilespmem:v26+s21+$0x0], $0xffff  }
0x63d: {  	v32 =	vor.u32 v12, v17;
	[tilespmem:s17+$0x20] =	vst v38;
	v38 =	vld.idx.msk [tilespmem:v40+s21+$0x0], $0xffff  }
0x63e: {  	v40 =	vld.idx.msk [tilespmem:v42+s21+$0x0], $0xffff;
	[tilespmem:s14+$0x20] =	vst v37;
	v37 =	vor.u32 v11, v20;
	v20 =	vmov v30  }
0x63f: {  	[tilespmem:s15+$0x30] =	vst v39;
	v36 =	vld.idx.msk [tilespmem:v36+s21+$0x0], $0xffff;
	v39 =	vor.u32 v12, v19  }
0x640: {  	s22 =	sor.u32 $0x430, s3;
	v42 =	vor.u32 v4, v28;
	v34 =	vld.idx.msk [tilespmem:v34+s21+$0x0], $0xffff;
	[tilespmem:s12+$0x20] =	vst v41  }
0x641: {  	v41 =	vor.u32 v4, v20;
	v35 =	vld.idx.msk [tilespmem:v35+s21+$0x0], $0xffff;
	[tilespmem:s22+$0x8000] =	vst v25;
	s22 =	sor.u32 $0x420, s7  }
0x642: {  	s25 =	sor.u32 $0x430, s6;
	v25 =	vor.u32 v5, v27;
	v32 =	vld.idx.msk [tilespmem:v32+s21+$0x0], $0xffff;
	[tilespmem:s22+$0x8000] =	vst v26  }
0x643: {  	v30 =	vor.u32 v13, v16;
	v26 =	vor.u32 v4, v18;
	[tilespmem:s25+$0x8000] =	vst v38;
	v37 =	vld.idx.msk [tilespmem:v37+s21+$0x0], $0xffff  }
0x644: {  	v38 =	vor.u32 v13, v17;
	[tilespmem:s17+$0x30] =	vst v40;
	v39 =	vld.idx.msk [tilespmem:v39+s21+$0x0], $0xffff  }
0x645: {  	v40 =	vld.idx.msk [tilespmem:v42+s21+$0x0], $0xffff;
	[tilespmem:s14+$0x30] =	vst v36;
	v36 =	vor.u32 v12, v22  }
0x646: {  	s25 =	sor.u32 $0x440, s4;
	[tilespmem:s15+$0x40] =	vst v34;
	v34 =	vld.idx.msk [tilespmem:v41+s21+$0x0], $0xffff;
	v41 =	vor.u32 v13, v19  }
0x647: {  	s22 =	sor.u32 $0x440, s3;
	v42 =	vor.u32 v5, v28;
	v25 =	vld.idx.msk [tilespmem:v25+s21+$0x0], $0xffff;
	[tilespmem:s12+$0x30] =	vst v35  }
0x648: {  	v35 =	vor.u32 v5, v20;
	v43 =	vld.idx.msk [tilespmem:v26+s21+$0x0], $0xffff;
	[tilespmem:s22+$0x8000] =	vst v32;
	s22 =	sor.u32 $0x430, s7  }
0x649: {  	s26 =	sor.u32 $0x440, s6;
	v32 =	vor.u32 v6, v27;
	v38 =	vld.idx.msk [tilespmem:v38+s21+$0x0], $0xffff;
	[tilespmem:s22+$0x8000] =	vst v37  }
0x64a: {  	v26 =	vor.u32 v14, v16;
	v37 =	vor.u32 v5, v18;
	[tilespmem:s26+$0x8000] =	vst v39;
	v39 =	vld.idx.msk [tilespmem:v36+s21+$0x0], $0xffff  }
0x64b: {  	[tilespmem:s17+$0x40] =	vst v40;
	v40 =	vor.u32 v14, v17;
	v41 =	vld.idx.msk [tilespmem:v41+s21+$0x0], $0xffff  }
0x64c: {  	v42 =	vld.idx.msk [tilespmem:v42+s21+$0x0], $0xffff;
	[tilespmem:s14+$0x40] =	vst v34;
	v34 =	vor.u32 v13, v22  }
0x64d: {  	v44 =	vor.u32 v14, v19;
	v19 =	vmov v28;
	s22 =	sor.u32 $0x450, s4;
	[tilespmem:s15+$0x50] =	vst v25;
	v35 =	vld.idx.msk [tilespmem:v35+s21+$0x0], $0xffff  }
0x64e: {  	s26 =	sor.u32 $0x450, s3;
	v45 =	vld.idx.msk [tilespmem:v32+s21+$0x0], $0xffff;
	v32 =	vor.u32 v6, v19;
	[tilespmem:s12+$0x40] =	vst v43  }
0x64f: {  	v43 =	vor.u32 v6, v20;
	v36 =	vld.idx.msk [tilespmem:v37+s21+$0x0], $0xffff;
	[tilespmem:s26+$0x8000] =	vst v38;
	s26 =	sor.u32 $0x440, s7  }
0x650: {  	s28 =	sor.u32 $0x450, s6;
	v38 =	vor.u32 v7, v27;
	v25 =	vld.idx.msk [tilespmem:v40+s21+$0x0], $0xffff;
	[tilespmem:s26+$0x8000] =	vst v39  }
.Ltmp6:
0x651: {  	[tilespmem:s28+$0x8000] =	vst v41;
	v28 =	vld.idx.msk [tilespmem:v34+s21+$0x0], $0xffff;
	(pc) =	sbr.rel @p1 .LBB2_14-.Ltmp6, $4  }
0x652: {  	[tilespmem:s17+$0x50] =	vst v42;
	v27 =	vld.idx.msk [tilespmem:v44+s21+$0x0], $0xffff  }
0x653: {  	v40 =	vor.u32 v6, v18;
	s28 =	sor.u32 $0x430, s4;
	v37 =	vld.idx.msk [tilespmem:v32+s21+$0x0], $0xffff;
	[tilespmem:s14+$0x50] =	vst v35;
	v32 =	vor.u32 v15, v22  }
0x654: {  	s26 =	sor.u32 $0x460, s4;
	v34 =	vor.u32 v14, v22;
	v35 =	vor.u32 v8, v19;
	v22 =	vmov v29;
	[tilespmem:s15+$0x60] =	vst v45;
	v39 =	vld.idx.msk [tilespmem:v43+s21+$0x0], $0xffff  }
0x655: {  	p0 =	por !p0, !p0;
	v41 =	vor.u32 v7, v19;
	v29 =	vor.u32 v7, v18;
	v38 =	vld.idx.msk [tilespmem:v38+s21+$0x0], $0xffff;
	[tilespmem:s28+$0x8000] =	vst v33  }
0x656: {  	_ =	sdelay $0x2  }
0x657: {  	v33 =	vor.u32 v7, v20;
	[tilespmem:s12+$0x50] =	vst v36  }
0x658: {  	v36 =	vld.idx.msk [tilespmem:v40+s21+$0x0], $0xffff;
	_ =	sdelay $0x1  }
0x659: {  	[tilespmem:s17+$0x60] =	vst v37  }
0x65a: {  	v37 =	vld.idx.msk [tilespmem:v41+s21+$0x0], $0xffff;
	[tilespmem:s14+$0x60] =	vst v39  }
0x65b: {  	v33 =	vld.idx.msk [tilespmem:v33+s21+$0x0], $0xffff  }
0x65c: {  	v45 =	vor.u32 v8, v20;
	[tilespmem:s12+$0x60] =	vst v36  }
0x65d: {  	v46 =	vor.u32 v8, v21;
	v29 =	vld.idx.msk [tilespmem:v29+s21+$0x0], $0xffff  }
0x65e: {  	v47 =	vor.u32 v8, v18  }
0x65f: {  	[tilespmem:s17+$0x70] =	vst v37  }
0x660: {  	v35 =	vld.idx.msk [tilespmem:v35+s21+$0x0], $0xffff;
	[tilespmem:s14+$0x70] =	vst v33  }
0x661: {  	v48 =	vor.u32 v9, v19;
	[tilespmem:s15+$0x70] =	vst v38;
	v36 =	vld.idx.msk [tilespmem:v45+s21+$0x0], $0xffff  }
0x662: {  	s1 =	simm.s32 $0x1;
	v49 =	vld.idx.msk [tilespmem:v46+s21+$0x0], $0xffff;
	[tilespmem:s12+$0x70] =	vst v29;
	v29 =	vor.u32 v9, v20  }
0x663: {  	v50 =	vor.u32 v9, v21;
	s1 =	simm.s32 @!p0 $0x0;
	v51 =	vld.idx.msk [tilespmem:v47+s21+$0x0], $0xffff  }
0x664: {  	s5 =	sor.u32 $0x400, s11;
	v52 =	vor.u32 v9, v18;
	s1 =	sshll.u32 s1, $0x9  }
0x665: {  	s30 =	sor.u32 $0x400, s10;
	s1 =	sadd.s32 s1, s24;
	[tilespmem:s5+$0x8000] =	vst v35  }
0x666: {  	s8 =	sor.u32 $0x400, s1;
	v33 =	vld.idx.msk [tilespmem:v48+s21+$0x0], $0xffff;
	[tilespmem:s30+$0x8000] =	vst v36  }
0x667: {  	v53 =	vor.u32 v10, v19;
	[tilespmem:s8+$0x8000] =	vst v49;
	s8 =	sor.u32 $0x400, s13;
	v29 =	vld.idx.msk [tilespmem:v29+s21+$0x0], $0xffff  }
0x668: {  	v55 =	vor.u32 v10, v20;
	v54 =	vld.idx.msk [tilespmem:v50+s21+$0x0], $0xffff;
	[tilespmem:s8+$0x8000] =	vst v51  }
0x669: {  	v56 =	vor.u32 v10, v21;
	v39 =	vld.idx.msk [tilespmem:v52+s21+$0x0], $0xffff  }
0x66a: {  	v57 =	vor.u32 v10, v18;
	s9 =	sor.u32 $0x410, s11  }
0x66b: {  	s12 =	sor.u32 $0x410, s10;
	[tilespmem:s9+$0x8000] =	vst v33  }
0x66c: {  	s14 =	sor.u32 $0x410, s1;
	v33 =	vld.idx.msk [tilespmem:v53+s21+$0x0], $0xffff;
	[tilespmem:s12+$0x8000] =	vst v29  }
0x66d: {  	s15 =	sor.u32 $0x410, s13;
	[tilespmem:s14+$0x8000] =	vst v54;
	v29 =	vor.u32 v11, v19;
	v58 =	vld.idx.msk [tilespmem:v55+s21+$0x0], $0xffff  }
0x66e: {  	v20 =	vor.u32 v11, v20;
	v36 =	vld.idx.msk [tilespmem:v56+s21+$0x0], $0xffff;
	[tilespmem:s15+$0x8000] =	vst v39  }
0x66f: {  	v60 =	vor.u32 v11, v21;
	[tilespmem:s16+$0x8000] =	vst v28;
	s29 =	sor.u32 $0x460, s6;
	v59 =	vld.idx.msk [tilespmem:v57+s21+$0x0], $0xffff  }
0x670: {  	v28 =	vor.u32 v11, v18;
	v31 =	vld.idx.msk [tilespmem:v31+s21+$0x0], $0xffff;
	[tilespmem:s29+$0x8000] =	vst v27;
	s17 =	sor.u32 $0x420, s11  }
0x671: {  	s19 =	sor.u32 $0x420, s10;
	[tilespmem:s17+$0x8000] =	vst v33  }
0x672: {  	s24 =	sor.u32 $0x420, s1;
	v29 =	vld.idx.msk [tilespmem:v29+s21+$0x0], $0xffff;
	[tilespmem:s19+$0x8000] =	vst v58  }
0x673: {  	s28 =	sor.u32 $0x420, s13;
	v61 =	vor.u32 v12, v19;
	[tilespmem:s24+$0x8000] =	vst v36;
	v20 =	vld.idx.msk [tilespmem:v20+s21+$0x0], $0xffff  }
0x674: {  	v63 =	vor.u32 v12, v22;
	v62 =	vld.idx.msk [tilespmem:v60+s21+$0x0], $0xffff;
	[tilespmem:s28+$0x8000] =	vst v59  }
0x675: {  	[tilespmem:s25+$0x8000] =	vst v31;
	v27 =	vld.idx.msk [tilespmem:v28+s21+$0x0], $0xffff;
	v28 =	vor.u32 v12, v21  }
0x676: {  	v31 =	vor.u32 v12, v18;
	v30 =	vld.idx.msk [tilespmem:v30+s21+$0x0], $0xffff;
	s30 =	sor.u32 $0x430, s11  }
0x677: {  	v23 =	vld.idx.msk [tilespmem:v23+s21+$0x0], $0xffff;
	s8 =	sor.u32 $0x430, s10;
	[tilespmem:s30+$0x8000] =	vst v29  }
0x678: {  	s9 =	sor.u32 $0x430, s1;
	v29 =	vld.idx.msk [tilespmem:v61+s21+$0x0], $0xffff;
	[tilespmem:s8+$0x8000] =	vst v20  }
0x679: {  	s12 =	sor.u32 $0x430, s13;
	[tilespmem:s9+$0x8000] =	vst v62;
	v20 =	vor.u32 v13, v19;
	v40 =	vld.idx.msk [tilespmem:v63+s21+$0x0], $0xffff  }
0x67a: {  	v41 =	vor.u32 v13, v22;
	v28 =	vld.idx.msk [tilespmem:v28+s21+$0x0], $0xffff;
	[tilespmem:s12+$0x8000] =	vst v27  }
0x67b: {  	[tilespmem:s22+$0x8000] =	vst v30;
	s15 =	sor.u32 $0x470, s6;
	v27 =	vor.u32 v13, v21;
	v31 =	vld.idx.msk [tilespmem:v31+s21+$0x0], $0xffff  }
0x67c: {  	s16 =	sor.u32 $0x440, s11;
	v34 =	vld.idx.msk [tilespmem:v34+s21+$0x0], $0xffff;
	[tilespmem:s15+$0x8000] =	vst v23;
	v23 =	vor.u32 v13, v18  }
0x67d: {  	s17 =	sor.u32 $0x440, s10;
	[tilespmem:s16+$0x8000] =	vst v29  }
0x67e: {  	s19 =	sor.u32 $0x440, s1;
	v20 =	vld.idx.msk [tilespmem:v20+s21+$0x0], $0xffff;
	[tilespmem:s17+$0x8000] =	vst v40  }
0x67f: {  	s24 =	sor.u32 $0x440, s13;
	v19 =	vor.u32 v14, v19;
	[tilespmem:s19+$0x8000] =	vst v28;
	v28 =	vld.idx.msk [tilespmem:v41+s21+$0x0], $0xffff  }
0x680: {  	s14 =	sor.u32 $0x460, s7;
	v29 =	vor.u32 v14, v22;
	v27 =	vld.idx.msk [tilespmem:v27+s21+$0x0], $0xffff;
	[tilespmem:s24+$0x8000] =	vst v31  }
0x681: {  	s25 =	sor.u32 $0x470, s7;
	v30 =	vor.u32 v14, v21;
	s7 =	sor.u32 $0x460, s3;
	[tilespmem:s14+$0x8000] =	vst v34;
	v23 =	vld.idx.msk [tilespmem:v23+s21+$0x0], $0xffff  }
0x682: {  	v26 =	vld.idx.msk [tilespmem:v26+s21+$0x0], $0xffff;
	[tilespmem:s7+$0x8000] =	vst v25;
	s28 =	sor.u32 $0x450, s11;
	v31 =	vor.u32 v14, v18  }
0x683: {  	v17 =	vor.u32 v15, v17;
	v32 =	vld.idx.msk [tilespmem:v32+s21+$0x0], $0xffff;
	[tilespmem:s28+$0x8000] =	vst v20  }
0x684: {  	v16 =	vor.u32 v15, v16;
	s29 =	sor.u32 $0x450, s1;
	v19 =	vld.idx.msk [tilespmem:v19+s21+$0x0], $0xffff;
	[tilespmem:s18+$0x8000] =	vst v28  }
0x685: {  	s30 =	sor.u32 $0x450, s13;
	[tilespmem:s29+$0x8000] =	vst v27;
	v20 =	vld.idx.msk [tilespmem:v29+s21+$0x0], $0xffff  }
0x686: {  	v22 =	vor.u32 v15, v22;
	v27 =	vld.idx.msk [tilespmem:v30+s21+$0x0], $0xffff;
	[tilespmem:s30+$0x8000] =	vst v23  }
0x687: {  	[tilespmem:s26+$0x8000] =	vst v26;
	v21 =	vor.u32 v15, v21;
	v23 =	vld.idx.msk [tilespmem:v31+s21+$0x0], $0xffff  }
0x688: {  	v17 =	vld.idx.msk [tilespmem:v17+s21+$0x0], $0xffff;
	[tilespmem:s25+$0x8000] =	vst v32;
	s8 =	sor.u32 $0x460, s11;
	v18 =	vor.u32 v15, v18  }
0x689: {  	v16 =	vld.idx.msk [tilespmem:v16+s21+$0x0], $0xffff;
	s9 =	sor.u32 $0x460, s10;
	[tilespmem:s8+$0x8000] =	vst v19  }
0x68a: {  	s12 =	sor.u32 $0x460, s1;
	v19 =	vld.idx.msk [tilespmem:v24+s21+$0x0], $0xffff;
	[tilespmem:s9+$0x8000] =	vst v20  }
0x68b: {  	s14 =	sor.u32 $0x460, s13;
	v20 =	vld.idx.msk [tilespmem:v22+s21+$0x0], $0xffff;
	[tilespmem:s12+$0x8000] =	vst v27  }
0x68c: {  	s15 =	sor.u32 $0x470, s3;
	v21 =	vld.idx.msk [tilespmem:v21+s21+$0x0], $0xffff;
	[tilespmem:s14+$0x8000] =	vst v23  }
0x68d: {  	s4 =	sor.u32 $0x470, s4;
	[tilespmem:s15+$0x8000] =	vst v17;
	v17 =	vld.idx.msk [tilespmem:v18+s21+$0x0], $0xffff  }
0x68e: {  	[tilespmem:s4+$0x8000] =	vst v16;
	s16 =	sor.u32 $0x470, s11  }
0x68f: {  	s17 =	sor.u32 $0x470, s10;
	[tilespmem:s16+$0x8000] =	vst v19  }
0x690: {  	s1 =	sor.u32 $0x470, s1;
	[tilespmem:s17+$0x8000] =	vst v20  }
0x691: {  	s7 =	simm.s32 $0x0;
	s18 =	sor.u32 $0x470, s13;
	[tilespmem:s1+$0x8000] =	vst v21  }
0x692: {  	s22 =	simm.s32 $0x8000;
	v16 =	vmov s7;
	[tilespmem:s18+$0x8000] =	vst v17  }
0x693: {  	s19 =	simm.s32 $0x1;
	s24 =	simm.s32 $0x4;
	v17 =	vshll.u32 v16, $0x9;
	v16 =	vshll.u32 v16, $0x7;
	s3 =	rddreg [dreg:$0x11]  }
0x694: {  	v18 =	vmov s19;
	v19 =	vand.u32 $0x1000, v17;
	v20 =	vand.u32 $0x200, v16;
	[hbm4b:s3+s7] =	stream.linear.scatter [tilespmem:s22], [sflag:$0x5], $0x1000, $0x38;
	[tilespmem:$0xA000] =	vst v63  }
0x695: {  	v16 =	vshll.u32 v18, $0x7;
	v18 =	vshll.u32 v18, $0x9;
	v19 =	vor.u32 v20, v19;
	_ =	swait.ge [sflag:s24], $0x2000  }
0x696: {  	s25 =	simm.s32 $0x3;
	v16 =	vand.u32 $0x280, v16;
	v18 =	vand.u32 $0x1000, v18;
	v24 =	vor.u32 v0, v19;
	[sflag:s24] =	ssyncset.done $0x0  }
0x697: {  	v22 =	vmov s25;
	v21 =	vor.u32 v16, v18;
	[sflag:s24] =	ssyncadd.s32 $0xFFFFE000  }
0x698: {  	s1 =	simm.s32 $0x2;
	v16 =	vshll.u32 v22, $0x9;
	v18 =	vshll.u32 v22, $0x7;
	v25 =	vor.u32 v0, v21;
	_ =	swait.ge [sflag:s31], $0x1000  }
0x699: {  	v22 =	vmov s1;
	v16 =	vand.u32 $0x1000, v16;
	v18 =	vand.u32 $0x380, v18;
	[sflag:s31] =	ssyncset.done $0x0  }
0x69a: {  	v23 =	vshll.u32 v22, $0x7;
	v22 =	vshll.u32 v22, $0x9;
	v16 =	vor.u32 v18, v16;
	[sflag:s31] =	ssyncadd.s32 $0xFFFFF000  }
0x69b: {  	v26 =	vand.u32 $0x1000, v22;
	v23 =	vand.u32 $0x300, v23;
	v18 =	vor.u32 v0, v16;
	v27 =	vld.idx.msk [tilespmem:v24+s23+$0x0], $0xffff  }
0x69c: {  	v24 =	vor.u32 v23, v26;
	v26 =	vor.u32 v1, v19  }
0x69d: {  	s26 =	sand.u32 $0x800, s7;
	s28 =	simm.s32 $0x0;
	v25 =	vld.idx.msk [tilespmem:v25+s23+$0x0], $0xffff;
	v28 =	vor.u32 v0, v24  }
0x69e: {  	s4 =	sand.u32 $0x200, s28;
	s29 =	sor.u32 $0x9000, s26;
	v29 =	vor.u32 v1, v21  }
0x69f: {  	s10 =	simm.s32 $0x80;
	s30 =	sor.u32 s4, s29  }
0x6a0: {  	s3 =	sand.u32 $0x280, s10;
	v18 =	vld.idx.msk [tilespmem:v18+s23+$0x0], $0xffff;
	[tilespmem:s30+$0x0] =	vst v27  }
0x6a1: {  	s3 =	sor.u32 s3, s29;
	v27 =	vor.u32 v1, v16;
	v26 =	vld.idx.msk [tilespmem:v26+s23+$0x0], $0xffff  }
0x6a2: {  	s11 =	simm.s32 $0x180;
	v30 =	vor.u32 v2, v19;
	[tilespmem:s3+$0x0] =	vst v25;
	v28 =	vld.idx.msk [tilespmem:v28+s23+$0x0], $0xffff  }
0x6a3: {  	s4 =	sand.u32 $0x380, s11;
	v25 =	vor.u32 v1, v24;
	v29 =	vld.idx.msk [tilespmem:v29+s23+$0x0], $0xffff  }
0x6a4: {  	s4 =	sor.u32 s4, s29;
	s12 =	simm.s32 $0x100;
	v31 =	vor.u32 v2, v21  }
0x6a5: {  	s8 =	sand.u32 $0x300, s12;
	[tilespmem:s4+$0x0] =	vst v18  }
0x6a6: {  	s13 =	sor.u32 s8, s29;
	v18 =	vld.idx.msk [tilespmem:v27+s23+$0x0], $0xffff;
	[tilespmem:s30+$0x10] =	vst v26  }
0x6a7: {  	[tilespmem:s13+$0x0] =	vst v28;
	v26 =	vor.u32 v2, v16;
	v27 =	vld.idx.msk [tilespmem:v30+s23+$0x0], $0xffff  }
0x6a8: {  	v28 =	vor.u32 v3, v19;
	[tilespmem:s3+$0x10] =	vst v29;
	v25 =	vld.idx.msk [tilespmem:v25+s23+$0x0], $0xffff  }
0x6a9: {  	v29 =	vor.u32 v2, v24;
	v30 =	vld.idx.msk [tilespmem:v31+s23+$0x0], $0xffff  }
0x6aa: {  	v31 =	vor.u32 v3, v21  }
0x6ab: {  	[tilespmem:s4+$0x10] =	vst v18  }
0x6ac: {  	v18 =	vld.idx.msk [tilespmem:v26+s23+$0x0], $0xffff;
	[tilespmem:s30+$0x20] =	vst v27  }
0x6ad: {  	v26 =	vor.u32 v3, v16;
	[tilespmem:s13+$0x10] =	vst v25;
	v25 =	vld.idx.msk [tilespmem:v28+s23+$0x0], $0xffff  }
0x6ae: {  	[tilespmem:s3+$0x20] =	vst v30;
	v27 =	vld.idx.msk [tilespmem:v29+s23+$0x0], $0xffff;
	v28 =	vor.u32 v4, v19  }
0x6af: {  	v29 =	vor.u32 v3, v24;
	v30 =	vld.idx.msk [tilespmem:v31+s23+$0x0], $0xffff  }
0x6b0: {  	v31 =	vor.u32 v4, v21  }
0x6b1: {  	[tilespmem:s4+$0x20] =	vst v18  }
0x6b2: {  	v18 =	vld.idx.msk [tilespmem:v26+s23+$0x0], $0xffff;
	[tilespmem:s30+$0x30] =	vst v25  }
0x6b3: {  	v26 =	vor.u32 v4, v16;
	[tilespmem:s13+$0x20] =	vst v27;
	v25 =	vld.idx.msk [tilespmem:v28+s23+$0x0], $0xffff  }
0x6b4: {  	[tilespmem:s3+$0x30] =	vst v30;
	v27 =	vld.idx.msk [tilespmem:v29+s23+$0x0], $0xffff;
	v28 =	vor.u32 v5, v19  }
0x6b5: {  	v29 =	vor.u32 v4, v24;
	v30 =	vld.idx.msk [tilespmem:v31+s23+$0x0], $0xffff  }
0x6b6: {  	v31 =	vor.u32 v5, v21  }
0x6b7: {  	[tilespmem:s4+$0x30] =	vst v18  }
0x6b8: {  	v18 =	vld.idx.msk [tilespmem:v26+s23+$0x0], $0xffff;
	[tilespmem:s30+$0x40] =	vst v25  }
0x6b9: {  	v26 =	vor.u32 v5, v16;
	[tilespmem:s13+$0x30] =	vst v27;
	v25 =	vld.idx.msk [tilespmem:v28+s23+$0x0], $0xffff  }
0x6ba: {  	[tilespmem:s3+$0x40] =	vst v30;
	v27 =	vld.idx.msk [tilespmem:v29+s23+$0x0], $0xffff;
	v28 =	vor.u32 v6, v19  }
0x6bb: {  	v29 =	vor.u32 v5, v24;
	v30 =	vld.idx.msk [tilespmem:v31+s23+$0x0], $0xffff  }
0x6bc: {  	v31 =	vor.u32 v6, v21  }
0x6bd: {  	[tilespmem:s4+$0x40] =	vst v18  }
0x6be: {  	v18 =	vld.idx.msk [tilespmem:v26+s23+$0x0], $0xffff;
	[tilespmem:s30+$0x50] =	vst v25  }
0x6bf: {  	v26 =	vor.u32 v6, v16;
	[tilespmem:s13+$0x40] =	vst v27;
	v25 =	vld.idx.msk [tilespmem:v28+s23+$0x0], $0xffff  }
0x6c0: {  	v19 =	vor.u32 v7, v19;
	[tilespmem:s3+$0x50] =	vst v30;
	v27 =	vld.idx.msk [tilespmem:v29+s23+$0x0], $0xffff  }
0x6c1: {  	s5 =	simm.s32 $0x4;
	v28 =	vor.u32 v6, v24;
	v29 =	vld.idx.msk [tilespmem:v31+s23+$0x0], $0xffff  }
0x6c2: {  	v42 =	vmov s5;
	v17 =	vor.u32 v17, v20;
	v20 =	vor.u32 v7, v21  }
0x6c3: {  	s9 =	simm.s32 $0x7;
	s14 =	simm.s32 $0x5;
	v43 =	vor.u32 v8, v17;
	v44 =	vor.u32 v7, v24;
	v30 =	vor.u32 v8, v21;
	[tilespmem:s4+$0x50] =	vst v18  }
0x6c4: {  	v31 =	vor.u32 v7, v16;
	v18 =	vmov s14;
	v45 =	vld.idx.msk [tilespmem:v26+s23+$0x0], $0xffff;
	v26 =	vmov s9;
	[tilespmem:s30+$0x60] =	vst v25  }
0x6c5: {  	v48 =	vshll.u32 v18, $0x9;
	v25 =	vshll.u32 v42, $0x9;
	[tilespmem:s13+$0x50] =	vst v27;
	v27 =	vshll.u32 v18, $0x7;
	v19 =	vld.idx.msk [tilespmem:v19+s23+$0x0], $0xffff  }
0x6c6: {  	[tilespmem:s3+$0x60] =	vst v29;
	v18 =	vshll.u32 v26, $0x7;
	v46 =	vand.u32 $0x1000, v25;
	v47 =	vld.idx.msk [tilespmem:v28+s23+$0x0], $0xffff;
	v28 =	vshll.u32 v26, $0x9  }
0x6c7: {  	v26 =	vshll.u32 v42, $0x7;
	v49 =	vld.idx.msk [tilespmem:v20+s23+$0x0], $0xffff;
	v18 =	vand.u32 $0x380, v18;
	v28 =	vand.u32 $0x1000, v28  }
0x6c8: {  	s15 =	simm.s32 $0x6;
	v50 =	vand.u32 $0x280, v27;
	v27 =	vand.u32 $0x200, v26;
	v18 =	vor.u32 v18, v28  }
0x6c9: {  	v20 =	vmov s15;
	v26 =	vor.u32 v27, v46;
	v51 =	vor.u32 v0, v18;
	[tilespmem:s4+$0x60] =	vst v45  }
0x6ca: {  	v29 =	vshll.u32 v20, $0x7;
	v28 =	vshll.u32 v20, $0x9;
	v52 =	vor.u32 v0, v26;
	v31 =	vld.idx.msk [tilespmem:v31+s23+$0x0], $0xffff;
	[tilespmem:s30+$0x70] =	vst v19  }
0x6cb: {  	p0 =	por $0x0, $0x0;
	s6 =	simm.s32 $0x1;
	v53 =	vor.u32 v8, v16;
	v29 =	vand.u32 $0x300, v29;
	[tilespmem:s13+$0x60] =	vst v47;
	v19 =	vand.u32 $0x1000, v28;
	v33 =	vld.idx.msk [tilespmem:v43+s23+$0x0], $0xffff  }
0x6cc: {  	s6 =	simm.s32 @!p0 $0x0;
	v54 =	vor.u32 v9, v17;
	v38 =	vand.u32 $0x1000, v48;
	[tilespmem:s3+$0x70] =	vst v49;
	v34 =	vld.idx.msk [tilespmem:v44+s23+$0x0], $0xffff;
	v20 =	vor.u32 v29, v19  }
0x6cd: {  	s16 =	sshll.u32 s6, $0x9;
	s17 =	sand.u32 $0x7, s7;
	v19 =	vor.u32 v50, v38;
	v30 =	vld.idx.msk [tilespmem:v30+s23+$0x0], $0xffff;
	v55 =	vor.u32 v0, v20  }
0x6ce: {  	s6 =	sshll.u32 s17, $0x7;
	s3 =	sadd.s32 $0x0, s16;
	v38 =	vor.u32 v0, v19;
	v36 =	vld.idx.msk [tilespmem:v51+s23+$0x0], $0xffff  }
0x6cf: {  	s19 =	sadd.s32 $0x0, s6;
	v56 =	vor.u32 v9, v21;
	s18 =	sor.u32 $0x400, s3;
	v35 =	vld.idx.msk [tilespmem:v52+s23+$0x0], $0xffff;
	[tilespmem:s4+$0x70] =	vst v31  }
0x6d0: {  	s8 =	simm.s32 $0x400;
	s6 =	sadd.s32 $0x80, s19;
	v63 =	vor.u32 v8, v24;
	v57 =	vld.idx.msk [tilespmem:v53+s23+$0x0], $0xffff;
	[tilespmem:s18+$0x9000] =	vst v33  }
0x6d1: {  	s22 =	sand.u32 $0x800, s8;
	s25 =	sor.u32 $0x400, s6;
	s24 =	simm.s32 $0x200;
	v31 =	vor.u32 v1, v26;
	v58 =	vld.idx.msk [tilespmem:v54+s23+$0x0], $0xffff  }
0x6d2: {  	s26 =	sor.u32 $0x9000, s22;
	s11 =	sand.u32 $0x200, s24;
	s9 =	simm.s32 $0x380;
	v61 =	vor.u32 v1, v18;
	[tilespmem:s25+$0x9000] =	vst v30;
	v32 =	vld.idx.msk [tilespmem:v55+s23+$0x0], $0xffff  }
0x6d3: {  	v59 =	vor.u32 v9, v16;
	s15 =	sor.u32 s11, s26;
	s30 =	sand.u32 $0x380, s9;
	[tilespmem:s13+$0x70] =	vst v34;
	v30 =	vld.idx.msk [tilespmem:v38+s23+$0x0], $0xffff  }
0x6d4: {  	s17 =	simm.s32 $0x280;
	v60 =	vor.u32 v10, v17;
	s12 =	sor.u32 s30, s26;
	s4 =	sadd.s32 $0x180, s19;
	v62 =	vld.idx.msk [tilespmem:v56+s23+$0x0], $0xffff;
	[tilespmem:s15+$0x0] =	vst v35  }
0x6d5: {  	s7 =	sand.u32 $0x3, s7;
	s16 =	simm.s32 $0x300;
	v45 =	vor.u32 v1, v19;
	s28 =	sor.u32 $0x400, s4;
	v51 =	vld.idx.msk [tilespmem:v63+s23+$0x0], $0xffff;
	[tilespmem:s12+$0x0] =	vst v36  }
0x6d6: {  	s7 =	sshll.u32 s7, $0x8;
	s29 =	sor.u32 $0x410, s3;
	s11 =	sand.u32 $0x300, s16;
	v42 =	vor.u32 v1, v20;
	v31 =	vld.idx.msk [tilespmem:v31+s23+$0x0], $0xffff;
	[tilespmem:s28+$0x9000] =	vst v57  }
0x6d7: {  	s7 =	sadd.s32 $0x0, s7;
	s14 =	sor.u32 s11, s26;
	v53 =	vor.u32 v9, v24;
	s18 =	sand.u32 $0x280, s17;
	v49 =	vld.idx.msk [tilespmem:v61+s23+$0x0], $0xffff;
	[tilespmem:s29+$0x9000] =	vst v58  }
0x6d8: {  	s7 =	sadd.s32 $0x100, s7;
	v48 =	vor.u32 v2, v26;
	s17 =	sor.u32 s18, s26;
	v46 =	vld.idx.msk [tilespmem:v59+s23+$0x0], $0xffff;
	[tilespmem:s14+$0x0] =	vst v32  }
0x6d9: {  	s22 =	sor.u32 $0x400, s7;
	v52 =	vor.u32 v2, v18;
	[tilespmem:s17+$0x0] =	vst v30;
	v47 =	vld.idx.msk [tilespmem:v60+s23+$0x0], $0xffff  }
0x6da: {  	v50 =	vor.u32 v10, v16;
	[tilespmem:s22+$0x9000] =	vst v51;
	v33 =	vld.idx.msk [tilespmem:v45+s23+$0x0], $0xffff  }
0x6db: {  	s24 =	sor.u32 $0x410, s6;
	v30 =	vld.idx.msk [tilespmem:v42+s23+$0x0], $0xffff;
	[tilespmem:s15+$0x10] =	vst v31;
	v31 =	vor.u32 v10, v21  }
0x6dc: {  	v54 =	vor.u32 v2, v19;
	[tilespmem:s24+$0x9000] =	vst v62;
	v32 =	vld.idx.msk [tilespmem:v53+s23+$0x0], $0xffff  }
0x6dd: {  	s19 =	sor.u32 $0x410, s4;
	v55 =	vor.u32 v2, v20;
	[tilespmem:s12+$0x10] =	vst v49;
	v40 =	vld.idx.msk [tilespmem:v48+s23+$0x0], $0xffff  }
0x6de: {  	v59 =	vor.u32 v11, v17;
	v39 =	vld.idx.msk [tilespmem:v52+s23+$0x0], $0xffff;
	[tilespmem:s19+$0x9000] =	vst v46  }
0x6df: {  	v57 =	vor.u32 v3, v26;
	v56 =	vld.idx.msk [tilespmem:v50+s23+$0x0], $0xffff;
	[tilespmem:s17+$0x10] =	vst v33  }
0x6e0: {  	s26 =	sor.u32 $0x420, s3;
	v45 =	vor.u32 v3, v18;
	[tilespmem:s14+$0x10] =	vst v30;
	v31 =	vld.idx.msk [tilespmem:v31+s23+$0x0], $0xffff  }
0x6e1: {  	s28 =	sor.u32 $0x410, s7;
	v58 =	vor.u32 v11, v16;
	[tilespmem:s26+$0x9000] =	vst v47;
	v60 =	vld.idx.msk [tilespmem:v54+s23+$0x0], $0xffff  }
0x6e2: {  	v30 =	vor.u32 v10, v24;
	[tilespmem:s28+$0x9000] =	vst v32;
	v37 =	vld.idx.msk [tilespmem:v55+s23+$0x0], $0xffff  }
0x6e3: {  	v61 =	vor.u32 v11, v21;
	v33 =	vld.idx.msk [tilespmem:v59+s23+$0x0], $0xffff;
	[tilespmem:s15+$0x20] =	vst v40  }
0x6e4: {  	s25 =	sor.u32 $0x420, s4;
	v62 =	vor.u32 v3, v19;
	[tilespmem:s12+$0x20] =	vst v39;
	v38 =	vld.idx.msk [tilespmem:v57+s23+$0x0], $0xffff  }
0x6e5: {  	v63 =	vor.u32 v3, v20;
	s29 =	sor.u32 $0x420, s6;
	v32 =	vld.idx.msk [tilespmem:v45+s23+$0x0], $0xffff;
	[tilespmem:s25+$0x9000] =	vst v56  }
0x6e6: {  	v44 =	vor.u32 v4, v26;
	v43 =	vld.idx.msk [tilespmem:v58+s23+$0x0], $0xffff;
	[tilespmem:s29+$0x9000] =	vst v31  }
0x6e7: {  	v30 =	vld.idx.msk [tilespmem:v30+s23+$0x0], $0xffff;
	[tilespmem:s17+$0x20] =	vst v60;
	v31 =	vor.u32 v12, v17  }
0x6e8: {  	s30 =	sor.u32 $0x430, s3;
	v24 =	vor.u32 v11, v24;
	[tilespmem:s14+$0x20] =	vst v37;
	v46 =	vld.idx.msk [tilespmem:v61+s23+$0x0], $0xffff  }
0x6e9: {  	v48 =	vor.u32 v12, v21;
	[tilespmem:s30+$0x9000] =	vst v33;
	v47 =	vld.idx.msk [tilespmem:v62+s23+$0x0], $0xffff  }
0x6ea: {  	v49 =	vor.u32 v4, v19;
	v34 =	vld.idx.msk [tilespmem:v63+s23+$0x0], $0xffff;
	[tilespmem:s15+$0x30] =	vst v38  }
0x6eb: {  	s11 =	sor.u32 $0x420, s7;
	v50 =	vor.u32 v4, v20;
	[tilespmem:s12+$0x30] =	vst v32;
	v35 =	vld.idx.msk [tilespmem:v44+s23+$0x0], $0xffff  }
0x6ec: {  	s13 =	sor.u32 $0x430, s6;
	v51 =	vor.u32 v5, v26;
	[tilespmem:s11+$0x9000] =	vst v30;
	v31 =	vld.idx.msk [tilespmem:v31+s23+$0x0], $0xffff  }
0x6ed: {  	v30 =	vor.u32 v4, v18;
	v24 =	vld.idx.msk [tilespmem:v24+s23+$0x0], $0xffff;
	[tilespmem:s13+$0x9000] =	vst v46  }
0x6ee: {  	v52 =	vor.u32 v23, v22;
	v22 =	vor.u32 v13, v17;
	[tilespmem:s17+$0x30] =	vst v47;
	v23 =	vld.idx.msk [tilespmem:v48+s23+$0x0], $0xffff  }
0x6ef: {  	v54 =	vor.u32 v12, v52;
	[tilespmem:s14+$0x30] =	vst v34;
	v53 =	vld.idx.msk [tilespmem:v49+s23+$0x0], $0xffff  }
0x6f0: {  	v56 =	vor.u32 v13, v21;
	s30 =	sor.u32 $0x430, s4;
	v55 =	vld.idx.msk [tilespmem:v50+s23+$0x0], $0xffff;
	[tilespmem:s15+$0x40] =	vst v35  }
0x6f1: {  	s16 =	sor.u32 $0x440, s3;
	v57 =	vor.u32 v5, v19;
	[tilespmem:s30+$0x9000] =	vst v43;
	v33 =	vld.idx.msk [tilespmem:v51+s23+$0x0], $0xffff  }
0x6f2: {  	s18 =	sor.u32 $0x430, s7;
	v58 =	vor.u32 v5, v20;
	v30 =	vld.idx.msk [tilespmem:v30+s23+$0x0], $0xffff;
	[tilespmem:s16+$0x9000] =	vst v31  }
0x6f3: {  	s19 =	sor.u32 $0x440, s6;
	v31 =	vor.u32 v6, v26;
	[tilespmem:s18+$0x9000] =	vst v24;
	v22 =	vld.idx.msk [tilespmem:v22+s23+$0x0], $0xffff  }
0x6f4: {  	v24 =	vor.u32 v5, v18;
	v34 =	vld.idx.msk [tilespmem:v54+s23+$0x0], $0xffff;
	[tilespmem:s19+$0x9000] =	vst v23  }
0x6f5: {  	v59 =	vor.u32 v14, v17;
	[tilespmem:s17+$0x40] =	vst v53;
	v37 =	vld.idx.msk [tilespmem:v56+s23+$0x0], $0xffff  }
0x6f6: {  	v60 =	vor.u32 v13, v52;
	[tilespmem:s14+$0x40] =	vst v55;
	v38 =	vld.idx.msk [tilespmem:v57+s23+$0x0], $0xffff  }
0x6f7: {  	v61 =	vor.u32 v14, v21;
	v32 =	vld.idx.msk [tilespmem:v58+s23+$0x0], $0xffff;
	[tilespmem:s15+$0x50] =	vst v33  }
0x6f8: {  	s22 =	sor.u32 $0x450, s3;
	v63 =	vor.u32 v6, v19;
	v44 =	vor.u32 v6, v20;
	[tilespmem:s12+$0x40] =	vst v30;
	v62 =	vld.idx.msk [tilespmem:v31+s23+$0x0], $0xffff  }
0x6f9: {  	s25 =	sor.u32 $0x440, s7;
	v23 =	vor.u32 v15, v21;
	v21 =	vor.u32 v25, v27;
	v36 =	vld.idx.msk [tilespmem:v24+s23+$0x0], $0xffff;
	[tilespmem:s22+$0x9000] =	vst v22  }
0x6fa: {  	s24 =	sand.u32 $0x3, s1;
	s26 =	sand.u32 $0x7, s5;
	s28 =	sor.u32 $0x450, s6;
	v22 =	vor.u32 v29, v28;
	v29 =	vor.u32 v7, v26;
	[tilespmem:s25+$0x9000] =	vst v34;
	v25 =	vld.idx.msk [tilespmem:v59+s23+$0x0], $0xffff  }
0x6fb: {  	p0 =	por !p0, !p0;
	s29 =	sshll.u32 s26, $0x7;
	s11 =	sshll.u32 s24, $0x8;
	v31 =	vor.u32 v12, v16;
	v28 =	vld.idx.msk [tilespmem:v60+s23+$0x0], $0xffff;
	[tilespmem:s28+$0x9000] =	vst v37  }
0x6fc: {  	v41 =	vor.u32 v7, v19;
	v40 =	vor.u32 v6, v18;
	s26 =	sor.u32 $0x460, s4;
	s11 =	sadd.s32 $0x400, s11;
	s13 =	sadd.s32 $0x400, s29;
	[tilespmem:s17+$0x50] =	vst v38;
	v27 =	vld.idx.msk [tilespmem:v61+s23+$0x0], $0xffff  }
0x6fd: {  	s24 =	simm.s32 $0x400;
	s10 =	sadd.s32 $0x100, s11;
	s11 =	sadd.s32 $0x80, s13;
	v35 =	vor.u32 v8, v19;
	v30 =	vor.u32 v13, v16;
	[tilespmem:s14+$0x50] =	vst v32;
	v37 =	vld.idx.msk [tilespmem:v63+s23+$0x0], $0xffff  }
0x6fe: {  	s13 =	sadd.s32 $0x180, s13;
	s16 =	sor.u32 $0x450, s7;
	s18 =	sor.u32 $0x450, s10;
	v24 =	vor.u32 v15, v19;
	v34 =	vor.u32 v14, v52;
	v39 =	vld.idx.msk [tilespmem:v44+s23+$0x0], $0xffff;
	[tilespmem:s15+$0x60] =	vst v62  }
0x6ff: {  	s19 =	simm.s32 $0x8;
	v26 =	vor.u32 v14, v16;
	s25 =	sor.u32 $0x440, s4;
	s22 =	sor.u32 $0x450, s4;
	v32 =	vor.u32 v15, v52;
	v38 =	vld.idx.msk [tilespmem:v29+s23+$0x0], $0xffff;
	v29 =	vor.u32 v7, v18  }
.LBB2_16:
0x700: {  	v33 =	vmov s19;
	s28 =	sadd.s32 $0x1, s19;
	s29 =	sadd.s32 $0x2, s19;
	s30 =	sadd.s32 $0x3, s19;
	v42 =	vor.u32 v8, v21;
	v43 =	vor.u32 v7, v20;
	[tilespmem:s12+$0x50] =	vst v36;
	v31 =	vld.idx.msk [tilespmem:v31+s23+$0x0], $0xffff  }
0x701: {  	p1 =	slt.u32 s19, $0xC;
	s19 =	sadd.s32 $0x4, s19;
	v36 =	vshll.u32 v33, $0x9;
	v44 =	vmov s28;
	v45 =	vmov s30;
	s28 =	sor.u32 $0x460, s6;
	[tilespmem:s16+$0x9000] =	vst v28  }
0x702: {  	s16 =	smov.u32 s18;
	v46 =	vand.u32 $0x1000, v36;
	v28 =	vshll.u32 v44, $0x7;
	v47 =	vshll.u32 v45, $0x9;
	v40 =	vld.idx.msk [tilespmem:v40+s23+$0x0], $0xffff;
	[tilespmem:s28+$0x9000] =	vst v27  }
0x703: {  	v27 =	vshll.u32 v44, $0x9;
	v44 =	vmov s29;
	v28 =	vand.u32 $0x280, v28;
	[tilespmem:s17+$0x60] =	vst v37;
	v34 =	vld.idx.msk [tilespmem:v34+s23+$0x0], $0xffff  }
0x704: {  	v33 =	vshll.u32 v33, $0x7;
	v45 =	vshll.u32 v45, $0x7;
	v37 =	vand.u32 $0x1000, v47;
	v41 =	vld.idx.msk [tilespmem:v41+s23+$0x0], $0xffff;
	[tilespmem:s14+$0x60] =	vst v39  }
0x705: {  	s28 =	sor.u32 $0x470, s4;
	s4 =	smov.u32 s13;
	v27 =	vand.u32 $0x1000, v27;
	v45 =	vand.u32 $0x380, v45;
	v39 =	vshll.u32 v44, $0x7;
	[tilespmem:s15+$0x70] =	vst v38;
	v38 =	vld.idx.msk [tilespmem:v23+s23+$0x0], $0xffff;
	v23 =	vmovc v24  }
0x706: {  	v28 =	vor.u32 v28, v27;
	v24 =	vand.u32 $0x200, v33;
	v33 =	vor.u32 v45, v37;
	v37 =	vld.idx.msk [tilespmem:v42+s23+$0x0], $0xffff;
	[tilespmem:s25+$0x9000] =	vst v31  }
0x707: {  	s13 =	simm.s32 $0x1;
	v27 =	vor.u32 v24, v46;
	v31 =	vshll.u32 v44, $0x9;
	v42 =	vor.u32 v0, v33;
	v44 =	vld.idx.msk [tilespmem:v30+s23+$0x0], $0xffff  }
0x708: {  	s13 =	simm.s32 @!p0 $0x0;
	v39 =	vand.u32 $0x300, v39;
	s15 =	sor.u32 $0x460, s7;
	v45 =	vor.u32 v0, v27;
	v30 =	vand.u32 $0x1000, v31;
	v43 =	vld.idx.msk [tilespmem:v43+s23+$0x0], $0xffff;
	[tilespmem:s12+$0x60] =	vst v40  }
0x709: {  	s8 =	sadd.s32 $0x400, s8;
	s6 =	sor.u32 $0x470, s6;
	s13 =	sshll.u32 s13, $0x9;
	v36 =	vor.u32 v36, v24;
	v30 =	vor.u32 v39, v30;
	v40 =	vld.idx.msk [tilespmem:v29+s23+$0x0], $0xffff;
	[tilespmem:s15+$0x9000] =	vst v34  }
0x70a: {  	s5 =	sadd.s32 $0x4, s5;
	s1 =	sadd.s32 $0x2, s1;
	s25 =	sadd.s32 s13, s24;
	v46 =	vor.u32 v9, v21;
	v34 =	vor.u32 v0, v30;
	[tilespmem:s17+$0x70] =	vst v41;
	v32 =	vld.idx.msk [tilespmem:v32+s23+$0x0], $0xffff  }
0x70b: {  	s13 =	sand.u32 $0x7, s5;
	s15 =	sand.u32 $0x3, s1;
	v29 =	vor.u32 v39, v31;
	s17 =	sor.u32 $0x400, s25;
	v31 =	vld.idx.msk [tilespmem:v35+s23+$0x0], $0xffff;
	v35 =	vor.u32 v8, v18;
	[tilespmem:s6+$0x9000] =	vst v38  }
0x70c: {  	s9 =	sadd.s32 $0x200, s9;
	v24 =	vor.u32 v15, v28;
	s6 =	sshll.u32 s13, $0x7;
	s13 =	sshll.u32 s15, $0x8;
	v38 =	vor.u32 v0, v28;
	v39 =	vld.idx.msk [tilespmem:v42+s23+$0x0], $0xffff;
	[tilespmem:s17+$0x9000] =	vst v37  }
0x70d: {  	s24 =	smov.u32 s8;
	s6 =	sadd.s32 s8, s6;
	s13 =	sadd.s32 s8, s13;
	v37 =	vld.idx.msk [tilespmem:v45+s23+$0x0], $0xffff;
	[tilespmem:s22+$0x9000] =	vst v44  }
0x70e: {  	v41 =	vor.u32 v15, v17;
	v17 =	vmov v21;
	v21 =	vmov v36;
	s17 =	sadd.s32 $0x80, s6;
	s22 =	sadd.s32 $0x100, s13;
	s13 =	sadd.s32 $0x180, s6;
	[tilespmem:s14+$0x70] =	vst v43;
	v26 =	vld.idx.msk [tilespmem:v26+s23+$0x0], $0xffff  }
0x70f: {  	s7 =	sor.u32 $0x470, s7;
	v42 =	vor.u32 v9, v19;
	s6 =	smov.u32 s11;
	s18 =	sor.u32 $0x450, s22;
	v36 =	vld.idx.msk [tilespmem:v46+s23+$0x0], $0xffff;
	[tilespmem:s12+$0x70] =	vst v40  }
0x710: {  	s11 =	sand.u32 $0x800, s8;
	s14 =	sor.u32 $0x400, s6;
	s12 =	sadd.s32 $0xFFFFFE80, s9;
	v40 =	vor.u32 v1, v27;
	v35 =	vld.idx.msk [tilespmem:v35+s23+$0x0], $0xffff;
	[tilespmem:s7+$0x9000] =	vst v32;
	v32 =	vor.u32 v15, v16;
	v16 =	vmov v18  }
0x711: {  	s29 =	sor.u32 $0x9000, s11;
	s11 =	sor.u32 $0x460, s3;
	s7 =	sand.u32 $0x200, s12;
	v18 =	vmov v33;
	v34 =	vld.idx.msk [tilespmem:v34+s23+$0x0], $0xffff;
	[tilespmem:s14+$0x9000] =	vst v31  }
0x712: {  	s15 =	sor.u32 s7, s29;
	v33 =	vor.u32 v9, v16;
	s7 =	smov.u32 s10;
	v31 =	vld.idx.msk [tilespmem:v38+s23+$0x0], $0xffff;
	[tilespmem:s11+$0x9000] =	vst v25;
	s11 =	smov.u32 s17  }
0x713: {  	s10 =	smov.u32 s22;
	v25 =	vor.u32 v1, v28;
	[tilespmem:s15+$0x0] =	vst v37;
	v37 =	vor.u32 v10, v17;
	v38 =	vld.idx.msk [tilespmem:v41+s23+$0x0], $0xffff  }
0x714: {  	s12 =	sor.u32 $0x410, s25;
	v41 =	vor.u32 v1, v18;
	v42 =	vld.idx.msk [tilespmem:v42+s23+$0x0], $0xffff;
	[tilespmem:s26+$0x9000] =	vst v26  }
0x715: {  	v26 =	vor.u32 v1, v30;
	[tilespmem:s12+$0x9000] =	vst v36;
	v36 =	vor.u32 v8, v20;
	s12 =	sor.u32 $0x400, s4;
	v32 =	vld.idx.msk [tilespmem:v32+s23+$0x0], $0xffff  }
0x716: {  	s14 =	sadd.s32 $0xFFFFFF80, s9;
	s17 =	sand.u32 $0x380, s9;
	v40 =	vld.idx.msk [tilespmem:v40+s23+$0x0], $0xffff;
	[tilespmem:s12+$0x9000] =	vst v35  }
0x717: {  	s14 =	sand.u32 $0x300, s14;
	s12 =	sor.u32 s17, s29;
	v33 =	vld.idx.msk [tilespmem:v33+s23+$0x0], $0xffff  }
0x718: {  	s3 =	sor.u32 $0x470, s3;
	s14 =	sor.u32 s14, s29;
	s17 =	sadd.s32 $0xFFFFFF00, s9;
	[tilespmem:s12+$0x0] =	vst v39;
	v35 =	vld.idx.msk [tilespmem:v37+s23+$0x0], $0xffff  }
0x719: {  	s17 =	sand.u32 $0x280, s17;
	v37 =	vor.u32 v2, v27;
	v39 =	vld.idx.msk [tilespmem:v41+s23+$0x0], $0xffff;
	[tilespmem:s3+$0x9000] =	vst v38;
	s3 =	smov.u32 s25  }
0x71a: {  	s17 =	sor.u32 s17, s29;
	[tilespmem:s14+$0x0] =	vst v34;
	v34 =	vld.idx.msk [tilespmem:v36+s23+$0x0], $0xffff;
	v36 =	vor.u32 v10, v16  }
0x71b: {  	[tilespmem:s17+$0x0] =	vst v31;
	v26 =	vld.idx.msk [tilespmem:v26+s23+$0x0], $0xffff;
	v31 =	vor.u32 v2, v18  }
0x71c: {  	v38 =	vor.u32 v9, v20;
	v25 =	vld.idx.msk [tilespmem:v25+s23+$0x0], $0xffff;
	[tilespmem:s28+$0x9000] =	vst v32  }
0x71d: {  	s22 =	sor.u32 $0x410, s4;
	v32 =	vor.u32 v10, v19;
	[tilespmem:s15+$0x10] =	vst v40  }
0x71e: {  	v40 =	vor.u32 v2, v28;
	v37 =	vld.idx.msk [tilespmem:v37+s23+$0x0], $0xffff;
	[tilespmem:s22+$0x9000] =	vst v33  }
0x71f: {  	v33 =	vor.u32 v2, v30;
	s22 =	sor.u32 $0x400, s7;
	[tilespmem:s12+$0x10] =	vst v39;
	v36 =	vld.idx.msk [tilespmem:v36+s23+$0x0], $0xffff  }
0x720: {  	s25 =	sor.u32 $0x410, s6;
	v39 =	vor.u32 v3, v27;
	v41 =	vld.idx.msk [tilespmem:v31+s23+$0x0], $0xffff;
	[tilespmem:s22+$0x9000] =	vst v34  }
0x721: {  	v34 =	vor.u32 v11, v16;
	[tilespmem:s25+$0x9000] =	vst v42;
	v31 =	vld.idx.msk [tilespmem:v38+s23+$0x0], $0xffff  }
0x722: {  	[tilespmem:s17+$0x10] =	vst v25;
	v25 =	vor.u32 v11, v17;
	v32 =	vld.idx.msk [tilespmem:v32+s23+$0x0], $0xffff  }
0x723: {  	v38 =	vld.idx.msk [tilespmem:v40+s23+$0x0], $0xffff;
	[tilespmem:s14+$0x10] =	vst v26;
	v26 =	vor.u32 v10, v20  }
0x724: {  	s22 =	sor.u32 $0x420, s4;
	v40 =	vor.u32 v11, v19;
	[tilespmem:s15+$0x20] =	vst v37;
	v37 =	vld.idx.msk [tilespmem:v33+s23+$0x0], $0xffff  }
0x725: {  	v42 =	vor.u32 v3, v28;
	s25 =	sor.u32 $0x420, s3;
	v39 =	vld.idx.msk [tilespmem:v39+s23+$0x0], $0xffff;
	[tilespmem:s22+$0x9000] =	vst v36  }
0x726: {  	v36 =	vor.u32 v3, v30;
	s22 =	sor.u32 $0x410, s7;
	[tilespmem:s25+$0x9000] =	vst v35;
	v33 =	vld.idx.msk [tilespmem:v34+s23+$0x0], $0xffff  }
0x727: {  	v34 =	vor.u32 v4, v27;
	s25 =	sor.u32 $0x420, s6;
	v25 =	vld.idx.msk [tilespmem:v25+s23+$0x0], $0xffff;
	[tilespmem:s22+$0x9000] =	vst v31  }
0x728: {  	v35 =	vor.u32 v3, v18;
	v31 =	vor.u32 v12, v16;
	[tilespmem:s25+$0x9000] =	vst v32;
	v26 =	vld.idx.msk [tilespmem:v26+s23+$0x0], $0xffff  }
0x729: {  	v32 =	vor.u32 v12, v17;
	[tilespmem:s17+$0x20] =	vst v38;
	v38 =	vld.idx.msk [tilespmem:v40+s23+$0x0], $0xffff  }
0x72a: {  	v40 =	vld.idx.msk [tilespmem:v42+s23+$0x0], $0xffff;
	[tilespmem:s14+$0x20] =	vst v37;
	v37 =	vor.u32 v11, v20;
	v20 =	vmov v30  }
0x72b: {  	[tilespmem:s15+$0x30] =	vst v39;
	v36 =	vld.idx.msk [tilespmem:v36+s23+$0x0], $0xffff;
	v39 =	vor.u32 v12, v19  }
0x72c: {  	s22 =	sor.u32 $0x430, s3;
	v42 =	vor.u32 v4, v28;
	v34 =	vld.idx.msk [tilespmem:v34+s23+$0x0], $0xffff;
	[tilespmem:s12+$0x20] =	vst v41  }
0x72d: {  	v41 =	vor.u32 v4, v20;
	v35 =	vld.idx.msk [tilespmem:v35+s23+$0x0], $0xffff;
	[tilespmem:s22+$0x9000] =	vst v25;
	s22 =	sor.u32 $0x420, s7  }
0x72e: {  	s25 =	sor.u32 $0x430, s6;
	v25 =	vor.u32 v5, v27;
	v32 =	vld.idx.msk [tilespmem:v32+s23+$0x0], $0xffff;
	[tilespmem:s22+$0x9000] =	vst v26  }
0x72f: {  	v30 =	vor.u32 v13, v16;
	v26 =	vor.u32 v4, v18;
	[tilespmem:s25+$0x9000] =	vst v38;
	v37 =	vld.idx.msk [tilespmem:v37+s23+$0x0], $0xffff  }
0x730: {  	v38 =	vor.u32 v13, v17;
	[tilespmem:s17+$0x30] =	vst v40;
	v39 =	vld.idx.msk [tilespmem:v39+s23+$0x0], $0xffff  }
0x731: {  	v40 =	vld.idx.msk [tilespmem:v42+s23+$0x0], $0xffff;
	[tilespmem:s14+$0x30] =	vst v36;
	v36 =	vor.u32 v12, v22  }
0x732: {  	s25 =	sor.u32 $0x440, s4;
	[tilespmem:s15+$0x40] =	vst v34;
	v34 =	vld.idx.msk [tilespmem:v41+s23+$0x0], $0xffff;
	v41 =	vor.u32 v13, v19  }
0x733: {  	s22 =	sor.u32 $0x440, s3;
	v42 =	vor.u32 v5, v28;
	v25 =	vld.idx.msk [tilespmem:v25+s23+$0x0], $0xffff;
	[tilespmem:s12+$0x30] =	vst v35  }
0x734: {  	v35 =	vor.u32 v5, v20;
	v43 =	vld.idx.msk [tilespmem:v26+s23+$0x0], $0xffff;
	[tilespmem:s22+$0x9000] =	vst v32;
	s22 =	sor.u32 $0x430, s7  }
0x735: {  	s26 =	sor.u32 $0x440, s6;
	v32 =	vor.u32 v6, v27;
	v38 =	vld.idx.msk [tilespmem:v38+s23+$0x0], $0xffff;
	[tilespmem:s22+$0x9000] =	vst v37  }
0x736: {  	v26 =	vor.u32 v14, v16;
	v37 =	vor.u32 v5, v18;
	[tilespmem:s26+$0x9000] =	vst v39;
	v39 =	vld.idx.msk [tilespmem:v36+s23+$0x0], $0xffff  }
0x737: {  	[tilespmem:s17+$0x40] =	vst v40;
	v40 =	vor.u32 v14, v17;
	v41 =	vld.idx.msk [tilespmem:v41+s23+$0x0], $0xffff  }
0x738: {  	v42 =	vld.idx.msk [tilespmem:v42+s23+$0x0], $0xffff;
	[tilespmem:s14+$0x40] =	vst v34;
	v34 =	vor.u32 v13, v22  }
0x739: {  	v44 =	vor.u32 v14, v19;
	v19 =	vmov v28;
	s22 =	sor.u32 $0x450, s4;
	[tilespmem:s15+$0x50] =	vst v25;
	v35 =	vld.idx.msk [tilespmem:v35+s23+$0x0], $0xffff  }
0x73a: {  	s26 =	sor.u32 $0x450, s3;
	v45 =	vld.idx.msk [tilespmem:v32+s23+$0x0], $0xffff;
	v32 =	vor.u32 v6, v19;
	[tilespmem:s12+$0x40] =	vst v43  }
0x73b: {  	v43 =	vor.u32 v6, v20;
	v36 =	vld.idx.msk [tilespmem:v37+s23+$0x0], $0xffff;
	[tilespmem:s26+$0x9000] =	vst v38;
	s26 =	sor.u32 $0x440, s7  }
0x73c: {  	s28 =	sor.u32 $0x450, s6;
	v38 =	vor.u32 v7, v27;
	v25 =	vld.idx.msk [tilespmem:v40+s23+$0x0], $0xffff;
	[tilespmem:s26+$0x9000] =	vst v39  }
.Ltmp7:
0x73d: {  	[tilespmem:s28+$0x9000] =	vst v41;
	v28 =	vld.idx.msk [tilespmem:v34+s23+$0x0], $0xffff;
	(pc) =	sbr.rel @p1 .LBB2_16-.Ltmp7, $4  }
0x73e: {  	[tilespmem:s17+$0x50] =	vst v42;
	v27 =	vld.idx.msk [tilespmem:v44+s23+$0x0], $0xffff  }
0x73f: {  	v40 =	vor.u32 v6, v18;
	s28 =	sor.u32 $0x430, s4;
	v37 =	vld.idx.msk [tilespmem:v32+s23+$0x0], $0xffff;
	[tilespmem:s14+$0x50] =	vst v35;
	v32 =	vor.u32 v15, v22  }
0x740: {  	s26 =	sor.u32 $0x460, s4;
	v34 =	vor.u32 v14, v22;
	v35 =	vor.u32 v8, v19;
	v22 =	vmov v29;
	[tilespmem:s15+$0x60] =	vst v45;
	v39 =	vld.idx.msk [tilespmem:v43+s23+$0x0], $0xffff  }
0x741: {  	p0 =	por !p0, !p0;
	v41 =	vor.u32 v7, v19;
	v29 =	vor.u32 v7, v18;
	v38 =	vld.idx.msk [tilespmem:v38+s23+$0x0], $0xffff;
	[tilespmem:s28+$0x9000] =	vst v33  }
0x742: {  	_ =	sdelay $0x2  }
0x743: {  	[tilespmem:s12+$0x50] =	vst v36  }
0x744: {  	v33 =	vor.u32 v7, v20;
	v36 =	vld.idx.msk [tilespmem:v40+s23+$0x0], $0xffff;
	_ =	sdelay $0x2  }
0x745: {  	[tilespmem:s17+$0x60] =	vst v37  }
0x746: {  	v48 =	vor.u32 v8, v21;
	v37 =	vld.idx.msk [tilespmem:v41+s23+$0x0], $0xffff;
	[tilespmem:s14+$0x60] =	vst v39  }
0x747: {  	v33 =	vld.idx.msk [tilespmem:v33+s23+$0x0], $0xffff;
	[tilespmem:s12+$0x60] =	vst v36  }
0x748: {  	v47 =	vor.u32 v8, v20;
	v29 =	vld.idx.msk [tilespmem:v29+s23+$0x0], $0xffff  }
0x749: {  	v49 =	vor.u32 v8, v18  }
0x74a: {  	[tilespmem:s15+$0x70] =	vst v38  }
0x74b: {  	s1 =	simm.s32 $0x1;
	v51 =	vld.idx.msk [tilespmem:v48+s23+$0x0], $0xffff;
	[tilespmem:s17+$0x70] =	vst v37  }
0x74c: {  	v53 =	vor.u32 v9, v21;
	s1 =	simm.s32 @!p0 $0x0;
	v35 =	vld.idx.msk [tilespmem:v35+s23+$0x0], $0xffff;
	[tilespmem:s14+$0x70] =	vst v33  }
0x74d: {  	v50 =	vor.u32 v9, v19;
	s1 =	sshll.u32 s1, $0x9;
	v36 =	vld.idx.msk [tilespmem:v47+s23+$0x0], $0xffff;
	[tilespmem:s12+$0x70] =	vst v29  }
0x74e: {  	v52 =	vor.u32 v9, v20;
	s1 =	sadd.s32 s1, s24;
	v54 =	vld.idx.msk [tilespmem:v49+s23+$0x0], $0xffff  }
0x74f: {  	v55 =	vor.u32 v9, v18;
	s8 =	sor.u32 $0x400, s1  }
0x750: {  	s5 =	sor.u32 $0x400, s11;
	[tilespmem:s8+$0x9000] =	vst v51  }
0x751: {  	v57 =	vld.idx.msk [tilespmem:v53+s23+$0x0], $0xffff;
	s12 =	sor.u32 $0x400, s10;
	[tilespmem:s5+$0x9000] =	vst v35  }
0x752: {  	v59 =	vor.u32 v10, v21;
	s14 =	sor.u32 $0x400, s13;
	v33 =	vld.idx.msk [tilespmem:v50+s23+$0x0], $0xffff;
	[tilespmem:s12+$0x9000] =	vst v36  }
0x753: {  	v56 =	vor.u32 v10, v19;
	v29 =	vld.idx.msk [tilespmem:v52+s23+$0x0], $0xffff;
	[tilespmem:s14+$0x9000] =	vst v54  }
0x754: {  	v58 =	vor.u32 v10, v20;
	v39 =	vld.idx.msk [tilespmem:v55+s23+$0x0], $0xffff  }
0x755: {  	v60 =	vor.u32 v10, v18;
	s19 =	sor.u32 $0x410, s1  }
0x756: {  	v31 =	vld.idx.msk [tilespmem:v31+s23+$0x0], $0xffff;
	s15 =	sor.u32 $0x410, s11;
	[tilespmem:s19+$0x9000] =	vst v57  }
0x757: {  	s17 =	sor.u32 $0x410, s10;
	v36 =	vld.idx.msk [tilespmem:v59+s23+$0x0], $0xffff;
	[tilespmem:s15+$0x9000] =	vst v33  }
0x758: {  	v42 =	vor.u32 v11, v21;
	s24 =	sor.u32 $0x410, s13;
	v33 =	vld.idx.msk [tilespmem:v56+s23+$0x0], $0xffff;
	[tilespmem:s17+$0x9000] =	vst v29  }
0x759: {  	v61 =	vor.u32 v11, v19;
	v62 =	vld.idx.msk [tilespmem:v58+s23+$0x0], $0xffff;
	[tilespmem:s24+$0x9000] =	vst v39  }
0x75a: {  	v63 =	vor.u32 v11, v20;
	v41 =	vld.idx.msk [tilespmem:v60+s23+$0x0], $0xffff  }
0x75b: {  	v43 =	vor.u32 v11, v18;
	s30 =	sor.u32 $0x420, s1;
	[tilespmem:s25+$0x9000] =	vst v31  }
0x75c: {  	s28 =	sor.u32 $0x420, s11;
	v30 =	vld.idx.msk [tilespmem:v30+s23+$0x0], $0xffff;
	[tilespmem:s30+$0x9000] =	vst v36  }
0x75d: {  	s29 =	sor.u32 $0x420, s10;
	v45 =	vld.idx.msk [tilespmem:v42+s23+$0x0], $0xffff;
	[tilespmem:s28+$0x9000] =	vst v33  }
0x75e: {  	s9 =	sor.u32 $0x420, s13;
	v48 =	vor.u32 v12, v21;
	v29 =	vld.idx.msk [tilespmem:v61+s23+$0x0], $0xffff;
	[tilespmem:s29+$0x9000] =	vst v62  }
0x75f: {  	v44 =	vor.u32 v12, v19;
	v20 =	vld.idx.msk [tilespmem:v63+s23+$0x0], $0xffff;
	[tilespmem:s9+$0x9000] =	vst v41  }
0x760: {  	[tilespmem:s16+$0x9000] =	vst v28;
	v46 =	vor.u32 v12, v22;
	v47 =	vld.idx.msk [tilespmem:v43+s23+$0x0], $0xffff  }
0x761: {  	s16 =	sor.u32 $0x430, s1;
	[tilespmem:s22+$0x9000] =	vst v30;
	v49 =	vor.u32 v12, v18  }
0x762: {  	v34 =	vld.idx.msk [tilespmem:v34+s23+$0x0], $0xffff;
	s14 =	sor.u32 $0x430, s11;
	[tilespmem:s16+$0x9000] =	vst v45  }
0x763: {  	s15 =	sor.u32 $0x430, s10;
	v28 =	vld.idx.msk [tilespmem:v48+s23+$0x0], $0xffff;
	[tilespmem:s14+$0x9000] =	vst v29  }
0x764: {  	v53 =	vor.u32 v13, v21;
	s17 =	sor.u32 $0x430, s13;
	v29 =	vld.idx.msk [tilespmem:v44+s23+$0x0], $0xffff;
	[tilespmem:s15+$0x9000] =	vst v20  }
0x765: {  	v50 =	vor.u32 v13, v19;
	s12 =	sor.u32 $0x460, s6;
	v51 =	vld.idx.msk [tilespmem:v46+s23+$0x0], $0xffff;
	[tilespmem:s17+$0x9000] =	vst v47  }
0x766: {  	s19 =	sor.u32 $0x460, s7;
	[tilespmem:s12+$0x9000] =	vst v27;
	v52 =	vor.u32 v13, v22;
	v31 =	vld.idx.msk [tilespmem:v49+s23+$0x0], $0xffff  }
0x767: {  	[tilespmem:s19+$0x9000] =	vst v34;
	v23 =	vld.idx.msk [tilespmem:v23+s23+$0x0], $0xffff;
	v54 =	vor.u32 v13, v18;
	s29 =	sor.u32 $0x440, s1  }
0x768: {  	s25 =	sor.u32 $0x440, s11;
	v26 =	vld.idx.msk [tilespmem:v26+s23+$0x0], $0xffff;
	[tilespmem:s29+$0x9000] =	vst v28  }
0x769: {  	s28 =	sor.u32 $0x440, s10;
	v27 =	vld.idx.msk [tilespmem:v53+s23+$0x0], $0xffff;
	[tilespmem:s25+$0x9000] =	vst v29  }
0x76a: {  	s30 =	sor.u32 $0x440, s13;
	v58 =	vor.u32 v14, v21;
	v20 =	vld.idx.msk [tilespmem:v50+s23+$0x0], $0xffff;
	[tilespmem:s28+$0x9000] =	vst v51  }
0x76b: {  	v55 =	vor.u32 v14, v19;
	s24 =	sor.u32 $0x470, s6;
	v56 =	vld.idx.msk [tilespmem:v52+s23+$0x0], $0xffff;
	[tilespmem:s30+$0x9000] =	vst v31  }
0x76c: {  	v57 =	vor.u32 v14, v22;
	[tilespmem:s24+$0x9000] =	vst v23;
	v23 =	vld.idx.msk [tilespmem:v54+s23+$0x0], $0xffff  }
0x76d: {  	v59 =	vor.u32 v14, v18;
	s12 =	sor.u32 $0x450, s1;
	[tilespmem:s26+$0x9000] =	vst v26  }
0x76e: {  	v17 =	vor.u32 v15, v17;
	v32 =	vld.idx.msk [tilespmem:v32+s23+$0x0], $0xffff;
	s9 =	sor.u32 $0x450, s11;
	[tilespmem:s12+$0x9000] =	vst v27  }
0x76f: {  	v16 =	vor.u32 v15, v16;
	v27 =	vld.idx.msk [tilespmem:v58+s23+$0x0], $0xffff;
	[tilespmem:s9+$0x9000] =	vst v20  }
0x770: {  	v62 =	vor.u32 v15, v21;
	s14 =	sor.u32 $0x450, s13;
	v19 =	vld.idx.msk [tilespmem:v55+s23+$0x0], $0xffff;
	[tilespmem:s18+$0x9000] =	vst v56  }
0x771: {  	s15 =	sor.u32 $0x460, s3;
	v60 =	vld.idx.msk [tilespmem:v57+s23+$0x0], $0xffff;
	[tilespmem:s14+$0x9000] =	vst v23  }
0x772: {  	s8 =	sor.u32 $0x470, s7;
	v61 =	vor.u32 v15, v22;
	[tilespmem:s15+$0x9000] =	vst v25;
	v23 =	vld.idx.msk [tilespmem:v59+s23+$0x0], $0xffff  }
0x773: {  	[tilespmem:s8+$0x9000] =	vst v32;
	v63 =	vor.u32 v15, v18;
	v17 =	vld.idx.msk [tilespmem:v17+s23+$0x0], $0xffff;
	s18 =	sor.u32 $0x460, s1  }
0x774: {  	v16 =	vld.idx.msk [tilespmem:v16+s23+$0x0], $0xffff;
	s16 =	sor.u32 $0x460, s11;
	[tilespmem:s18+$0x9000] =	vst v27  }
0x775: {  	s17 =	sor.u32 $0x460, s10;
	v21 =	vld.idx.msk [tilespmem:v62+s23+$0x0], $0xffff;
	[tilespmem:s16+$0x9000] =	vst v19  }
0x776: {  	s19 =	sor.u32 $0x460, s13;
	v19 =	vld.idx.msk [tilespmem:v24+s23+$0x0], $0xffff;
	[tilespmem:s17+$0x9000] =	vst v60  }
0x777: {  	s22 =	sor.u32 $0x470, s3;
	v20 =	vld.idx.msk [tilespmem:v61+s23+$0x0], $0xffff;
	[tilespmem:s19+$0x9000] =	vst v23  }
0x778: {  	s4 =	sor.u32 $0x470, s4;
	[tilespmem:s22+$0x9000] =	vst v17;
	v17 =	vld.idx.msk [tilespmem:v63+s23+$0x0], $0xffff  }
0x779: {  	[tilespmem:s4+$0x9000] =	vst v16;
	s1 =	sor.u32 $0x470, s1  }
0x77a: {  	s24 =	sor.u32 $0x470, s11;
	[tilespmem:s1+$0x9000] =	vst v21  }
0x77b: {  	s25 =	sor.u32 $0x470, s10;
	[tilespmem:s24+$0x9000] =	vst v19  }
0x77c: {  	s26 =	sor.u32 $0x470, s13;
	[tilespmem:s25+$0x9000] =	vst v20  }
0x77d: {  	[tilespmem:s26+$0x9000] =	vst v17  }
0x77e: {  	s29 =	simm.s32 $0x5;
	s28 =	simm.s32 $0x9000;
	s1 =	rddreg [dreg:$0x12]  }
0x77f: {  	[hbm4b:s1+s2] =	stream.linear.scatter [tilespmem:s28], [sflag:$0x6], $0x1000, $0x38;
	[tilespmem:$0xA000] =	vst v63  }
0x780: {  	_ =	swait.ge [sflag:s29], $0x1000  }
0x781: {  	[sflag:s29] =	ssyncset.done $0x0  }
0x782: {  	[sflag:s29] =	ssyncadd.s32 $0xFFFFF000  }
0x783: {  	_ =	swait.ge [sflag:s31], $0x1000  }
0x784: {  	s0 =	sadd.s32 $0x1, s0;
	s30 =	rddreg [dreg:$0x13]  }
0x785: {  	p0 =	sne.s32 s0, s30  }
.Ltmp8:
0x786: {  	_ = 	snop;
	(pc) =	sbr.rel @p0 .LBB2_1-.Ltmp8, $3  }
0x787: {  	_ =	sdelay $0x1  }
0x788: {  	[sflag:s31] =	ssyncset.done $0x0  }
0x789: {  	[sflag:s31] =	ssyncadd.s32 $0xFFFFF000  }
0x78a: {  	_ =	sfence.sel $0x180000  }
0x78b: {  	[bflag:$0x0] =	sbarrier.arrive $0xFFFF  }
0x78c: {  	_ =	strace $0x90000047  }
0x78d: {  	s0 =	stileid.u32;
	[bflag:$0x2] =	sbarrier.arrive $0xFFFF  }
0x78e: {  	p0 =	sne.s32 s0, $0x0;
	s0 =	rddreg [dreg:$0x2]  }
0x78f: {  	s0 =	sadd.s32 @!p0 $0x100000, s0  }
0x790: {  	[sflag:s0] =	ssyncadd.tile.s32 @!p0 $0x1;
	_ =	shalt  }
.Lfunc_end2:
_tile_overlayer_lowered:
.L_overlay_start_2:
0x791: {  	(tag) =	ssettag $0x2  }
0x792: {  	s0 =	rddreg [dreg:$0x0];
	s2 =	stileid.u32  }
0x793: {  	s1 =	rddreg [dreg:$0x1];
	p0 =	sne.s32 s2, $0x0  }
0x794: {  	s3 =	rddreg [dreg:$0x2];
	[bflag:$0x3] =	sbarrier.arrive $0xFFFF;
	s2 =	simm.s32 @!p0 $0x1C07  }
0x795: {  	[timem:s3], [sflag:s2] =	dma.local @!p0 [hbm:s0], s1  }
0x796: {  	s0 =	simm.s32 @!p0 $0x7  }
0x797: {  	_ =	swait.ge @!p0 [sflag:s0], s1  }
0x798: {  	s1 =	ssub.s32 @!p0 $0x0, s1;
	[sflag:s0] =	ssyncset.done @!p0 $0x0  }
0x799: {  	[sflag:s0] =	ssyncadd.s32 @!p0 s1  }
0x79a: {  	[bflag:$0x3] =	sbarrier.arrive $0xFFFF  }
0x79b: {  	_ =	shalt  }

</sc_bundles>
